<compile_context>
chip_gen: v7x
topology: tpu7x:2x2x1
jax: 0.10.2.dev20260603
libtpu: 0.0.44.dev20260713+nightly
codegen_flags: <defaults>
</compile_context>

<pallas_src>
import functools

import jax
import jax.numpy as jnp
from jax import lax
from jax.experimental import pallas as pl
from jax.experimental.pallas import tpu as pltpu
from jax.experimental.pallas import tpu_sc as plsc

N = 10000
NP = 10240
D = 256
H = 128
O = 70
E = 160000
EA = E + N

P_CH = 128
P_WCH = 30
P_NCH = 42
P_PER_TILE = P_NCH * P_CH
P_TOT = 32 * P_PER_TILE
P_NCHUNKS = P_TOT // P_CH
C0_CH = 58
C1_CH = 26
D_NCH = 86
D_PER_TILE = D_NCH * P_CH
D_TOT = 16 * D_PER_TILE

ROWS_PER_TILE = NP // 16
PROP_ROWS = 632
PROP_NP = 16 * PROP_ROWS

_mesh = plsc.VectorSubcoreMesh(core_axis_name="c", subcore_axis_name="s")
_sc_params = pltpu.CompilerParams(needs_layout_passes=False)

_f32 = jnp.float32
_i32 = jnp.int32


def _rsqrt_newton(x):
    i = lax.bitcast_convert_type(x, _i32)
    i = jnp.full((16,), 0x5F3759DF, _i32) - lax.shift_right_logical(i, 1)
    y = lax.bitcast_convert_type(i, _f32)
    for _ in range(3):
        y = y * (1.5 - 0.5 * x * y * y)
    return y


def _deg_body(dst_c, ew_f, zdeg, dinv_out, dstv, ewv, degl, dinvl, acc):
    c = lax.axis_index("c")
    s = lax.axis_index("s")
    pltpu.sync_copy(dst_c.at[s], dstv)
    pltpu.sync_copy(ew_f.at[s], ewv)
    pltpu.sync_copy(zdeg, acc.at[pl.ds(s * ROWS_PER_TILE, ROWS_PER_TILE)])
    plsc.subcore_barrier()

    def chunk(j, _):
        pltpu.sync_copy(ewv.at[pl.ds(j * P_CH, P_CH)], acc.at[dstv.at[j]],
                        add=True)
        return 0

    lax.fori_loop(0, D_NCH, chunk, 0)
    plsc.subcore_barrier()

    base = (c * 16 + s) * (ROWS_PER_TILE // 2)
    pltpu.sync_copy(acc.at[pl.ds(base, ROWS_PER_TILE // 2)], degl)

    def grp(g, _):
        x = degl[pl.ds(g * 16, 16)]
        dinvl[pl.ds(g * 16, 16)] = _rsqrt_newton(x)
        return 0

    lax.fori_loop(0, ROWS_PER_TILE // 32, grp, 0)
    pltpu.sync_copy(dinvl, dinv_out.at[pl.ds(base, ROWS_PER_TILE // 2)])


_deg_kernel = pl.kernel(
    _deg_body,
    out_type=jax.ShapeDtypeStruct((NP,), _f32),
    mesh=_mesh,
    compiler_params=_sc_params,
    scratch_types=[
        pltpu.VMEM((D_NCH, P_CH), _i32),
        pltpu.VMEM((D_PER_TILE,), _f32),
        pltpu.VMEM((ROWS_PER_TILE // 2,), _f32),
        pltpu.VMEM((ROWS_PER_TILE // 2,), _f32),
        pltpu.VMEM_SHARED((NP,), _f32),
    ],
)


NBUF = 2


def _prop_body(h_t, src_f, dst_c, ew_f, parts_out,
               srcv, dstv, ewv, rows, gsems, ssems, isems, wsems, acc):
    c = lax.axis_index("c")
    s = lax.axis_index("s")
    base_row = s * PROP_ROWS
    zv = jnp.zeros((16,), _f32)

    def zrow(i, _):
        for zc in range(H // 16):
            rows[0][i, pl.ds(zc * 16, 16)] = zv
        return 0

    lax.fori_loop(0, P_CH, zrow, 0)
    zcps = []
    for q, (off, ln) in enumerate(
            ((0, 128), (128, 128), (256, 128), (384, 128), (512, 120))):
        sem = wsems[q] if q < 4 else gsems[0]
        zcps.append(pltpu.async_copy(
            rows[0].at[pl.ds(0, ln)],
            acc.at[pl.ds(base_row + off, ln)], sem))
    for cp in zcps:
        cp.wait()
    plsc.subcore_barrier()

    def do_wave(base_ch, nch):
        ic0 = pltpu.async_copy(src_f.at[pl.ds(base_ch * P_CH, nch * P_CH)],
                               srcv.at[pl.ds(0, nch * P_CH)], isems[0])
        ic1 = pltpu.async_copy(dst_c.at[pl.ds(base_ch * P_CH, nch * P_CH)],
                               dstv.at[pl.ds(0, nch * P_CH)], isems[1])
        ic2 = pltpu.async_copy(ew_f.at[pl.ds(base_ch * P_CH, nch * P_CH)],
                               ewv.at[pl.ds(0, nch * P_CH)], isems[2])
        ic0.wait()
        ic1.wait()
        ic2.wait()

        def group(t, _):
            j0 = t * NBUF
            gets = []
            for b in range(NBUF):
                idx = srcv.at[pl.ds((j0 + b) * P_CH, P_CH)]
                gets.append(pltpu.async_copy(h_t.at[idx], rows[b], gsems[b]))
            puts = []
            for b in range(NBUF):
                gets[b].wait()

                def rbody(r2, _, _b=b):
                    r = r2 * 2
                    for rr in range(2):
                        f = plsc.load_gather(
                            ewv,
                            [jnp.full((16,), (j0 + _b) * P_CH + r + rr,
                                      _i32)])
                        for cc in range(H // 16):
                            sl = pl.ds(cc * 16, 16)
                            rows[_b][r + rr, sl] = rows[_b][r + rr, sl] * f
                    return 0

                lax.fori_loop(0, P_CH // 2, rbody, 0)
                didx = dstv.at[pl.ds((j0 + b) * P_CH, P_CH)]
                puts.append(pltpu.async_copy(rows[b], acc.at[didx],
                                             ssems[b], add=True))
            for cp in puts:
                cp.wait()
            return 0

        lax.fori_loop(0, nch // NBUF, group, 0)

    @pl.when(c == 0)
    def _():
        do_wave(s * C0_CH, 28)
        do_wave(s * C0_CH + 28, 30)

    @pl.when(c == 1)
    def _():
        do_wave(16 * C0_CH + s * C1_CH, 26)

    plsc.subcore_barrier()
    wcps = []
    for q, (off, ln) in enumerate(((0, 160), (160, 160), (320, 160), (480, 152))):
        sl = pl.ds(base_row + off, ln)
        wcps.append(pltpu.async_copy(acc.at[sl], parts_out.at[c].at[sl],
                                     wsems[q]))
    for cp in wcps:
        cp.wait()


_prop_kernel = pl.kernel(
    _prop_body,
    out_type=jax.ShapeDtypeStruct((2, PROP_NP, H), _f32),
    mesh=_mesh,
    compiler_params=_sc_params,
    scratch_types=[
        pltpu.VMEM((P_WCH * P_CH,), _i32),
        pltpu.VMEM((P_WCH * P_CH,), _i32),
        pltpu.VMEM((P_WCH * P_CH,), _f32),
        [pltpu.VMEM((P_CH, H), _f32) for _ in range(NBUF)],
        [pltpu.SemaphoreType.DMA for _ in range(NBUF)],
        [pltpu.SemaphoreType.DMA for _ in range(NBUF)],
        [pltpu.SemaphoreType.DMA for _ in range(3)],
        [pltpu.SemaphoreType.DMA for _ in range(4)],
        pltpu.VMEM_SHARED((PROP_NP, H), _f32),
    ],
)


BR = 1000


def _k1_body(x_ref, w1_ref, dinv_ref, out_ref):
    h = lax.dot_general(x_ref[...], w1_ref[...], (((1,), (0,)), ((), ())),
                        preferred_element_type=_f32)
    out_ref[...] = h * dinv_ref[...]


def _tc_k1(x, W1, dinv2d):
    return pl.pallas_call(
        _k1_body,
        grid=(N // BR,),
        in_specs=[
            pl.BlockSpec((BR, D), lambda i: (i, 0)),
            pl.BlockSpec((D, H), lambda i: (0, 0)),
            pl.BlockSpec((BR, 1), lambda i: (i, 0)),
        ],
        out_specs=pl.BlockSpec((BR, H), lambda i: (i, 0)),
        out_shape=jax.ShapeDtypeStruct((N, H), _f32),
    )(x, W1, dinv2d)


def _k2_body(parts_ref, dinv_ref, b1_ref, z_ref, sums_ref):
    i = pl.program_id(0)
    z = dinv_ref[...] * (parts_ref[0] + parts_ref[1]) + b1_ref[...]
    z_ref[...] = z

    @pl.when(i == 0)
    def _():
        sums_ref[...] = jnp.zeros_like(sums_ref)

    sums_ref[0:1, :] += jnp.sum(z, axis=0, keepdims=True)
    sums_ref[1:2, :] += jnp.sum(z * z, axis=0, keepdims=True)


def _tc_k2(parts, dinv2d, b1):
    return pl.pallas_call(
        _k2_body,
        grid=(N // BR,),
        in_specs=[
            pl.BlockSpec((2, BR, H), lambda i: (0, i, 0)),
            pl.BlockSpec((BR, 1), lambda i: (i, 0)),
            pl.BlockSpec((H,), lambda i: (0,)),
        ],
        out_specs=[
            pl.BlockSpec((BR, H), lambda i: (i, 0)),
            pl.BlockSpec((2, H), lambda i: (0, 0)),
        ],
        out_shape=[
            jax.ShapeDtypeStruct((N, H), _f32),
            jax.ShapeDtypeStruct((2, H), _f32),
        ],
    )(parts, dinv2d, b1)


def _k3_body(z_ref, sums_ref, g1_ref, be1_ref, w2_ref, dinv_ref, out_ref):
    inv_n = 1.0 / N
    m = sums_ref[0:1, :] * inv_n
    var = sums_ref[1:2, :] * inv_n - m * m
    scale = g1_ref[...] * lax.rsqrt(var + 1e-5)
    h = jnp.maximum((z_ref[...] - m) * scale + be1_ref[...], 0.0)
    h2 = lax.dot_general(h, w2_ref[...], (((1,), (0,)), ((), ())),
                         preferred_element_type=_f32)
    out_ref[...] = h2 * dinv_ref[...]


def _tc_k3(z, sums, g1, be1, W2, dinv2d):
    return pl.pallas_call(
        _k3_body,
        grid=(N // BR,),
        in_specs=[
            pl.BlockSpec((BR, H), lambda i: (i, 0)),
            pl.BlockSpec((2, H), lambda i: (0, 0)),
            pl.BlockSpec((H,), lambda i: (0,)),
            pl.BlockSpec((H,), lambda i: (0,)),
            pl.BlockSpec((H, H), lambda i: (0, 0)),
            pl.BlockSpec((BR, 1), lambda i: (i, 0)),
        ],
        out_specs=pl.BlockSpec((BR, H), lambda i: (i, 0)),
        out_shape=jax.ShapeDtypeStruct((N, H), _f32),
    )(z, sums, g1, be1, W2, dinv2d)


def _k4_body(parts_ref, dinv_ref, b2_ref, wc_ref, bc_ref, out_ref):
    z2 = dinv_ref[...] * (parts_ref[0] + parts_ref[1]) + b2_ref[...]
    out = lax.dot_general(z2, wc_ref[...], (((1,), (0,)), ((), ())),
                          preferred_element_type=_f32)
    out_ref[...] = out + bc_ref[...]


def _tc_k4(parts, dinv2d, b2, Wc, bc):
    return pl.pallas_call(
        _k4_body,
        grid=(N // BR,),
        in_specs=[
            pl.BlockSpec((2, BR, H), lambda i: (0, i, 0)),
            pl.BlockSpec((BR, 1), lambda i: (i, 0)),
            pl.BlockSpec((H,), lambda i: (0,)),
            pl.BlockSpec((H, O), lambda i: (0, 0)),
            pl.BlockSpec((O,), lambda i: (0,)),
        ],
        out_specs=pl.BlockSpec((BR, O), lambda i: (i, 0)),
        out_shape=jax.ShapeDtypeStruct((N, O), _f32),
    )(parts, dinv2d, b2, Wc, bc)


def kernel(x, edge_index, edge_weight, W1, b1, g1, be1, W2, b2, g2, be2, Wc, bc):
    src = edge_index[0].astype(_i32)
    dst = edge_index[1].astype(_i32)
    loop = jnp.arange(N, dtype=_i32)
    src_a = jnp.concatenate([src, loop])
    dst_a = jnp.concatenate([dst, loop])
    ew_a = jnp.concatenate([edge_weight.astype(_f32), jnp.ones((N,), _f32)])

    pp = P_TOT - EA
    pad_p = jnp.arange(pp, dtype=_i32) % N
    src_p = jnp.concatenate([src_a, jnp.zeros((pp,), _i32)])
    dst_pc = jnp.concatenate([dst_a, pad_p])
    ew_p = jnp.concatenate([ew_a, jnp.zeros((pp,), _f32)])

    dp = D_TOT - EA
    pad_d = jnp.arange(dp, dtype=_i32) % N
    dst_dc = jnp.concatenate([dst_a, pad_d]).reshape(16, D_NCH, P_CH)
    ew_d = jnp.concatenate([ew_a, jnp.zeros((dp,), _f32)]).reshape(16, D_PER_TILE)

    zdeg = jnp.zeros((ROWS_PER_TILE,), _f32)

    dinv = _deg_kernel(dst_dc, ew_d, zdeg)
    dinv2d = dinv[:N].reshape(N, 1)

    h1p = _tc_k1(x, W1, dinv2d)
    parts1 = _prop_kernel(h1p, src_p, dst_pc, ew_p)
    z, sums = _tc_k2(parts1, dinv2d, b1)
    h2p = _tc_k3(z, sums, g1, be1, W2, dinv2d)
    parts2 = _prop_kernel(h2p, src_p, dst_pc, ew_p)
    return _tc_k4(parts2, dinv2d, b2, Wc, bc)

# --- scband reference (transcript-rebuilt; emitter-appended) ---
"""Pipeline reference for scband-gae-33732673143030 (READ-ONLY COPY).

The authoritative reference and input builder live on the scoring server;
editing this copy changes nothing except your own understanding.
"""

import jax, jax.numpy as jnp
import numpy as np

N = 10000
E = 160000
D = 256
H = 128
O = 70


def setup_inputs(seed: int = 0) -> dict:
    key = jax.random.key(seed)
    ks = jax.random.split(key, 16)
    x = jax.random.normal(ks[0], (N, D), dtype=jnp.float32)
    edge_index = jax.random.randint(ks[1], (2, E), 0, N)
    edge_weight = jax.random.uniform(ks[2], (E,), dtype=jnp.float32)
    W1 = jax.random.normal(ks[3], (D, H), dtype=jnp.float32) * 0.05
    b1 = jnp.zeros((H,), dtype=jnp.float32)
    g1 = jnp.ones((H,), dtype=jnp.float32)
    be1 = jnp.zeros((H,), dtype=jnp.float32)
    W2 = jax.random.normal(ks[4], (H, H), dtype=jnp.float32) * 0.05
    b2 = jnp.zeros((H,), dtype=jnp.float32)
    g2 = jnp.ones((H,), dtype=jnp.float32)
    be2 = jnp.zeros((H,), dtype=jnp.float32)
    Wc = jax.random.normal(ks[5], (H, O), dtype=jnp.float32) * 0.05
    bc = jnp.zeros((O,), dtype=jnp.float32)
    return {"x": x, "edge_index": edge_index, "edge_weight": edge_weight,
            "W1": W1, "b1": b1, "g1": g1, "be1": be1,
            "W2": W2, "b2": b2, "g2": g2, "be2": be2,
            "Wc": Wc, "bc": bc}


def _gcn_conv(h, edge_index, edge_weight, W, b):
    n = h.shape[0]
    src = edge_index[0]
    dst = edge_index[1]
    loop = jnp.arange(n, dtype=src.dtype)
    src = jnp.concatenate([src, loop])
    dst = jnp.concatenate([dst, loop])
    ew = jnp.concatenate([edge_weight, jnp.ones((n,), dtype=h.dtype)])
    deg = jax.ops.segment_sum(ew, dst, num_segments=n)
    dinv = jnp.where(deg > 0, jax.lax.rsqrt(deg), 0.0)
    norm = dinv[src] * ew * dinv[dst]
    h = h @ W
    msg = h[src] * norm[:, None]
    agg = jax.ops.segment_sum(msg, dst, num_segments=n)
    return agg + b


def _bn(h, g, be):
    mean = h.mean(axis=0)
    var = h.var(axis=0)
    return (h - mean) * jax.lax.rsqrt(var + 1e-5) * g + be


def reference(x, edge_index, edge_weight, W1, b1, g1, be1, W2, b2, g2, be2, Wc, bc):
    # GAE.forward: encoder (2-layer GCN with BN+ReLU on first layer,
    # last_activation=False, dropout in eval mode) followed by linear classifier.
    h = _gcn_conv(x, edge_index, edge_weight, W1, b1)
    h = _bn(h, g1, be1)
    h = jax.nn.relu(h)
    h = _gcn_conv(h, edge_index, edge_weight, W2, b2)
    out = h @ Wc + bc
    return out

if __name__ == "__main__":
    import jax
    _d = setup_inputs()
    print(jax.jit(kernel)(*tuple(_d.values())))

</pallas_src>

<mosaic_0001>
#map = affine_map<(d0, d1) -> (0, 0, 0)>
#map1 = affine_map<(d0, d1) -> (0, 0)>
#map2 = affine_map<(d0, d1) -> (0)>
module attributes {stable_mosaic.version = 14 : i64} {
  func.func @_deg_body(%arg0: i32, %arg1: i32, %arg2: memref<16x86x128xi32, #tpu.memory_space<hbm>>, %arg3: memref<16x11008xf32, #tpu.memory_space<hbm>>, %arg4: memref<640xf32, #tpu.memory_space<hbm>>, %arg5: memref<10240xf32, #tpu.memory_space<hbm>>, %arg6: memref<86x128xi32, #tpu.memory_space<vmem>>, %arg7: memref<11008xf32, #tpu.memory_space<vmem>>, %arg8: memref<320xf32, #tpu.memory_space<vmem>>, %arg9: memref<320xf32, #tpu.memory_space<vmem>>, %arg10: memref<10240xf32, #tpu.memory_space<vmem_shared>>) attributes {dimension_semantics = [#tpu.dimension_semantics<core_parallel>, #tpu.dimension_semantics<subcore_parallel>], iteration_bounds = array<i64: 2, 16>, scalar_prefetch = 0 : i64, scratch_operands = 5 : i64, tpu.core_type = #tpu.core_type<sc_vector_subcore>, window_params = [{transform_indices = #map}, {transform_indices = #map1}, {transform_indices = #map2}, {transform_indices = #map2}]} {
    "tpu.region"() ({
      %run_scoped3A = tpu.sem_alloc : memref<!tpu.dma_semaphore, #tpu.memory_space<semaphore_mem>>
      %dma_start3A = arith.constant 0 : i32
      %dma_start3A_19 = arith.constant 0 : i32
      %dma_start3A_20 = tpu.memref_slice %arg2[%arg1, %dma_start3A, %dma_start3A_19] : memref<16x86x128xi32, #tpu.memory_space<hbm>> -> memref<1x86x128xi32, #tpu.memory_space<hbm>>
      %dma_start3A_21 = tpu.memref_squeeze %dma_start3A_20 : memref<1x86x128xi32, #tpu.memory_space<hbm>> -> memref<86x128xi32, #tpu.memory_space<hbm>>
      %dma_start3A_22 = arith.constant 0 : i32
      %dma_start3A_23 = arith.constant 0 : i32
      %dma_start3A_24 = tpu.memref_slice %arg2[%arg1, %dma_start3A_22, %dma_start3A_23] : memref<16x86x128xi32, #tpu.memory_space<hbm>> -> memref<1x86x128xi32, #tpu.memory_space<hbm>>
      %dma_start3A_25 = tpu.memref_squeeze %dma_start3A_24 : memref<1x86x128xi32, #tpu.memory_space<hbm>> -> memref<86x128xi32, #tpu.memory_space<hbm>>
      tpu.enqueue_dma source(%dma_start3A_25 : memref<86x128xi32, #tpu.memory_space<hbm>>) target(%arg6 : memref<86x128xi32, #tpu.memory_space<vmem>>) target_semaphore(%run_scoped3A : memref<!tpu.dma_semaphore, #tpu.memory_space<semaphore_mem>>)
      %dma_wait3A = arith.constant 0 : i32
      %dma_wait3A_26 = arith.constant 0 : i32
      %dma_wait3A_27 = tpu.memref_slice %arg2[%arg1, %dma_wait3A, %dma_wait3A_26] : memref<16x86x128xi32, #tpu.memory_space<hbm>> -> memref<1x86x128xi32, #tpu.memory_space<hbm>>
      %dma_wait3A_28 = tpu.memref_squeeze %dma_wait3A_27 : memref<1x86x128xi32, #tpu.memory_space<hbm>> -> memref<86x128xi32, #tpu.memory_space<hbm>>
      %dma_wait3A_29 = arith.constant 0 : i32
      %dma_wait3A_30 = arith.constant 0 : i32
      %dma_wait3A_31 = tpu.memref_slice %arg2[%arg1, %dma_wait3A_29, %dma_wait3A_30] : memref<16x86x128xi32, #tpu.memory_space<hbm>> -> memref<1x86x128xi32, #tpu.memory_space<hbm>>
      %dma_wait3A_32 = tpu.memref_squeeze %dma_wait3A_31 : memref<1x86x128xi32, #tpu.memory_space<hbm>> -> memref<86x128xi32, #tpu.memory_space<hbm>>
      tpu.wait_dma2 semaphore(%run_scoped3A : memref<!tpu.dma_semaphore, #tpu.memory_space<semaphore_mem>>) src(%dma_wait3A_32 : memref<86x128xi32, #tpu.memory_space<hbm>>) dst(%arg6 : memref<86x128xi32, #tpu.memory_space<vmem>>)
      tpu.yield
    }) : () -> ()
    "tpu.region"() ({
      %run_scoped3A = tpu.sem_alloc : memref<!tpu.dma_semaphore, #tpu.memory_space<semaphore_mem>>
      %dma_start3A = arith.constant 0 : i32
      %dma_start3A_19 = tpu.memref_slice %arg3[%arg1, %dma_start3A] : memref<16x11008xf32, #tpu.memory_space<hbm>> -> memref<1x11008xf32, #tpu.memory_space<hbm>>
      %dma_start3A_20 = tpu.memref_squeeze %dma_start3A_19 : memref<1x11008xf32, #tpu.memory_space<hbm>> -> memref<11008xf32, #tpu.memory_space<hbm>>
      %dma_start3A_21 = arith.constant 0 : i32
      %dma_start3A_22 = tpu.memref_slice %arg3[%arg1, %dma_start3A_21] : memref<16x11008xf32, #tpu.memory_space<hbm>> -> memref<1x11008xf32, #tpu.memory_space<hbm>>
      %dma_start3A_23 = tpu.memref_squeeze %dma_start3A_22 : memref<1x11008xf32, #tpu.memory_space<hbm>> -> memref<11008xf32, #tpu.memory_space<hbm>>
      tpu.enqueue_dma source(%dma_start3A_23 : memref<11008xf32, #tpu.memory_space<hbm>>) target(%arg7 : memref<11008xf32, #tpu.memory_space<vmem>>) target_semaphore(%run_scoped3A : memref<!tpu.dma_semaphore, #tpu.memory_space<semaphore_mem>>)
      %dma_wait3A = arith.constant 0 : i32
      %dma_wait3A_24 = tpu.memref_slice %arg3[%arg1, %dma_wait3A] : memref<16x11008xf32, #tpu.memory_space<hbm>> -> memref<1x11008xf32, #tpu.memory_space<hbm>>
      %dma_wait3A_25 = tpu.memref_squeeze %dma_wait3A_24 : memref<1x11008xf32, #tpu.memory_space<hbm>> -> memref<11008xf32, #tpu.memory_space<hbm>>
      %dma_wait3A_26 = arith.constant 0 : i32
      %dma_wait3A_27 = tpu.memref_slice %arg3[%arg1, %dma_wait3A_26] : memref<16x11008xf32, #tpu.memory_space<hbm>> -> memref<1x11008xf32, #tpu.memory_space<hbm>>
      %dma_wait3A_28 = tpu.memref_squeeze %dma_wait3A_27 : memref<1x11008xf32, #tpu.memory_space<hbm>> -> memref<11008xf32, #tpu.memory_space<hbm>>
      tpu.wait_dma2 semaphore(%run_scoped3A : memref<!tpu.dma_semaphore, #tpu.memory_space<semaphore_mem>>) src(%dma_wait3A_28 : memref<11008xf32, #tpu.memory_space<hbm>>) dst(%arg7 : memref<11008xf32, #tpu.memory_space<vmem>>)
      tpu.yield
    }) : () -> ()
    %mul3A = arith.constant 640 : i32
    %mul3A_0 = arith.muli %arg1, %mul3A : i32
    "tpu.region"() ({
      %run_scoped3A = tpu.sem_alloc : memref<!tpu.dma_semaphore, #tpu.memory_space<semaphore_mem>>
      %dma_start3A = tpu.memref_slice %arg10[%mul3A_0] : memref<10240xf32, #tpu.memory_space<vmem_shared>> -> memref<640xf32, #tpu.memory_space<vmem_shared>>
      tpu.enqueue_dma source(%arg4 : memref<640xf32, #tpu.memory_space<hbm>>) target(%dma_start3A : memref<640xf32, #tpu.memory_space<vmem_shared>>) target_semaphore(%run_scoped3A : memref<!tpu.dma_semaphore, #tpu.memory_space<semaphore_mem>>)
      %dma_wait3A = tpu.memref_slice %arg10[%mul3A_0] : memref<10240xf32, #tpu.memory_space<vmem_shared>> -> memref<640xf32, #tpu.memory_space<vmem_shared>>
      tpu.wait_dma2 semaphore(%run_scoped3A : memref<!tpu.dma_semaphore, #tpu.memory_space<semaphore_mem>>) src(%arg4 : memref<640xf32, #tpu.memory_space<hbm>>) dst(%dma_wait3A : memref<640xf32, #tpu.memory_space<vmem_shared>>)
      tpu.yield
    }) : () -> ()
    %barrier3A = arith.constant 0 : index
    tpu.barrier barrier_id(%barrier3A)
    %scan3A = arith.constant 0 : i32
    %scan3A_1 = arith.constant 0 : i32
    %scan3A_2 = arith.constant 86 : i32
    %scan3A_3 = arith.addi %scan3A_1, %scan3A_2 : i32
    %scan3A_4 = arith.constant 1 : i32
    %scan3A_5 = scf.for %scan3A_19 = %scan3A_1 to %scan3A_3 step %scan3A_4 iter_args(%scan3A_20 = %scan3A) -> (i32)  : i32 {
      %mul3A_21 = arith.constant 128 : i32
      %mul3A_22 = arith.muli %scan3A_19, %mul3A_21 : i32
      "tpu.region"() ({
        %run_scoped3A = tpu.sem_alloc : memref<!tpu.dma_semaphore, #tpu.memory_space<semaphore_mem>>
        %dma_start3A = tpu.memref_slice %arg7[%mul3A_22] : memref<11008xf32, #tpu.memory_space<vmem>> -> memref<128xf32, #tpu.memory_space<vmem>>
        %dma_start3A_24 = arith.constant 0 : i32
        %dma_start3A_25 = tpu.memref_slice %arg6[%scan3A_19, %dma_start3A_24] : memref<86x128xi32, #tpu.memory_space<vmem>> -> memref<1x128xi32, #tpu.memory_space<vmem>>
        %dma_start3A_26 = tpu.memref_squeeze %dma_start3A_25 : memref<1x128xi32, #tpu.memory_space<vmem>> -> memref<128xi32, #tpu.memory_space<vmem>>
        %dma_start3A_27 = arith.constant 0 : i32
        %dma_start3A_28 = tpu.memref_slice %arg10[%dma_start3A_27] : memref<10240xf32, #tpu.memory_space<vmem_shared>> -> memref<10240xf32, #tpu.memory_space<vmem_shared>>
        tpu.enqueue_indirect_dma source(%dma_start3A : memref<128xf32, #tpu.memory_space<vmem>>) target(%dma_start3A_28 : memref<10240xf32, #tpu.memory_space<vmem_shared>>) offsets(%dma_start3A_26 : memref<128xi32, #tpu.memory_space<vmem>>) semaphore(%run_scoped3A : memref<!tpu.dma_semaphore, #tpu.memory_space<semaphore_mem>>) {add = true}
        %dma_wait3A = tpu.memref_slice %arg7[%mul3A_22] : memref<11008xf32, #tpu.memory_space<vmem>> -> memref<128xf32, #tpu.memory_space<vmem>>
        %dma_wait3A_29 = arith.constant 0 : i32
        %dma_wait3A_30 = tpu.memref_slice %arg6[%scan3A_19, %dma_wait3A_29] : memref<86x128xi32, #tpu.memory_space<vmem>> -> memref<1x128xi32, #tpu.memory_space<vmem>>
        %dma_wait3A_31 = tpu.memref_squeeze %dma_wait3A_30 : memref<1x128xi32, #tpu.memory_space<vmem>> -> memref<128xi32, #tpu.memory_space<vmem>>
        %dma_wait3A_32 = arith.constant 0 : i32
        %dma_wait3A_33 = tpu.memref_slice %arg10[%dma_wait3A_32] : memref<10240xf32, #tpu.memory_space<vmem_shared>> -> memref<10240xf32, #tpu.memory_space<vmem_shared>>
        tpu.wait_indirect_dma semaphore(%run_scoped3A : memref<!tpu.dma_semaphore, #tpu.memory_space<semaphore_mem>>) src(%dma_wait3A : memref<128xf32, #tpu.memory_space<vmem>>) dst(%dma_wait3A_33 : memref<10240xf32, #tpu.memory_space<vmem_shared>>)
        tpu.yield
      }) : () -> ()
      %scan3A_23 = arith.constant 0 : i32
      scf.yield %scan3A_23 : i32
    }
    %scan3A_6 = arith.constant 86 : i32
    %barrier3A_7 = arith.constant 0 : index
    tpu.barrier barrier_id(%barrier3A_7)
    %mul3A_8 = arith.constant 16 : i32
    %mul3A_9 = arith.muli %arg0, %mul3A_8 : i32
    %add3A = arith.addi %mul3A_9, %arg1 : i32
    %mul3A_10 = arith.constant 320 : i32
    %mul3A_11 = arith.muli %add3A, %mul3A_10 : i32
    "tpu.region"() ({
      %run_scoped3A = tpu.sem_alloc : memref<!tpu.dma_semaphore, #tpu.memory_space<semaphore_mem>>
      %dma_start3A = tpu.memref_slice %arg10[%mul3A_11] : memref<10240xf32, #tpu.memory_space<vmem_shared>> -> memref<320xf32, #tpu.memory_space<vmem_shared>>
      %dma_start3A_19 = tpu.memref_slice %arg10[%mul3A_11] : memref<10240xf32, #tpu.memory_space<vmem_shared>> -> memref<320xf32, #tpu.memory_space<vmem_shared>>
      tpu.enqueue_dma source(%dma_start3A_19 : memref<320xf32, #tpu.memory_space<vmem_shared>>) target(%arg8 : memref<320xf32, #tpu.memory_space<vmem>>) target_semaphore(%run_scoped3A : memref<!tpu.dma_semaphore, #tpu.memory_space<semaphore_mem>>)
      %dma_wait3A = tpu.memref_slice %arg10[%mul3A_11] : memref<10240xf32, #tpu.memory_space<vmem_shared>> -> memref<320xf32, #tpu.memory_space<vmem_shared>>
      %dma_wait3A_20 = tpu.memref_slice %arg10[%mul3A_11] : memref<10240xf32, #tpu.memory_space<vmem_shared>> -> memref<320xf32, #tpu.memory_space<vmem_shared>>
      tpu.wait_dma2 semaphore(%run_scoped3A : memref<!tpu.dma_semaphore, #tpu.memory_space<semaphore_mem>>) src(%dma_wait3A_20 : memref<320xf32, #tpu.memory_space<vmem_shared>>) dst(%arg8 : memref<320xf32, #tpu.memory_space<vmem>>)
      tpu.yield
    }) : () -> ()
    %scan3A_12 = arith.constant 0 : i32
    %scan3A_13 = arith.constant 0 : i32
    %scan3A_14 = arith.constant 20 : i32
    %scan3A_15 = arith.addi %scan3A_13, %scan3A_14 : i32
    %scan3A_16 = arith.constant 1 : i32
    %scan3A_17 = scf.for %scan3A_19 = %scan3A_13 to %scan3A_15 step %scan3A_16 iter_args(%scan3A_20 = %scan3A_12) -> (i32)  : i32 {
      %mul3A_21 = arith.constant 16 : i32
      %mul3A_22 = arith.muli %scan3A_19, %mul3A_21 : i32
      %get3A = arith.index_cast %mul3A_22 : i32 to index
      %get3A_23 = tpu.vector_load %arg8[%get3A] {strides = array<i32>} : memref<320xf32, #tpu.memory_space<vmem>>, vector<16xf32>,
      %bitcast_convert_type3A = tpu.bitcast %get3A_23 : vector<16xf32> -> vector<16xi32>
      %broadcast_in_dim3A = arith.constant 1597463007 : i32
      %broadcast_in_dim3A_24 = vector.broadcast %broadcast_in_dim3A : i32 to vector<16xi32>
      %shift_right_logical3A = arith.constant 1 : i32
      %shift_right_logical3A_25 = vector.broadcast %shift_right_logical3A : i32 to vector<16xi32>
      %shift_right_logical3A_26 = arith.shrui %bitcast_convert_type3A, %shift_right_logical3A_25 : vector<16xi32>
      %sub3A = arith.subi %broadcast_in_dim3A_24, %shift_right_logical3A_26 : vector<16xi32>
      %bitcast_convert_type3A_27 = tpu.bitcast %sub3A : vector<16xi32> -> vector<16xf32>
      %mul3A_28 = arith.constant 5.000000e-01 : f32
      %mul3A_29 = vector.broadcast %mul3A_28 : f32 to vector<16xf32>
      %mul3A_30 = arith.mulf %mul3A_29, %get3A_23 : vector<16xf32>
      %mul3A_31 = arith.mulf %mul3A_30, %bitcast_convert_type3A_27 : vector<16xf32>
      %mul3A_32 = arith.mulf %mul3A_31, %bitcast_convert_type3A_27 : vector<16xf32>
      %sub3A_33 = arith.constant 1.500000e+00 : f32
      %sub3A_34 = vector.broadcast %sub3A_33 : f32 to vector<16xf32>
      %sub3A_35 = arith.subf %sub3A_34, %mul3A_32 : vector<16xf32>
      %mul3A_36 = arith.mulf %bitcast_convert_type3A_27, %sub3A_35 : vector<16xf32>
      %mul3A_37 = arith.constant 5.000000e-01 : f32
      %mul3A_38 = vector.broadcast %mul3A_37 : f32 to vector<16xf32>
      %mul3A_39 = arith.mulf %mul3A_38, %get3A_23 : vector<16xf32>
      %mul3A_40 = arith.mulf %mul3A_39, %mul3A_36 : vector<16xf32>
      %mul3A_41 = arith.mulf %mul3A_40, %mul3A_36 : vector<16xf32>
      %sub3A_42 = arith.constant 1.500000e+00 : f32
      %sub3A_43 = vector.broadcast %sub3A_42 : f32 to vector<16xf32>
      %sub3A_44 = arith.subf %sub3A_43, %mul3A_41 : vector<16xf32>
      %mul3A_45 = arith.mulf %mul3A_36, %sub3A_44 : vector<16xf32>
      %mul3A_46 = arith.constant 5.000000e-01 : f32
      %mul3A_47 = vector.broadcast %mul3A_46 : f32 to vector<16xf32>
      %mul3A_48 = arith.mulf %mul3A_47, %get3A_23 : vector<16xf32>
      %mul3A_49 = arith.mulf %mul3A_48, %mul3A_45 : vector<16xf32>
      %mul3A_50 = arith.mulf %mul3A_49, %mul3A_45 : vector<16xf32>
      %sub3A_51 = arith.constant 1.500000e+00 : f32
      %sub3A_52 = vector.broadcast %sub3A_51 : f32 to vector<16xf32>
      %sub3A_53 = arith.subf %sub3A_52, %mul3A_50 : vector<16xf32>
      %mul3A_54 = arith.mulf %mul3A_45, %sub3A_53 : vector<16xf32>
      %mul3A_55 = arith.constant 16 : i32
      %mul3A_56 = arith.muli %scan3A_19, %mul3A_55 : i32
      %swap3A = arith.index_cast %mul3A_56 : i32 to index
      %swap3A_57 = tpu.vector_load %arg9[%swap3A] {strides = array<i32>} : memref<320xf32, #tpu.memory_space<vmem>>, vector<16xf32>,
      tpu.vector_store %arg9[%swap3A], %mul3A_54 {strides = array<i32>} : memref<320xf32, #tpu.memory_space<vmem>>, vector<16xf32>,
      %scan3A_58 = arith.constant 0 : i32
      scf.yield %scan3A_58 : i32
    }
    %scan3A_18 = arith.constant 20 : i32
    "tpu.region"() ({
      %run_scoped3A = tpu.sem_alloc : memref<!tpu.dma_semaphore, #tpu.memory_space<semaphore_mem>>
      %dma_start3A = tpu.memref_slice %arg5[%mul3A_11] : memref<10240xf32, #tpu.memory_space<hbm>> -> memref<320xf32, #tpu.memory_space<hbm>>
      %dma_start3A_19 = tpu.memref_slice %arg5[%mul3A_11] : memref<10240xf32, #tpu.memory_space<hbm>> -> memref<320xf32, #tpu.memory_space<hbm>>
      tpu.enqueue_dma source(%arg9 : memref<320xf32, #tpu.memory_space<vmem>>) target(%dma_start3A_19 : memref<320xf32, #tpu.memory_space<hbm>>) target_semaphore(%run_scoped3A : memref<!tpu.dma_semaphore, #tpu.memory_space<semaphore_mem>>)
      %dma_wait3A = tpu.memref_slice %arg5[%mul3A_11] : memref<10240xf32, #tpu.memory_space<hbm>> -> memref<320xf32, #tpu.memory_space<hbm>>
      %dma_wait3A_20 = tpu.memref_slice %arg5[%mul3A_11] : memref<10240xf32, #tpu.memory_space<hbm>> -> memref<320xf32, #tpu.memory_space<hbm>>
      tpu.wait_dma2 semaphore(%run_scoped3A : memref<!tpu.dma_semaphore, #tpu.memory_space<semaphore_mem>>) src(%arg9 : memref<320xf32, #tpu.memory_space<vmem>>) dst(%dma_wait3A_20 : memref<320xf32, #tpu.memory_space<hbm>>)
      tpu.yield
    }) : () -> ()
    return
  }
}

#map = affine_map<(d0, d1) -> (0, 0)>
#map1 = affine_map<(d0, d1) -> (0)>
#map2 = affine_map<(d0, d1) -> (0, 0, 0)>
module attributes {stable_mosaic.version = 14 : i64} {
  func.func @_prop_body(%arg0: i32, %arg1: i32, %arg2: memref<10000x128xf32, #tpu.memory_space<hbm>>, %arg3: memref<172032xi32, #tpu.memory_space<hbm>>, %arg4: memref<172032xi32, #tpu.memory_space<hbm>>, %arg5: memref<172032xf32, #tpu.memory_space<hbm>>, %arg6: memref<2x10112x128xf32, #tpu.memory_space<hbm>>, %arg7: memref<3840xi32, #tpu.memory_space<vmem>>, %arg8: memref<3840xi32, #tpu.memory_space<vmem>>, %arg9: memref<3840xf32, #tpu.memory_space<vmem>>, %arg10: memref<128x128xf32, #tpu.memory_space<vmem>>, %arg11: memref<128x128xf32, #tpu.memory_space<vmem>>, %arg12: memref<!tpu.dma_semaphore, #tpu.memory_space<semaphore_mem>>, %arg13: memref<!tpu.dma_semaphore, #tpu.memory_space<semaphore_mem>>, %arg14: memref<!tpu.dma_semaphore, #tpu.memory_space<semaphore_mem>>, %arg15: memref<!tpu.dma_semaphore, #tpu.memory_space<semaphore_mem>>, %arg16: memref<!tpu.dma_semaphore, #tpu.memory_space<semaphore_mem>>, %arg17: memref<!tpu.dma_semaphore, #tpu.memory_space<semaphore_mem>>, %arg18: memref<!tpu.dma_semaphore, #tpu.memory_space<semaphore_mem>>, %arg19: memref<!tpu.dma_semaphore, #tpu.memory_space<semaphore_mem>>, %arg20: memref<!tpu.dma_semaphore, #tpu.memory_space<semaphore_mem>>, %arg21: memref<!tpu.dma_semaphore, #tpu.memory_space<semaphore_mem>>, %arg22: memref<!tpu.dma_semaphore, #tpu.memory_space<semaphore_mem>>, %arg23: memref<10112x128xf32, #tpu.memory_space<vmem_shared>>) attributes {dimension_semantics = [#tpu.dimension_semantics<core_parallel>, #tpu.dimension_semantics<subcore_parallel>], iteration_bounds = array<i64: 2, 16>, scalar_prefetch = 0 : i64, scratch_operands = 17 : i64, tpu.core_type = #tpu.core_type<sc_vector_subcore>, window_params = [{transform_indices = #map}, {transform_indices = #map1}, {transform_indices = #map1}, {transform_indices = #map1}, {transform_indices = #map2}]} {
    %mul3A = arith.constant 632 : i32
    %mul3A_0 = arith.muli %arg1, %mul3A : i32
    %broadcast_in_dim3A = arith.constant 0.000000e+00 : f32
    %broadcast_in_dim3A_1 = vector.broadcast %broadcast_in_dim3A : f32 to vector<16xf32>
    %scan3A = arith.constant 0 : i32
    %scan3A_2 = arith.constant 0 : i32
    %scan3A_3 = arith.constant 128 : i32
    %scan3A_4 = arith.addi %scan3A_2, %scan3A_3 : i32
    %scan3A_5 = arith.constant 1 : i32
    %scan3A_6 = scf.for %scan3A_195 = %scan3A_2 to %scan3A_4 step %scan3A_5 iter_args(%scan3A_196 = %scan3A) -> (i32)  : i32 {
      %swap3A = arith.index_cast %scan3A_195 : i32 to index
      %swap3A_197 = arith.constant 0 : index
      %swap3A_198 = tpu.vector_load %arg10[%swap3A, %swap3A_197] {strides = array<i32>} : memref<128x128xf32, #tpu.memory_space<vmem>>, vector<16xf32>,
      tpu.vector_store %arg10[%swap3A, %swap3A_197], %broadcast_in_dim3A_1 {strides = array<i32>} : memref<128x128xf32, #tpu.memory_space<vmem>>, vector<16xf32>,
      %swap3A_199 = arith.index_cast %scan3A_195 : i32 to index
      %swap3A_200 = arith.constant 16 : index
      %swap3A_201 = tpu.vector_load %arg10[%swap3A_199, %swap3A_200] {strides = array<i32>} : memref<128x128xf32, #tpu.memory_space<vmem>>, vector<16xf32>,
      tpu.vector_store %arg10[%swap3A_199, %swap3A_200], %broadcast_in_dim3A_1 {strides = array<i32>} : memref<128x128xf32, #tpu.memory_space<vmem>>, vector<16xf32>,
      %swap3A_202 = arith.index_cast %scan3A_195 : i32 to index
      %swap3A_203 = arith.constant 32 : index
      %swap3A_204 = tpu.vector_load %arg10[%swap3A_202, %swap3A_203] {strides = array<i32>} : memref<128x128xf32, #tpu.memory_space<vmem>>, vector<16xf32>,
      tpu.vector_store %arg10[%swap3A_202, %swap3A_203], %broadcast_in_dim3A_1 {strides = array<i32>} : memref<128x128xf32, #tpu.memory_space<vmem>>, vector<16xf32>,
      %swap3A_205 = arith.index_cast %scan3A_195 : i32 to index
      %swap3A_206 = arith.constant 48 : index
      %swap3A_207 = tpu.vector_load %arg10[%swap3A_205, %swap3A_206] {strides = array<i32>} : memref<128x128xf32, #tpu.memory_space<vmem>>, vector<16xf32>,
      tpu.vector_store %arg10[%swap3A_205, %swap3A_206], %broadcast_in_dim3A_1 {strides = array<i32>} : memref<128x128xf32, #tpu.memory_space<vmem>>, vector<16xf32>,
      %swap3A_208 = arith.index_cast %scan3A_195 : i32 to index
      %swap3A_209 = arith.constant 64 : index
      %swap3A_210 = tpu.vector_load %arg10[%swap3A_208, %swap3A_209] {strides = array<i32>} : memref<128x128xf32, #tpu.memory_space<vmem>>, vector<16xf32>,
      tpu.vector_store %arg10[%swap3A_208, %swap3A_209], %broadcast_in_dim3A_1 {strides = array<i32>} : memref<128x128xf32, #tpu.memory_space<vmem>>, vector<16xf32>,
      %swap3A_211 = arith.index_cast %scan3A_195 : i32 to index
      %swap3A_212 = arith.constant 80 : index
      %swap3A_213 = tpu.vector_load %arg10[%swap3A_211, %swap3A_212] {strides = array<i32>} : memref<128x128xf32, #tpu.memory_space<vmem>>, vector<16xf32>,
      tpu.vector_store %arg10[%swap3A_211, %swap3A_212], %broadcast_in_dim3A_1 {strides = array<i32>} : memref<128x128xf32, #tpu.memory_space<vmem>>, vector<16xf32>,
      %swap3A_214 = arith.index_cast %scan3A_195 : i32 to index
      %swap3A_215 = arith.constant 96 : index
      %swap3A_216 = tpu.vector_load %arg10[%swap3A_214, %swap3A_215] {strides = array<i32>} : memref<128x128xf32, #tpu.memory_space<vmem>>, vector<16xf32>,
      tpu.vector_store %arg10[%swap3A_214, %swap3A_215], %broadcast_in_dim3A_1 {strides = array<i32>} : memref<128x128xf32, #tpu.memory_space<vmem>>, vector<16xf32>,
      %swap3A_217 = arith.index_cast %scan3A_195 : i32 to index
      %swap3A_218 = arith.constant 112 : index
      %swap3A_219 = tpu.vector_load %arg10[%swap3A_217, %swap3A_218] {strides = array<i32>} : memref<128x128xf32, #tpu.memory_space<vmem>>, vector<16xf32>,
      tpu.vector_store %arg10[%swap3A_217, %swap3A_218], %broadcast_in_dim3A_1 {strides = array<i32>} : memref<128x128xf32, #tpu.memory_space<vmem>>, vector<16xf32>,
      %scan3A_220 = arith.constant 0 : i32
      scf.yield %scan3A_220 : i32
    }
    %scan3A_7 = arith.constant 128 : i32
    %add3A = arith.constant 0 : i32
    %add3A_8 = arith.addi %mul3A_0, %add3A : i32
    %dma_start3A = arith.constant 0 : i32
    %dma_start3A_9 = arith.constant 0 : i32
    %dma_start3A_10 = tpu.memref_slice %arg10[%dma_start3A, %dma_start3A_9] : memref<128x128xf32, #tpu.memory_space<vmem>> -> memref<128x128xf32, #tpu.memory_space<vmem>>
    %dma_start3A_11 = arith.constant 0 : i32
    %dma_start3A_12 = tpu.memref_slice %arg23[%add3A_8, %dma_start3A_11] : memref<10112x128xf32, #tpu.memory_space<vmem_shared>> -> memref<128x128xf32, #tpu.memory_space<vmem_shared>>
    %dma_start3A_13 = arith.constant 0 : i32
    %dma_start3A_14 = tpu.memref_slice %arg23[%add3A_8, %dma_start3A_13] : memref<10112x128xf32, #tpu.memory_space<vmem_shared>> -> memref<128x128xf32, #tpu.memory_space<vmem_shared>>
    %dma_start3A_15 = arith.constant 0 : i32
    %dma_start3A_16 = arith.constant 0 : i32
    %dma_start3A_17 = tpu.memref_slice %arg10[%dma_start3A_15, %dma_start3A_16] : memref<128x128xf32, #tpu.memory_space<vmem>> -> memref<128x128xf32, #tpu.memory_space<vmem>>
    tpu.enqueue_dma source(%dma_start3A_17 : memref<128x128xf32, #tpu.memory_space<vmem>>) target(%dma_start3A_14 : memref<128x128xf32, #tpu.memory_space<vmem_shared>>) target_semaphore(%arg19 : memref<!tpu.dma_semaphore, #tpu.memory_space<semaphore_mem>>)
    %add3A_18 = arith.constant 128 : i32
    %add3A_19 = arith.addi %mul3A_0, %add3A_18 : i32
    %dma_start3A_20 = arith.constant 0 : i32
    %dma_start3A_21 = arith.constant 0 : i32
    %dma_start3A_22 = tpu.memref_slice %arg10[%dma_start3A_20, %dma_start3A_21] : memref<128x128xf32, #tpu.memory_space<vmem>> -> memref<128x128xf32, #tpu.memory_space<vmem>>
    %dma_start3A_23 = arith.constant 0 : i32
    %dma_start3A_24 = tpu.memref_slice %arg23[%add3A_19, %dma_start3A_23] : memref<10112x128xf32, #tpu.memory_space<vmem_shared>> -> memref<128x128xf32, #tpu.memory_space<vmem_shared>>
    %dma_start3A_25 = arith.constant 0 : i32
    %dma_start3A_26 = tpu.memref_slice %arg23[%add3A_19, %dma_start3A_25] : memref<10112x128xf32, #tpu.memory_space<vmem_shared>> -> memref<128x128xf32, #tpu.memory_space<vmem_shared>>
    %dma_start3A_27 = arith.constant 0 : i32
    %dma_start3A_28 = arith.constant 0 : i32
    %dma_start3A_29 = tpu.memref_slice %arg10[%dma_start3A_27, %dma_start3A_28] : memref<128x128xf32, #tpu.memory_space<vmem>> -> memref<128x128xf32, #tpu.memory_space<vmem>>
    tpu.enqueue_dma source(%dma_start3A_29 : memref<128x128xf32, #tpu.memory_space<vmem>>) target(%dma_start3A_26 : memref<128x128xf32, #tpu.memory_space<vmem_shared>>) target_semaphore(%arg20 : memref<!tpu.dma_semaphore, #tpu.memory_space<semaphore_mem>>)
    %add3A_30 = arith.constant 256 : i32
    %add3A_31 = arith.addi %mul3A_0, %add3A_30 : i32
    %dma_start3A_32 = arith.constant 0 : i32
    %dma_start3A_33 = arith.constant 0 : i32
    %dma_start3A_34 = tpu.memref_slice %arg10[%dma_start3A_32, %dma_start3A_33] : memref<128x128xf32, #tpu.memory_space<vmem>> -> memref<128x128xf32, #tpu.memory_space<vmem>>
    %dma_start3A_35 = arith.constant 0 : i32
    %dma_start3A_36 = tpu.memref_slice %arg23[%add3A_31, %dma_start3A_35] : memref<10112x128xf32, #tpu.memory_space<vmem_shared>> -> memref<128x128xf32, #tpu.memory_space<vmem_shared>>
    %dma_start3A_37 = arith.constant 0 : i32
    %dma_start3A_38 = tpu.memref_slice %arg23[%add3A_31, %dma_start3A_37] : memref<10112x128xf32, #tpu.memory_space<vmem_shared>> -> memref<128x128xf32, #tpu.memory_space<vmem_shared>>
    %dma_start3A_39 = arith.constant 0 : i32
    %dma_start3A_40 = arith.constant 0 : i32
    %dma_start3A_41 = tpu.memref_slice %arg10[%dma_start3A_39, %dma_start3A_40] : memref<128x128xf32, #tpu.memory_space<vmem>> -> memref<128x128xf32, #tpu.memory_space<vmem>>
    tpu.enqueue_dma source(%dma_start3A_41 : memref<128x128xf32, #tpu.memory_space<vmem>>) target(%dma_start3A_38 : memref<128x128xf32, #tpu.memory_space<vmem_shared>>) target_semaphore(%arg21 : memref<!tpu.dma_semaphore, #tpu.memory_space<semaphore_mem>>)
    %add3A_42 = arith.constant 384 : i32
    %add3A_43 = arith.addi %mul3A_0, %add3A_42 : i32
    %dma_start3A_44 = arith.constant 0 : i32
    %dma_start3A_45 = arith.constant 0 : i32
    %dma_start3A_46 = tpu.memref_slice %arg10[%dma_start3A_44, %dma_start3A_45] : memref<128x128xf32, #tpu.memory_space<vmem>> -> memref<128x128xf32, #tpu.memory_space<vmem>>
    %dma_start3A_47 = arith.constant 0 : i32
    %dma_start3A_48 = tpu.memref_slice %arg23[%add3A_43, %dma_start3A_47] : memref<10112x128xf32, #tpu.memory_space<vmem_shared>> -> memref<128x128xf32, #tpu.memory_space<vmem_shared>>
    %dma_start3A_49 = arith.constant 0 : i32
    %dma_start3A_50 = tpu.memref_slice %arg23[%add3A_43, %dma_start3A_49] : memref<10112x128xf32, #tpu.memory_space<vmem_shared>> -> memref<128x128xf32, #tpu.memory_space<vmem_shared>>
    %dma_start3A_51 = arith.constant 0 : i32
    %dma_start3A_52 = arith.constant 0 : i32
    %dma_start3A_53 = tpu.memref_slice %arg10[%dma_start3A_51, %dma_start3A_52] : memref<128x128xf32, #tpu.memory_space<vmem>> -> memref<128x128xf32, #tpu.memory_space<vmem>>
    tpu.enqueue_dma source(%dma_start3A_53 : memref<128x128xf32, #tpu.memory_space<vmem>>) target(%dma_start3A_50 : memref<128x128xf32, #tpu.memory_space<vmem_shared>>) target_semaphore(%arg22 : memref<!tpu.dma_semaphore, #tpu.memory_space<semaphore_mem>>)
    %add3A_54 = arith.constant 512 : i32
    %add3A_55 = arith.addi %mul3A_0, %add3A_54 : i32
    %dma_start3A_56 = arith.constant 0 : i32
    %dma_start3A_57 = arith.constant 0 : i32
    %dma_start3A_58 = tpu.memref_slice %arg10[%dma_start3A_56, %dma_start3A_57] : memref<128x128xf32, #tpu.memory_space<vmem>> -> memref<120x128xf32, #tpu.memory_space<vmem>>
    %dma_start3A_59 = arith.constant 0 : i32
    %dma_start3A_60 = tpu.memref_slice %arg23[%add3A_55, %dma_start3A_59] : memref<10112x128xf32, #tpu.memory_space<vmem_shared>> -> memref<120x128xf32, #tpu.memory_space<vmem_shared>>
    %dma_start3A_61 = arith.constant 0 : i32
    %dma_start3A_62 = tpu.memref_slice %arg23[%add3A_55, %dma_start3A_61] : memref<10112x128xf32, #tpu.memory_space<vmem_shared>> -> memref<120x128xf32, #tpu.memory_space<vmem_shared>>
    %dma_start3A_63 = arith.constant 0 : i32
    %dma_start3A_64 = arith.constant 0 : i32
    %dma_start3A_65 = tpu.memref_slice %arg10[%dma_start3A_63, %dma_start3A_64] : memref<128x128xf32, #tpu.memory_space<vmem>> -> memref<120x128xf32, #tpu.memory_space<vmem>>
    tpu.enqueue_dma source(%dma_start3A_65 : memref<120x128xf32, #tpu.memory_space<vmem>>) target(%dma_start3A_62 : memref<120x128xf32, #tpu.memory_space<vmem_shared>>) target_semaphore(%arg12 : memref<!tpu.dma_semaphore, #tpu.memory_space<semaphore_mem>>)
    %dma_wait3A = arith.constant 0 : i32
    %dma_wait3A_66 = arith.constant 0 : i32
    %dma_wait3A_67 = tpu.memref_slice %arg10[%dma_wait3A, %dma_wait3A_66] : memref<128x128xf32, #tpu.memory_space<vmem>> -> memref<128x128xf32, #tpu.memory_space<vmem>>
    %dma_wait3A_68 = arith.constant 0 : i32
    %dma_wait3A_69 = tpu.memref_slice %arg23[%add3A_8, %dma_wait3A_68] : memref<10112x128xf32, #tpu.memory_space<vmem_shared>> -> memref<128x128xf32, #tpu.memory_space<vmem_shared>>
    %dma_wait3A_70 = arith.constant 0 : i32
    %dma_wait3A_71 = tpu.memref_slice %arg23[%add3A_8, %dma_wait3A_70] : memref<10112x128xf32, #tpu.memory_space<vmem_shared>> -> memref<128x128xf32, #tpu.memory_space<vmem_shared>>
    %dma_wait3A_72 = arith.constant 0 : i32
    %dma_wait3A_73 = arith.constant 0 : i32
    %dma_wait3A_74 = tpu.memref_slice %arg10[%dma_wait3A_72, %dma_wait3A_73] : memref<128x128xf32, #tpu.memory_space<vmem>> -> memref<128x128xf32, #tpu.memory_space<vmem>>
    tpu.wait_dma2 semaphore(%arg19 : memref<!tpu.dma_semaphore, #tpu.memory_space<semaphore_mem>>) src(%dma_wait3A_74 : memref<128x128xf32, #tpu.memory_space<vmem>>) dst(%dma_wait3A_71 : memref<128x128xf32, #tpu.memory_space<vmem_shared>>)
    %dma_wait3A_75 = arith.constant 0 : i32
    %dma_wait3A_76 = arith.constant 0 : i32
    %dma_wait3A_77 = tpu.memref_slice %arg10[%dma_wait3A_75, %dma_wait3A_76] : memref<128x128xf32, #tpu.memory_space<vmem>> -> memref<128x128xf32, #tpu.memory_space<vmem>>
    %dma_wait3A_78 = arith.constant 0 : i32
    %dma_wait3A_79 = tpu.memref_slice %arg23[%add3A_19, %dma_wait3A_78] : memref<10112x128xf32, #tpu.memory_space<vmem_shared>> -> memref<128x128xf32, #tpu.memory_space<vmem_shared>>
    %dma_wait3A_80 = arith.constant 0 : i32
    %dma_wait3A_81 = tpu.memref_slice %arg23[%add3A_19, %dma_wait3A_80] : memref<10112x128xf32, #tpu.memory_space<vmem_shared>> -> memref<128x128xf32, #tpu.memory_space<vmem_shared>>
    %dma_wait3A_82 = arith.constant 0 : i32
    %dma_wait3A_83 = arith.constant 0 : i32
    %dma_wait3A_84 = tpu.memref_slice %arg10[%dma_wait3A_82, %dma_wait3A_83] : memref<128x128xf32, #tpu.memory_space<vmem>> -> memref<128x128xf32, #tpu.memory_space<vmem>>
    tpu.wait_dma2 semaphore(%arg20 : memref<!tpu.dma_semaphore, #tpu.memory_space<semaphore_mem>>) src(%dma_wait3A_84 : memref<128x128xf32, #tpu.memory_space<vmem>>) dst(%dma_wait3A_81 : memref<128x128xf32, #tpu.memory_space<vmem_shared>>)
    %dma_wait3A_85 = arith.constant 0 : i32
    %dma_wait3A_86 = arith.constant 0 : i32
    %dma_wait3A_87 = tpu.memref_slice %arg10[%dma_wait3A_85, %dma_wait3A_86] : memref<128x128xf32, #tpu.memory_space<vmem>> -> memref<128x128xf32, #tpu.memory_space<vmem>>
    %dma_wait3A_88 = arith.constant 0 : i32
    %dma_wait3A_89 = tpu.memref_slice %arg23[%add3A_31, %dma_wait3A_88] : memref<10112x128xf32, #tpu.memory_space<vmem_shared>> -> memref<128x128xf32, #tpu.memory_space<vmem_shared>>
    %dma_wait3A_90 = arith.constant 0 : i32
    %dma_wait3A_91 = tpu.memref_slice %arg23[%add3A_31, %dma_wait3A_90] : memref<10112x128xf32, #tpu.memory_space<vmem_shared>> -> memref<128x128xf32, #tpu.memory_space<vmem_shared>>
    %dma_wait3A_92 = arith.constant 0 : i32
    %dma_wait3A_93 = arith.constant 0 : i32
    %dma_wait3A_94 = tpu.memref_slice %arg10[%dma_wait3A_92, %dma_wait3A_93] : memref<128x128xf32, #tpu.memory_space<vmem>> -> memref<128x128xf32, #tpu.memory_space<vmem>>
    tpu.wait_dma2 semaphore(%arg21 : memref<!tpu.dma_semaphore, #tpu.memory_space<semaphore_mem>>) src(%dma_wait3A_94 : memref<128x128xf32, #tpu.memory_space<vmem>>) dst(%dma_wait3A_91 : memref<128x128xf32, #tpu.memory_space<vmem_shared>>)
    %dma_wait3A_95 = arith.constant 0 : i32
    %dma_wait3A_96 = arith.constant 0 : i32
    %dma_wait3A_97 = tpu.memref_slice %arg10[%dma_wait3A_95, %dma_wait3A_96] : memref<128x128xf32, #tpu.memory_space<vmem>> -> memref<128x128xf32, #tpu.memory_space<vmem>>
    %dma_wait3A_98 = arith.constant 0 : i32
    %dma_wait3A_99 = tpu.memref_slice %arg23[%add3A_43, %dma_wait3A_98] : memref<10112x128xf32, #tpu.memory_space<vmem_shared>> -> memref<128x128xf32, #tpu.memory_space<vmem_shared>>
    %dma_wait3A_100 = arith.constant 0 : i32
    %dma_wait3A_101 = tpu.memref_slice %arg23[%add3A_43, %dma_wait3A_100] : memref<10112x128xf32, #tpu.memory_space<vmem_shared>> -> memref<128x128xf32, #tpu.memory_space<vmem_shared>>
    %dma_wait3A_102 = arith.constant 0 : i32
    %dma_wait3A_103 = arith.constant 0 : i32
    %dma_wait3A_104 = tpu.memref_slice %arg10[%dma_wait3A_102, %dma_wait3A_103] : memref<128x128xf32, #tpu.memory_space<vmem>> -> memref<128x128xf32, #tpu.memory_space<vmem>>
    tpu.wait_dma2 semaphore(%arg22 : memref<!tpu.dma_semaphore, #tpu.memory_space<semaphore_mem>>) src(%dma_wait3A_104 : memref<128x128xf32, #tpu.memory_space<vmem>>) dst(%dma_wait3A_101 : memref<128x128xf32, #tpu.memory_space<vmem_shared>>)
    %dma_wait3A_105 = arith.constant 0 : i32
    %dma_wait3A_106 = arith.constant 0 : i32
    %dma_wait3A_107 = tpu.memref_slice %arg10[%dma_wait3A_105, %dma_wait3A_106] : memref<128x128xf32, #tpu.memory_space<vmem>> -> memref<120x128xf32, #tpu.memory_space<vmem>>
    %dma_wait3A_108 = arith.constant 0 : i32
    %dma_wait3A_109 = tpu.memref_slice %arg23[%add3A_55, %dma_wait3A_108] : memref<10112x128xf32, #tpu.memory_space<vmem_shared>> -> memref<120x128xf32, #tpu.memory_space<vmem_shared>>
    %dma_wait3A_110 = arith.constant 0 : i32
    %dma_wait3A_111 = tpu.memref_slice %arg23[%add3A_55, %dma_wait3A_110] : memref<10112x128xf32, #tpu.memory_space<vmem_shared>> -> memref<120x128xf32, #tpu.memory_space<vmem_shared>>
    %dma_wait3A_112 = arith.constant 0 : i32
    %dma_wait3A_113 = arith.constant 0 : i32
    %dma_wait3A_114 = tpu.memref_slice %arg10[%dma_wait3A_112, %dma_wait3A_113] : memref<128x128xf32, #tpu.memory_space<vmem>> -> memref<120x128xf32, #tpu.memory_space<vmem>>
    tpu.wait_dma2 semaphore(%arg12 : memref<!tpu.dma_semaphore, #tpu.memory_space<semaphore_mem>>) src(%dma_wait3A_114 : memref<120x128xf32, #tpu.memory_space<vmem>>) dst(%dma_wait3A_111 : memref<120x128xf32, #tpu.memory_space<vmem_shared>>)
    %barrier3A = arith.constant 0 : index
    tpu.barrier barrier_id(%barrier3A)
    %eq3A = arith.constant 0 : i32
    %eq3A_115 = arith.cmpi eq, %arg0, %eq3A : i32
    %convert_element_type3A = arith.extui %eq3A_115 : i1 to i32
    %cond3A = arith.constant 0 : i32
    %cond3A_116 = arith.cmpi ne, %convert_element_type3A, %cond3A : i32
    scf.if %cond3A_116 {
      %mul3A_195 = arith.constant 58 : i32
      %mul3A_196 = arith.muli %arg1, %mul3A_195 : i32
      %mul3A_197 = arith.constant 128 : i32
      %mul3A_198 = arith.muli %mul3A_196, %mul3A_197 : i32
      %dma_start3A_199 = arith.constant 0 : i32
      %dma_start3A_200 = tpu.memref_slice %arg7[%dma_start3A_199] : memref<3840xi32, #tpu.memory_space<vmem>> -> memref<3584xi32, #tpu.memory_space<vmem>>
      %dma_start3A_201 = tpu.memref_slice %arg3[%mul3A_198] : memref<172032xi32, #tpu.memory_space<hbm>> -> memref<3584xi32, #tpu.memory_space<hbm>>
      %dma_start3A_202 = arith.constant 0 : i32
      %dma_start3A_203 = tpu.memref_slice %arg7[%dma_start3A_202] : memref<3840xi32, #tpu.memory_space<vmem>> -> memref<3584xi32, #tpu.memory_space<vmem>>
      %dma_start3A_204 = tpu.memref_slice %arg3[%mul3A_198] : memref<172032xi32, #tpu.memory_space<hbm>> -> memref<3584xi32, #tpu.memory_space<hbm>>
      tpu.enqueue_dma source(%dma_start3A_204 : memref<3584xi32, #tpu.memory_space<hbm>>) target(%dma_start3A_203 : memref<3584xi32, #tpu.memory_space<vmem>>) target_semaphore(%arg16 : memref<!tpu.dma_semaphore, #tpu.memory_space<semaphore_mem>>)
      %mul3A_205 = arith.constant 128 : i32
      %mul3A_206 = arith.muli %mul3A_196, %mul3A_205 : i32
      %dma_start3A_207 = arith.constant 0 : i32
      %dma_start3A_208 = tpu.memref_slice %arg8[%dma_start3A_207] : memref<3840xi32, #tpu.memory_space<vmem>> -> memref<3584xi32, #tpu.memory_space<vmem>>
      %dma_start3A_209 = tpu.memref_slice %arg4[%mul3A_206] : memref<172032xi32, #tpu.memory_space<hbm>> -> memref<3584xi32, #tpu.memory_space<hbm>>
      %dma_start3A_210 = arith.constant 0 : i32
      %dma_start3A_211 = tpu.memref_slice %arg8[%dma_start3A_210] : memref<3840xi32, #tpu.memory_space<vmem>> -> memref<3584xi32, #tpu.memory_space<vmem>>
      %dma_start3A_212 = tpu.memref_slice %arg4[%mul3A_206] : memref<172032xi32, #tpu.memory_space<hbm>> -> memref<3584xi32, #tpu.memory_space<hbm>>
      tpu.enqueue_dma source(%dma_start3A_212 : memref<3584xi32, #tpu.memory_space<hbm>>) target(%dma_start3A_211 : memref<3584xi32, #tpu.memory_space<vmem>>) target_semaphore(%arg17 : memref<!tpu.dma_semaphore, #tpu.memory_space<semaphore_mem>>)
      %mul3A_213 = arith.constant 128 : i32
      %mul3A_214 = arith.muli %mul3A_196, %mul3A_213 : i32
      %dma_start3A_215 = arith.constant 0 : i32
      %dma_start3A_216 = tpu.memref_slice %arg9[%dma_start3A_215] : memref<3840xf32, #tpu.memory_space<vmem>> -> memref<3584xf32, #tpu.memory_space<vmem>>
      %dma_start3A_217 = tpu.memref_slice %arg5[%mul3A_214] : memref<172032xf32, #tpu.memory_space<hbm>> -> memref<3584xf32, #tpu.memory_space<hbm>>
      %dma_start3A_218 = arith.constant 0 : i32
      %dma_start3A_219 = tpu.memref_slice %arg9[%dma_start3A_218] : memref<3840xf32, #tpu.memory_space<vmem>> -> memref<3584xf32, #tpu.memory_space<vmem>>
      %dma_start3A_220 = tpu.memref_slice %arg5[%mul3A_214] : memref<172032xf32, #tpu.memory_space<hbm>> -> memref<3584xf32, #tpu.memory_space<hbm>>
      tpu.enqueue_dma source(%dma_start3A_220 : memref<3584xf32, #tpu.memory_space<hbm>>) target(%dma_start3A_219 : memref<3584xf32, #tpu.memory_space<vmem>>) target_semaphore(%arg18 : memref<!tpu.dma_semaphore, #tpu.memory_space<semaphore_mem>>)
      %dma_wait3A_221 = arith.constant 0 : i32
      %dma_wait3A_222 = tpu.memref_slice %arg7[%dma_wait3A_221] : memref<3840xi32, #tpu.memory_space<vmem>> -> memref<3584xi32, #tpu.memory_space<vmem>>
      %dma_wait3A_223 = tpu.memref_slice %arg3[%mul3A_198] : memref<172032xi32, #tpu.memory_space<hbm>> -> memref<3584xi32, #tpu.memory_space<hbm>>
      %dma_wait3A_224 = arith.constant 0 : i32
      %dma_wait3A_225 = tpu.memref_slice %arg7[%dma_wait3A_224] : memref<3840xi32, #tpu.memory_space<vmem>> -> memref<3584xi32, #tpu.memory_space<vmem>>
      %dma_wait3A_226 = tpu.memref_slice %arg3[%mul3A_198] : memref<172032xi32, #tpu.memory_space<hbm>> -> memref<3584xi32, #tpu.memory_space<hbm>>
      tpu.wait_dma2 semaphore(%arg16 : memref<!tpu.dma_semaphore, #tpu.memory_space<semaphore_mem>>) src(%dma_wait3A_226 : memref<3584xi32, #tpu.memory_space<hbm>>) dst(%dma_wait3A_225 : memref<3584xi32, #tpu.memory_space<vmem>>)
      %dma_wait3A_227 = arith.constant 0 : i32
      %dma_wait3A_228 = tpu.memref_slice %arg8[%dma_wait3A_227] : memref<3840xi32, #tpu.memory_space<vmem>> -> memref<3584xi32, #tpu.memory_space<vmem>>
      %dma_wait3A_229 = tpu.memref_slice %arg4[%mul3A_206] : memref<172032xi32, #tpu.memory_space<hbm>> -> memref<3584xi32, #tpu.memory_space<hbm>>
      %dma_wait3A_230 = arith.constant 0 : i32
      %dma_wait3A_231 = tpu.memref_slice %arg8[%dma_wait3A_230] : memref<3840xi32, #tpu.memory_space<vmem>> -> memref<3584xi32, #tpu.memory_space<vmem>>
      %dma_wait3A_232 = tpu.memref_slice %arg4[%mul3A_206] : memref<172032xi32, #tpu.memory_space<hbm>> -> memref<3584xi32, #tpu.memory_space<hbm>>
      tpu.wait_dma2 semaphore(%arg17 : memref<!tpu.dma_semaphore, #tpu.memory_space<semaphore_mem>>) src(%dma_wait3A_232 : memref<3584xi32, #tpu.memory_space<hbm>>) dst(%dma_wait3A_231 : memref<3584xi32, #tpu.memory_space<vmem>>)
      %dma_wait3A_233 = arith.constant 0 : i32
      %dma_wait3A_234 = tpu.memref_slice %arg9[%dma_wait3A_233] : memref<3840xf32, #tpu.memory_space<vmem>> -> memref<3584xf32, #tpu.memory_space<vmem>>
      %dma_wait3A_235 = tpu.memref_slice %arg5[%mul3A_214] : memref<172032xf32, #tpu.memory_space<hbm>> -> memref<3584xf32, #tpu.memory_space<hbm>>
      %dma_wait3A_236 = arith.constant 0 : i32
      %dma_wait3A_237 = tpu.memref_slice %arg9[%dma_wait3A_236] : memref<3840xf32, #tpu.memory_space<vmem>> -> memref<3584xf32, #tpu.memory_space<vmem>>
      %dma_wait3A_238 = tpu.memref_slice %arg5[%mul3A_214] : memref<172032xf32, #tpu.memory_space<hbm>> -> memref<3584xf32, #tpu.memory_space<hbm>>
      tpu.wait_dma2 semaphore(%arg18 : memref<!tpu.dma_semaphore, #tpu.memory_space<semaphore_mem>>) src(%dma_wait3A_238 : memref<3584xf32, #tpu.memory_space<hbm>>) dst(%dma_wait3A_237 : memref<3584xf32, #tpu.memory_space<vmem>>)
      %scan3A_239 = arith.constant 0 : i32
      %scan3A_240 = arith.constant 0 : i32
      %scan3A_241 = arith.constant 14 : i32
      %scan3A_242 = arith.addi %scan3A_240, %scan3A_241 : i32
      %scan3A_243 = arith.constant 1 : i32
      %scan3A_244 = scf.for %scan3A_299 = %scan3A_240 to %scan3A_242 step %scan3A_243 iter_args(%scan3A_300 = %scan3A_239) -> (i32)  : i32 {
        %mul3A_301 = arith.constant 2 : i32
        %mul3A_302 = arith.muli %scan3A_299, %mul3A_301 : i32
        %add3A_303 = arith.constant 0 : i32
        %add3A_304 = arith.addi %mul3A_302, %add3A_303 : i32
        %mul3A_305 = arith.constant 128 : i32
        %mul3A_306 = arith.muli %add3A_304, %mul3A_305 : i32
        %dma_start3A_307 = tpu.memref_slice %arg7[%mul3A_306] : memref<3840xi32, #tpu.memory_space<vmem>> -> memref<128xi32, #tpu.memory_space<vmem>>
        %dma_start3A_308 = arith.constant 0 : i32
        %dma_start3A_309 = arith.constant 0 : i32
        %dma_start3A_310 = tpu.memref_slice %arg2[%dma_start3A_308, %dma_start3A_309] : memref<10000x128xf32, #tpu.memory_space<hbm>> -> memref<10000x128xf32, #tpu.memory_space<hbm>>
        tpu.enqueue_indirect_dma source(%dma_start3A_310 : memref<10000x128xf32, #tpu.memory_space<hbm>>) target(%arg10 : memref<128x128xf32, #tpu.memory_space<vmem>>) offsets(%dma_start3A_307 : memref<128xi32, #tpu.memory_space<vmem>>) semaphore(%arg12 : memref<!tpu.dma_semaphore, #tpu.memory_space<semaphore_mem>>)
        %add3A_311 = arith.constant 1 : i32
        %add3A_312 = arith.addi %mul3A_302, %add3A_311 : i32
        %mul3A_313 = arith.constant 128 : i32
        %mul3A_314 = arith.muli %add3A_312, %mul3A_313 : i32
        %dma_start3A_315 = tpu.memref_slice %arg7[%mul3A_314] : memref<3840xi32, #tpu.memory_space<vmem>> -> memref<128xi32, #tpu.memory_space<vmem>>
        %dma_start3A_316 = arith.constant 0 : i32
        %dma_start3A_317 = arith.constant 0 : i32
        %dma_start3A_318 = tpu.memref_slice %arg2[%dma_start3A_316, %dma_start3A_317] : memref<10000x128xf32, #tpu.memory_space<hbm>> -> memref<10000x128xf32, #tpu.memory_space<hbm>>
        tpu.enqueue_indirect_dma source(%dma_start3A_318 : memref<10000x128xf32, #tpu.memory_space<hbm>>) target(%arg11 : memref<128x128xf32, #tpu.memory_space<vmem>>) offsets(%dma_start3A_315 : memref<128xi32, #tpu.memory_space<vmem>>) semaphore(%arg13 : memref<!tpu.dma_semaphore, #tpu.memory_space<semaphore_mem>>)
        %dma_wait3A_319 = tpu.memref_slice %arg7[%mul3A_306] : memref<3840xi32, #tpu.memory_space<vmem>> -> memref<128xi32, #tpu.memory_space<vmem>>
        %dma_wait3A_320 = arith.constant 0 : i32
        %dma_wait3A_321 = arith.constant 0 : i32
        %dma_wait3A_322 = tpu.memref_slice %arg2[%dma_wait3A_320, %dma_wait3A_321] : memref<10000x128xf32, #tpu.memory_space<hbm>> -> memref<10000x128xf32, #tpu.memory_space<hbm>>
        tpu.wait_indirect_dma semaphore(%arg12 : memref<!tpu.dma_semaphore, #tpu.memory_space<semaphore_mem>>) src(%dma_wait3A_322 : memref<10000x128xf32, #tpu.memory_space<hbm>>) dst(%arg10 : memref<128x128xf32, #tpu.memory_space<vmem>>)
        %scan3A_323 = arith.constant 0 : i32
        %scan3A_324 = arith.constant 0 : i32
        %scan3A_325 = arith.constant 64 : i32
        %scan3A_326 = arith.addi %scan3A_324, %scan3A_325 : i32
        %scan3A_327 = arith.constant 1 : i32
        %scan3A_328 = scf.for %scan3A_366 = %scan3A_324 to %scan3A_326 step %scan3A_327 iter_args(%scan3A_367 = %scan3A_323) -> (i32)  : i32 {
          %mul3A_368 = arith.constant 2 : i32
          %mul3A_369 = arith.muli %scan3A_366, %mul3A_368 : i32
          %add3A_370 = arith.constant 0 : i32
          %add3A_371 = arith.addi %mul3A_302, %add3A_370 : i32
          %mul3A_372 = arith.constant 128 : i32
          %mul3A_373 = arith.muli %add3A_371, %mul3A_372 : i32
          %add3A_374 = arith.addi %mul3A_373, %mul3A_369 : i32
          %add3A_375 = arith.constant 0 : i32
          %add3A_376 = arith.addi %add3A_374, %add3A_375 : i32
          %broadcast_in_dim3A_377 = vector.broadcast %add3A_376 : i32 to vector<16xi32>
          %gather3A = tpu.vector_load_idx %arg9[%broadcast_in_dim3A_377] : memref<3840xf32, #tpu.memory_space<vmem>>[vector<16xi32>], vector<16xf32>,
          %add3A_378 = arith.constant 0 : i32
          %add3A_379 = arith.addi %mul3A_369, %add3A_378 : i32
          %get3A = arith.index_cast %add3A_379 : i32 to index
          %get3A_380 = arith.constant 0 : index
          %get3A_381 = tpu.vector_load %arg10[%get3A, %get3A_380] {strides = array<i32>} : memref<128x128xf32, #tpu.memory_space<vmem>>, vector<16xf32>,
          %mul3A_382 = arith.mulf %get3A_381, %gather3A : vector<16xf32>
          %add3A_383 = arith.constant 0 : i32
          %add3A_384 = arith.addi %mul3A_369, %add3A_383 : i32
          %swap3A = arith.index_cast %add3A_384 : i32 to index
          %swap3A_385 = arith.constant 0 : index
          %swap3A_386 = tpu.vector_load %arg10[%swap3A, %swap3A_385] {strides = array<i32>} : memref<128x128xf32, #tpu.memory_space<vmem>>, vector<16xf32>,
          tpu.vector_store %arg10[%swap3A, %swap3A_385], %mul3A_382 {strides = array<i32>} : memref<128x128xf32, #tpu.memory_space<vmem>>, vector<16xf32>,
          %add3A_387 = arith.constant 0 : i32
          %add3A_388 = arith.addi %mul3A_369, %add3A_387 : i32
          %get3A_389 = arith.index_cast %add3A_388 : i32 to index
          %get3A_390 = arith.constant 16 : index
          %get3A_391 = tpu.vector_load %arg10[%get3A_389, %get3A_390] {strides = array<i32>} : memref<128x128xf32, #tpu.memory_space<vmem>>, vector<16xf32>,
          %mul3A_392 = arith.mulf %get3A_391, %gather3A : vector<16xf32>
          %add3A_393 = arith.constant 0 : i32
          %add3A_394 = arith.addi %mul3A_369, %add3A_393 : i32
          %swap3A_395 = arith.index_cast %add3A_394 : i32 to index
          %swap3A_396 = arith.constant 16 : index
          %swap3A_397 = tpu.vector_load %arg10[%swap3A_395, %swap3A_396] {strides = array<i32>} : memref<128x128xf32, #tpu.memory_space<vmem>>, vector<16xf32>,
          tpu.vector_store %arg10[%swap3A_395, %swap3A_396], %mul3A_392 {strides = array<i32>} : memref<128x128xf32, #tpu.memory_space<vmem>>, vector<16xf32>,
          %add3A_398 = arith.constant 0 : i32
          %add3A_399 = arith.addi %mul3A_369, %add3A_398 : i32
          %get3A_400 = arith.index_cast %add3A_399 : i32 to index
          %get3A_401 = arith.constant 32 : index
          %get3A_402 = tpu.vector_load %arg10[%get3A_400, %get3A_401] {strides = array<i32>} : memref<128x128xf32, #tpu.memory_space<vmem>>, vector<16xf32>,
          %mul3A_403 = arith.mulf %get3A_402, %gather3A : vector<16xf32>
          %add3A_404 = arith.constant 0 : i32
          %add3A_405 = arith.addi %mul3A_369, %add3A_404 : i32
          %swap3A_406 = arith.index_cast %add3A_405 : i32 to index
          %swap3A_407 = arith.constant 32 : index
          %swap3A_408 = tpu.vector_load %arg10[%swap3A_406, %swap3A_407] {strides = array<i32>} : memref<128x128xf32, #tpu.memory_space<vmem>>, vector<16xf32>,
          tpu.vector_store %arg10[%swap3A_406, %swap3A_407], %mul3A_403 {strides = array<i32>} : memref<128x128xf32, #tpu.memory_space<vmem>>, vector<16xf32>,
          %add3A_409 = arith.constant 0 : i32
          %add3A_410 = arith.addi %mul3A_369, %add3A_409 : i32
          %get3A_411 = arith.index_cast %add3A_410 : i32 to index
          %get3A_412 = arith.constant 48 : index
          %get3A_413 = tpu.vector_load %arg10[%get3A_411, %get3A_412] {strides = array<i32>} : memref<128x128xf32, #tpu.memory_space<vmem>>, vector<16xf32>,
          %mul3A_414 = arith.mulf %get3A_413, %gather3A : vector<16xf32>
          %add3A_415 = arith.constant 0 : i32
          %add3A_416 = arith.addi %mul3A_369, %add3A_415 : i32
          %swap3A_417 = arith.index_cast %add3A_416 : i32 to index
          %swap3A_418 = arith.constant 48 : index
          %swap3A_419 = tpu.vector_load %arg10[%swap3A_417, %swap3A_418] {strides = array<i32>} : memref<128x128xf32, #tpu.memory_space<vmem>>, vector<16xf32>,
          tpu.vector_store %arg10[%swap3A_417, %swap3A_418], %mul3A_414 {strides = array<i32>} : memref<128x128xf32, #tpu.memory_space<vmem>>, vector<16xf32>,
          %add3A_420 = arith.constant 0 : i32
          %add3A_421 = arith.addi %mul3A_369, %add3A_420 : i32
          %get3A_422 = arith.index_cast %add3A_421 : i32 to index
          %get3A_423 = arith.constant 64 : index
          %get3A_424 = tpu.vector_load %arg10[%get3A_422, %get3A_423] {strides = array<i32>} : memref<128x128xf32, #tpu.memory_space<vmem>>, vector<16xf32>,
          %mul3A_425 = arith.mulf %get3A_424, %gather3A : vector<16xf32>
          %add3A_426 = arith.constant 0 : i32
          %add3A_427 = arith.addi %mul3A_369, %add3A_426 : i32
          %swap3A_428 = arith.index_cast %add3A_427 : i32 to index
          %swap3A_429 = arith.constant 64 : index
          %swap3A_430 = tpu.vector_load %arg10[%swap3A_428, %swap3A_429] {strides = array<i32>} : memref<128x128xf32, #tpu.memory_space<vmem>>, vector<16xf32>,
          tpu.vector_store %arg10[%swap3A_428, %swap3A_429], %mul3A_425 {strides = array<i32>} : memref<128x128xf32, #tpu.memory_space<vmem>>, vector<16xf32>,
          %add3A_431 = arith.constant 0 : i32
          %add3A_432 = arith.addi %mul3A_369, %add3A_431 : i32
          %get3A_433 = arith.index_cast %add3A_432 : i32 to index
          %get3A_434 = arith.constant 80 : index
          %get3A_435 = tpu.vector_load %arg10[%get3A_433, %get3A_434] {strides = array<i32>} : memref<128x128xf32, #tpu.memory_space<vmem>>, vector<16xf32>,
          %mul3A_436 = arith.mulf %get3A_435, %gather3A : vector<16xf32>
          %add3A_437 = arith.constant 0 : i32
          %add3A_438 = arith.addi %mul3A_369, %add3A_437 : i32
          %swap3A_439 = arith.index_cast %add3A_438 : i32 to index
          %swap3A_440 = arith.constant 80 : index
          %swap3A_441 = tpu.vector_load %arg10[%swap3A_439, %swap3A_440] {strides = array<i32>} : memref<128x128xf32, #tpu.memory_space<vmem>>, vector<16xf32>,
          tpu.vector_store %arg10[%swap3A_439, %swap3A_440], %mul3A_436 {strides = array<i32>} : memref<128x128xf32, #tpu.memory_space<vmem>>, vector<16xf32>,
          %add3A_442 = arith.constant 0 : i32
          %add3A_443 = arith.addi %mul3A_369, %add3A_442 : i32
          %get3A_444 = arith.index_cast %add3A_443 : i32 to index
          %get3A_445 = arith.constant 96 : index
          %get3A_446 = tpu.vector_load %arg10[%get3A_444, %get3A_445] {strides = array<i32>} : memref<128x128xf32, #tpu.memory_space<vmem>>, vector<16xf32>,
          %mul3A_447 = arith.mulf %get3A_446, %gather3A : vector<16xf32>
          %add3A_448 = arith.constant 0 : i32
          %add3A_449 = arith.addi %mul3A_369, %add3A_448 : i32
          %swap3A_450 = arith.index_cast %add3A_449 : i32 to index
          %swap3A_451 = arith.constant 96 : index
          %swap3A_452 = tpu.vector_load %arg10[%swap3A_450, %swap3A_451] {strides = array<i32>} : memref<128x128xf32, #tpu.memory_space<vmem>>, vector<16xf32>,
          tpu.vector_store %arg10[%swap3A_450, %swap3A_451], %mul3A_447 {strides = array<i32>} : memref<128x128xf32, #tpu.memory_space<vmem>>, vector<16xf32>,
          %add3A_453 = arith.constant 0 : i32
          %add3A_454 = arith.addi %mul3A_369, %add3A_453 : i32
          %get3A_455 = arith.index_cast %add3A_454 : i32 to index
          %get3A_456 = arith.constant 112 : index
          %get3A_457 = tpu.vector_load %arg10[%get3A_455, %get3A_456] {strides = array<i32>} : memref<128x128xf32, #tpu.memory_space<vmem>>, vector<16xf32>,
          %mul3A_458 = arith.mulf %get3A_457, %gather3A : vector<16xf32>
          %add3A_459 = arith.constant 0 : i32
          %add3A_460 = arith.addi %mul3A_369, %add3A_459 : i32
          %swap3A_461 = arith.index_cast %add3A_460 : i32 to index
          %swap3A_462 = arith.constant 112 : index
          %swap3A_463 = tpu.vector_load %arg10[%swap3A_461, %swap3A_462] {strides = array<i32>} : memref<128x128xf32, #tpu.memory_space<vmem>>, vector<16xf32>,
          tpu.vector_store %arg10[%swap3A_461, %swap3A_462], %mul3A_458 {strides = array<i32>} : memref<128x128xf32, #tpu.memory_space<vmem>>, vector<16xf32>,
          %add3A_464 = arith.constant 0 : i32
          %add3A_465 = arith.addi %mul3A_302, %add3A_464 : i32
          %mul3A_466 = arith.constant 128 : i32
          %mul3A_467 = arith.muli %add3A_465, %mul3A_466 : i32
          %add3A_468 = arith.addi %mul3A_467, %mul3A_369 : i32
          %add3A_469 = arith.constant 1 : i32
          %add3A_470 = arith.addi %add3A_468, %add3A_469 : i32
          %broadcast_in_dim3A_471 = vector.broadcast %add3A_470 : i32 to vector<16xi32>
          %gather3A_472 = tpu.vector_load_idx %arg9[%broadcast_in_dim3A_471] : memref<3840xf32, #tpu.memory_space<vmem>>[vector<16xi32>], vector<16xf32>,
          %add3A_473 = arith.constant 1 : i32
          %add3A_474 = arith.addi %mul3A_369, %add3A_473 : i32
          %get3A_475 = arith.index_cast %add3A_474 : i32 to index
          %get3A_476 = arith.constant 0 : index
          %get3A_477 = tpu.vector_load %arg10[%get3A_475, %get3A_476] {strides = array<i32>} : memref<128x128xf32, #tpu.memory_space<vmem>>, vector<16xf32>,
          %mul3A_478 = arith.mulf %get3A_477, %gather3A_472 : vector<16xf32>
          %add3A_479 = arith.constant 1 : i32
          %add3A_480 = arith.addi %mul3A_369, %add3A_479 : i32
          %swap3A_481 = arith.index_cast %add3A_480 : i32 to index
          %swap3A_482 = arith.constant 0 : index
          %swap3A_483 = tpu.vector_load %arg10[%swap3A_481, %swap3A_482] {strides = array<i32>} : memref<128x128xf32, #tpu.memory_space<vmem>>, vector<16xf32>,
          tpu.vector_store %arg10[%swap3A_481, %swap3A_482], %mul3A_478 {strides = array<i32>} : memref<128x128xf32, #tpu.memory_space<vmem>>, vector<16xf32>,
          %add3A_484 = arith.constant 1 : i32
          %add3A_485 = arith.addi %mul3A_369, %add3A_484 : i32
          %get3A_486 = arith.index_cast %add3A_485 : i32 to index
          %get3A_487 = arith.constant 16 : index
          %get3A_488 = tpu.vector_load %arg10[%get3A_486, %get3A_487] {strides = array<i32>} : memref<128x128xf32, #tpu.memory_space<vmem>>, vector<16xf32>,
          %mul3A_489 = arith.mulf %get3A_488, %gather3A_472 : vector<16xf32>
          %add3A_490 = arith.constant 1 : i32
          %add3A_491 = arith.addi %mul3A_369, %add3A_490 : i32
          %swap3A_492 = arith.index_cast %add3A_491 : i32 to index
          %swap3A_493 = arith.constant 16 : index
          %swap3A_494 = tpu.vector_load %arg10[%swap3A_492, %swap3A_493] {strides = array<i32>} : memref<128x128xf32, #tpu.memory_space<vmem>>, vector<16xf32>,
          tpu.vector_store %arg10[%swap3A_492, %swap3A_493], %mul3A_489 {strides = array<i32>} : memref<128x128xf32, #tpu.memory_space<vmem>>, vector<16xf32>,
          %add3A_495 = arith.constant 1 : i32
          %add3A_496 = arith.addi %mul3A_369, %add3A_495 : i32
          %get3A_497 = arith.index_cast %add3A_496 : i32 to index
          %get3A_498 = arith.constant 32 : index
          %get3A_499 = tpu.vector_load %arg10[%get3A_497, %get3A_498] {strides = array<i32>} : memref<128x128xf32, #tpu.memory_space<vmem>>, vector<16xf32>,
          %mul3A_500 = arith.mulf %get3A_499, %gather3A_472 : vector<16xf32>
          %add3A_501 = arith.constant 1 : i32
          %add3A_502 = arith.addi %mul3A_369, %add3A_501 : i32
          %swap3A_503 = arith.index_cast %add3A_502 : i32 to index
          %swap3A_504 = arith.constant 32 : index
          %swap3A_505 = tpu.vector_load %arg10[%swap3A_503, %swap3A_504] {strides = array<i32>} : memref<128x128xf32, #tpu.memory_space<vmem>>, vector<16xf32>,
          tpu.vector_store %arg10[%swap3A_503, %swap3A_504], %mul3A_500 {strides = array<i32>} : memref<128x128xf32, #tpu.memory_space<vmem>>, vector<16xf32>,
          %add3A_506 = arith.constant 1 : i32
          %add3A_507 = arith.addi %mul3A_369, %add3A_506 : i32
          %get3A_508 = arith.index_cast %add3A_507 : i32 to index
          %get3A_509 = arith.constant 48 : index
          %get3A_510 = tpu.vector_load %arg10[%get3A_508, %get3A_509] {strides = array<i32>} : memref<128x128xf32, #tpu.memory_space<vmem>>, vector<16xf32>,
          %mul3A_511 = arith.mulf %get3A_510, %gather3A_472 : vector<16xf32>
          %add3A_512 = arith.constant 1 : i32
          %add3A_513 = arith.addi %mul3A_369, %add3A_512 : i32
          %swap3A_514 = arith.index_cast %add3A_513 : i32 to index
          %swap3A_515 = arith.constant 48 : index
          %swap3A_516 = tpu.vector_load %arg10[%swap3A_514, %swap3A_515] {strides = array<i32>} : memref<128x128xf32, #tpu.memory_space<vmem>>, vector<16xf32>,
          tpu.vector_store %arg10[%swap3A_514, %swap3A_515], %mul3A_511 {strides = array<i32>} : memref<128x128xf32, #tpu.memory_space<vmem>>, vector<16xf32>,
          %add3A_517 = arith.constant 1 : i32
          %add3A_518 = arith.addi %mul3A_369, %add3A_517 : i32
          %get3A_519 = arith.index_cast %add3A_518 : i32 to index
          %get3A_520 = arith.constant 64 : index
          %get3A_521 = tpu.vector_load %arg10[%get3A_519, %get3A_520] {strides = array<i32>} : memref<128x128xf32, #tpu.memory_space<vmem>>, vector<16xf32>,
          %mul3A_522 = arith.mulf %get3A_521, %gather3A_472 : vector<16xf32>
          %add3A_523 = arith.constant 1 : i32
          %add3A_524 = arith.addi %mul3A_369, %add3A_523 : i32
          %swap3A_525 = arith.index_cast %add3A_524 : i32 to index
          %swap3A_526 = arith.constant 64 : index
          %swap3A_527 = tpu.vector_load %arg10[%swap3A_525, %swap3A_526] {strides = array<i32>} : memref<128x128xf32, #tpu.memory_space<vmem>>, vector<16xf32>,
          tpu.vector_store %arg10[%swap3A_525, %swap3A_526], %mul3A_522 {strides = array<i32>} : memref<128x128xf32, #tpu.memory_space<vmem>>, vector<16xf32>,
          %add3A_528 = arith.constant 1 : i32
          %add3A_529 = arith.addi %mul3A_369, %add3A_528 : i32
          %get3A_530 = arith.index_cast %add3A_529 : i32 to index
          %get3A_531 = arith.constant 80 : index
          %get3A_532 = tpu.vector_load %arg10[%get3A_530, %get3A_531] {strides = array<i32>} : memref<128x128xf32, #tpu.memory_space<vmem>>, vector<16xf32>,
          %mul3A_533 = arith.mulf %get3A_532, %gather3A_472 : vector<16xf32>
          %add3A_534 = arith.constant 1 : i32
          %add3A_535 = arith.addi %mul3A_369, %add3A_534 : i32
          %swap3A_536 = arith.index_cast %add3A_535 : i32 to index
          %swap3A_537 = arith.constant 80 : index
          %swap3A_538 = tpu.vector_load %arg10[%swap3A_536, %swap3A_537] {strides = array<i32>} : memref<128x128xf32, #tpu.memory_space<vmem>>, vector<16xf32>,
          tpu.vector_store %arg10[%swap3A_536, %swap3A_537], %mul3A_533 {strides = array<i32>} : memref<128x128xf32, #tpu.memory_space<vmem>>, vector<16xf32>,
          %add3A_539 = arith.constant 1 : i32
          %add3A_540 = arith.addi %mul3A_369, %add3A_539 : i32
          %get3A_541 = arith.index_cast %add3A_540 : i32 to index
          %get3A_542 = arith.constant 96 : index
          %get3A_543 = tpu.vector_load %arg10[%get3A_541, %get3A_542] {strides = array<i32>} : memref<128x128xf32, #tpu.memory_space<vmem>>, vector<16xf32>,
          %mul3A_544 = arith.mulf %get3A_543, %gather3A_472 : vector<16xf32>
          %add3A_545 = arith.constant 1 : i32
          %add3A_546 = arith.addi %mul3A_369, %add3A_545 : i32
          %swap3A_547 = arith.index_cast %add3A_546 : i32 to index
          %swap3A_548 = arith.constant 96 : index
          %swap3A_549 = tpu.vector_load %arg10[%swap3A_547, %swap3A_548] {strides = array<i32>} : memref<128x128xf32, #tpu.memory_space<vmem>>, vector<16xf32>,
          tpu.vector_store %arg10[%swap3A_547, %swap3A_548], %mul3A_544 {strides = array<i32>} : memref<128x128xf32, #tpu.memory_space<vmem>>, vector<16xf32>,
          %add3A_550 = arith.constant 1 : i32
          %add3A_551 = arith.addi %mul3A_369, %add3A_550 : i32
          %get3A_552 = arith.index_cast %add3A_551 : i32 to index
          %get3A_553 = arith.constant 112 : index
          %get3A_554 = tpu.vector_load %arg10[%get3A_552, %get3A_553] {strides = array<i32>} : memref<128x128xf32, #tpu.memory_space<vmem>>, vector<16xf32>,
          %mul3A_555 = arith.mulf %get3A_554, %gather3A_472 : vector<16xf32>
          %add3A_556 = arith.constant 1 : i32
          %add3A_557 = arith.addi %mul3A_369, %add3A_556 : i32
          %swap3A_558 = arith.index_cast %add3A_557 : i32 to index
          %swap3A_559 = arith.constant 112 : index
          %swap3A_560 = tpu.vector_load %arg10[%swap3A_558, %swap3A_559] {strides = array<i32>} : memref<128x128xf32, #tpu.memory_space<vmem>>, vector<16xf32>,
          tpu.vector_store %arg10[%swap3A_558, %swap3A_559], %mul3A_555 {strides = array<i32>} : memref<128x128xf32, #tpu.memory_space<vmem>>, vector<16xf32>,
          %scan3A_561 = arith.constant 0 : i32
          scf.yield %scan3A_561 : i32
        }
        %scan3A_329 = arith.constant 64 : i32
        %add3A_330 = arith.constant 0 : i32
        %add3A_331 = arith.addi %mul3A_302, %add3A_330 : i32
        %mul3A_332 = arith.constant 128 : i32
        %mul3A_333 = arith.muli %add3A_331, %mul3A_332 : i32
        %dma_start3A_334 = tpu.memref_slice %arg8[%mul3A_333] : memref<3840xi32, #tpu.memory_space<vmem>> -> memref<128xi32, #tpu.memory_space<vmem>>
        %dma_start3A_335 = arith.constant 0 : i32
        %dma_start3A_336 = arith.constant 0 : i32
        %dma_start3A_337 = tpu.memref_slice %arg23[%dma_start3A_335, %dma_start3A_336] : memref<10112x128xf32, #tpu.memory_space<vmem_shared>> -> memref<10112x128xf32, #tpu.memory_space<vmem_shared>>
        tpu.enqueue_indirect_dma source(%arg10 : memref<128x128xf32, #tpu.memory_space<vmem>>) target(%dma_start3A_337 : memref<10112x128xf32, #tpu.memory_space<vmem_shared>>) offsets(%dma_start3A_334 : memref<128xi32, #tpu.memory_space<vmem>>) semaphore(%arg14 : memref<!tpu.dma_semaphore, #tpu.memory_space<semaphore_mem>>) {add = true}
        %dma_wait3A_338 = tpu.memref_slice %arg7[%mul3A_314] : memref<3840xi32, #tpu.memory_space<vmem>> -> memref<128xi32, #tpu.memory_space<vmem>>
        %dma_wait3A_339 = arith.constant 0 : i32
        %dma_wait3A_340 = arith.constant 0 : i32
        %dma_wait3A_341 = tpu.memref_slice %arg2[%dma_wait3A_339, %dma_wait3A_340] : memref<10000x128xf32, #tpu.memory_space<hbm>> -> memref<10000x128xf32, #tpu.memory_space<hbm>>
        tpu.wait_indirect_dma semaphore(%arg13 : memref<!tpu.dma_semaphore, #tpu.memory_space<semaphore_mem>>) src(%dma_wait3A_341 : memref<10000x128xf32, #tpu.memory_space<hbm>>) dst(%arg11 : memref<128x128xf32, #tpu.memory_space<vmem>>)
        %scan3A_342 = arith.constant 0 : i32
        %scan3A_343 = arith.constant 0 : i32
        %scan3A_344 = arith.constant 64 : i32
        %scan3A_345 = arith.addi %scan3A_343, %scan3A_344 : i32
        %scan3A_346 = arith.constant 1 : i32
        %scan3A_347 = scf.for %scan3A_366 = %scan3A_343 to %scan3A_345 step %scan3A_346 iter_args(%scan3A_367 = %scan3A_342) -> (i32)  : i32 {
          %mul3A_368 = arith.constant 2 : i32
          %mul3A_369 = arith.muli %scan3A_366, %mul3A_368 : i32
          %add3A_370 = arith.constant 1 : i32
          %add3A_371 = arith.addi %mul3A_302, %add3A_370 : i32
          %mul3A_372 = arith.constant 128 : i32
          %mul3A_373 = arith.muli %add3A_371, %mul3A_372 : i32
          %add3A_374 = arith.addi %mul3A_373, %mul3A_369 : i32
          %add3A_375 = arith.constant 0 : i32
          %add3A_376 = arith.addi %add3A_374, %add3A_375 : i32
          %broadcast_in_dim3A_377 = vector.broadcast %add3A_376 : i32 to vector<16xi32>
          %gather3A = tpu.vector_load_idx %arg9[%broadcast_in_dim3A_377] : memref<3840xf32, #tpu.memory_space<vmem>>[vector<16xi32>], vector<16xf32>,
          %add3A_378 = arith.constant 0 : i32
          %add3A_379 = arith.addi %mul3A_369, %add3A_378 : i32
          %get3A = arith.index_cast %add3A_379 : i32 to index
          %get3A_380 = arith.constant 0 : index
          %get3A_381 = tpu.vector_load %arg11[%get3A, %get3A_380] {strides = array<i32>} : memref<128x128xf32, #tpu.memory_space<vmem>>, vector<16xf32>,
          %mul3A_382 = arith.mulf %get3A_381, %gather3A : vector<16xf32>
          %add3A_383 = arith.constant 0 : i32
          %add3A_384 = arith.addi %mul3A_369, %add3A_383 : i32
          %swap3A = arith.index_cast %add3A_384 : i32 to index
          %swap3A_385 = arith.constant 0 : index
          %swap3A_386 = tpu.vector_load %arg11[%swap3A, %swap3A_385] {strides = array<i32>} : memref<128x128xf32, #tpu.memory_space<vmem>>, vector<16xf32>,
          tpu.vector_store %arg11[%swap3A, %swap3A_385], %mul3A_382 {strides = array<i32>} : memref<128x128xf32, #tpu.memory_space<vmem>>, vector<16xf32>,
          %add3A_387 = arith.constant 0 : i32
          %add3A_388 = arith.addi %mul3A_369, %add3A_387 : i32
          %get3A_389 = arith.index_cast %add3A_388 : i32 to index
          %get3A_390 = arith.constant 16 : index
          %get3A_391 = tpu.vector_load %arg11[%get3A_389, %get3A_390] {strides = array<i32>} : memref<128x128xf32, #tpu.memory_space<vmem>>, vector<16xf32>,
          %mul3A_392 = arith.mulf %get3A_391, %gather3A : vector<16xf32>
          %add3A_393 = arith.constant 0 : i32
          %add3A_394 = arith.addi %mul3A_369, %add3A_393 : i32
          %swap3A_395 = arith.index_cast %add3A_394 : i32 to index
          %swap3A_396 = arith.constant 16 : index
          %swap3A_397 = tpu.vector_load %arg11[%swap3A_395, %swap3A_396] {strides = array<i32>} : memref<128x128xf32, #tpu.memory_space<vmem>>, vector<16xf32>,
          tpu.vector_store %arg11[%swap3A_395, %swap3A_396], %mul3A_392 {strides = array<i32>} : memref<128x128xf32, #tpu.memory_space<vmem>>, vector<16xf32>,
          %add3A_398 = arith.constant 0 : i32
          %add3A_399 = arith.addi %mul3A_369, %add3A_398 : i32
          %get3A_400 = arith.index_cast %add3A_399 : i32 to index
          %get3A_401 = arith.constant 32 : index
          %get3A_402 = tpu.vector_load %arg11[%get3A_400, %get3A_401] {strides = array<i32>} : memref<128x128xf32, #tpu.memory_space<vmem>>, vector<16xf32>,
          %mul3A_403 = arith.mulf %get3A_402, %gather3A : vector<16xf32>
          %add3A_404 = arith.constant 0 : i32
          %add3A_405 = arith.addi %mul3A_369, %add3A_404 : i32
          %swap3A_406 = arith.index_cast %add3A_405 : i32 to index
          %swap3A_407 = arith.constant 32 : index
          %swap3A_408 = tpu.vector_load %arg11[%swap3A_406, %swap3A_407] {strides = array<i32>} : memref<128x128xf32, #tpu.memory_space<vmem>>, vector<16xf32>,
          tpu.vector_store %arg11[%swap3A_406, %swap3A_407], %mul3A_403 {strides = array<i32>} : memref<128x128xf32, #tpu.memory_space<vmem>>, vector<16xf32>,
          %add3A_409 = arith.constant 0 : i32
          %add3A_410 = arith.addi %mul3A_369, %add3A_409 : i32
          %get3A_411 = arith.index_cast %add3A_410 : i32 to index
          %get3A_412 = arith.constant 48 : index
          %get3A_413 = tpu.vector_load %arg11[%get3A_411, %get3A_412] {strides = array<i32>} : memref<128x128xf32, #tpu.memory_space<vmem>>, vector<16xf32>,
          %mul3A_414 = arith.mulf %get3A_413, %gather3A : vector<16xf32>
          %add3A_415 = arith.constant 0 : i32
          %add3A_416 = arith.addi %mul3A_369, %add3A_415 : i32
          %swap3A_417 = arith.index_cast %add3A_416 : i32 to index
          %swap3A_418 = arith.constant 48 : index
          %swap3A_419 = tpu.vector_load %arg11[%swap3A_417, %swap3A_418] {strides = array<i32>} : memref<128x128xf32, #tpu.memory_space<vmem>>, vector<16xf32>,
          tpu.vector_store %arg11[%swap3A_417, %swap3A_418], %mul3A_414 {strides = array<i32>} : memref<128x128xf32, #tpu.memory_space<vmem>>, vector<16xf32>,
          %add3A_420 = arith.constant 0 : i32
          %add3A_421 = arith.addi %mul3A_369, %add3A_420 : i32
          %get3A_422 = arith.index_cast %add3A_421 : i32 to index
          %get3A_423 = arith.constant 64 : index
          %get3A_424 = tpu.vector_load %arg11[%get3A_422, %get3A_423] {strides = array<i32>} : memref<128x128xf32, #tpu.memory_space<vmem>>, vector<16xf32>,
          %mul3A_425 = arith.mulf %get3A_424, %gather3A : vector<16xf32>
          %add3A_426 = arith.constant 0 : i32
          %add3A_427 = arith.addi %mul3A_369, %add3A_426 : i32
          %swap3A_428 = arith.index_cast %add3A_427 : i32 to index
          %swap3A_429 = arith.constant 64 : index
          %swap3A_430 = tpu.vector_load %arg11[%swap3A_428, %swap3A_429] {strides = array<i32>} : memref<128x128xf32, #tpu.memory_space<vmem>>, vector<16xf32>,
          tpu.vector_store %arg11[%swap3A_428, %swap3A_429], %mul3A_425 {strides = array<i32>} : memref<128x128xf32, #tpu.memory_space<vmem>>, vector<16xf32>,
          %add3A_431 = arith.constant 0 : i32
          %add3A_432 = arith.addi %mul3A_369, %add3A_431 : i32
          %get3A_433 = arith.index_cast %add3A_432 : i32 to index
          %get3A_434 = arith.constant 80 : index
          %get3A_435 = tpu.vector_load %arg11[%get3A_433, %get3A_434] {strides = array<i32>} : memref<128x128xf32, #tpu.memory_space<vmem>>, vector<16xf32>,
          %mul3A_436 = arith.mulf %get3A_435, %gather3A : vector<16xf32>
          %add3A_437 = arith.constant 0 : i32
          %add3A_438 = arith.addi %mul3A_369, %add3A_437 : i32
          %swap3A_439 = arith.index_cast %add3A_438 : i32 to index
          %swap3A_440 = arith.constant 80 : index
          %swap3A_441 = tpu.vector_load %arg11[%swap3A_439, %swap3A_440] {strides = array<i32>} : memref<128x128xf32, #tpu.memory_space<vmem>>, vector<16xf32>,
          tpu.vector_store %arg11[%swap3A_439, %swap3A_440], %mul3A_436 {strides = array<i32>} : memref<128x128xf32, #tpu.memory_space<vmem>>, vector<16xf32>,
          %add3A_442 = arith.constant 0 : i32
          %add3A_443 = arith.addi %mul3A_369, %add3A_442 : i32
          %get3A_444 = arith.index_cast %add3A_443 : i32 to index
          %get3A_445 = arith.constant 96 : index
          %get3A_446 = tpu.vector_load %arg11[%get3A_444, %get3A_445] {strides = array<i32>} : memref<128x128xf32, #tpu.memory_space<vmem>>, vector<16xf32>,
          %mul3A_447 = arith.mulf %get3A_446, %gather3A : vector<16xf32>
          %add3A_448 = arith.constant 0 : i32
          %add3A_449 = arith.addi %mul3A_369, %add3A_448 : i32
          %swap3A_450 = arith.index_cast %add3A_449 : i32 to index
          %swap3A_451 = arith.constant 96 : index
          %swap3A_452 = tpu.vector_load %arg11[%swap3A_450, %swap3A_451] {strides = array<i32>} : memref<128x128xf32, #tpu.memory_space<vmem>>, vector<16xf32>,
          tpu.vector_store %arg11[%swap3A_450, %swap3A_451], %mul3A_447 {strides = array<i32>} : memref<128x128xf32, #tpu.memory_space<vmem>>, vector<16xf32>,
          %add3A_453 = arith.constant 0 : i32
          %add3A_454 = arith.addi %mul3A_369, %add3A_453 : i32
          %get3A_455 = arith.index_cast %add3A_454 : i32 to index
          %get3A_456 = arith.constant 112 : index
          %get3A_457 = tpu.vector_load %arg11[%get3A_455, %get3A_456] {strides = array<i32>} : memref<128x128xf32, #tpu.memory_space<vmem>>, vector<16xf32>,
          %mul3A_458 = arith.mulf %get3A_457, %gather3A : vector<16xf32>
          %add3A_459 = arith.constant 0 : i32
          %add3A_460 = arith.addi %mul3A_369, %add3A_459 : i32
          %swap3A_461 = arith.index_cast %add3A_460 : i32 to index
          %swap3A_462 = arith.constant 112 : index
          %swap3A_463 = tpu.vector_load %arg11[%swap3A_461, %swap3A_462] {strides = array<i32>} : memref<128x128xf32, #tpu.memory_space<vmem>>, vector<16xf32>,
          tpu.vector_store %arg11[%swap3A_461, %swap3A_462], %mul3A_458 {strides = array<i32>} : memref<128x128xf32, #tpu.memory_space<vmem>>, vector<16xf32>,
          %add3A_464 = arith.constant 1 : i32
          %add3A_465 = arith.addi %mul3A_302, %add3A_464 : i32
          %mul3A_466 = arith.constant 128 : i32
          %mul3A_467 = arith.muli %add3A_465, %mul3A_466 : i32
          %add3A_468 = arith.addi %mul3A_467, %mul3A_369 : i32
          %add3A_469 = arith.constant 1 : i32
          %add3A_470 = arith.addi %add3A_468, %add3A_469 : i32
          %broadcast_in_dim3A_471 = vector.broadcast %add3A_470 : i32 to vector<16xi32>
          %gather3A_472 = tpu.vector_load_idx %arg9[%broadcast_in_dim3A_471] : memref<3840xf32, #tpu.memory_space<vmem>>[vector<16xi32>], vector<16xf32>,
          %add3A_473 = arith.constant 1 : i32
          %add3A_474 = arith.addi %mul3A_369, %add3A_473 : i32
          %get3A_475 = arith.index_cast %add3A_474 : i32 to index
          %get3A_476 = arith.constant 0 : index
          %get3A_477 = tpu.vector_load %arg11[%get3A_475, %get3A_476] {strides = array<i32>} : memref<128x128xf32, #tpu.memory_space<vmem>>, vector<16xf32>,
          %mul3A_478 = arith.mulf %get3A_477, %gather3A_472 : vector<16xf32>
          %add3A_479 = arith.constant 1 : i32
          %add3A_480 = arith.addi %mul3A_369, %add3A_479 : i32
          %swap3A_481 = arith.index_cast %add3A_480 : i32 to index
          %swap3A_482 = arith.constant 0 : index
          %swap3A_483 = tpu.vector_load %arg11[%swap3A_481, %swap3A_482] {strides = array<i32>} : memref<128x128xf32, #tpu.memory_space<vmem>>, vector<16xf32>,
          tpu.vector_store %arg11[%swap3A_481, %swap3A_482], %mul3A_478 {strides = array<i32>} : memref<128x128xf32, #tpu.memory_space<vmem>>, vector<16xf32>,
          %add3A_484 = arith.constant 1 : i32
          %add3A_485 = arith.addi %mul3A_369, %add3A_484 : i32
          %get3A_486 = arith.index_cast %add3A_485 : i32 to index
          %get3A_487 = arith.constant 16 : index
          %get3A_488 = tpu.vector_load %arg11[%get3A_486, %get3A_487] {strides = array<i32>} : memref<128x128xf32, #tpu.memory_space<vmem>>, vector<16xf32>,
          %mul3A_489 = arith.mulf %get3A_488, %gather3A_472 : vector<16xf32>
          %add3A_490 = arith.constant 1 : i32
          %add3A_491 = arith.addi %mul3A_369, %add3A_490 : i32
          %swap3A_492 = arith.index_cast %add3A_491 : i32 to index
          %swap3A_493 = arith.constant 16 : index
          %swap3A_494 = tpu.vector_load %arg11[%swap3A_492, %swap3A_493] {strides = array<i32>} : memref<128x128xf32, #tpu.memory_space<vmem>>, vector<16xf32>,
          tpu.vector_store %arg11[%swap3A_492, %swap3A_493], %mul3A_489 {strides = array<i32>} : memref<128x128xf32, #tpu.memory_space<vmem>>, vector<16xf32>,
          %add3A_495 = arith.constant 1 : i32
          %add3A_496 = arith.addi %mul3A_369, %add3A_495 : i32
          %get3A_497 = arith.index_cast %add3A_496 : i32 to index
          %get3A_498 = arith.constant 32 : index
          %get3A_499 = tpu.vector_load %arg11[%get3A_497, %get3A_498] {strides = array<i32>} : memref<128x128xf32, #tpu.memory_space<vmem>>, vector<16xf32>,
          %mul3A_500 = arith.mulf %get3A_499, %gather3A_472 : vector<16xf32>
          %add3A_501 = arith.constant 1 : i32
          %add3A_502 = arith.addi %mul3A_369, %add3A_501 : i32
          %swap3A_503 = arith.index_cast %add3A_502 : i32 to index
          %swap3A_504 = arith.constant 32 : index
          %swap3A_505 = tpu.vector_load %arg11[%swap3A_503, %swap3A_504] {strides = array<i32>} : memref<128x128xf32, #tpu.memory_space<vmem>>, vector<16xf32>,
          tpu.vector_store %arg11[%swap3A_503, %swap3A_504], %mul3A_500 {strides = array<i32>} : memref<128x128xf32, #tpu.memory_space<vmem>>, vector<16xf32>,
          %add3A_506 = arith.constant 1 : i32
          %add3A_507 = arith.addi %mul3A_369, %add3A_506 : i32
          %get3A_508 = arith.index_cast %add3A_507 : i32 to index
          %get3A_509 = arith.constant 48 : index
          %get3A_510 = tpu.vector_load %arg11[%get3A_508, %get3A_509] {strides = array<i32>} : memref<128x128xf32, #tpu.memory_space<vmem>>, vector<16xf32>,
          %mul3A_511 = arith.mulf %get3A_510, %gather3A_472 : vector<16xf32>
          %add3A_512 = arith.constant 1 : i32
          %add3A_513 = arith.addi %mul3A_369, %add3A_512 : i32
          %swap3A_514 = arith.index_cast %add3A_513 : i32 to index
          %swap3A_515 = arith.constant 48 : index
          %swap3A_516 = tpu.vector_load %arg11[%swap3A_514, %swap3A_515] {strides = array<i32>} : memref<128x128xf32, #tpu.memory_space<vmem>>, vector<16xf32>,
          tpu.vector_store %arg11[%swap3A_514, %swap3A_515], %mul3A_511 {strides = array<i32>} : memref<128x128xf32, #tpu.memory_space<vmem>>, vector<16xf32>,
          %add3A_517 = arith.constant 1 : i32
          %add3A_518 = arith.addi %mul3A_369, %add3A_517 : i32
          %get3A_519 = arith.index_cast %add3A_518 : i32 to index
          %get3A_520 = arith.constant 64 : index
          %get3A_521 = tpu.vector_load %arg11[%get3A_519, %get3A_520] {strides = array<i32>} : memref<128x128xf32, #tpu.memory_space<vmem>>, vector<16xf32>,
          %mul3A_522 = arith.mulf %get3A_521, %gather3A_472 : vector<16xf32>
          %add3A_523 = arith.constant 1 : i32
          %add3A_524 = arith.addi %mul3A_369, %add3A_523 : i32
          %swap3A_525 = arith.index_cast %add3A_524 : i32 to index
          %swap3A_526 = arith.constant 64 : index
          %swap3A_527 = tpu.vector_load %arg11[%swap3A_525, %swap3A_526] {strides = array<i32>} : memref<128x128xf32, #tpu.memory_space<vmem>>, vector<16xf32>,
          tpu.vector_store %arg11[%swap3A_525, %swap3A_526], %mul3A_522 {strides = array<i32>} : memref<128x128xf32, #tpu.memory_space<vmem>>, vector<16xf32>,
          %add3A_528 = arith.constant 1 : i32
          %add3A_529 = arith.addi %mul3A_369, %add3A_528 : i32
          %get3A_530 = arith.index_cast %add3A_529 : i32 to index
          %get3A_531 = arith.constant 80 : index
          %get3A_532 = tpu.vector_load %arg11[%get3A_530, %get3A_531] {strides = array<i32>} : memref<128x128xf32, #tpu.memory_space<vmem>>, vector<16xf32>,
          %mul3A_533 = arith.mulf %get3A_532, %gather3A_472 : vector<16xf32>
          %add3A_534 = arith.constant 1 : i32
          %add3A_535 = arith.addi %mul3A_369, %add3A_534 : i32
          %swap3A_536 = arith.index_cast %add3A_535 : i32 to index
          %swap3A_537 = arith.constant 80 : index
          %swap3A_538 = tpu.vector_load %arg11[%swap3A_536, %swap3A_537] {strides = array<i32>} : memref<128x128xf32, #tpu.memory_space<vmem>>, vector<16xf32>,
          tpu.vector_store %arg11[%swap3A_536, %swap3A_537], %mul3A_533 {strides = array<i32>} : memref<128x128xf32, #tpu.memory_space<vmem>>, vector<16xf32>,
          %add3A_539 = arith.constant 1 : i32
          %add3A_540 = arith.addi %mul3A_369, %add3A_539 : i32
          %get3A_541 = arith.index_cast %add3A_540 : i32 to index
          %get3A_542 = arith.constant 96 : index
          %get3A_543 = tpu.vector_load %arg11[%get3A_541, %get3A_542] {strides = array<i32>} : memref<128x128xf32, #tpu.memory_space<vmem>>, vector<16xf32>,
          %mul3A_544 = arith.mulf %get3A_543, %gather3A_472 : vector<16xf32>
          %add3A_545 = arith.constant 1 : i32
          %add3A_546 = arith.addi %mul3A_369, %add3A_545 : i32
          %swap3A_547 = arith.index_cast %add3A_546 : i32 to index
          %swap3A_548 = arith.constant 96 : index
          %swap3A_549 = tpu.vector_load %arg11[%swap3A_547, %swap3A_548] {strides = array<i32>} : memref<128x128xf32, #tpu.memory_space<vmem>>, vector<16xf32>,
          tpu.vector_store %arg11[%swap3A_547, %swap3A_548], %mul3A_544 {strides = array<i32>} : memref<128x128xf32, #tpu.memory_space<vmem>>, vector<16xf32>,
          %add3A_550 = arith.constant 1 : i32
          %add3A_551 = arith.addi %mul3A_369, %add3A_550 : i32
          %get3A_552 = arith.index_cast %add3A_551 : i32 to index
          %get3A_553 = arith.constant 112 : index
          %get3A_554 = tpu.vector_load %arg11[%get3A_552, %get3A_553] {strides = array<i32>} : memref<128x128xf32, #tpu.memory_space<vmem>>, vector<16xf32>,
          %mul3A_555 = arith.mulf %get3A_554, %gather3A_472 : vector<16xf32>
          %add3A_556 = arith.constant 1 : i32
          %add3A_557 = arith.addi %mul3A_369, %add3A_556 : i32
          %swap3A_558 = arith.index_cast %add3A_557 : i32 to index
          %swap3A_559 = arith.constant 112 : index
          %swap3A_560 = tpu.vector_load %arg11[%swap3A_558, %swap3A_559] {strides = array<i32>} : memref<128x128xf32, #tpu.memory_space<vmem>>, vector<16xf32>,
          tpu.vector_store %arg11[%swap3A_558, %swap3A_559], %mul3A_555 {strides = array<i32>} : memref<128x128xf32, #tpu.memory_space<vmem>>, vector<16xf32>,
          %scan3A_561 = arith.constant 0 : i32
          scf.yield %scan3A_561 : i32
        }
        %scan3A_348 = arith.constant 64 : i32
        %add3A_349 = arith.constant 1 : i32
        %add3A_350 = arith.addi %mul3A_302, %add3A_349 : i32
        %mul3A_351 = arith.constant 128 : i32
        %mul3A_352 = arith.muli %add3A_350, %mul3A_351 : i32
        %dma_start3A_353 = tpu.memref_slice %arg8[%mul3A_352] : memref<3840xi32, #tpu.memory_space<vmem>> -> memref<128xi32, #tpu.memory_space<vmem>>
        %dma_start3A_354 = arith.constant 0 : i32
        %dma_start3A_355 = arith.constant 0 : i32
        %dma_start3A_356 = tpu.memref_slice %arg23[%dma_start3A_354, %dma_start3A_355] : memref<10112x128xf32, #tpu.memory_space<vmem_shared>> -> memref<10112x128xf32, #tpu.memory_space<vmem_shared>>
        tpu.enqueue_indirect_dma source(%arg11 : memref<128x128xf32, #tpu.memory_space<vmem>>) target(%dma_start3A_356 : memref<10112x128xf32, #tpu.memory_space<vmem_shared>>) offsets(%dma_start3A_353 : memref<128xi32, #tpu.memory_space<vmem>>) semaphore(%arg15 : memref<!tpu.dma_semaphore, #tpu.memory_space<semaphore_mem>>) {add = true}
        %dma_wait3A_357 = tpu.memref_slice %arg8[%mul3A_333] : memref<3840xi32, #tpu.memory_space<vmem>> -> memref<128xi32, #tpu.memory_space<vmem>>
        %dma_wait3A_358 = arith.constant 0 : i32
        %dma_wait3A_359 = arith.constant 0 : i32
        %dma_wait3A_360 = tpu.memref_slice %arg23[%dma_wait3A_358, %dma_wait3A_359] : memref<10112x128xf32, #tpu.memory_space<vmem_shared>> -> memref<10112x128xf32, #tpu.memory_space<vmem_shared>>
        tpu.wait_indirect_dma semaphore(%arg14 : memref<!tpu.dma_semaphore, #tpu.memory_space<semaphore_mem>>) src(%arg10 : memref<128x128xf32, #tpu.memory_space<vmem>>) dst(%dma_wait3A_360 : memref<10112x128xf32, #tpu.memory_space<vmem_shared>>)
        %dma_wait3A_361 = tpu.memref_slice %arg8[%mul3A_352] : memref<3840xi32, #tpu.memory_space<vmem>> -> memref<128xi32, #tpu.memory_space<vmem>>
        %dma_wait3A_362 = arith.constant 0 : i32
        %dma_wait3A_363 = arith.constant 0 : i32
        %dma_wait3A_364 = tpu.memref_slice %arg23[%dma_wait3A_362, %dma_wait3A_363] : memref<10112x128xf32, #tpu.memory_space<vmem_shared>> -> memref<10112x128xf32, #tpu.memory_space<vmem_shared>>
        tpu.wait_indirect_dma semaphore(%arg15 : memref<!tpu.dma_semaphore, #tpu.memory_space<semaphore_mem>>) src(%arg11 : memref<128x128xf32, #tpu.memory_space<vmem>>) dst(%dma_wait3A_364 : memref<10112x128xf32, #tpu.memory_space<vmem_shared>>)
        %scan3A_365 = arith.constant 0 : i32
        scf.yield %scan3A_365 : i32
      }
      %scan3A_245 = arith.constant 14 : i32
      %mul3A_246 = arith.constant 58 : i32
      %mul3A_247 = arith.muli %arg1, %mul3A_246 : i32
      %add3A_248 = arith.constant 28 : i32
      %add3A_249 = arith.addi %mul3A_247, %add3A_248 : i32
      %mul3A_250 = arith.constant 128 : i32
      %mul3A_251 = arith.muli %add3A_249, %mul3A_250 : i32
      %dma_start3A_252 = arith.constant 0 : i32
      %dma_start3A_253 = tpu.memref_slice %arg7[%dma_start3A_252] : memref<3840xi32, #tpu.memory_space<vmem>> -> memref<3840xi32, #tpu.memory_space<vmem>>
      %dma_start3A_254 = tpu.memref_slice %arg3[%mul3A_251] : memref<172032xi32, #tpu.memory_space<hbm>> -> memref<3840xi32, #tpu.memory_space<hbm>>
      %dma_start3A_255 = arith.constant 0 : i32
      %dma_start3A_256 = tpu.memref_slice %arg7[%dma_start3A_255] : memref<3840xi32, #tpu.memory_space<vmem>> -> memref<3840xi32, #tpu.memory_space<vmem>>
      %dma_start3A_257 = tpu.memref_slice %arg3[%mul3A_251] : memref<172032xi32, #tpu.memory_space<hbm>> -> memref<3840xi32, #tpu.memory_space<hbm>>
      tpu.enqueue_dma source(%dma_start3A_257 : memref<3840xi32, #tpu.memory_space<hbm>>) target(%dma_start3A_256 : memref<3840xi32, #tpu.memory_space<vmem>>) target_semaphore(%arg16 : memref<!tpu.dma_semaphore, #tpu.memory_space<semaphore_mem>>)
      %mul3A_258 = arith.constant 128 : i32
      %mul3A_259 = arith.muli %add3A_249, %mul3A_258 : i32
      %dma_start3A_260 = arith.constant 0 : i32
      %dma_start3A_261 = tpu.memref_slice %arg8[%dma_start3A_260] : memref<3840xi32, #tpu.memory_space<vmem>> -> memref<3840xi32, #tpu.memory_space<vmem>>
      %dma_start3A_262 = tpu.memref_slice %arg4[%mul3A_259] : memref<172032xi32, #tpu.memory_space<hbm>> -> memref<3840xi32, #tpu.memory_space<hbm>>
      %dma_start3A_263 = arith.constant 0 : i32
      %dma_start3A_264 = tpu.memref_slice %arg8[%dma_start3A_263] : memref<3840xi32, #tpu.memory_space<vmem>> -> memref<3840xi32, #tpu.memory_space<vmem>>
      %dma_start3A_265 = tpu.memref_slice %arg4[%mul3A_259] : memref<172032xi32, #tpu.memory_space<hbm>> -> memref<3840xi32, #tpu.memory_space<hbm>>
      tpu.enqueue_dma source(%dma_start3A_265 : memref<3840xi32, #tpu.memory_space<hbm>>) target(%dma_start3A_264 : memref<3840xi32, #tpu.memory_space<vmem>>) target_semaphore(%arg17 : memref<!tpu.dma_semaphore, #tpu.memory_space<semaphore_mem>>)
      %mul3A_266 = arith.constant 128 : i32
      %mul3A_267 = arith.muli %add3A_249, %mul3A_266 : i32
      %dma_start3A_268 = arith.constant 0 : i32
      %dma_start3A_269 = tpu.memref_slice %arg9[%dma_start3A_268] : memref<3840xf32, #tpu.memory_space<vmem>> -> memref<3840xf32, #tpu.memory_space<vmem>>
      %dma_start3A_270 = tpu.memref_slice %arg5[%mul3A_267] : memref<172032xf32, #tpu.memory_space<hbm>> -> memref<3840xf32, #tpu.memory_space<hbm>>
      %dma_start3A_271 = arith.constant 0 : i32
      %dma_start3A_272 = tpu.memref_slice %arg9[%dma_start3A_271] : memref<3840xf32, #tpu.memory_space<vmem>> -> memref<3840xf32, #tpu.memory_space<vmem>>
      %dma_start3A_273 = tpu.memref_slice %arg5[%mul3A_267] : memref<172032xf32, #tpu.memory_space<hbm>> -> memref<3840xf32, #tpu.memory_space<hbm>>
      tpu.enqueue_dma source(%dma_start3A_273 : memref<3840xf32, #tpu.memory_space<hbm>>) target(%dma_start3A_272 : memref<3840xf32, #tpu.memory_space<vmem>>) target_semaphore(%arg18 : memref<!tpu.dma_semaphore, #tpu.memory_space<semaphore_mem>>)
      %dma_wait3A_274 = arith.constant 0 : i32
      %dma_wait3A_275 = tpu.memref_slice %arg7[%dma_wait3A_274] : memref<3840xi32, #tpu.memory_space<vmem>> -> memref<3840xi32, #tpu.memory_space<vmem>>
      %dma_wait3A_276 = tpu.memref_slice %arg3[%mul3A_251] : memref<172032xi32, #tpu.memory_space<hbm>> -> memref<3840xi32, #tpu.memory_space<hbm>>
      %dma_wait3A_277 = arith.constant 0 : i32
      %dma_wait3A_278 = tpu.memref_slice %arg7[%dma_wait3A_277] : memref<3840xi32, #tpu.memory_space<vmem>> -> memref<3840xi32, #tpu.memory_space<vmem>>
      %dma_wait3A_279 = tpu.memref_slice %arg3[%mul3A_251] : memref<172032xi32, #tpu.memory_space<hbm>> -> memref<3840xi32, #tpu.memory_space<hbm>>
      tpu.wait_dma2 semaphore(%arg16 : memref<!tpu.dma_semaphore, #tpu.memory_space<semaphore_mem>>) src(%dma_wait3A_279 : memref<3840xi32, #tpu.memory_space<hbm>>) dst(%dma_wait3A_278 : memref<3840xi32, #tpu.memory_space<vmem>>)
      %dma_wait3A_280 = arith.constant 0 : i32
      %dma_wait3A_281 = tpu.memref_slice %arg8[%dma_wait3A_280] : memref<3840xi32, #tpu.memory_space<vmem>> -> memref<3840xi32, #tpu.memory_space<vmem>>
      %dma_wait3A_282 = tpu.memref_slice %arg4[%mul3A_259] : memref<172032xi32, #tpu.memory_space<hbm>> -> memref<3840xi32, #tpu.memory_space<hbm>>
      %dma_wait3A_283 = arith.constant 0 : i32
      %dma_wait3A_284 = tpu.memref_slice %arg8[%dma_wait3A_283] : memref<3840xi32, #tpu.memory_space<vmem>> -> memref<3840xi32, #tpu.memory_space<vmem>>
      %dma_wait3A_285 = tpu.memref_slice %arg4[%mul3A_259] : memref<172032xi32, #tpu.memory_space<hbm>> -> memref<3840xi32, #tpu.memory_space<hbm>>
      tpu.wait_dma2 semaphore(%arg17 : memref<!tpu.dma_semaphore, #tpu.memory_space<semaphore_mem>>) src(%dma_wait3A_285 : memref<3840xi32, #tpu.memory_space<hbm>>) dst(%dma_wait3A_284 : memref<3840xi32, #tpu.memory_space<vmem>>)
      %dma_wait3A_286 = arith.constant 0 : i32
      %dma_wait3A_287 = tpu.memref_slice %arg9[%dma_wait3A_286] : memref<3840xf32, #tpu.memory_space<vmem>> -> memref<3840xf32, #tpu.memory_space<vmem>>
      %dma_wait3A_288 = tpu.memref_slice %arg5[%mul3A_267] : memref<172032xf32, #tpu.memory_space<hbm>> -> memref<3840xf32, #tpu.memory_space<hbm>>
      %dma_wait3A_289 = arith.constant 0 : i32
      %dma_wait3A_290 = tpu.memref_slice %arg9[%dma_wait3A_289] : memref<3840xf32, #tpu.memory_space<vmem>> -> memref<3840xf32, #tpu.memory_space<vmem>>
      %dma_wait3A_291 = tpu.memref_slice %arg5[%mul3A_267] : memref<172032xf32, #tpu.memory_space<hbm>> -> memref<3840xf32, #tpu.memory_space<hbm>>
      tpu.wait_dma2 semaphore(%arg18 : memref<!tpu.dma_semaphore, #tpu.memory_space<semaphore_mem>>) src(%dma_wait3A_291 : memref<3840xf32, #tpu.memory_space<hbm>>) dst(%dma_wait3A_290 : memref<3840xf32, #tpu.memory_space<vmem>>)
      %scan3A_292 = arith.constant 0 : i32
      %scan3A_293 = arith.constant 0 : i32
      %scan3A_294 = arith.constant 15 : i32
      %scan3A_295 = arith.addi %scan3A_293, %scan3A_294 : i32
      %scan3A_296 = arith.constant 1 : i32
      %scan3A_297 = scf.for %scan3A_299 = %scan3A_293 to %scan3A_295 step %scan3A_296 iter_args(%scan3A_300 = %scan3A_292) -> (i32)  : i32 {
        %mul3A_301 = arith.constant 2 : i32
        %mul3A_302 = arith.muli %scan3A_299, %mul3A_301 : i32
        %add3A_303 = arith.constant 0 : i32
        %add3A_304 = arith.addi %mul3A_302, %add3A_303 : i32
        %mul3A_305 = arith.constant 128 : i32
        %mul3A_306 = arith.muli %add3A_304, %mul3A_305 : i32
        %dma_start3A_307 = tpu.memref_slice %arg7[%mul3A_306] : memref<3840xi32, #tpu.memory_space<vmem>> -> memref<128xi32, #tpu.memory_space<vmem>>
        %dma_start3A_308 = arith.constant 0 : i32
        %dma_start3A_309 = arith.constant 0 : i32
        %dma_start3A_310 = tpu.memref_slice %arg2[%dma_start3A_308, %dma_start3A_309] : memref<10000x128xf32, #tpu.memory_space<hbm>> -> memref<10000x128xf32, #tpu.memory_space<hbm>>
        tpu.enqueue_indirect_dma source(%dma_start3A_310 : memref<10000x128xf32, #tpu.memory_space<hbm>>) target(%arg10 : memref<128x128xf32, #tpu.memory_space<vmem>>) offsets(%dma_start3A_307 : memref<128xi32, #tpu.memory_space<vmem>>) semaphore(%arg12 : memref<!tpu.dma_semaphore, #tpu.memory_space<semaphore_mem>>)
        %add3A_311 = arith.constant 1 : i32
        %add3A_312 = arith.addi %mul3A_302, %add3A_311 : i32
        %mul3A_313 = arith.constant 128 : i32
        %mul3A_314 = arith.muli %add3A_312, %mul3A_313 : i32
        %dma_start3A_315 = tpu.memref_slice %arg7[%mul3A_314] : memref<3840xi32, #tpu.memory_space<vmem>> -> memref<128xi32, #tpu.memory_space<vmem>>
        %dma_start3A_316 = arith.constant 0 : i32
        %dma_start3A_317 = arith.constant 0 : i32
        %dma_start3A_318 = tpu.memref_slice %arg2[%dma_start3A_316, %dma_start3A_317] : memref<10000x128xf32, #tpu.memory_space<hbm>> -> memref<10000x128xf32, #tpu.memory_space<hbm>>
        tpu.enqueue_indirect_dma source(%dma_start3A_318 : memref<10000x128xf32, #tpu.memory_space<hbm>>) target(%arg11 : memref<128x128xf32, #tpu.memory_space<vmem>>) offsets(%dma_start3A_315 : memref<128xi32, #tpu.memory_space<vmem>>) semaphore(%arg13 : memref<!tpu.dma_semaphore, #tpu.memory_space<semaphore_mem>>)
        %dma_wait3A_319 = tpu.memref_slice %arg7[%mul3A_306] : memref<3840xi32, #tpu.memory_space<vmem>> -> memref<128xi32, #tpu.memory_space<vmem>>
        %dma_wait3A_320 = arith.constant 0 : i32
        %dma_wait3A_321 = arith.constant 0 : i32
        %dma_wait3A_322 = tpu.memref_slice %arg2[%dma_wait3A_320, %dma_wait3A_321] : memref<10000x128xf32, #tpu.memory_space<hbm>> -> memref<10000x128xf32, #tpu.memory_space<hbm>>
        tpu.wait_indirect_dma semaphore(%arg12 : memref<!tpu.dma_semaphore, #tpu.memory_space<semaphore_mem>>) src(%dma_wait3A_322 : memref<10000x128xf32, #tpu.memory_space<hbm>>) dst(%arg10 : memref<128x128xf32, #tpu.memory_space<vmem>>)
        %scan3A_323 = arith.constant 0 : i32
        %scan3A_324 = arith.constant 0 : i32
        %scan3A_325 = arith.constant 64 : i32
        %scan3A_326 = arith.addi %scan3A_324, %scan3A_325 : i32
        %scan3A_327 = arith.constant 1 : i32
        %scan3A_328 = scf.for %scan3A_366 = %scan3A_324 to %scan3A_326 step %scan3A_327 iter_args(%scan3A_367 = %scan3A_323) -> (i32)  : i32 {
          %mul3A_368 = arith.constant 2 : i32
          %mul3A_369 = arith.muli %scan3A_366, %mul3A_368 : i32
          %add3A_370 = arith.constant 0 : i32
          %add3A_371 = arith.addi %mul3A_302, %add3A_370 : i32
          %mul3A_372 = arith.constant 128 : i32
          %mul3A_373 = arith.muli %add3A_371, %mul3A_372 : i32
          %add3A_374 = arith.addi %mul3A_373, %mul3A_369 : i32
          %add3A_375 = arith.constant 0 : i32
          %add3A_376 = arith.addi %add3A_374, %add3A_375 : i32
          %broadcast_in_dim3A_377 = vector.broadcast %add3A_376 : i32 to vector<16xi32>
          %gather3A = tpu.vector_load_idx %arg9[%broadcast_in_dim3A_377] : memref<3840xf32, #tpu.memory_space<vmem>>[vector<16xi32>], vector<16xf32>,
          %add3A_378 = arith.constant 0 : i32
          %add3A_379 = arith.addi %mul3A_369, %add3A_378 : i32
          %get3A = arith.index_cast %add3A_379 : i32 to index
          %get3A_380 = arith.constant 0 : index
          %get3A_381 = tpu.vector_load %arg10[%get3A, %get3A_380] {strides = array<i32>} : memref<128x128xf32, #tpu.memory_space<vmem>>, vector<16xf32>,
          %mul3A_382 = arith.mulf %get3A_381, %gather3A : vector<16xf32>
          %add3A_383 = arith.constant 0 : i32
          %add3A_384 = arith.addi %mul3A_369, %add3A_383 : i32
          %swap3A = arith.index_cast %add3A_384 : i32 to index
          %swap3A_385 = arith.constant 0 : index
          %swap3A_386 = tpu.vector_load %arg10[%swap3A, %swap3A_385] {strides = array<i32>} : memref<128x128xf32, #tpu.memory_space<vmem>>, vector<16xf32>,
          tpu.vector_store %arg10[%swap3A, %swap3A_385], %mul3A_382 {strides = array<i32>} : memref<128x128xf32, #tpu.memory_space<vmem>>, vector<16xf32>,
          %add3A_387 = arith.constant 0 : i32
          %add3A_388 = arith.addi %mul3A_369, %add3A_387 : i32
          %get3A_389 = arith.index_cast %add3A_388 : i32 to index
          %get3A_390 = arith.constant 16 : index
          %get3A_391 = tpu.vector_load %arg10[%get3A_389, %get3A_390] {strides = array<i32>} : memref<128x128xf32, #tpu.memory_space<vmem>>, vector<16xf32>,
          %mul3A_392 = arith.mulf %get3A_391, %gather3A : vector<16xf32>
          %add3A_393 = arith.constant 0 : i32
          %add3A_394 = arith.addi %mul3A_369, %add3A_393 : i32
          %swap3A_395 = arith.index_cast %add3A_394 : i32 to index
          %swap3A_396 = arith.constant 16 : index
          %swap3A_397 = tpu.vector_load %arg10[%swap3A_395, %swap3A_396] {strides = array<i32>} : memref<128x128xf32, #tpu.memory_space<vmem>>, vector<16xf32>,
          tpu.vector_store %arg10[%swap3A_395, %swap3A_396], %mul3A_392 {strides = array<i32>} : memref<128x128xf32, #tpu.memory_space<vmem>>, vector<16xf32>,
          %add3A_398 = arith.constant 0 : i32
          %add3A_399 = arith.addi %mul3A_369, %add3A_398 : i32
          %get3A_400 = arith.index_cast %add3A_399 : i32 to index
          %get3A_401 = arith.constant 32 : index
          %get3A_402 = tpu.vector_load %arg10[%get3A_400, %get3A_401] {strides = array<i32>} : memref<128x128xf32, #tpu.memory_space<vmem>>, vector<16xf32>,
          %mul3A_403 = arith.mulf %get3A_402, %gather3A : vector<16xf32>
          %add3A_404 = arith.constant 0 : i32
          %add3A_405 = arith.addi %mul3A_369, %add3A_404 : i32
          %swap3A_406 = arith.index_cast %add3A_405 : i32 to index
          %swap3A_407 = arith.constant 32 : index
          %swap3A_408 = tpu.vector_load %arg10[%swap3A_406, %swap3A_407] {strides = array<i32>} : memref<128x128xf32, #tpu.memory_space<vmem>>, vector<16xf32>,
          tpu.vector_store %arg10[%swap3A_406, %swap3A_407], %mul3A_403 {strides = array<i32>} : memref<128x128xf32, #tpu.memory_space<vmem>>, vector<16xf32>,
          %add3A_409 = arith.constant 0 : i32
          %add3A_410 = arith.addi %mul3A_369, %add3A_409 : i32
          %get3A_411 = arith.index_cast %add3A_410 : i32 to index
          %get3A_412 = arith.constant 48 : index
          %get3A_413 = tpu.vector_load %arg10[%get3A_411, %get3A_412] {strides = array<i32>} : memref<128x128xf32, #tpu.memory_space<vmem>>, vector<16xf32>,
          %mul3A_414 = arith.mulf %get3A_413, %gather3A : vector<16xf32>
          %add3A_415 = arith.constant 0 : i32
          %add3A_416 = arith.addi %mul3A_369, %add3A_415 : i32
          %swap3A_417 = arith.index_cast %add3A_416 : i32 to index
          %swap3A_418 = arith.constant 48 : index
          %swap3A_419 = tpu.vector_load %arg10[%swap3A_417, %swap3A_418] {strides = array<i32>} : memref<128x128xf32, #tpu.memory_space<vmem>>, vector<16xf32>,
          tpu.vector_store %arg10[%swap3A_417, %swap3A_418], %mul3A_414 {strides = array<i32>} : memref<128x128xf32, #tpu.memory_space<vmem>>, vector<16xf32>,
          %add3A_420 = arith.constant 0 : i32
          %add3A_421 = arith.addi %mul3A_369, %add3A_420 : i32
          %get3A_422 = arith.index_cast %add3A_421 : i32 to index
          %get3A_423 = arith.constant 64 : index
          %get3A_424 = tpu.vector_load %arg10[%get3A_422, %get3A_423] {strides = array<i32>} : memref<128x128xf32, #tpu.memory_space<vmem>>, vector<16xf32>,
          %mul3A_425 = arith.mulf %get3A_424, %gather3A : vector<16xf32>
          %add3A_426 = arith.constant 0 : i32
          %add3A_427 = arith.addi %mul3A_369, %add3A_426 : i32
          %swap3A_428 = arith.index_cast %add3A_427 : i32 to index
          %swap3A_429 = arith.constant 64 : index
          %swap3A_430 = tpu.vector_load %arg10[%swap3A_428, %swap3A_429] {strides = array<i32>} : memref<128x128xf32, #tpu.memory_space<vmem>>, vector<16xf32>,
          tpu.vector_store %arg10[%swap3A_428, %swap3A_429], %mul3A_425 {strides = array<i32>} : memref<128x128xf32, #tpu.memory_space<vmem>>, vector<16xf32>,
          %add3A_431 = arith.constant 0 : i32
          %add3A_432 = arith.addi %mul3A_369, %add3A_431 : i32
          %get3A_433 = arith.index_cast %add3A_432 : i32 to index
          %get3A_434 = arith.constant 80 : index
          %get3A_435 = tpu.vector_load %arg10[%get3A_433, %get3A_434] {strides = array<i32>} : memref<128x128xf32, #tpu.memory_space<vmem>>, vector<16xf32>,
          %mul3A_436 = arith.mulf %get3A_435, %gather3A : vector<16xf32>
          %add3A_437 = arith.constant 0 : i32
          %add3A_438 = arith.addi %mul3A_369, %add3A_437 : i32
          %swap3A_439 = arith.index_cast %add3A_438 : i32 to index
          %swap3A_440 = arith.constant 80 : index
          %swap3A_441 = tpu.vector_load %arg10[%swap3A_439, %swap3A_440] {strides = array<i32>} : memref<128x128xf32, #tpu.memory_space<vmem>>, vector<16xf32>,
          tpu.vector_store %arg10[%swap3A_439, %swap3A_440], %mul3A_436 {strides = array<i32>} : memref<128x128xf32, #tpu.memory_space<vmem>>, vector<16xf32>,
          %add3A_442 = arith.constant 0 : i32
          %add3A_443 = arith.addi %mul3A_369, %add3A_442 : i32
          %get3A_444 = arith.index_cast %add3A_443 : i32 to index
          %get3A_445 = arith.constant 96 : index
          %get3A_446 = tpu.vector_load %arg10[%get3A_444, %get3A_445] {strides = array<i32>} : memref<128x128xf32, #tpu.memory_space<vmem>>, vector<16xf32>,
          %mul3A_447 = arith.mulf %get3A_446, %gather3A : vector<16xf32>
          %add3A_448 = arith.constant 0 : i32
          %add3A_449 = arith.addi %mul3A_369, %add3A_448 : i32
          %swap3A_450 = arith.index_cast %add3A_449 : i32 to index
          %swap3A_451 = arith.constant 96 : index
          %swap3A_452 = tpu.vector_load %arg10[%swap3A_450, %swap3A_451] {strides = array<i32>} : memref<128x128xf32, #tpu.memory_space<vmem>>, vector<16xf32>,
          tpu.vector_store %arg10[%swap3A_450, %swap3A_451], %mul3A_447 {strides = array<i32>} : memref<128x128xf32, #tpu.memory_space<vmem>>, vector<16xf32>,
          %add3A_453 = arith.constant 0 : i32
          %add3A_454 = arith.addi %mul3A_369, %add3A_453 : i32
          %get3A_455 = arith.index_cast %add3A_454 : i32 to index
          %get3A_456 = arith.constant 112 : index
          %get3A_457 = tpu.vector_load %arg10[%get3A_455, %get3A_456] {strides = array<i32>} : memref<128x128xf32, #tpu.memory_space<vmem>>, vector<16xf32>,
          %mul3A_458 = arith.mulf %get3A_457, %gather3A : vector<16xf32>
          %add3A_459 = arith.constant 0 : i32
          %add3A_460 = arith.addi %mul3A_369, %add3A_459 : i32
          %swap3A_461 = arith.index_cast %add3A_460 : i32 to index
          %swap3A_462 = arith.constant 112 : index
          %swap3A_463 = tpu.vector_load %arg10[%swap3A_461, %swap3A_462] {strides = array<i32>} : memref<128x128xf32, #tpu.memory_space<vmem>>, vector<16xf32>,
          tpu.vector_store %arg10[%swap3A_461, %swap3A_462], %mul3A_458 {strides = array<i32>} : memref<128x128xf32, #tpu.memory_space<vmem>>, vector<16xf32>,
          %add3A_464 = arith.constant 0 : i32
          %add3A_465 = arith.addi %mul3A_302, %add3A_464 : i32
          %mul3A_466 = arith.constant 128 : i32
          %mul3A_467 = arith.muli %add3A_465, %mul3A_466 : i32
          %add3A_468 = arith.addi %mul3A_467, %mul3A_369 : i32
          %add3A_469 = arith.constant 1 : i32
          %add3A_470 = arith.addi %add3A_468, %add3A_469 : i32
          %broadcast_in_dim3A_471 = vector.broadcast %add3A_470 : i32 to vector<16xi32>
          %gather3A_472 = tpu.vector_load_idx %arg9[%broadcast_in_dim3A_471] : memref<3840xf32, #tpu.memory_space<vmem>>[vector<16xi32>], vector<16xf32>,
          %add3A_473 = arith.constant 1 : i32
          %add3A_474 = arith.addi %mul3A_369, %add3A_473 : i32
          %get3A_475 = arith.index_cast %add3A_474 : i32 to index
          %get3A_476 = arith.constant 0 : index
          %get3A_477 = tpu.vector_load %arg10[%get3A_475, %get3A_476] {strides = array<i32>} : memref<128x128xf32, #tpu.memory_space<vmem>>, vector<16xf32>,
          %mul3A_478 = arith.mulf %get3A_477, %gather3A_472 : vector<16xf32>
          %add3A_479 = arith.constant 1 : i32
          %add3A_480 = arith.addi %mul3A_369, %add3A_479 : i32
          %swap3A_481 = arith.index_cast %add3A_480 : i32 to index
          %swap3A_482 = arith.constant 0 : index
          %swap3A_483 = tpu.vector_load %arg10[%swap3A_481, %swap3A_482] {strides = array<i32>} : memref<128x128xf32, #tpu.memory_space<vmem>>, vector<16xf32>,
          tpu.vector_store %arg10[%swap3A_481, %swap3A_482], %mul3A_478 {strides = array<i32>} : memref<128x128xf32, #tpu.memory_space<vmem>>, vector<16xf32>,
          %add3A_484 = arith.constant 1 : i32
          %add3A_485 = arith.addi %mul3A_369, %add3A_484 : i32
          %get3A_486 = arith.index_cast %add3A_485 : i32 to index
          %get3A_487 = arith.constant 16 : index
          %get3A_488 = tpu.vector_load %arg10[%get3A_486, %get3A_487] {strides = array<i32>} : memref<128x128xf32, #tpu.memory_space<vmem>>, vector<16xf32>,
          %mul3A_489 = arith.mulf %get3A_488, %gather3A_472 : vector<16xf32>
          %add3A_490 = arith.constant 1 : i32
          %add3A_491 = arith.addi %mul3A_369, %add3A_490 : i32
          %swap3A_492 = arith.index_cast %add3A_491 : i32 to index
          %swap3A_493 = arith.constant 16 : index
          %swap3A_494 = tpu.vector_load %arg10[%swap3A_492, %swap3A_493] {strides = array<i32>} : memref<128x128xf32, #tpu.memory_space<vmem>>, vector<16xf32>,
          tpu.vector_store %arg10[%swap3A_492, %swap3A_493], %mul3A_489 {strides = array<i32>} : memref<128x128xf32, #tpu.memory_space<vmem>>, vector<16xf32>,
          %add3A_495 = arith.constant 1 : i32
          %add3A_496 = arith.addi %mul3A_369, %add3A_495 : i32
          %get3A_497 = arith.index_cast %add3A_496 : i32 to index
          %get3A_498 = arith.constant 32 : index
          %get3A_499 = tpu.vector_load %arg10[%get3A_497, %get3A_498] {strides = array<i32>} : memref<128x128xf32, #tpu.memory_space<vmem>>, vector<16xf32>,
          %mul3A_500 = arith.mulf %get3A_499, %gather3A_472 : vector<16xf32>
          %add3A_501 = arith.constant 1 : i32
          %add3A_502 = arith.addi %mul3A_369, %add3A_501 : i32
          %swap3A_503 = arith.index_cast %add3A_502 : i32 to index
          %swap3A_504 = arith.constant 32 : index
          %swap3A_505 = tpu.vector_load %arg10[%swap3A_503, %swap3A_504] {strides = array<i32>} : memref<128x128xf32, #tpu.memory_space<vmem>>, vector<16xf32>,
          tpu.vector_store %arg10[%swap3A_503, %swap3A_504], %mul3A_500 {strides = array<i32>} : memref<128x128xf32, #tpu.memory_space<vmem>>, vector<16xf32>,
          %add3A_506 = arith.constant 1 : i32
          %add3A_507 = arith.addi %mul3A_369, %add3A_506 : i32
          %get3A_508 = arith.index_cast %add3A_507 : i32 to index
          %get3A_509 = arith.constant 48 : index
          %get3A_510 = tpu.vector_load %arg10[%get3A_508, %get3A_509] {strides = array<i32>} : memref<128x128xf32, #tpu.memory_space<vmem>>, vector<16xf32>,
          %mul3A_511 = arith.mulf %get3A_510, %gather3A_472 : vector<16xf32>
          %add3A_512 = arith.constant 1 : i32
          %add3A_513 = arith.addi %mul3A_369, %add3A_512 : i32
          %swap3A_514 = arith.index_cast %add3A_513 : i32 to index
          %swap3A_515 = arith.constant 48 : index
          %swap3A_516 = tpu.vector_load %arg10[%swap3A_514, %swap3A_515] {strides = array<i32>} : memref<128x128xf32, #tpu.memory_space<vmem>>, vector<16xf32>,
          tpu.vector_store %arg10[%swap3A_514, %swap3A_515], %mul3A_511 {strides = array<i32>} : memref<128x128xf32, #tpu.memory_space<vmem>>, vector<16xf32>,
          %add3A_517 = arith.constant 1 : i32
          %add3A_518 = arith.addi %mul3A_369, %add3A_517 : i32
          %get3A_519 = arith.index_cast %add3A_518 : i32 to index
          %get3A_520 = arith.constant 64 : index
          %get3A_521 = tpu.vector_load %arg10[%get3A_519, %get3A_520] {strides = array<i32>} : memref<128x128xf32, #tpu.memory_space<vmem>>, vector<16xf32>,
          %mul3A_522 = arith.mulf %get3A_521, %gather3A_472 : vector<16xf32>
          %add3A_523 = arith.constant 1 : i32
          %add3A_524 = arith.addi %mul3A_369, %add3A_523 : i32
          %swap3A_525 = arith.index_cast %add3A_524 : i32 to index
          %swap3A_526 = arith.constant 64 : index
          %swap3A_527 = tpu.vector_load %arg10[%swap3A_525, %swap3A_526] {strides = array<i32>} : memref<128x128xf32, #tpu.memory_space<vmem>>, vector<16xf32>,
          tpu.vector_store %arg10[%swap3A_525, %swap3A_526], %mul3A_522 {strides = array<i32>} : memref<128x128xf32, #tpu.memory_space<vmem>>, vector<16xf32>,
          %add3A_528 = arith.constant 1 : i32
          %add3A_529 = arith.addi %mul3A_369, %add3A_528 : i32
          %get3A_530 = arith.index_cast %add3A_529 : i32 to index
          %get3A_531 = arith.constant 80 : index
          %get3A_532 = tpu.vector_load %arg10[%get3A_530, %get3A_531] {strides = array<i32>} : memref<128x128xf32, #tpu.memory_space<vmem>>, vector<16xf32>,
          %mul3A_533 = arith.mulf %get3A_532, %gather3A_472 : vector<16xf32>
          %add3A_534 = arith.constant 1 : i32
          %add3A_535 = arith.addi %mul3A_369, %add3A_534 : i32
          %swap3A_536 = arith.index_cast %add3A_535 : i32 to index
          %swap3A_537 = arith.constant 80 : index
          %swap3A_538 = tpu.vector_load %arg10[%swap3A_536, %swap3A_537] {strides = array<i32>} : memref<128x128xf32, #tpu.memory_space<vmem>>, vector<16xf32>,
          tpu.vector_store %arg10[%swap3A_536, %swap3A_537], %mul3A_533 {strides = array<i32>} : memref<128x128xf32, #tpu.memory_space<vmem>>, vector<16xf32>,
          %add3A_539 = arith.constant 1 : i32
          %add3A_540 = arith.addi %mul3A_369, %add3A_539 : i32
          %get3A_541 = arith.index_cast %add3A_540 : i32 to index
          %get3A_542 = arith.constant 96 : index
          %get3A_543 = tpu.vector_load %arg10[%get3A_541, %get3A_542] {strides = array<i32>} : memref<128x128xf32, #tpu.memory_space<vmem>>, vector<16xf32>,
          %mul3A_544 = arith.mulf %get3A_543, %gather3A_472 : vector<16xf32>
          %add3A_545 = arith.constant 1 : i32
          %add3A_546 = arith.addi %mul3A_369, %add3A_545 : i32
          %swap3A_547 = arith.index_cast %add3A_546 : i32 to index
          %swap3A_548 = arith.constant 96 : index
          %swap3A_549 = tpu.vector_load %arg10[%swap3A_547, %swap3A_548] {strides = array<i32>} : memref<128x128xf32, #tpu.memory_space<vmem>>, vector<16xf32>,
          tpu.vector_store %arg10[%swap3A_547, %swap3A_548], %mul3A_544 {strides = array<i32>} : memref<128x128xf32, #tpu.memory_space<vmem>>, vector<16xf32>,
          %add3A_550 = arith.constant 1 : i32
          %add3A_551 = arith.addi %mul3A_369, %add3A_550 : i32
          %get3A_552 = arith.index_cast %add3A_551 : i32 to index
          %get3A_553 = arith.constant 112 : index
          %get3A_554 = tpu.vector_load %arg10[%get3A_552, %get3A_553] {strides = array<i32>} : memref<128x128xf32, #tpu.memory_space<vmem>>, vector<16xf32>,
          %mul3A_555 = arith.mulf %get3A_554, %gather3A_472 : vector<16xf32>
          %add3A_556 = arith.constant 1 : i32
          %add3A_557 = arith.addi %mul3A_369, %add3A_556 : i32
          %swap3A_558 = arith.index_cast %add3A_557 : i32 to index
          %swap3A_559 = arith.constant 112 : index
          %swap3A_560 = tpu.vector_load %arg10[%swap3A_558, %swap3A_559] {strides = array<i32>} : memref<128x128xf32, #tpu.memory_space<vmem>>, vector<16xf32>,
          tpu.vector_store %arg10[%swap3A_558, %swap3A_559], %mul3A_555 {strides = array<i32>} : memref<128x128xf32, #tpu.memory_space<vmem>>, vector<16xf32>,
          %scan3A_561 = arith.constant 0 : i32
          scf.yield %scan3A_561 : i32
        }
        %scan3A_329 = arith.constant 64 : i32
        %add3A_330 = arith.constant 0 : i32
        %add3A_331 = arith.addi %mul3A_302, %add3A_330 : i32
        %mul3A_332 = arith.constant 128 : i32
        %mul3A_333 = arith.muli %add3A_331, %mul3A_332 : i32
        %dma_start3A_334 = tpu.memref_slice %arg8[%mul3A_333] : memref<3840xi32, #tpu.memory_space<vmem>> -> memref<128xi32, #tpu.memory_space<vmem>>
        %dma_start3A_335 = arith.constant 0 : i32
        %dma_start3A_336 = arith.constant 0 : i32
        %dma_start3A_337 = tpu.memref_slice %arg23[%dma_start3A_335, %dma_start3A_336] : memref<10112x128xf32, #tpu.memory_space<vmem_shared>> -> memref<10112x128xf32, #tpu.memory_space<vmem_shared>>
        tpu.enqueue_indirect_dma source(%arg10 : memref<128x128xf32, #tpu.memory_space<vmem>>) target(%dma_start3A_337 : memref<10112x128xf32, #tpu.memory_space<vmem_shared>>) offsets(%dma_start3A_334 : memref<128xi32, #tpu.memory_space<vmem>>) semaphore(%arg14 : memref<!tpu.dma_semaphore, #tpu.memory_space<semaphore_mem>>) {add = true}
        %dma_wait3A_338 = tpu.memref_slice %arg7[%mul3A_314] : memref<3840xi32, #tpu.memory_space<vmem>> -> memref<128xi32, #tpu.memory_space<vmem>>
        %dma_wait3A_339 = arith.constant 0 : i32
        %dma_wait3A_340 = arith.constant 0 : i32
        %dma_wait3A_341 = tpu.memref_slice %arg2[%dma_wait3A_339, %dma_wait3A_340] : memref<10000x128xf32, #tpu.memory_space<hbm>> -> memref<10000x128xf32, #tpu.memory_space<hbm>>
        tpu.wait_indirect_dma semaphore(%arg13 : memref<!tpu.dma_semaphore, #tpu.memory_space<semaphore_mem>>) src(%dma_wait3A_341 : memref<10000x128xf32, #tpu.memory_space<hbm>>) dst(%arg11 : memref<128x128xf32, #tpu.memory_space<vmem>>)
        %scan3A_342 = arith.constant 0 : i32
        %scan3A_343 = arith.constant 0 : i32
        %scan3A_344 = arith.constant 64 : i32
        %scan3A_345 = arith.addi %scan3A_343, %scan3A_344 : i32
        %scan3A_346 = arith.constant 1 : i32
        %scan3A_347 = scf.for %scan3A_366 = %scan3A_343 to %scan3A_345 step %scan3A_346 iter_args(%scan3A_367 = %scan3A_342) -> (i32)  : i32 {
          %mul3A_368 = arith.constant 2 : i32
          %mul3A_369 = arith.muli %scan3A_366, %mul3A_368 : i32
          %add3A_370 = arith.constant 1 : i32
          %add3A_371 = arith.addi %mul3A_302, %add3A_370 : i32
          %mul3A_372 = arith.constant 128 : i32
          %mul3A_373 = arith.muli %add3A_371, %mul3A_372 : i32
          %add3A_374 = arith.addi %mul3A_373, %mul3A_369 : i32
          %add3A_375 = arith.constant 0 : i32
          %add3A_376 = arith.addi %add3A_374, %add3A_375 : i32
          %broadcast_in_dim3A_377 = vector.broadcast %add3A_376 : i32 to vector<16xi32>
          %gather3A = tpu.vector_load_idx %arg9[%broadcast_in_dim3A_377] : memref<3840xf32, #tpu.memory_space<vmem>>[vector<16xi32>], vector<16xf32>,
          %add3A_378 = arith.constant 0 : i32
          %add3A_379 = arith.addi %mul3A_369, %add3A_378 : i32
          %get3A = arith.index_cast %add3A_379 : i32 to index
          %get3A_380 = arith.constant 0 : index
          %get3A_381 = tpu.vector_load %arg11[%get3A, %get3A_380] {strides = array<i32>} : memref<128x128xf32, #tpu.memory_space<vmem>>, vector<16xf32>,
          %mul3A_382 = arith.mulf %get3A_381, %gather3A : vector<16xf32>
          %add3A_383 = arith.constant 0 : i32
          %add3A_384 = arith.addi %mul3A_369, %add3A_383 : i32
          %swap3A = arith.index_cast %add3A_384 : i32 to index
          %swap3A_385 = arith.constant 0 : index
          %swap3A_386 = tpu.vector_load %arg11[%swap3A, %swap3A_385] {strides = array<i32>} : memref<128x128xf32, #tpu.memory_space<vmem>>, vector<16xf32>,
          tpu.vector_store %arg11[%swap3A, %swap3A_385], %mul3A_382 {strides = array<i32>} : memref<128x128xf32, #tpu.memory_space<vmem>>, vector<16xf32>,
          %add3A_387 = arith.constant 0 : i32
          %add3A_388 = arith.addi %mul3A_369, %add3A_387 : i32
          %get3A_389 = arith.index_cast %add3A_388 : i32 to index
          %get3A_390 = arith.constant 16 : index
          %get3A_391 = tpu.vector_load %arg11[%get3A_389, %get3A_390] {strides = array<i32>} : memref<128x128xf32, #tpu.memory_space<vmem>>, vector<16xf32>,
          %mul3A_392 = arith.mulf %get3A_391, %gather3A : vector<16xf32>
          %add3A_393 = arith.constant 0 : i32
          %add3A_394 = arith.addi %mul3A_369, %add3A_393 : i32
          %swap3A_395 = arith.index_cast %add3A_394 : i32 to index
          %swap3A_396 = arith.constant 16 : index
          %swap3A_397 = tpu.vector_load %arg11[%swap3A_395, %swap3A_396] {strides = array<i32>} : memref<128x128xf32, #tpu.memory_space<vmem>>, vector<16xf32>,
          tpu.vector_store %arg11[%swap3A_395, %swap3A_396], %mul3A_392 {strides = array<i32>} : memref<128x128xf32, #tpu.memory_space<vmem>>, vector<16xf32>,
          %add3A_398 = arith.constant 0 : i32
          %add3A_399 = arith.addi %mul3A_369, %add3A_398 : i32
          %get3A_400 = arith.index_cast %add3A_399 : i32 to index
          %get3A_401 = arith.constant 32 : index
          %get3A_402 = tpu.vector_load %arg11[%get3A_400, %get3A_401] {strides = array<i32>} : memref<128x128xf32, #tpu.memory_space<vmem>>, vector<16xf32>,
          %mul3A_403 = arith.mulf %get3A_402, %gather3A : vector<16xf32>
          %add3A_404 = arith.constant 0 : i32
          %add3A_405 = arith.addi %mul3A_369, %add3A_404 : i32
          %swap3A_406 = arith.index_cast %add3A_405 : i32 to index
          %swap3A_407 = arith.constant 32 : index
          %swap3A_408 = tpu.vector_load %arg11[%swap3A_406, %swap3A_407] {strides = array<i32>} : memref<128x128xf32, #tpu.memory_space<vmem>>, vector<16xf32>,
          tpu.vector_store %arg11[%swap3A_406, %swap3A_407], %mul3A_403 {strides = array<i32>} : memref<128x128xf32, #tpu.memory_space<vmem>>, vector<16xf32>,
          %add3A_409 = arith.constant 0 : i32
          %add3A_410 = arith.addi %mul3A_369, %add3A_409 : i32
          %get3A_411 = arith.index_cast %add3A_410 : i32 to index
          %get3A_412 = arith.constant 48 : index
          %get3A_413 = tpu.vector_load %arg11[%get3A_411, %get3A_412] {strides = array<i32>} : memref<128x128xf32, #tpu.memory_space<vmem>>, vector<16xf32>,
          %mul3A_414 = arith.mulf %get3A_413, %gather3A : vector<16xf32>
          %add3A_415 = arith.constant 0 : i32
          %add3A_416 = arith.addi %mul3A_369, %add3A_415 : i32
          %swap3A_417 = arith.index_cast %add3A_416 : i32 to index
          %swap3A_418 = arith.constant 48 : index
          %swap3A_419 = tpu.vector_load %arg11[%swap3A_417, %swap3A_418] {strides = array<i32>} : memref<128x128xf32, #tpu.memory_space<vmem>>, vector<16xf32>,
          tpu.vector_store %arg11[%swap3A_417, %swap3A_418], %mul3A_414 {strides = array<i32>} : memref<128x128xf32, #tpu.memory_space<vmem>>, vector<16xf32>,
          %add3A_420 = arith.constant 0 : i32
          %add3A_421 = arith.addi %mul3A_369, %add3A_420 : i32
          %get3A_422 = arith.index_cast %add3A_421 : i32 to index
          %get3A_423 = arith.constant 64 : index
          %get3A_424 = tpu.vector_load %arg11[%get3A_422, %get3A_423] {strides = array<i32>} : memref<128x128xf32, #tpu.memory_space<vmem>>, vector<16xf32>,
          %mul3A_425 = arith.mulf %get3A_424, %gather3A : vector<16xf32>
          %add3A_426 = arith.constant 0 : i32
          %add3A_427 = arith.addi %mul3A_369, %add3A_426 : i32
          %swap3A_428 = arith.index_cast %add3A_427 : i32 to index
          %swap3A_429 = arith.constant 64 : index
          %swap3A_430 = tpu.vector_load %arg11[%swap3A_428, %swap3A_429] {strides = array<i32>} : memref<128x128xf32, #tpu.memory_space<vmem>>, vector<16xf32>,
          tpu.vector_store %arg11[%swap3A_428, %swap3A_429], %mul3A_425 {strides = array<i32>} : memref<128x128xf32, #tpu.memory_space<vmem>>, vector<16xf32>,
          %add3A_431 = arith.constant 0 : i32
          %add3A_432 = arith.addi %mul3A_369, %add3A_431 : i32
          %get3A_433 = arith.index_cast %add3A_432 : i32 to index
          %get3A_434 = arith.constant 80 : index
          %get3A_435 = tpu.vector_load %arg11[%get3A_433, %get3A_434] {strides = array<i32>} : memref<128x128xf32, #tpu.memory_space<vmem>>, vector<16xf32>,
          %mul3A_436 = arith.mulf %get3A_435, %gather3A : vector<16xf32>
          %add3A_437 = arith.constant 0 : i32
          %add3A_438 = arith.addi %mul3A_369, %add3A_437 : i32
          %swap3A_439 = arith.index_cast %add3A_438 : i32 to index
          %swap3A_440 = arith.constant 80 : index
          %swap3A_441 = tpu.vector_load %arg11[%swap3A_439, %swap3A_440] {strides = array<i32>} : memref<128x128xf32, #tpu.memory_space<vmem>>, vector<16xf32>,
          tpu.vector_store %arg11[%swap3A_439, %swap3A_440], %mul3A_436 {strides = array<i32>} : memref<128x128xf32, #tpu.memory_space<vmem>>, vector<16xf32>,
          %add3A_442 = arith.constant 0 : i32
          %add3A_443 = arith.addi %mul3A_369, %add3A_442 : i32
          %get3A_444 = arith.index_cast %add3A_443 : i32 to index
          %get3A_445 = arith.constant 96 : index
          %get3A_446 = tpu.vector_load %arg11[%get3A_444, %get3A_445] {strides = array<i32>} : memref<128x128xf32, #tpu.memory_space<vmem>>, vector<16xf32>,
          %mul3A_447 = arith.mulf %get3A_446, %gather3A : vector<16xf32>
          %add3A_448 = arith.constant 0 : i32
          %add3A_449 = arith.addi %mul3A_369, %add3A_448 : i32
          %swap3A_450 = arith.index_cast %add3A_449 : i32 to index
          %swap3A_451 = arith.constant 96 : index
          %swap3A_452 = tpu.vector_load %arg11[%swap3A_450, %swap3A_451] {strides = array<i32>} : memref<128x128xf32, #tpu.memory_space<vmem>>, vector<16xf32>,
          tpu.vector_store %arg11[%swap3A_450, %swap3A_451], %mul3A_447 {strides = array<i32>} : memref<128x128xf32, #tpu.memory_space<vmem>>, vector<16xf32>,
          %add3A_453 = arith.constant 0 : i32
          %add3A_454 = arith.addi %mul3A_369, %add3A_453 : i32
          %get3A_455 = arith.index_cast %add3A_454 : i32 to index
          %get3A_456 = arith.constant 112 : index
          %get3A_457 = tpu.vector_load %arg11[%get3A_455, %get3A_456] {strides = array<i32>} : memref<128x128xf32, #tpu.memory_space<vmem>>, vector<16xf32>,
          %mul3A_458 = arith.mulf %get3A_457, %gather3A : vector<16xf32>
          %add3A_459 = arith.constant 0 : i32
          %add3A_460 = arith.addi %mul3A_369, %add3A_459 : i32
          %swap3A_461 = arith.index_cast %add3A_460 : i32 to index
          %swap3A_462 = arith.constant 112 : index
          %swap3A_463 = tpu.vector_load %arg11[%swap3A_461, %swap3A_462] {strides = array<i32>} : memref<128x128xf32, #tpu.memory_space<vmem>>, vector<16xf32>,
          tpu.vector_store %arg11[%swap3A_461, %swap3A_462], %mul3A_458 {strides = array<i32>} : memref<128x128xf32, #tpu.memory_space<vmem>>, vector<16xf32>,
          %add3A_464 = arith.constant 1 : i32
          %add3A_465 = arith.addi %mul3A_302, %add3A_464 : i32
          %mul3A_466 = arith.constant 128 : i32
          %mul3A_467 = arith.muli %add3A_465, %mul3A_466 : i32
          %add3A_468 = arith.addi %mul3A_467, %mul3A_369 : i32
          %add3A_469 = arith.constant 1 : i32
          %add3A_470 = arith.addi %add3A_468, %add3A_469 : i32
          %broadcast_in_dim3A_471 = vector.broadcast %add3A_470 : i32 to vector<16xi32>
          %gather3A_472 = tpu.vector_load_idx %arg9[%broadcast_in_dim3A_471] : memref<3840xf32, #tpu.memory_space<vmem>>[vector<16xi32>], vector<16xf32>,
          %add3A_473 = arith.constant 1 : i32
          %add3A_474 = arith.addi %mul3A_369, %add3A_473 : i32
          %get3A_475 = arith.index_cast %add3A_474 : i32 to index
          %get3A_476 = arith.constant 0 : index
          %get3A_477 = tpu.vector_load %arg11[%get3A_475, %get3A_476] {strides = array<i32>} : memref<128x128xf32, #tpu.memory_space<vmem>>, vector<16xf32>,
          %mul3A_478 = arith.mulf %get3A_477, %gather3A_472 : vector<16xf32>
          %add3A_479 = arith.constant 1 : i32
          %add3A_480 = arith.addi %mul3A_369, %add3A_479 : i32
          %swap3A_481 = arith.index_cast %add3A_480 : i32 to index
          %swap3A_482 = arith.constant 0 : index
          %swap3A_483 = tpu.vector_load %arg11[%swap3A_481, %swap3A_482] {strides = array<i32>} : memref<128x128xf32, #tpu.memory_space<vmem>>, vector<16xf32>,
          tpu.vector_store %arg11[%swap3A_481, %swap3A_482], %mul3A_478 {strides = array<i32>} : memref<128x128xf32, #tpu.memory_space<vmem>>, vector<16xf32>,
          %add3A_484 = arith.constant 1 : i32
          %add3A_485 = arith.addi %mul3A_369, %add3A_484 : i32
          %get3A_486 = arith.index_cast %add3A_485 : i32 to index
          %get3A_487 = arith.constant 16 : index
          %get3A_488 = tpu.vector_load %arg11[%get3A_486, %get3A_487] {strides = array<i32>} : memref<128x128xf32, #tpu.memory_space<vmem>>, vector<16xf32>,
          %mul3A_489 = arith.mulf %get3A_488, %gather3A_472 : vector<16xf32>
          %add3A_490 = arith.constant 1 : i32
          %add3A_491 = arith.addi %mul3A_369, %add3A_490 : i32
          %swap3A_492 = arith.index_cast %add3A_491 : i32 to index
          %swap3A_493 = arith.constant 16 : index
          %swap3A_494 = tpu.vector_load %arg11[%swap3A_492, %swap3A_493] {strides = array<i32>} : memref<128x128xf32, #tpu.memory_space<vmem>>, vector<16xf32>,
          tpu.vector_store %arg11[%swap3A_492, %swap3A_493], %mul3A_489 {strides = array<i32>} : memref<128x128xf32, #tpu.memory_space<vmem>>, vector<16xf32>,
          %add3A_495 = arith.constant 1 : i32
          %add3A_496 = arith.addi %mul3A_369, %add3A_495 : i32
          %get3A_497 = arith.index_cast %add3A_496 : i32 to index
          %get3A_498 = arith.constant 32 : index
          %get3A_499 = tpu.vector_load %arg11[%get3A_497, %get3A_498] {strides = array<i32>} : memref<128x128xf32, #tpu.memory_space<vmem>>, vector<16xf32>,
          %mul3A_500 = arith.mulf %get3A_499, %gather3A_472 : vector<16xf32>
          %add3A_501 = arith.constant 1 : i32
          %add3A_502 = arith.addi %mul3A_369, %add3A_501 : i32
          %swap3A_503 = arith.index_cast %add3A_502 : i32 to index
          %swap3A_504 = arith.constant 32 : index
          %swap3A_505 = tpu.vector_load %arg11[%swap3A_503, %swap3A_504] {strides = array<i32>} : memref<128x128xf32, #tpu.memory_space<vmem>>, vector<16xf32>,
          tpu.vector_store %arg11[%swap3A_503, %swap3A_504], %mul3A_500 {strides = array<i32>} : memref<128x128xf32, #tpu.memory_space<vmem>>, vector<16xf32>,
          %add3A_506 = arith.constant 1 : i32
          %add3A_507 = arith.addi %mul3A_369, %add3A_506 : i32
          %get3A_508 = arith.index_cast %add3A_507 : i32 to index
          %get3A_509 = arith.constant 48 : index
          %get3A_510 = tpu.vector_load %arg11[%get3A_508, %get3A_509] {strides = array<i32>} : memref<128x128xf32, #tpu.memory_space<vmem>>, vector<16xf32>,
          %mul3A_511 = arith.mulf %get3A_510, %gather3A_472 : vector<16xf32>
          %add3A_512 = arith.constant 1 : i32
          %add3A_513 = arith.addi %mul3A_369, %add3A_512 : i32
          %swap3A_514 = arith.index_cast %add3A_513 : i32 to index
          %swap3A_515 = arith.constant 48 : index
          %swap3A_516 = tpu.vector_load %arg11[%swap3A_514, %swap3A_515] {strides = array<i32>} : memref<128x128xf32, #tpu.memory_space<vmem>>, vector<16xf32>,
          tpu.vector_store %arg11[%swap3A_514, %swap3A_515], %mul3A_511 {strides = array<i32>} : memref<128x128xf32, #tpu.memory_space<vmem>>, vector<16xf32>,
          %add3A_517 = arith.constant 1 : i32
          %add3A_518 = arith.addi %mul3A_369, %add3A_517 : i32
          %get3A_519 = arith.index_cast %add3A_518 : i32 to index
          %get3A_520 = arith.constant 64 : index
          %get3A_521 = tpu.vector_load %arg11[%get3A_519, %get3A_520] {strides = array<i32>} : memref<128x128xf32, #tpu.memory_space<vmem>>, vector<16xf32>,
          %mul3A_522 = arith.mulf %get3A_521, %gather3A_472 : vector<16xf32>
          %add3A_523 = arith.constant 1 : i32
          %add3A_524 = arith.addi %mul3A_369, %add3A_523 : i32
          %swap3A_525 = arith.index_cast %add3A_524 : i32 to index
          %swap3A_526 = arith.constant 64 : index
          %swap3A_527 = tpu.vector_load %arg11[%swap3A_525, %swap3A_526] {strides = array<i32>} : memref<128x128xf32, #tpu.memory_space<vmem>>, vector<16xf32>,
          tpu.vector_store %arg11[%swap3A_525, %swap3A_526], %mul3A_522 {strides = array<i32>} : memref<128x128xf32, #tpu.memory_space<vmem>>, vector<16xf32>,
          %add3A_528 = arith.constant 1 : i32
          %add3A_529 = arith.addi %mul3A_369, %add3A_528 : i32
          %get3A_530 = arith.index_cast %add3A_529 : i32 to index
          %get3A_531 = arith.constant 80 : index
          %get3A_532 = tpu.vector_load %arg11[%get3A_530, %get3A_531] {strides = array<i32>} : memref<128x128xf32, #tpu.memory_space<vmem>>, vector<16xf32>,
          %mul3A_533 = arith.mulf %get3A_532, %gather3A_472 : vector<16xf32>
          %add3A_534 = arith.constant 1 : i32
          %add3A_535 = arith.addi %mul3A_369, %add3A_534 : i32
          %swap3A_536 = arith.index_cast %add3A_535 : i32 to index
          %swap3A_537 = arith.constant 80 : index
          %swap3A_538 = tpu.vector_load %arg11[%swap3A_536, %swap3A_537] {strides = array<i32>} : memref<128x128xf32, #tpu.memory_space<vmem>>, vector<16xf32>,
          tpu.vector_store %arg11[%swap3A_536, %swap3A_537], %mul3A_533 {strides = array<i32>} : memref<128x128xf32, #tpu.memory_space<vmem>>, vector<16xf32>,
          %add3A_539 = arith.constant 1 : i32
          %add3A_540 = arith.addi %mul3A_369, %add3A_539 : i32
          %get3A_541 = arith.index_cast %add3A_540 : i32 to index
          %get3A_542 = arith.constant 96 : index
          %get3A_543 = tpu.vector_load %arg11[%get3A_541, %get3A_542] {strides = array<i32>} : memref<128x128xf32, #tpu.memory_space<vmem>>, vector<16xf32>,
          %mul3A_544 = arith.mulf %get3A_543, %gather3A_472 : vector<16xf32>
          %add3A_545 = arith.constant 1 : i32
          %add3A_546 = arith.addi %mul3A_369, %add3A_545 : i32
          %swap3A_547 = arith.index_cast %add3A_546 : i32 to index
          %swap3A_548 = arith.constant 96 : index
          %swap3A_549 = tpu.vector_load %arg11[%swap3A_547, %swap3A_548] {strides = array<i32>} : memref<128x128xf32, #tpu.memory_space<vmem>>, vector<16xf32>,
          tpu.vector_store %arg11[%swap3A_547, %swap3A_548], %mul3A_544 {strides = array<i32>} : memref<128x128xf32, #tpu.memory_space<vmem>>, vector<16xf32>,
          %add3A_550 = arith.constant 1 : i32
          %add3A_551 = arith.addi %mul3A_369, %add3A_550 : i32
          %get3A_552 = arith.index_cast %add3A_551 : i32 to index
          %get3A_553 = arith.constant 112 : index
          %get3A_554 = tpu.vector_load %arg11[%get3A_552, %get3A_553] {strides = array<i32>} : memref<128x128xf32, #tpu.memory_space<vmem>>, vector<16xf32>,
          %mul3A_555 = arith.mulf %get3A_554, %gather3A_472 : vector<16xf32>
          %add3A_556 = arith.constant 1 : i32
          %add3A_557 = arith.addi %mul3A_369, %add3A_556 : i32
          %swap3A_558 = arith.index_cast %add3A_557 : i32 to index
          %swap3A_559 = arith.constant 112 : index
          %swap3A_560 = tpu.vector_load %arg11[%swap3A_558, %swap3A_559] {strides = array<i32>} : memref<128x128xf32, #tpu.memory_space<vmem>>, vector<16xf32>,
          tpu.vector_store %arg11[%swap3A_558, %swap3A_559], %mul3A_555 {strides = array<i32>} : memref<128x128xf32, #tpu.memory_space<vmem>>, vector<16xf32>,
          %scan3A_561 = arith.constant 0 : i32
          scf.yield %scan3A_561 : i32
        }
        %scan3A_348 = arith.constant 64 : i32
        %add3A_349 = arith.constant 1 : i32
        %add3A_350 = arith.addi %mul3A_302, %add3A_349 : i32
        %mul3A_351 = arith.constant 128 : i32
        %mul3A_352 = arith.muli %add3A_350, %mul3A_351 : i32
        %dma_start3A_353 = tpu.memref_slice %arg8[%mul3A_352] : memref<3840xi32, #tpu.memory_space<vmem>> -> memref<128xi32, #tpu.memory_space<vmem>>
        %dma_start3A_354 = arith.constant 0 : i32
        %dma_start3A_355 = arith.constant 0 : i32
        %dma_start3A_356 = tpu.memref_slice %arg23[%dma_start3A_354, %dma_start3A_355] : memref<10112x128xf32, #tpu.memory_space<vmem_shared>> -> memref<10112x128xf32, #tpu.memory_space<vmem_shared>>
        tpu.enqueue_indirect_dma source(%arg11 : memref<128x128xf32, #tpu.memory_space<vmem>>) target(%dma_start3A_356 : memref<10112x128xf32, #tpu.memory_space<vmem_shared>>) offsets(%dma_start3A_353 : memref<128xi32, #tpu.memory_space<vmem>>) semaphore(%arg15 : memref<!tpu.dma_semaphore, #tpu.memory_space<semaphore_mem>>) {add = true}
        %dma_wait3A_357 = tpu.memref_slice %arg8[%mul3A_333] : memref<3840xi32, #tpu.memory_space<vmem>> -> memref<128xi32, #tpu.memory_space<vmem>>
        %dma_wait3A_358 = arith.constant 0 : i32
        %dma_wait3A_359 = arith.constant 0 : i32
        %dma_wait3A_360 = tpu.memref_slice %arg23[%dma_wait3A_358, %dma_wait3A_359] : memref<10112x128xf32, #tpu.memory_space<vmem_shared>> -> memref<10112x128xf32, #tpu.memory_space<vmem_shared>>
        tpu.wait_indirect_dma semaphore(%arg14 : memref<!tpu.dma_semaphore, #tpu.memory_space<semaphore_mem>>) src(%arg10 : memref<128x128xf32, #tpu.memory_space<vmem>>) dst(%dma_wait3A_360 : memref<10112x128xf32, #tpu.memory_space<vmem_shared>>)
        %dma_wait3A_361 = tpu.memref_slice %arg8[%mul3A_352] : memref<3840xi32, #tpu.memory_space<vmem>> -> memref<128xi32, #tpu.memory_space<vmem>>
        %dma_wait3A_362 = arith.constant 0 : i32
        %dma_wait3A_363 = arith.constant 0 : i32
        %dma_wait3A_364 = tpu.memref_slice %arg23[%dma_wait3A_362, %dma_wait3A_363] : memref<10112x128xf32, #tpu.memory_space<vmem_shared>> -> memref<10112x128xf32, #tpu.memory_space<vmem_shared>>
        tpu.wait_indirect_dma semaphore(%arg15 : memref<!tpu.dma_semaphore, #tpu.memory_space<semaphore_mem>>) src(%arg11 : memref<128x128xf32, #tpu.memory_space<vmem>>) dst(%dma_wait3A_364 : memref<10112x128xf32, #tpu.memory_space<vmem_shared>>)
        %scan3A_365 = arith.constant 0 : i32
        scf.yield %scan3A_365 : i32
      }
      %scan3A_298 = arith.constant 15 : i32
    } else {
    }
    %eq3A_117 = arith.constant 1 : i32
    %eq3A_118 = arith.cmpi eq, %arg0, %eq3A_117 : i32
    %convert_element_type3A_119 = arith.extui %eq3A_118 : i1 to i32
    %cond3A_120 = arith.constant 0 : i32
    %cond3A_121 = arith.cmpi ne, %convert_element_type3A_119, %cond3A_120 : i32
    scf.if %cond3A_121 {
      %mul3A_195 = arith.constant 26 : i32
      %mul3A_196 = arith.muli %arg1, %mul3A_195 : i32
      %add3A_197 = arith.constant 928 : i32
      %add3A_198 = arith.addi %add3A_197, %mul3A_196 : i32
      %mul3A_199 = arith.constant 128 : i32
      %mul3A_200 = arith.muli %add3A_198, %mul3A_199 : i32
      %dma_start3A_201 = arith.constant 0 : i32
      %dma_start3A_202 = tpu.memref_slice %arg7[%dma_start3A_201] : memref<3840xi32, #tpu.memory_space<vmem>> -> memref<3328xi32, #tpu.memory_space<vmem>>
      %dma_start3A_203 = tpu.memref_slice %arg3[%mul3A_200] : memref<172032xi32, #tpu.memory_space<hbm>> -> memref<3328xi32, #tpu.memory_space<hbm>>
      %dma_start3A_204 = arith.constant 0 : i32
      %dma_start3A_205 = tpu.memref_slice %arg7[%dma_start3A_204] : memref<3840xi32, #tpu.memory_space<vmem>> -> memref<3328xi32, #tpu.memory_space<vmem>>
      %dma_start3A_206 = tpu.memref_slice %arg3[%mul3A_200] : memref<172032xi32, #tpu.memory_space<hbm>> -> memref<3328xi32, #tpu.memory_space<hbm>>
      tpu.enqueue_dma source(%dma_start3A_206 : memref<3328xi32, #tpu.memory_space<hbm>>) target(%dma_start3A_205 : memref<3328xi32, #tpu.memory_space<vmem>>) target_semaphore(%arg16 : memref<!tpu.dma_semaphore, #tpu.memory_space<semaphore_mem>>)
      %mul3A_207 = arith.constant 128 : i32
      %mul3A_208 = arith.muli %add3A_198, %mul3A_207 : i32
      %dma_start3A_209 = arith.constant 0 : i32
      %dma_start3A_210 = tpu.memref_slice %arg8[%dma_start3A_209] : memref<3840xi32, #tpu.memory_space<vmem>> -> memref<3328xi32, #tpu.memory_space<vmem>>
      %dma_start3A_211 = tpu.memref_slice %arg4[%mul3A_208] : memref<172032xi32, #tpu.memory_space<hbm>> -> memref<3328xi32, #tpu.memory_space<hbm>>
      %dma_start3A_212 = arith.constant 0 : i32
      %dma_start3A_213 = tpu.memref_slice %arg8[%dma_start3A_212] : memref<3840xi32, #tpu.memory_space<vmem>> -> memref<3328xi32, #tpu.memory_space<vmem>>
      %dma_start3A_214 = tpu.memref_slice %arg4[%mul3A_208] : memref<172032xi32, #tpu.memory_space<hbm>> -> memref<3328xi32, #tpu.memory_space<hbm>>
      tpu.enqueue_dma source(%dma_start3A_214 : memref<3328xi32, #tpu.memory_space<hbm>>) target(%dma_start3A_213 : memref<3328xi32, #tpu.memory_space<vmem>>) target_semaphore(%arg17 : memref<!tpu.dma_semaphore, #tpu.memory_space<semaphore_mem>>)
      %mul3A_215 = arith.constant 128 : i32
      %mul3A_216 = arith.muli %add3A_198, %mul3A_215 : i32
      %dma_start3A_217 = arith.constant 0 : i32
      %dma_start3A_218 = tpu.memref_slice %arg9[%dma_start3A_217] : memref<3840xf32, #tpu.memory_space<vmem>> -> memref<3328xf32, #tpu.memory_space<vmem>>
      %dma_start3A_219 = tpu.memref_slice %arg5[%mul3A_216] : memref<172032xf32, #tpu.memory_space<hbm>> -> memref<3328xf32, #tpu.memory_space<hbm>>
      %dma_start3A_220 = arith.constant 0 : i32
      %dma_start3A_221 = tpu.memref_slice %arg9[%dma_start3A_220] : memref<3840xf32, #tpu.memory_space<vmem>> -> memref<3328xf32, #tpu.memory_space<vmem>>
      %dma_start3A_222 = tpu.memref_slice %arg5[%mul3A_216] : memref<172032xf32, #tpu.memory_space<hbm>> -> memref<3328xf32, #tpu.memory_space<hbm>>
      tpu.enqueue_dma source(%dma_start3A_222 : memref<3328xf32, #tpu.memory_space<hbm>>) target(%dma_start3A_221 : memref<3328xf32, #tpu.memory_space<vmem>>) target_semaphore(%arg18 : memref<!tpu.dma_semaphore, #tpu.memory_space<semaphore_mem>>)
      %dma_wait3A_223 = arith.constant 0 : i32
      %dma_wait3A_224 = tpu.memref_slice %arg7[%dma_wait3A_223] : memref<3840xi32, #tpu.memory_space<vmem>> -> memref<3328xi32, #tpu.memory_space<vmem>>
      %dma_wait3A_225 = tpu.memref_slice %arg3[%mul3A_200] : memref<172032xi32, #tpu.memory_space<hbm>> -> memref<3328xi32, #tpu.memory_space<hbm>>
      %dma_wait3A_226 = arith.constant 0 : i32
      %dma_wait3A_227 = tpu.memref_slice %arg7[%dma_wait3A_226] : memref<3840xi32, #tpu.memory_space<vmem>> -> memref<3328xi32, #tpu.memory_space<vmem>>
      %dma_wait3A_228 = tpu.memref_slice %arg3[%mul3A_200] : memref<172032xi32, #tpu.memory_space<hbm>> -> memref<3328xi32, #tpu.memory_space<hbm>>
      tpu.wait_dma2 semaphore(%arg16 : memref<!tpu.dma_semaphore, #tpu.memory_space<semaphore_mem>>) src(%dma_wait3A_228 : memref<3328xi32, #tpu.memory_space<hbm>>) dst(%dma_wait3A_227 : memref<3328xi32, #tpu.memory_space<vmem>>)
      %dma_wait3A_229 = arith.constant 0 : i32
      %dma_wait3A_230 = tpu.memref_slice %arg8[%dma_wait3A_229] : memref<3840xi32, #tpu.memory_space<vmem>> -> memref<3328xi32, #tpu.memory_space<vmem>>
      %dma_wait3A_231 = tpu.memref_slice %arg4[%mul3A_208] : memref<172032xi32, #tpu.memory_space<hbm>> -> memref<3328xi32, #tpu.memory_space<hbm>>
      %dma_wait3A_232 = arith.constant 0 : i32
      %dma_wait3A_233 = tpu.memref_slice %arg8[%dma_wait3A_232] : memref<3840xi32, #tpu.memory_space<vmem>> -> memref<3328xi32, #tpu.memory_space<vmem>>
      %dma_wait3A_234 = tpu.memref_slice %arg4[%mul3A_208] : memref<172032xi32, #tpu.memory_space<hbm>> -> memref<3328xi32, #tpu.memory_space<hbm>>
      tpu.wait_dma2 semaphore(%arg17 : memref<!tpu.dma_semaphore, #tpu.memory_space<semaphore_mem>>) src(%dma_wait3A_234 : memref<3328xi32, #tpu.memory_space<hbm>>) dst(%dma_wait3A_233 : memref<3328xi32, #tpu.memory_space<vmem>>)
      %dma_wait3A_235 = arith.constant 0 : i32
      %dma_wait3A_236 = tpu.memref_slice %arg9[%dma_wait3A_235] : memref<3840xf32, #tpu.memory_space<vmem>> -> memref<3328xf32, #tpu.memory_space<vmem>>
      %dma_wait3A_237 = tpu.memref_slice %arg5[%mul3A_216] : memref<172032xf32, #tpu.memory_space<hbm>> -> memref<3328xf32, #tpu.memory_space<hbm>>
      %dma_wait3A_238 = arith.constant 0 : i32
      %dma_wait3A_239 = tpu.memref_slice %arg9[%dma_wait3A_238] : memref<3840xf32, #tpu.memory_space<vmem>> -> memref<3328xf32, #tpu.memory_space<vmem>>
      %dma_wait3A_240 = tpu.memref_slice %arg5[%mul3A_216] : memref<172032xf32, #tpu.memory_space<hbm>> -> memref<3328xf32, #tpu.memory_space<hbm>>
      tpu.wait_dma2 semaphore(%arg18 : memref<!tpu.dma_semaphore, #tpu.memory_space<semaphore_mem>>) src(%dma_wait3A_240 : memref<3328xf32, #tpu.memory_space<hbm>>) dst(%dma_wait3A_239 : memref<3328xf32, #tpu.memory_space<vmem>>)
      %scan3A_241 = arith.constant 0 : i32
      %scan3A_242 = arith.constant 0 : i32
      %scan3A_243 = arith.constant 13 : i32
      %scan3A_244 = arith.addi %scan3A_242, %scan3A_243 : i32
      %scan3A_245 = arith.constant 1 : i32
      %scan3A_246 = scf.for %scan3A_248 = %scan3A_242 to %scan3A_244 step %scan3A_245 iter_args(%scan3A_249 = %scan3A_241) -> (i32)  : i32 {
        %mul3A_250 = arith.constant 2 : i32
        %mul3A_251 = arith.muli %scan3A_248, %mul3A_250 : i32
        %add3A_252 = arith.constant 0 : i32
        %add3A_253 = arith.addi %mul3A_251, %add3A_252 : i32
        %mul3A_254 = arith.constant 128 : i32
        %mul3A_255 = arith.muli %add3A_253, %mul3A_254 : i32
        %dma_start3A_256 = tpu.memref_slice %arg7[%mul3A_255] : memref<3840xi32, #tpu.memory_space<vmem>> -> memref<128xi32, #tpu.memory_space<vmem>>
        %dma_start3A_257 = arith.constant 0 : i32
        %dma_start3A_258 = arith.constant 0 : i32
        %dma_start3A_259 = tpu.memref_slice %arg2[%dma_start3A_257, %dma_start3A_258] : memref<10000x128xf32, #tpu.memory_space<hbm>> -> memref<10000x128xf32, #tpu.memory_space<hbm>>
        tpu.enqueue_indirect_dma source(%dma_start3A_259 : memref<10000x128xf32, #tpu.memory_space<hbm>>) target(%arg10 : memref<128x128xf32, #tpu.memory_space<vmem>>) offsets(%dma_start3A_256 : memref<128xi32, #tpu.memory_space<vmem>>) semaphore(%arg12 : memref<!tpu.dma_semaphore, #tpu.memory_space<semaphore_mem>>)
        %add3A_260 = arith.constant 1 : i32
        %add3A_261 = arith.addi %mul3A_251, %add3A_260 : i32
        %mul3A_262 = arith.constant 128 : i32
        %mul3A_263 = arith.muli %add3A_261, %mul3A_262 : i32
        %dma_start3A_264 = tpu.memref_slice %arg7[%mul3A_263] : memref<3840xi32, #tpu.memory_space<vmem>> -> memref<128xi32, #tpu.memory_space<vmem>>
        %dma_start3A_265 = arith.constant 0 : i32
        %dma_start3A_266 = arith.constant 0 : i32
        %dma_start3A_267 = tpu.memref_slice %arg2[%dma_start3A_265, %dma_start3A_266] : memref<10000x128xf32, #tpu.memory_space<hbm>> -> memref<10000x128xf32, #tpu.memory_space<hbm>>
        tpu.enqueue_indirect_dma source(%dma_start3A_267 : memref<10000x128xf32, #tpu.memory_space<hbm>>) target(%arg11 : memref<128x128xf32, #tpu.memory_space<vmem>>) offsets(%dma_start3A_264 : memref<128xi32, #tpu.memory_space<vmem>>) semaphore(%arg13 : memref<!tpu.dma_semaphore, #tpu.memory_space<semaphore_mem>>)
        %dma_wait3A_268 = tpu.memref_slice %arg7[%mul3A_255] : memref<3840xi32, #tpu.memory_space<vmem>> -> memref<128xi32, #tpu.memory_space<vmem>>
        %dma_wait3A_269 = arith.constant 0 : i32
        %dma_wait3A_270 = arith.constant 0 : i32
        %dma_wait3A_271 = tpu.memref_slice %arg2[%dma_wait3A_269, %dma_wait3A_270] : memref<10000x128xf32, #tpu.memory_space<hbm>> -> memref<10000x128xf32, #tpu.memory_space<hbm>>
        tpu.wait_indirect_dma semaphore(%arg12 : memref<!tpu.dma_semaphore, #tpu.memory_space<semaphore_mem>>) src(%dma_wait3A_271 : memref<10000x128xf32, #tpu.memory_space<hbm>>) dst(%arg10 : memref<128x128xf32, #tpu.memory_space<vmem>>)
        %scan3A_272 = arith.constant 0 : i32
        %scan3A_273 = arith.constant 0 : i32
        %scan3A_274 = arith.constant 64 : i32
        %scan3A_275 = arith.addi %scan3A_273, %scan3A_274 : i32
        %scan3A_276 = arith.constant 1 : i32
        %scan3A_277 = scf.for %scan3A_315 = %scan3A_273 to %scan3A_275 step %scan3A_276 iter_args(%scan3A_316 = %scan3A_272) -> (i32)  : i32 {
          %mul3A_317 = arith.constant 2 : i32
          %mul3A_318 = arith.muli %scan3A_315, %mul3A_317 : i32
          %add3A_319 = arith.constant 0 : i32
          %add3A_320 = arith.addi %mul3A_251, %add3A_319 : i32
          %mul3A_321 = arith.constant 128 : i32
          %mul3A_322 = arith.muli %add3A_320, %mul3A_321 : i32
          %add3A_323 = arith.addi %mul3A_322, %mul3A_318 : i32
          %add3A_324 = arith.constant 0 : i32
          %add3A_325 = arith.addi %add3A_323, %add3A_324 : i32
          %broadcast_in_dim3A_326 = vector.broadcast %add3A_325 : i32 to vector<16xi32>
          %gather3A = tpu.vector_load_idx %arg9[%broadcast_in_dim3A_326] : memref<3840xf32, #tpu.memory_space<vmem>>[vector<16xi32>], vector<16xf32>,
          %add3A_327 = arith.constant 0 : i32
          %add3A_328 = arith.addi %mul3A_318, %add3A_327 : i32
          %get3A = arith.index_cast %add3A_328 : i32 to index
          %get3A_329 = arith.constant 0 : index
          %get3A_330 = tpu.vector_load %arg10[%get3A, %get3A_329] {strides = array<i32>} : memref<128x128xf32, #tpu.memory_space<vmem>>, vector<16xf32>,
          %mul3A_331 = arith.mulf %get3A_330, %gather3A : vector<16xf32>
          %add3A_332 = arith.constant 0 : i32
          %add3A_333 = arith.addi %mul3A_318, %add3A_332 : i32
          %swap3A = arith.index_cast %add3A_333 : i32 to index
          %swap3A_334 = arith.constant 0 : index
          %swap3A_335 = tpu.vector_load %arg10[%swap3A, %swap3A_334] {strides = array<i32>} : memref<128x128xf32, #tpu.memory_space<vmem>>, vector<16xf32>,
          tpu.vector_store %arg10[%swap3A, %swap3A_334], %mul3A_331 {strides = array<i32>} : memref<128x128xf32, #tpu.memory_space<vmem>>, vector<16xf32>,
          %add3A_336 = arith.constant 0 : i32
          %add3A_337 = arith.addi %mul3A_318, %add3A_336 : i32
          %get3A_338 = arith.index_cast %add3A_337 : i32 to index
          %get3A_339 = arith.constant 16 : index
          %get3A_340 = tpu.vector_load %arg10[%get3A_338, %get3A_339] {strides = array<i32>} : memref<128x128xf32, #tpu.memory_space<vmem>>, vector<16xf32>,
          %mul3A_341 = arith.mulf %get3A_340, %gather3A : vector<16xf32>
          %add3A_342 = arith.constant 0 : i32
          %add3A_343 = arith.addi %mul3A_318, %add3A_342 : i32
          %swap3A_344 = arith.index_cast %add3A_343 : i32 to index
          %swap3A_345 = arith.constant 16 : index
          %swap3A_346 = tpu.vector_load %arg10[%swap3A_344, %swap3A_345] {strides = array<i32>} : memref<128x128xf32, #tpu.memory_space<vmem>>, vector<16xf32>,
          tpu.vector_store %arg10[%swap3A_344, %swap3A_345], %mul3A_341 {strides = array<i32>} : memref<128x128xf32, #tpu.memory_space<vmem>>, vector<16xf32>,
          %add3A_347 = arith.constant 0 : i32
          %add3A_348 = arith.addi %mul3A_318, %add3A_347 : i32
          %get3A_349 = arith.index_cast %add3A_348 : i32 to index
          %get3A_350 = arith.constant 32 : index
          %get3A_351 = tpu.vector_load %arg10[%get3A_349, %get3A_350] {strides = array<i32>} : memref<128x128xf32, #tpu.memory_space<vmem>>, vector<16xf32>,
          %mul3A_352 = arith.mulf %get3A_351, %gather3A : vector<16xf32>
          %add3A_353 = arith.constant 0 : i32
          %add3A_354 = arith.addi %mul3A_318, %add3A_353 : i32
          %swap3A_355 = arith.index_cast %add3A_354 : i32 to index
          %swap3A_356 = arith.constant 32 : index
          %swap3A_357 = tpu.vector_load %arg10[%swap3A_355, %swap3A_356] {strides = array<i32>} : memref<128x128xf32, #tpu.memory_space<vmem>>, vector<16xf32>,
          tpu.vector_store %arg10[%swap3A_355, %swap3A_356], %mul3A_352 {strides = array<i32>} : memref<128x128xf32, #tpu.memory_space<vmem>>, vector<16xf32>,
          %add3A_358 = arith.constant 0 : i32
          %add3A_359 = arith.addi %mul3A_318, %add3A_358 : i32
          %get3A_360 = arith.index_cast %add3A_359 : i32 to index
          %get3A_361 = arith.constant 48 : index
          %get3A_362 = tpu.vector_load %arg10[%get3A_360, %get3A_361] {strides = array<i32>} : memref<128x128xf32, #tpu.memory_space<vmem>>, vector<16xf32>,
          %mul3A_363 = arith.mulf %get3A_362, %gather3A : vector<16xf32>
          %add3A_364 = arith.constant 0 : i32
          %add3A_365 = arith.addi %mul3A_318, %add3A_364 : i32
          %swap3A_366 = arith.index_cast %add3A_365 : i32 to index
          %swap3A_367 = arith.constant 48 : index
          %swap3A_368 = tpu.vector_load %arg10[%swap3A_366, %swap3A_367] {strides = array<i32>} : memref<128x128xf32, #tpu.memory_space<vmem>>, vector<16xf32>,
          tpu.vector_store %arg10[%swap3A_366, %swap3A_367], %mul3A_363 {strides = array<i32>} : memref<128x128xf32, #tpu.memory_space<vmem>>, vector<16xf32>,
          %add3A_369 = arith.constant 0 : i32
          %add3A_370 = arith.addi %mul3A_318, %add3A_369 : i32
          %get3A_371 = arith.index_cast %add3A_370 : i32 to index
          %get3A_372 = arith.constant 64 : index
          %get3A_373 = tpu.vector_load %arg10[%get3A_371, %get3A_372] {strides = array<i32>} : memref<128x128xf32, #tpu.memory_space<vmem>>, vector<16xf32>,
          %mul3A_374 = arith.mulf %get3A_373, %gather3A : vector<16xf32>
          %add3A_375 = arith.constant 0 : i32
          %add3A_376 = arith.addi %mul3A_318, %add3A_375 : i32
          %swap3A_377 = arith.index_cast %add3A_376 : i32 to index
          %swap3A_378 = arith.constant 64 : index
          %swap3A_379 = tpu.vector_load %arg10[%swap3A_377, %swap3A_378] {strides = array<i32>} : memref<128x128xf32, #tpu.memory_space<vmem>>, vector<16xf32>,
          tpu.vector_store %arg10[%swap3A_377, %swap3A_378], %mul3A_374 {strides = array<i32>} : memref<128x128xf32, #tpu.memory_space<vmem>>, vector<16xf32>,
          %add3A_380 = arith.constant 0 : i32
          %add3A_381 = arith.addi %mul3A_318, %add3A_380 : i32
          %get3A_382 = arith.index_cast %add3A_381 : i32 to index
          %get3A_383 = arith.constant 80 : index
          %get3A_384 = tpu.vector_load %arg10[%get3A_382, %get3A_383] {strides = array<i32>} : memref<128x128xf32, #tpu.memory_space<vmem>>, vector<16xf32>,
          %mul3A_385 = arith.mulf %get3A_384, %gather3A : vector<16xf32>
          %add3A_386 = arith.constant 0 : i32
          %add3A_387 = arith.addi %mul3A_318, %add3A_386 : i32
          %swap3A_388 = arith.index_cast %add3A_387 : i32 to index
          %swap3A_389 = arith.constant 80 : index
          %swap3A_390 = tpu.vector_load %arg10[%swap3A_388, %swap3A_389] {strides = array<i32>} : memref<128x128xf32, #tpu.memory_space<vmem>>, vector<16xf32>,
          tpu.vector_store %arg10[%swap3A_388, %swap3A_389], %mul3A_385 {strides = array<i32>} : memref<128x128xf32, #tpu.memory_space<vmem>>, vector<16xf32>,
          %add3A_391 = arith.constant 0 : i32
          %add3A_392 = arith.addi %mul3A_318, %add3A_391 : i32
          %get3A_393 = arith.index_cast %add3A_392 : i32 to index
          %get3A_394 = arith.constant 96 : index
          %get3A_395 = tpu.vector_load %arg10[%get3A_393, %get3A_394] {strides = array<i32>} : memref<128x128xf32, #tpu.memory_space<vmem>>, vector<16xf32>,
          %mul3A_396 = arith.mulf %get3A_395, %gather3A : vector<16xf32>
          %add3A_397 = arith.constant 0 : i32
          %add3A_398 = arith.addi %mul3A_318, %add3A_397 : i32
          %swap3A_399 = arith.index_cast %add3A_398 : i32 to index
          %swap3A_400 = arith.constant 96 : index
          %swap3A_401 = tpu.vector_load %arg10[%swap3A_399, %swap3A_400] {strides = array<i32>} : memref<128x128xf32, #tpu.memory_space<vmem>>, vector<16xf32>,
          tpu.vector_store %arg10[%swap3A_399, %swap3A_400], %mul3A_396 {strides = array<i32>} : memref<128x128xf32, #tpu.memory_space<vmem>>, vector<16xf32>,
          %add3A_402 = arith.constant 0 : i32
          %add3A_403 = arith.addi %mul3A_318, %add3A_402 : i32
          %get3A_404 = arith.index_cast %add3A_403 : i32 to index
          %get3A_405 = arith.constant 112 : index
          %get3A_406 = tpu.vector_load %arg10[%get3A_404, %get3A_405] {strides = array<i32>} : memref<128x128xf32, #tpu.memory_space<vmem>>, vector<16xf32>,
          %mul3A_407 = arith.mulf %get3A_406, %gather3A : vector<16xf32>
          %add3A_408 = arith.constant 0 : i32
          %add3A_409 = arith.addi %mul3A_318, %add3A_408 : i32
          %swap3A_410 = arith.index_cast %add3A_409 : i32 to index
          %swap3A_411 = arith.constant 112 : index
          %swap3A_412 = tpu.vector_load %arg10[%swap3A_410, %swap3A_411] {strides = array<i32>} : memref<128x128xf32, #tpu.memory_space<vmem>>, vector<16xf32>,
          tpu.vector_store %arg10[%swap3A_410, %swap3A_411], %mul3A_407 {strides = array<i32>} : memref<128x128xf32, #tpu.memory_space<vmem>>, vector<16xf32>,
          %add3A_413 = arith.constant 0 : i32
          %add3A_414 = arith.addi %mul3A_251, %add3A_413 : i32
          %mul3A_415 = arith.constant 128 : i32
          %mul3A_416 = arith.muli %add3A_414, %mul3A_415 : i32
          %add3A_417 = arith.addi %mul3A_416, %mul3A_318 : i32
          %add3A_418 = arith.constant 1 : i32
          %add3A_419 = arith.addi %add3A_417, %add3A_418 : i32
          %broadcast_in_dim3A_420 = vector.broadcast %add3A_419 : i32 to vector<16xi32>
          %gather3A_421 = tpu.vector_load_idx %arg9[%broadcast_in_dim3A_420] : memref<3840xf32, #tpu.memory_space<vmem>>[vector<16xi32>], vector<16xf32>,
          %add3A_422 = arith.constant 1 : i32
          %add3A_423 = arith.addi %mul3A_318, %add3A_422 : i32
          %get3A_424 = arith.index_cast %add3A_423 : i32 to index
          %get3A_425 = arith.constant 0 : index
          %get3A_426 = tpu.vector_load %arg10[%get3A_424, %get3A_425] {strides = array<i32>} : memref<128x128xf32, #tpu.memory_space<vmem>>, vector<16xf32>,
          %mul3A_427 = arith.mulf %get3A_426, %gather3A_421 : vector<16xf32>
          %add3A_428 = arith.constant 1 : i32
          %add3A_429 = arith.addi %mul3A_318, %add3A_428 : i32
          %swap3A_430 = arith.index_cast %add3A_429 : i32 to index
          %swap3A_431 = arith.constant 0 : index
          %swap3A_432 = tpu.vector_load %arg10[%swap3A_430, %swap3A_431] {strides = array<i32>} : memref<128x128xf32, #tpu.memory_space<vmem>>, vector<16xf32>,
          tpu.vector_store %arg10[%swap3A_430, %swap3A_431], %mul3A_427 {strides = array<i32>} : memref<128x128xf32, #tpu.memory_space<vmem>>, vector<16xf32>,
          %add3A_433 = arith.constant 1 : i32
          %add3A_434 = arith.addi %mul3A_318, %add3A_433 : i32
          %get3A_435 = arith.index_cast %add3A_434 : i32 to index
          %get3A_436 = arith.constant 16 : index
          %get3A_437 = tpu.vector_load %arg10[%get3A_435, %get3A_436] {strides = array<i32>} : memref<128x128xf32, #tpu.memory_space<vmem>>, vector<16xf32>,
          %mul3A_438 = arith.mulf %get3A_437, %gather3A_421 : vector<16xf32>
          %add3A_439 = arith.constant 1 : i32
          %add3A_440 = arith.addi %mul3A_318, %add3A_439 : i32
          %swap3A_441 = arith.index_cast %add3A_440 : i32 to index
          %swap3A_442 = arith.constant 16 : index
          %swap3A_443 = tpu.vector_load %arg10[%swap3A_441, %swap3A_442] {strides = array<i32>} : memref<128x128xf32, #tpu.memory_space<vmem>>, vector<16xf32>,
          tpu.vector_store %arg10[%swap3A_441, %swap3A_442], %mul3A_438 {strides = array<i32>} : memref<128x128xf32, #tpu.memory_space<vmem>>, vector<16xf32>,
          %add3A_444 = arith.constant 1 : i32
          %add3A_445 = arith.addi %mul3A_318, %add3A_444 : i32
          %get3A_446 = arith.index_cast %add3A_445 : i32 to index
          %get3A_447 = arith.constant 32 : index
          %get3A_448 = tpu.vector_load %arg10[%get3A_446, %get3A_447] {strides = array<i32>} : memref<128x128xf32, #tpu.memory_space<vmem>>, vector<16xf32>,
          %mul3A_449 = arith.mulf %get3A_448, %gather3A_421 : vector<16xf32>
          %add3A_450 = arith.constant 1 : i32
          %add3A_451 = arith.addi %mul3A_318, %add3A_450 : i32
          %swap3A_452 = arith.index_cast %add3A_451 : i32 to index
          %swap3A_453 = arith.constant 32 : index
          %swap3A_454 = tpu.vector_load %arg10[%swap3A_452, %swap3A_453] {strides = array<i32>} : memref<128x128xf32, #tpu.memory_space<vmem>>, vector<16xf32>,
          tpu.vector_store %arg10[%swap3A_452, %swap3A_453], %mul3A_449 {strides = array<i32>} : memref<128x128xf32, #tpu.memory_space<vmem>>, vector<16xf32>,
          %add3A_455 = arith.constant 1 : i32
          %add3A_456 = arith.addi %mul3A_318, %add3A_455 : i32
          %get3A_457 = arith.index_cast %add3A_456 : i32 to index
          %get3A_458 = arith.constant 48 : index
          %get3A_459 = tpu.vector_load %arg10[%get3A_457, %get3A_458] {strides = array<i32>} : memref<128x128xf32, #tpu.memory_space<vmem>>, vector<16xf32>,
          %mul3A_460 = arith.mulf %get3A_459, %gather3A_421 : vector<16xf32>
          %add3A_461 = arith.constant 1 : i32
          %add3A_462 = arith.addi %mul3A_318, %add3A_461 : i32
          %swap3A_463 = arith.index_cast %add3A_462 : i32 to index
          %swap3A_464 = arith.constant 48 : index
          %swap3A_465 = tpu.vector_load %arg10[%swap3A_463, %swap3A_464] {strides = array<i32>} : memref<128x128xf32, #tpu.memory_space<vmem>>, vector<16xf32>,
          tpu.vector_store %arg10[%swap3A_463, %swap3A_464], %mul3A_460 {strides = array<i32>} : memref<128x128xf32, #tpu.memory_space<vmem>>, vector<16xf32>,
          %add3A_466 = arith.constant 1 : i32
          %add3A_467 = arith.addi %mul3A_318, %add3A_466 : i32
          %get3A_468 = arith.index_cast %add3A_467 : i32 to index
          %get3A_469 = arith.constant 64 : index
          %get3A_470 = tpu.vector_load %arg10[%get3A_468, %get3A_469] {strides = array<i32>} : memref<128x128xf32, #tpu.memory_space<vmem>>, vector<16xf32>,
          %mul3A_471 = arith.mulf %get3A_470, %gather3A_421 : vector<16xf32>
          %add3A_472 = arith.constant 1 : i32
          %add3A_473 = arith.addi %mul3A_318, %add3A_472 : i32
          %swap3A_474 = arith.index_cast %add3A_473 : i32 to index
          %swap3A_475 = arith.constant 64 : index
          %swap3A_476 = tpu.vector_load %arg10[%swap3A_474, %swap3A_475] {strides = array<i32>} : memref<128x128xf32, #tpu.memory_space<vmem>>, vector<16xf32>,
          tpu.vector_store %arg10[%swap3A_474, %swap3A_475], %mul3A_471 {strides = array<i32>} : memref<128x128xf32, #tpu.memory_space<vmem>>, vector<16xf32>,
          %add3A_477 = arith.constant 1 : i32
          %add3A_478 = arith.addi %mul3A_318, %add3A_477 : i32
          %get3A_479 = arith.index_cast %add3A_478 : i32 to index
          %get3A_480 = arith.constant 80 : index
          %get3A_481 = tpu.vector_load %arg10[%get3A_479, %get3A_480] {strides = array<i32>} : memref<128x128xf32, #tpu.memory_space<vmem>>, vector<16xf32>,
          %mul3A_482 = arith.mulf %get3A_481, %gather3A_421 : vector<16xf32>
          %add3A_483 = arith.constant 1 : i32
          %add3A_484 = arith.addi %mul3A_318, %add3A_483 : i32
          %swap3A_485 = arith.index_cast %add3A_484 : i32 to index
          %swap3A_486 = arith.constant 80 : index
          %swap3A_487 = tpu.vector_load %arg10[%swap3A_485, %swap3A_486] {strides = array<i32>} : memref<128x128xf32, #tpu.memory_space<vmem>>, vector<16xf32>,
          tpu.vector_store %arg10[%swap3A_485, %swap3A_486], %mul3A_482 {strides = array<i32>} : memref<128x128xf32, #tpu.memory_space<vmem>>, vector<16xf32>,
          %add3A_488 = arith.constant 1 : i32
          %add3A_489 = arith.addi %mul3A_318, %add3A_488 : i32
          %get3A_490 = arith.index_cast %add3A_489 : i32 to index
          %get3A_491 = arith.constant 96 : index
          %get3A_492 = tpu.vector_load %arg10[%get3A_490, %get3A_491] {strides = array<i32>} : memref<128x128xf32, #tpu.memory_space<vmem>>, vector<16xf32>,
          %mul3A_493 = arith.mulf %get3A_492, %gather3A_421 : vector<16xf32>
          %add3A_494 = arith.constant 1 : i32
          %add3A_495 = arith.addi %mul3A_318, %add3A_494 : i32
          %swap3A_496 = arith.index_cast %add3A_495 : i32 to index
          %swap3A_497 = arith.constant 96 : index
          %swap3A_498 = tpu.vector_load %arg10[%swap3A_496, %swap3A_497] {strides = array<i32>} : memref<128x128xf32, #tpu.memory_space<vmem>>, vector<16xf32>,
          tpu.vector_store %arg10[%swap3A_496, %swap3A_497], %mul3A_493 {strides = array<i32>} : memref<128x128xf32, #tpu.memory_space<vmem>>, vector<16xf32>,
          %add3A_499 = arith.constant 1 : i32
          %add3A_500 = arith.addi %mul3A_318, %add3A_499 : i32
          %get3A_501 = arith.index_cast %add3A_500 : i32 to index
          %get3A_502 = arith.constant 112 : index
          %get3A_503 = tpu.vector_load %arg10[%get3A_501, %get3A_502] {strides = array<i32>} : memref<128x128xf32, #tpu.memory_space<vmem>>, vector<16xf32>,
          %mul3A_504 = arith.mulf %get3A_503, %gather3A_421 : vector<16xf32>
          %add3A_505 = arith.constant 1 : i32
          %add3A_506 = arith.addi %mul3A_318, %add3A_505 : i32
          %swap3A_507 = arith.index_cast %add3A_506 : i32 to index
          %swap3A_508 = arith.constant 112 : index
          %swap3A_509 = tpu.vector_load %arg10[%swap3A_507, %swap3A_508] {strides = array<i32>} : memref<128x128xf32, #tpu.memory_space<vmem>>, vector<16xf32>,
          tpu.vector_store %arg10[%swap3A_507, %swap3A_508], %mul3A_504 {strides = array<i32>} : memref<128x128xf32, #tpu.memory_space<vmem>>, vector<16xf32>,
          %scan3A_510 = arith.constant 0 : i32
          scf.yield %scan3A_510 : i32
        }
        %scan3A_278 = arith.constant 64 : i32
        %add3A_279 = arith.constant 0 : i32
        %add3A_280 = arith.addi %mul3A_251, %add3A_279 : i32
        %mul3A_281 = arith.constant 128 : i32
        %mul3A_282 = arith.muli %add3A_280, %mul3A_281 : i32
        %dma_start3A_283 = tpu.memref_slice %arg8[%mul3A_282] : memref<3840xi32, #tpu.memory_space<vmem>> -> memref<128xi32, #tpu.memory_space<vmem>>
        %dma_start3A_284 = arith.constant 0 : i32
        %dma_start3A_285 = arith.constant 0 : i32
        %dma_start3A_286 = tpu.memref_slice %arg23[%dma_start3A_284, %dma_start3A_285] : memref<10112x128xf32, #tpu.memory_space<vmem_shared>> -> memref<10112x128xf32, #tpu.memory_space<vmem_shared>>
        tpu.enqueue_indirect_dma source(%arg10 : memref<128x128xf32, #tpu.memory_space<vmem>>) target(%dma_start3A_286 : memref<10112x128xf32, #tpu.memory_space<vmem_shared>>) offsets(%dma_start3A_283 : memref<128xi32, #tpu.memory_space<vmem>>) semaphore(%arg14 : memref<!tpu.dma_semaphore, #tpu.memory_space<semaphore_mem>>) {add = true}
        %dma_wait3A_287 = tpu.memref_slice %arg7[%mul3A_263] : memref<3840xi32, #tpu.memory_space<vmem>> -> memref<128xi32, #tpu.memory_space<vmem>>
        %dma_wait3A_288 = arith.constant 0 : i32
        %dma_wait3A_289 = arith.constant 0 : i32
        %dma_wait3A_290 = tpu.memref_slice %arg2[%dma_wait3A_288, %dma_wait3A_289] : memref<10000x128xf32, #tpu.memory_space<hbm>> -> memref<10000x128xf32, #tpu.memory_space<hbm>>
        tpu.wait_indirect_dma semaphore(%arg13 : memref<!tpu.dma_semaphore, #tpu.memory_space<semaphore_mem>>) src(%dma_wait3A_290 : memref<10000x128xf32, #tpu.memory_space<hbm>>) dst(%arg11 : memref<128x128xf32, #tpu.memory_space<vmem>>)
        %scan3A_291 = arith.constant 0 : i32
        %scan3A_292 = arith.constant 0 : i32
        %scan3A_293 = arith.constant 64 : i32
        %scan3A_294 = arith.addi %scan3A_292, %scan3A_293 : i32
        %scan3A_295 = arith.constant 1 : i32
        %scan3A_296 = scf.for %scan3A_315 = %scan3A_292 to %scan3A_294 step %scan3A_295 iter_args(%scan3A_316 = %scan3A_291) -> (i32)  : i32 {
          %mul3A_317 = arith.constant 2 : i32
          %mul3A_318 = arith.muli %scan3A_315, %mul3A_317 : i32
          %add3A_319 = arith.constant 1 : i32
          %add3A_320 = arith.addi %mul3A_251, %add3A_319 : i32
          %mul3A_321 = arith.constant 128 : i32
          %mul3A_322 = arith.muli %add3A_320, %mul3A_321 : i32
          %add3A_323 = arith.addi %mul3A_322, %mul3A_318 : i32
          %add3A_324 = arith.constant 0 : i32
          %add3A_325 = arith.addi %add3A_323, %add3A_324 : i32
          %broadcast_in_dim3A_326 = vector.broadcast %add3A_325 : i32 to vector<16xi32>
          %gather3A = tpu.vector_load_idx %arg9[%broadcast_in_dim3A_326] : memref<3840xf32, #tpu.memory_space<vmem>>[vector<16xi32>], vector<16xf32>,
          %add3A_327 = arith.constant 0 : i32
          %add3A_328 = arith.addi %mul3A_318, %add3A_327 : i32
          %get3A = arith.index_cast %add3A_328 : i32 to index
          %get3A_329 = arith.constant 0 : index
          %get3A_330 = tpu.vector_load %arg11[%get3A, %get3A_329] {strides = array<i32>} : memref<128x128xf32, #tpu.memory_space<vmem>>, vector<16xf32>,
          %mul3A_331 = arith.mulf %get3A_330, %gather3A : vector<16xf32>
          %add3A_332 = arith.constant 0 : i32
          %add3A_333 = arith.addi %mul3A_318, %add3A_332 : i32
          %swap3A = arith.index_cast %add3A_333 : i32 to index
          %swap3A_334 = arith.constant 0 : index
          %swap3A_335 = tpu.vector_load %arg11[%swap3A, %swap3A_334] {strides = array<i32>} : memref<128x128xf32, #tpu.memory_space<vmem>>, vector<16xf32>,
          tpu.vector_store %arg11[%swap3A, %swap3A_334], %mul3A_331 {strides = array<i32>} : memref<128x128xf32, #tpu.memory_space<vmem>>, vector<16xf32>,
          %add3A_336 = arith.constant 0 : i32
          %add3A_337 = arith.addi %mul3A_318, %add3A_336 : i32
          %get3A_338 = arith.index_cast %add3A_337 : i32 to index
          %get3A_339 = arith.constant 16 : index
          %get3A_340 = tpu.vector_load %arg11[%get3A_338, %get3A_339] {strides = array<i32>} : memref<128x128xf32, #tpu.memory_space<vmem>>, vector<16xf32>,
          %mul3A_341 = arith.mulf %get3A_340, %gather3A : vector<16xf32>
          %add3A_342 = arith.constant 0 : i32
          %add3A_343 = arith.addi %mul3A_318, %add3A_342 : i32
          %swap3A_344 = arith.index_cast %add3A_343 : i32 to index
          %swap3A_345 = arith.constant 16 : index
          %swap3A_346 = tpu.vector_load %arg11[%swap3A_344, %swap3A_345] {strides = array<i32>} : memref<128x128xf32, #tpu.memory_space<vmem>>, vector<16xf32>,
          tpu.vector_store %arg11[%swap3A_344, %swap3A_345], %mul3A_341 {strides = array<i32>} : memref<128x128xf32, #tpu.memory_space<vmem>>, vector<16xf32>,
          %add3A_347 = arith.constant 0 : i32
          %add3A_348 = arith.addi %mul3A_318, %add3A_347 : i32
          %get3A_349 = arith.index_cast %add3A_348 : i32 to index
          %get3A_350 = arith.constant 32 : index
          %get3A_351 = tpu.vector_load %arg11[%get3A_349, %get3A_350] {strides = array<i32>} : memref<128x128xf32, #tpu.memory_space<vmem>>, vector<16xf32>,
          %mul3A_352 = arith.mulf %get3A_351, %gather3A : vector<16xf32>
          %add3A_353 = arith.constant 0 : i32
          %add3A_354 = arith.addi %mul3A_318, %add3A_353 : i32
          %swap3A_355 = arith.index_cast %add3A_354 : i32 to index
          %swap3A_356 = arith.constant 32 : index
          %swap3A_357 = tpu.vector_load %arg11[%swap3A_355, %swap3A_356] {strides = array<i32>} : memref<128x128xf32, #tpu.memory_space<vmem>>, vector<16xf32>,
          tpu.vector_store %arg11[%swap3A_355, %swap3A_356], %mul3A_352 {strides = array<i32>} : memref<128x128xf32, #tpu.memory_space<vmem>>, vector<16xf32>,
          %add3A_358 = arith.constant 0 : i32
          %add3A_359 = arith.addi %mul3A_318, %add3A_358 : i32
          %get3A_360 = arith.index_cast %add3A_359 : i32 to index
          %get3A_361 = arith.constant 48 : index
          %get3A_362 = tpu.vector_load %arg11[%get3A_360, %get3A_361] {strides = array<i32>} : memref<128x128xf32, #tpu.memory_space<vmem>>, vector<16xf32>,
          %mul3A_363 = arith.mulf %get3A_362, %gather3A : vector<16xf32>
          %add3A_364 = arith.constant 0 : i32
          %add3A_365 = arith.addi %mul3A_318, %add3A_364 : i32
          %swap3A_366 = arith.index_cast %add3A_365 : i32 to index
          %swap3A_367 = arith.constant 48 : index
          %swap3A_368 = tpu.vector_load %arg11[%swap3A_366, %swap3A_367] {strides = array<i32>} : memref<128x128xf32, #tpu.memory_space<vmem>>, vector<16xf32>,
          tpu.vector_store %arg11[%swap3A_366, %swap3A_367], %mul3A_363 {strides = array<i32>} : memref<128x128xf32, #tpu.memory_space<vmem>>, vector<16xf32>,
          %add3A_369 = arith.constant 0 : i32
          %add3A_370 = arith.addi %mul3A_318, %add3A_369 : i32
          %get3A_371 = arith.index_cast %add3A_370 : i32 to index
          %get3A_372 = arith.constant 64 : index
          %get3A_373 = tpu.vector_load %arg11[%get3A_371, %get3A_372] {strides = array<i32>} : memref<128x128xf32, #tpu.memory_space<vmem>>, vector<16xf32>,
          %mul3A_374 = arith.mulf %get3A_373, %gather3A : vector<16xf32>
          %add3A_375 = arith.constant 0 : i32
          %add3A_376 = arith.addi %mul3A_318, %add3A_375 : i32
          %swap3A_377 = arith.index_cast %add3A_376 : i32 to index
          %swap3A_378 = arith.constant 64 : index
          %swap3A_379 = tpu.vector_load %arg11[%swap3A_377, %swap3A_378] {strides = array<i32>} : memref<128x128xf32, #tpu.memory_space<vmem>>, vector<16xf32>,
          tpu.vector_store %arg11[%swap3A_377, %swap3A_378], %mul3A_374 {strides = array<i32>} : memref<128x128xf32, #tpu.memory_space<vmem>>, vector<16xf32>,
          %add3A_380 = arith.constant 0 : i32
          %add3A_381 = arith.addi %mul3A_318, %add3A_380 : i32
          %get3A_382 = arith.index_cast %add3A_381 : i32 to index
          %get3A_383 = arith.constant 80 : index
          %get3A_384 = tpu.vector_load %arg11[%get3A_382, %get3A_383] {strides = array<i32>} : memref<128x128xf32, #tpu.memory_space<vmem>>, vector<16xf32>,
          %mul3A_385 = arith.mulf %get3A_384, %gather3A : vector<16xf32>
          %add3A_386 = arith.constant 0 : i32
          %add3A_387 = arith.addi %mul3A_318, %add3A_386 : i32
          %swap3A_388 = arith.index_cast %add3A_387 : i32 to index
          %swap3A_389 = arith.constant 80 : index
          %swap3A_390 = tpu.vector_load %arg11[%swap3A_388, %swap3A_389] {strides = array<i32>} : memref<128x128xf32, #tpu.memory_space<vmem>>, vector<16xf32>,
          tpu.vector_store %arg11[%swap3A_388, %swap3A_389], %mul3A_385 {strides = array<i32>} : memref<128x128xf32, #tpu.memory_space<vmem>>, vector<16xf32>,
          %add3A_391 = arith.constant 0 : i32
          %add3A_392 = arith.addi %mul3A_318, %add3A_391 : i32
          %get3A_393 = arith.index_cast %add3A_392 : i32 to index
          %get3A_394 = arith.constant 96 : index
          %get3A_395 = tpu.vector_load %arg11[%get3A_393, %get3A_394] {strides = array<i32>} : memref<128x128xf32, #tpu.memory_space<vmem>>, vector<16xf32>,
          %mul3A_396 = arith.mulf %get3A_395, %gather3A : vector<16xf32>
          %add3A_397 = arith.constant 0 : i32
          %add3A_398 = arith.addi %mul3A_318, %add3A_397 : i32
          %swap3A_399 = arith.index_cast %add3A_398 : i32 to index
          %swap3A_400 = arith.constant 96 : index
          %swap3A_401 = tpu.vector_load %arg11[%swap3A_399, %swap3A_400] {strides = array<i32>} : memref<128x128xf32, #tpu.memory_space<vmem>>, vector<16xf32>,
          tpu.vector_store %arg11[%swap3A_399, %swap3A_400], %mul3A_396 {strides = array<i32>} : memref<128x128xf32, #tpu.memory_space<vmem>>, vector<16xf32>,
          %add3A_402 = arith.constant 0 : i32
          %add3A_403 = arith.addi %mul3A_318, %add3A_402 : i32
          %get3A_404 = arith.index_cast %add3A_403 : i32 to index
          %get3A_405 = arith.constant 112 : index
          %get3A_406 = tpu.vector_load %arg11[%get3A_404, %get3A_405] {strides = array<i32>} : memref<128x128xf32, #tpu.memory_space<vmem>>, vector<16xf32>,
          %mul3A_407 = arith.mulf %get3A_406, %gather3A : vector<16xf32>
          %add3A_408 = arith.constant 0 : i32
          %add3A_409 = arith.addi %mul3A_318, %add3A_408 : i32
          %swap3A_410 = arith.index_cast %add3A_409 : i32 to index
          %swap3A_411 = arith.constant 112 : index
          %swap3A_412 = tpu.vector_load %arg11[%swap3A_410, %swap3A_411] {strides = array<i32>} : memref<128x128xf32, #tpu.memory_space<vmem>>, vector<16xf32>,
          tpu.vector_store %arg11[%swap3A_410, %swap3A_411], %mul3A_407 {strides = array<i32>} : memref<128x128xf32, #tpu.memory_space<vmem>>, vector<16xf32>,
          %add3A_413 = arith.constant 1 : i32
          %add3A_414 = arith.addi %mul3A_251, %add3A_413 : i32
          %mul3A_415 = arith.constant 128 : i32
          %mul3A_416 = arith.muli %add3A_414, %mul3A_415 : i32
          %add3A_417 = arith.addi %mul3A_416, %mul3A_318 : i32
          %add3A_418 = arith.constant 1 : i32
          %add3A_419 = arith.addi %add3A_417, %add3A_418 : i32
          %broadcast_in_dim3A_420 = vector.broadcast %add3A_419 : i32 to vector<16xi32>
          %gather3A_421 = tpu.vector_load_idx %arg9[%broadcast_in_dim3A_420] : memref<3840xf32, #tpu.memory_space<vmem>>[vector<16xi32>], vector<16xf32>,
          %add3A_422 = arith.constant 1 : i32
          %add3A_423 = arith.addi %mul3A_318, %add3A_422 : i32
          %get3A_424 = arith.index_cast %add3A_423 : i32 to index
          %get3A_425 = arith.constant 0 : index
          %get3A_426 = tpu.vector_load %arg11[%get3A_424, %get3A_425] {strides = array<i32>} : memref<128x128xf32, #tpu.memory_space<vmem>>, vector<16xf32>,
          %mul3A_427 = arith.mulf %get3A_426, %gather3A_421 : vector<16xf32>
          %add3A_428 = arith.constant 1 : i32
          %add3A_429 = arith.addi %mul3A_318, %add3A_428 : i32
          %swap3A_430 = arith.index_cast %add3A_429 : i32 to index
          %swap3A_431 = arith.constant 0 : index
          %swap3A_432 = tpu.vector_load %arg11[%swap3A_430, %swap3A_431] {strides = array<i32>} : memref<128x128xf32, #tpu.memory_space<vmem>>, vector<16xf32>,
          tpu.vector_store %arg11[%swap3A_430, %swap3A_431], %mul3A_427 {strides = array<i32>} : memref<128x128xf32, #tpu.memory_space<vmem>>, vector<16xf32>,
          %add3A_433 = arith.constant 1 : i32
          %add3A_434 = arith.addi %mul3A_318, %add3A_433 : i32
          %get3A_435 = arith.index_cast %add3A_434 : i32 to index
          %get3A_436 = arith.constant 16 : index
          %get3A_437 = tpu.vector_load %arg11[%get3A_435, %get3A_436] {strides = array<i32>} : memref<128x128xf32, #tpu.memory_space<vmem>>, vector<16xf32>,
          %mul3A_438 = arith.mulf %get3A_437, %gather3A_421 : vector<16xf32>
          %add3A_439 = arith.constant 1 : i32
          %add3A_440 = arith.addi %mul3A_318, %add3A_439 : i32
          %swap3A_441 = arith.index_cast %add3A_440 : i32 to index
          %swap3A_442 = arith.constant 16 : index
          %swap3A_443 = tpu.vector_load %arg11[%swap3A_441, %swap3A_442] {strides = array<i32>} : memref<128x128xf32, #tpu.memory_space<vmem>>, vector<16xf32>,
          tpu.vector_store %arg11[%swap3A_441, %swap3A_442], %mul3A_438 {strides = array<i32>} : memref<128x128xf32, #tpu.memory_space<vmem>>, vector<16xf32>,
          %add3A_444 = arith.constant 1 : i32
          %add3A_445 = arith.addi %mul3A_318, %add3A_444 : i32
          %get3A_446 = arith.index_cast %add3A_445 : i32 to index
          %get3A_447 = arith.constant 32 : index
          %get3A_448 = tpu.vector_load %arg11[%get3A_446, %get3A_447] {strides = array<i32>} : memref<128x128xf32, #tpu.memory_space<vmem>>, vector<16xf32>,
          %mul3A_449 = arith.mulf %get3A_448, %gather3A_421 : vector<16xf32>
          %add3A_450 = arith.constant 1 : i32
          %add3A_451 = arith.addi %mul3A_318, %add3A_450 : i32
          %swap3A_452 = arith.index_cast %add3A_451 : i32 to index
          %swap3A_453 = arith.constant 32 : index
          %swap3A_454 = tpu.vector_load %arg11[%swap3A_452, %swap3A_453] {strides = array<i32>} : memref<128x128xf32, #tpu.memory_space<vmem>>, vector<16xf32>,
          tpu.vector_store %arg11[%swap3A_452, %swap3A_453], %mul3A_449 {strides = array<i32>} : memref<128x128xf32, #tpu.memory_space<vmem>>, vector<16xf32>,
          %add3A_455 = arith.constant 1 : i32
          %add3A_456 = arith.addi %mul3A_318, %add3A_455 : i32
          %get3A_457 = arith.index_cast %add3A_456 : i32 to index
          %get3A_458 = arith.constant 48 : index
          %get3A_459 = tpu.vector_load %arg11[%get3A_457, %get3A_458] {strides = array<i32>} : memref<128x128xf32, #tpu.memory_space<vmem>>, vector<16xf32>,
          %mul3A_460 = arith.mulf %get3A_459, %gather3A_421 : vector<16xf32>
          %add3A_461 = arith.constant 1 : i32
          %add3A_462 = arith.addi %mul3A_318, %add3A_461 : i32
          %swap3A_463 = arith.index_cast %add3A_462 : i32 to index
          %swap3A_464 = arith.constant 48 : index
          %swap3A_465 = tpu.vector_load %arg11[%swap3A_463, %swap3A_464] {strides = array<i32>} : memref<128x128xf32, #tpu.memory_space<vmem>>, vector<16xf32>,
          tpu.vector_store %arg11[%swap3A_463, %swap3A_464], %mul3A_460 {strides = array<i32>} : memref<128x128xf32, #tpu.memory_space<vmem>>, vector<16xf32>,
          %add3A_466 = arith.constant 1 : i32
          %add3A_467 = arith.addi %mul3A_318, %add3A_466 : i32
          %get3A_468 = arith.index_cast %add3A_467 : i32 to index
          %get3A_469 = arith.constant 64 : index
          %get3A_470 = tpu.vector_load %arg11[%get3A_468, %get3A_469] {strides = array<i32>} : memref<128x128xf32, #tpu.memory_space<vmem>>, vector<16xf32>,
          %mul3A_471 = arith.mulf %get3A_470, %gather3A_421 : vector<16xf32>
          %add3A_472 = arith.constant 1 : i32
          %add3A_473 = arith.addi %mul3A_318, %add3A_472 : i32
          %swap3A_474 = arith.index_cast %add3A_473 : i32 to index
          %swap3A_475 = arith.constant 64 : index
          %swap3A_476 = tpu.vector_load %arg11[%swap3A_474, %swap3A_475] {strides = array<i32>} : memref<128x128xf32, #tpu.memory_space<vmem>>, vector<16xf32>,
          tpu.vector_store %arg11[%swap3A_474, %swap3A_475], %mul3A_471 {strides = array<i32>} : memref<128x128xf32, #tpu.memory_space<vmem>>, vector<16xf32>,
          %add3A_477 = arith.constant 1 : i32
          %add3A_478 = arith.addi %mul3A_318, %add3A_477 : i32
          %get3A_479 = arith.index_cast %add3A_478 : i32 to index
          %get3A_480 = arith.constant 80 : index
          %get3A_481 = tpu.vector_load %arg11[%get3A_479, %get3A_480] {strides = array<i32>} : memref<128x128xf32, #tpu.memory_space<vmem>>, vector<16xf32>,
          %mul3A_482 = arith.mulf %get3A_481, %gather3A_421 : vector<16xf32>
          %add3A_483 = arith.constant 1 : i32
          %add3A_484 = arith.addi %mul3A_318, %add3A_483 : i32
          %swap3A_485 = arith.index_cast %add3A_484 : i32 to index
          %swap3A_486 = arith.constant 80 : index
          %swap3A_487 = tpu.vector_load %arg11[%swap3A_485, %swap3A_486] {strides = array<i32>} : memref<128x128xf32, #tpu.memory_space<vmem>>, vector<16xf32>,
          tpu.vector_store %arg11[%swap3A_485, %swap3A_486], %mul3A_482 {strides = array<i32>} : memref<128x128xf32, #tpu.memory_space<vmem>>, vector<16xf32>,
          %add3A_488 = arith.constant 1 : i32
          %add3A_489 = arith.addi %mul3A_318, %add3A_488 : i32
          %get3A_490 = arith.index_cast %add3A_489 : i32 to index
          %get3A_491 = arith.constant 96 : index
          %get3A_492 = tpu.vector_load %arg11[%get3A_490, %get3A_491] {strides = array<i32>} : memref<128x128xf32, #tpu.memory_space<vmem>>, vector<16xf32>,
          %mul3A_493 = arith.mulf %get3A_492, %gather3A_421 : vector<16xf32>
          %add3A_494 = arith.constant 1 : i32
          %add3A_495 = arith.addi %mul3A_318, %add3A_494 : i32
          %swap3A_496 = arith.index_cast %add3A_495 : i32 to index
          %swap3A_497 = arith.constant 96 : index
          %swap3A_498 = tpu.vector_load %arg11[%swap3A_496, %swap3A_497] {strides = array<i32>} : memref<128x128xf32, #tpu.memory_space<vmem>>, vector<16xf32>,
          tpu.vector_store %arg11[%swap3A_496, %swap3A_497], %mul3A_493 {strides = array<i32>} : memref<128x128xf32, #tpu.memory_space<vmem>>, vector<16xf32>,
          %add3A_499 = arith.constant 1 : i32
          %add3A_500 = arith.addi %mul3A_318, %add3A_499 : i32
          %get3A_501 = arith.index_cast %add3A_500 : i32 to index
          %get3A_502 = arith.constant 112 : index
          %get3A_503 = tpu.vector_load %arg11[%get3A_501, %get3A_502] {strides = array<i32>} : memref<128x128xf32, #tpu.memory_space<vmem>>, vector<16xf32>,
          %mul3A_504 = arith.mulf %get3A_503, %gather3A_421 : vector<16xf32>
          %add3A_505 = arith.constant 1 : i32
          %add3A_506 = arith.addi %mul3A_318, %add3A_505 : i32
          %swap3A_507 = arith.index_cast %add3A_506 : i32 to index
          %swap3A_508 = arith.constant 112 : index
          %swap3A_509 = tpu.vector_load %arg11[%swap3A_507, %swap3A_508] {strides = array<i32>} : memref<128x128xf32, #tpu.memory_space<vmem>>, vector<16xf32>,
          tpu.vector_store %arg11[%swap3A_507, %swap3A_508], %mul3A_504 {strides = array<i32>} : memref<128x128xf32, #tpu.memory_space<vmem>>, vector<16xf32>,
          %scan3A_510 = arith.constant 0 : i32
          scf.yield %scan3A_510 : i32
        }
        %scan3A_297 = arith.constant 64 : i32
        %add3A_298 = arith.constant 1 : i32
        %add3A_299 = arith.addi %mul3A_251, %add3A_298 : i32
        %mul3A_300 = arith.constant 128 : i32
        %mul3A_301 = arith.muli %add3A_299, %mul3A_300 : i32
        %dma_start3A_302 = tpu.memref_slice %arg8[%mul3A_301] : memref<3840xi32, #tpu.memory_space<vmem>> -> memref<128xi32, #tpu.memory_space<vmem>>
        %dma_start3A_303 = arith.constant 0 : i32
        %dma_start3A_304 = arith.constant 0 : i32
        %dma_start3A_305 = tpu.memref_slice %arg23[%dma_start3A_303, %dma_start3A_304] : memref<10112x128xf32, #tpu.memory_space<vmem_shared>> -> memref<10112x128xf32, #tpu.memory_space<vmem_shared>>
        tpu.enqueue_indirect_dma source(%arg11 : memref<128x128xf32, #tpu.memory_space<vmem>>) target(%dma_start3A_305 : memref<10112x128xf32, #tpu.memory_space<vmem_shared>>) offsets(%dma_start3A_302 : memref<128xi32, #tpu.memory_space<vmem>>) semaphore(%arg15 : memref<!tpu.dma_semaphore, #tpu.memory_space<semaphore_mem>>) {add = true}
        %dma_wait3A_306 = tpu.memref_slice %arg8[%mul3A_282] : memref<3840xi32, #tpu.memory_space<vmem>> -> memref<128xi32, #tpu.memory_space<vmem>>
        %dma_wait3A_307 = arith.constant 0 : i32
        %dma_wait3A_308 = arith.constant 0 : i32
        %dma_wait3A_309 = tpu.memref_slice %arg23[%dma_wait3A_307, %dma_wait3A_308] : memref<10112x128xf32, #tpu.memory_space<vmem_shared>> -> memref<10112x128xf32, #tpu.memory_space<vmem_shared>>
        tpu.wait_indirect_dma semaphore(%arg14 : memref<!tpu.dma_semaphore, #tpu.memory_space<semaphore_mem>>) src(%arg10 : memref<128x128xf32, #tpu.memory_space<vmem>>) dst(%dma_wait3A_309 : memref<10112x128xf32, #tpu.memory_space<vmem_shared>>)
        %dma_wait3A_310 = tpu.memref_slice %arg8[%mul3A_301] : memref<3840xi32, #tpu.memory_space<vmem>> -> memref<128xi32, #tpu.memory_space<vmem>>
        %dma_wait3A_311 = arith.constant 0 : i32
        %dma_wait3A_312 = arith.constant 0 : i32
        %dma_wait3A_313 = tpu.memref_slice %arg23[%dma_wait3A_311, %dma_wait3A_312] : memref<10112x128xf32, #tpu.memory_space<vmem_shared>> -> memref<10112x128xf32, #tpu.memory_space<vmem_shared>>
        tpu.wait_indirect_dma semaphore(%arg15 : memref<!tpu.dma_semaphore, #tpu.memory_space<semaphore_mem>>) src(%arg11 : memref<128x128xf32, #tpu.memory_space<vmem>>) dst(%dma_wait3A_313 : memref<10112x128xf32, #tpu.memory_space<vmem_shared>>)
        %scan3A_314 = arith.constant 0 : i32
        scf.yield %scan3A_314 : i32
      }
      %scan3A_247 = arith.constant 13 : i32
    } else {
    }
    %barrier3A_122 = arith.constant 0 : index
    tpu.barrier barrier_id(%barrier3A_122)
    %add3A_123 = arith.constant 0 : i32
    %add3A_124 = arith.addi %mul3A_0, %add3A_123 : i32
    %dma_start3A_125 = arith.constant 0 : i32
    %dma_start3A_126 = arith.constant 0 : i32
    %dma_start3A_127 = tpu.memref_slice %arg6[%arg0, %dma_start3A_125, %dma_start3A_126] : memref<2x10112x128xf32, #tpu.memory_space<hbm>> -> memref<1x10112x128xf32, #tpu.memory_space<hbm>>
    %dma_start3A_128 = tpu.memref_squeeze %dma_start3A_127 : memref<1x10112x128xf32, #tpu.memory_space<hbm>> -> memref<10112x128xf32, #tpu.memory_space<hbm>>
    %dma_start3A_129 = arith.constant 0 : i32
    %dma_start3A_130 = tpu.memref_slice %dma_start3A_128[%add3A_124, %dma_start3A_129] : memref<10112x128xf32, #tpu.memory_space<hbm>> -> memref<160x128xf32, #tpu.memory_space<hbm>>
    %dma_start3A_131 = arith.constant 0 : i32
    %dma_start3A_132 = tpu.memref_slice %arg23[%add3A_124, %dma_start3A_131] : memref<10112x128xf32, #tpu.memory_space<vmem_shared>> -> memref<160x128xf32, #tpu.memory_space<vmem_shared>>
    tpu.enqueue_dma source(%dma_start3A_132 : memref<160x128xf32, #tpu.memory_space<vmem_shared>>) target(%dma_start3A_130 : memref<160x128xf32, #tpu.memory_space<hbm>>) target_semaphore(%arg19 : memref<!tpu.dma_semaphore, #tpu.memory_space<semaphore_mem>>)
    %add3A_133 = arith.constant 160 : i32
    %add3A_134 = arith.addi %mul3A_0, %add3A_133 : i32
    %dma_start3A_135 = arith.constant 0 : i32
    %dma_start3A_136 = arith.constant 0 : i32
    %dma_start3A_137 = tpu.memref_slice %arg6[%arg0, %dma_start3A_135, %dma_start3A_136] : memref<2x10112x128xf32, #tpu.memory_space<hbm>> -> memref<1x10112x128xf32, #tpu.memory_space<hbm>>
    %dma_start3A_138 = tpu.memref_squeeze %dma_start3A_137 : memref<1x10112x128xf32, #tpu.memory_space<hbm>> -> memref<10112x128xf32, #tpu.memory_space<hbm>>
    %dma_start3A_139 = arith.constant 0 : i32
    %dma_start3A_140 = tpu.memref_slice %dma_start3A_138[%add3A_134, %dma_start3A_139] : memref<10112x128xf32, #tpu.memory_space<hbm>> -> memref<160x128xf32, #tpu.memory_space<hbm>>
    %dma_start3A_141 = arith.constant 0 : i32
    %dma_start3A_142 = tpu.memref_slice %arg23[%add3A_134, %dma_start3A_141] : memref<10112x128xf32, #tpu.memory_space<vmem_shared>> -> memref<160x128xf32, #tpu.memory_space<vmem_shared>>
    tpu.enqueue_dma source(%dma_start3A_142 : memref<160x128xf32, #tpu.memory_space<vmem_shared>>) target(%dma_start3A_140 : memref<160x128xf32, #tpu.memory_space<hbm>>) target_semaphore(%arg20 : memref<!tpu.dma_semaphore, #tpu.memory_space<semaphore_mem>>)
    %add3A_143 = arith.constant 320 : i32
    %add3A_144 = arith.addi %mul3A_0, %add3A_143 : i32
    %dma_start3A_145 = arith.constant 0 : i32
    %dma_start3A_146 = arith.constant 0 : i32
    %dma_start3A_147 = tpu.memref_slice %arg6[%arg0, %dma_start3A_145, %dma_start3A_146] : memref<2x10112x128xf32, #tpu.memory_space<hbm>> -> memref<1x10112x128xf32, #tpu.memory_space<hbm>>
    %dma_start3A_148 = tpu.memref_squeeze %dma_start3A_147 : memref<1x10112x128xf32, #tpu.memory_space<hbm>> -> memref<10112x128xf32, #tpu.memory_space<hbm>>
    %dma_start3A_149 = arith.constant 0 : i32
    %dma_start3A_150 = tpu.memref_slice %dma_start3A_148[%add3A_144, %dma_start3A_149] : memref<10112x128xf32, #tpu.memory_space<hbm>> -> memref<160x128xf32, #tpu.memory_space<hbm>>
    %dma_start3A_151 = arith.constant 0 : i32
    %dma_start3A_152 = tpu.memref_slice %arg23[%add3A_144, %dma_start3A_151] : memref<10112x128xf32, #tpu.memory_space<vmem_shared>> -> memref<160x128xf32, #tpu.memory_space<vmem_shared>>
    tpu.enqueue_dma source(%dma_start3A_152 : memref<160x128xf32, #tpu.memory_space<vmem_shared>>) target(%dma_start3A_150 : memref<160x128xf32, #tpu.memory_space<hbm>>) target_semaphore(%arg21 : memref<!tpu.dma_semaphore, #tpu.memory_space<semaphore_mem>>)
    %add3A_153 = arith.constant 480 : i32
    %add3A_154 = arith.addi %mul3A_0, %add3A_153 : i32
    %dma_start3A_155 = arith.constant 0 : i32
    %dma_start3A_156 = arith.constant 0 : i32
    %dma_start3A_157 = tpu.memref_slice %arg6[%arg0, %dma_start3A_155, %dma_start3A_156] : memref<2x10112x128xf32, #tpu.memory_space<hbm>> -> memref<1x10112x128xf32, #tpu.memory_space<hbm>>
    %dma_start3A_158 = tpu.memref_squeeze %dma_start3A_157 : memref<1x10112x128xf32, #tpu.memory_space<hbm>> -> memref<10112x128xf32, #tpu.memory_space<hbm>>
    %dma_start3A_159 = arith.constant 0 : i32
    %dma_start3A_160 = tpu.memref_slice %dma_start3A_158[%add3A_154, %dma_start3A_159] : memref<10112x128xf32, #tpu.memory_space<hbm>> -> memref<152x128xf32, #tpu.memory_space<hbm>>
    %dma_start3A_161 = arith.constant 0 : i32
    %dma_start3A_162 = tpu.memref_slice %arg23[%add3A_154, %dma_start3A_161] : memref<10112x128xf32, #tpu.memory_space<vmem_shared>> -> memref<152x128xf32, #tpu.memory_space<vmem_shared>>
    tpu.enqueue_dma source(%dma_start3A_162 : memref<152x128xf32, #tpu.memory_space<vmem_shared>>) target(%dma_start3A_160 : memref<152x128xf32, #tpu.memory_space<hbm>>) target_semaphore(%arg22 : memref<!tpu.dma_semaphore, #tpu.memory_space<semaphore_mem>>)
    %dma_wait3A_163 = arith.constant 0 : i32
    %dma_wait3A_164 = arith.constant 0 : i32
    %dma_wait3A_165 = tpu.memref_slice %arg6[%arg0, %dma_wait3A_163, %dma_wait3A_164] : memref<2x10112x128xf32, #tpu.memory_space<hbm>> -> memref<1x10112x128xf32, #tpu.memory_space<hbm>>
    %dma_wait3A_166 = tpu.memref_squeeze %dma_wait3A_165 : memref<1x10112x128xf32, #tpu.memory_space<hbm>> -> memref<10112x128xf32, #tpu.memory_space<hbm>>
    %dma_wait3A_167 = arith.constant 0 : i32
    %dma_wait3A_168 = tpu.memref_slice %dma_wait3A_166[%add3A_124, %dma_wait3A_167] : memref<10112x128xf32, #tpu.memory_space<hbm>> -> memref<160x128xf32, #tpu.memory_space<hbm>>
    %dma_wait3A_169 = arith.constant 0 : i32
    %dma_wait3A_170 = tpu.memref_slice %arg23[%add3A_124, %dma_wait3A_169] : memref<10112x128xf32, #tpu.memory_space<vmem_shared>> -> memref<160x128xf32, #tpu.memory_space<vmem_shared>>
    tpu.wait_dma2 semaphore(%arg19 : memref<!tpu.dma_semaphore, #tpu.memory_space<semaphore_mem>>) src(%dma_wait3A_170 : memref<160x128xf32, #tpu.memory_space<vmem_shared>>) dst(%dma_wait3A_168 : memref<160x128xf32, #tpu.memory_space<hbm>>)
    %dma_wait3A_171 = arith.constant 0 : i32
    %dma_wait3A_172 = arith.constant 0 : i32
    %dma_wait3A_173 = tpu.memref_slice %arg6[%arg0, %dma_wait3A_171, %dma_wait3A_172] : memref<2x10112x128xf32, #tpu.memory_space<hbm>> -> memref<1x10112x128xf32, #tpu.memory_space<hbm>>
    %dma_wait3A_174 = tpu.memref_squeeze %dma_wait3A_173 : memref<1x10112x128xf32, #tpu.memory_space<hbm>> -> memref<10112x128xf32, #tpu.memory_space<hbm>>
    %dma_wait3A_175 = arith.constant 0 : i32
    %dma_wait3A_176 = tpu.memref_slice %dma_wait3A_174[%add3A_134, %dma_wait3A_175] : memref<10112x128xf32, #tpu.memory_space<hbm>> -> memref<160x128xf32, #tpu.memory_space<hbm>>
    %dma_wait3A_177 = arith.constant 0 : i32
    %dma_wait3A_178 = tpu.memref_slice %arg23[%add3A_134, %dma_wait3A_177] : memref<10112x128xf32, #tpu.memory_space<vmem_shared>> -> memref<160x128xf32, #tpu.memory_space<vmem_shared>>
    tpu.wait_dma2 semaphore(%arg20 : memref<!tpu.dma_semaphore, #tpu.memory_space<semaphore_mem>>) src(%dma_wait3A_178 : memref<160x128xf32, #tpu.memory_space<vmem_shared>>) dst(%dma_wait3A_176 : memref<160x128xf32, #tpu.memory_space<hbm>>)
    %dma_wait3A_179 = arith.constant 0 : i32
    %dma_wait3A_180 = arith.constant 0 : i32
    %dma_wait3A_181 = tpu.memref_slice %arg6[%arg0, %dma_wait3A_179, %dma_wait3A_180] : memref<2x10112x128xf32, #tpu.memory_space<hbm>> -> memref<1x10112x128xf32, #tpu.memory_space<hbm>>
    %dma_wait3A_182 = tpu.memref_squeeze %dma_wait3A_181 : memref<1x10112x128xf32, #tpu.memory_space<hbm>> -> memref<10112x128xf32, #tpu.memory_space<hbm>>
    %dma_wait3A_183 = arith.constant 0 : i32
    %dma_wait3A_184 = tpu.memref_slice %dma_wait3A_182[%add3A_144, %dma_wait3A_183] : memref<10112x128xf32, #tpu.memory_space<hbm>> -> memref<160x128xf32, #tpu.memory_space<hbm>>
    %dma_wait3A_185 = arith.constant 0 : i32
    %dma_wait3A_186 = tpu.memref_slice %arg23[%add3A_144, %dma_wait3A_185] : memref<10112x128xf32, #tpu.memory_space<vmem_shared>> -> memref<160x128xf32, #tpu.memory_space<vmem_shared>>
    tpu.wait_dma2 semaphore(%arg21 : memref<!tpu.dma_semaphore, #tpu.memory_space<semaphore_mem>>) src(%dma_wait3A_186 : memref<160x128xf32, #tpu.memory_space<vmem_shared>>) dst(%dma_wait3A_184 : memref<160x128xf32, #tpu.memory_space<hbm>>)
    %dma_wait3A_187 = arith.constant 0 : i32
    %dma_wait3A_188 = arith.constant 0 : i32
    %dma_wait3A_189 = tpu.memref_slice %arg6[%arg0, %dma_wait3A_187, %dma_wait3A_188] : memref<2x10112x128xf32, #tpu.memory_space<hbm>> -> memref<1x10112x128xf32, #tpu.memory_space<hbm>>
    %dma_wait3A_190 = tpu.memref_squeeze %dma_wait3A_189 : memref<1x10112x128xf32, #tpu.memory_space<hbm>> -> memref<10112x128xf32, #tpu.memory_space<hbm>>
    %dma_wait3A_191 = arith.constant 0 : i32
    %dma_wait3A_192 = tpu.memref_slice %dma_wait3A_190[%add3A_154, %dma_wait3A_191] : memref<10112x128xf32, #tpu.memory_space<hbm>> -> memref<152x128xf32, #tpu.memory_space<hbm>>
    %dma_wait3A_193 = arith.constant 0 : i32
    %dma_wait3A_194 = tpu.memref_slice %arg23[%add3A_154, %dma_wait3A_193] : memref<10112x128xf32, #tpu.memory_space<vmem_shared>> -> memref<152x128xf32, #tpu.memory_space<vmem_shared>>
    tpu.wait_dma2 semaphore(%arg22 : memref<!tpu.dma_semaphore, #tpu.memory_space<semaphore_mem>>) src(%dma_wait3A_194 : memref<152x128xf32, #tpu.memory_space<vmem_shared>>) dst(%dma_wait3A_192 : memref<152x128xf32, #tpu.memory_space<hbm>>)
    return
  }
}

#map = affine_map<(d0, d1) -> (0, 0)>
#map1 = affine_map<(d0, d1) -> (0)>
#map2 = affine_map<(d0, d1) -> (0, 0, 0)>
module attributes {stable_mosaic.version = 14 : i64} {
  func.func @_prop_body(%arg0: i32, %arg1: i32, %arg2: memref<10000x128xf32, #tpu.memory_space<hbm>>, %arg3: memref<172032xi32, #tpu.memory_space<hbm>>, %arg4: memref<172032xi32, #tpu.memory_space<hbm>>, %arg5: memref<172032xf32, #tpu.memory_space<hbm>>, %arg6: memref<2x10112x128xf32, #tpu.memory_space<hbm>>, %arg7: memref<3840xi32, #tpu.memory_space<vmem>>, %arg8: memref<3840xi32, #tpu.memory_space<vmem>>, %arg9: memref<3840xf32, #tpu.memory_space<vmem>>, %arg10: memref<128x128xf32, #tpu.memory_space<vmem>>, %arg11: memref<128x128xf32, #tpu.memory_space<vmem>>, %arg12: memref<!tpu.dma_semaphore, #tpu.memory_space<semaphore_mem>>, %arg13: memref<!tpu.dma_semaphore, #tpu.memory_space<semaphore_mem>>, %arg14: memref<!tpu.dma_semaphore, #tpu.memory_space<semaphore_mem>>, %arg15: memref<!tpu.dma_semaphore, #tpu.memory_space<semaphore_mem>>, %arg16: memref<!tpu.dma_semaphore, #tpu.memory_space<semaphore_mem>>, %arg17: memref<!tpu.dma_semaphore, #tpu.memory_space<semaphore_mem>>, %arg18: memref<!tpu.dma_semaphore, #tpu.memory_space<semaphore_mem>>, %arg19: memref<!tpu.dma_semaphore, #tpu.memory_space<semaphore_mem>>, %arg20: memref<!tpu.dma_semaphore, #tpu.memory_space<semaphore_mem>>, %arg21: memref<!tpu.dma_semaphore, #tpu.memory_space<semaphore_mem>>, %arg22: memref<!tpu.dma_semaphore, #tpu.memory_space<semaphore_mem>>, %arg23: memref<10112x128xf32, #tpu.memory_space<vmem_shared>>) attributes {dimension_semantics = [#tpu.dimension_semantics<core_parallel>, #tpu.dimension_semantics<subcore_parallel>], iteration_bounds = array<i64: 2, 16>, scalar_prefetch = 0 : i64, scratch_operands = 17 : i64, tpu.core_type = #tpu.core_type<sc_vector_subcore>, window_params = [{transform_indices = #map}, {transform_indices = #map1}, {transform_indices = #map1}, {transform_indices = #map1}, {transform_indices = #map2}]} {
    %mul3A = arith.constant 632 : i32
    %mul3A_0 = arith.muli %arg1, %mul3A : i32
    %broadcast_in_dim3A = arith.constant 0.000000e+00 : f32
    %broadcast_in_dim3A_1 = vector.broadcast %broadcast_in_dim3A : f32 to vector<16xf32>
    %scan3A = arith.constant 0 : i32
    %scan3A_2 = arith.constant 0 : i32
    %scan3A_3 = arith.constant 128 : i32
    %scan3A_4 = arith.addi %scan3A_2, %scan3A_3 : i32
    %scan3A_5 = arith.constant 1 : i32
    %scan3A_6 = scf.for %scan3A_195 = %scan3A_2 to %scan3A_4 step %scan3A_5 iter_args(%scan3A_196 = %scan3A) -> (i32)  : i32 {
      %swap3A = arith.index_cast %scan3A_195 : i32 to index
      %swap3A_197 = arith.constant 0 : index
      %swap3A_198 = tpu.vector_load %arg10[%swap3A, %swap3A_197] {strides = array<i32>} : memref<128x128xf32, #tpu.memory_space<vmem>>, vector<16xf32>,
      tpu.vector_store %arg10[%swap3A, %swap3A_197], %broadcast_in_dim3A_1 {strides = array<i32>} : memref<128x128xf32, #tpu.memory_space<vmem>>, vector<16xf32>,
      %swap3A_199 = arith.index_cast %scan3A_195 : i32 to index
      %swap3A_200 = arith.constant 16 : index
      %swap3A_201 = tpu.vector_load %arg10[%swap3A_199, %swap3A_200] {strides = array<i32>} : memref<128x128xf32, #tpu.memory_space<vmem>>, vector<16xf32>,
      tpu.vector_store %arg10[%swap3A_199, %swap3A_200], %broadcast_in_dim3A_1 {strides = array<i32>} : memref<128x128xf32, #tpu.memory_space<vmem>>, vector<16xf32>,
      %swap3A_202 = arith.index_cast %scan3A_195 : i32 to index
      %swap3A_203 = arith.constant 32 : index
      %swap3A_204 = tpu.vector_load %arg10[%swap3A_202, %swap3A_203] {strides = array<i32>} : memref<128x128xf32, #tpu.memory_space<vmem>>, vector<16xf32>,
      tpu.vector_store %arg10[%swap3A_202, %swap3A_203], %broadcast_in_dim3A_1 {strides = array<i32>} : memref<128x128xf32, #tpu.memory_space<vmem>>, vector<16xf32>,
      %swap3A_205 = arith.index_cast %scan3A_195 : i32 to index
      %swap3A_206 = arith.constant 48 : index
      %swap3A_207 = tpu.vector_load %arg10[%swap3A_205, %swap3A_206] {strides = array<i32>} : memref<128x128xf32, #tpu.memory_space<vmem>>, vector<16xf32>,
      tpu.vector_store %arg10[%swap3A_205, %swap3A_206], %broadcast_in_dim3A_1 {strides = array<i32>} : memref<128x128xf32, #tpu.memory_space<vmem>>, vector<16xf32>,
      %swap3A_208 = arith.index_cast %scan3A_195 : i32 to index
      %swap3A_209 = arith.constant 64 : index
      %swap3A_210 = tpu.vector_load %arg10[%swap3A_208, %swap3A_209] {strides = array<i32>} : memref<128x128xf32, #tpu.memory_space<vmem>>, vector<16xf32>,
      tpu.vector_store %arg10[%swap3A_208, %swap3A_209], %broadcast_in_dim3A_1 {strides = array<i32>} : memref<128x128xf32, #tpu.memory_space<vmem>>, vector<16xf32>,
      %swap3A_211 = arith.index_cast %scan3A_195 : i32 to index
      %swap3A_212 = arith.constant 80 : index
      %swap3A_213 = tpu.vector_load %arg10[%swap3A_211, %swap3A_212] {strides = array<i32>} : memref<128x128xf32, #tpu.memory_space<vmem>>, vector<16xf32>,
      tpu.vector_store %arg10[%swap3A_211, %swap3A_212], %broadcast_in_dim3A_1 {strides = array<i32>} : memref<128x128xf32, #tpu.memory_space<vmem>>, vector<16xf32>,
      %swap3A_214 = arith.index_cast %scan3A_195 : i32 to index
      %swap3A_215 = arith.constant 96 : index
      %swap3A_216 = tpu.vector_load %arg10[%swap3A_214, %swap3A_215] {strides = array<i32>} : memref<128x128xf32, #tpu.memory_space<vmem>>, vector<16xf32>,
      tpu.vector_store %arg10[%swap3A_214, %swap3A_215], %broadcast_in_dim3A_1 {strides = array<i32>} : memref<128x128xf32, #tpu.memory_space<vmem>>, vector<16xf32>,
      %swap3A_217 = arith.index_cast %scan3A_195 : i32 to index
      %swap3A_218 = arith.constant 112 : index
      %swap3A_219 = tpu.vector_load %arg10[%swap3A_217, %swap3A_218] {strides = array<i32>} : memref<128x128xf32, #tpu.memory_space<vmem>>, vector<16xf32>,
      tpu.vector_store %arg10[%swap3A_217, %swap3A_218], %broadcast_in_dim3A_1 {strides = array<i32>} : memref<128x128xf32, #tpu.memory_space<vmem>>, vector<16xf32>,
      %scan3A_220 = arith.constant 0 : i32
      scf.yield %scan3A_220 : i32
    }
    %scan3A_7 = arith.constant 128 : i32
    %add3A = arith.constant 0 : i32
    %add3A_8 = arith.addi %mul3A_0, %add3A : i32
    %dma_start3A = arith.constant 0 : i32
    %dma_start3A_9 = arith.constant 0 : i32
    %dma_start3A_10 = tpu.memref_slice %arg10[%dma_start3A, %dma_start3A_9] : memref<128x128xf32, #tpu.memory_space<vmem>> -> memref<128x128xf32, #tpu.memory_space<vmem>>
    %dma_start3A_11 = arith.constant 0 : i32
    %dma_start3A_12 = tpu.memref_slice %arg23[%add3A_8, %dma_start3A_11] : memref<10112x128xf32, #tpu.memory_space<vmem_shared>> -> memref<128x128xf32, #tpu.memory_space<vmem_shared>>
    %dma_start3A_13 = arith.constant 0 : i32
    %dma_start3A_14 = tpu.memref_slice %arg23[%add3A_8, %dma_start3A_13] : memref<10112x128xf32, #tpu.memory_space<vmem_shared>> -> memref<128x128xf32, #tpu.memory_space<vmem_shared>>
    %dma_start3A_15 = arith.constant 0 : i32
    %dma_start3A_16 = arith.constant 0 : i32
    %dma_start3A_17 = tpu.memref_slice %arg10[%dma_start3A_15, %dma_start3A_16] : memref<128x128xf32, #tpu.memory_space<vmem>> -> memref<128x128xf32, #tpu.memory_space<vmem>>
    tpu.enqueue_dma source(%dma_start3A_17 : memref<128x128xf32, #tpu.memory_space<vmem>>) target(%dma_start3A_14 : memref<128x128xf32, #tpu.memory_space<vmem_shared>>) target_semaphore(%arg19 : memref<!tpu.dma_semaphore, #tpu.memory_space<semaphore_mem>>)
    %add3A_18 = arith.constant 128 : i32
    %add3A_19 = arith.addi %mul3A_0, %add3A_18 : i32
    %dma_start3A_20 = arith.constant 0 : i32
    %dma_start3A_21 = arith.constant 0 : i32
    %dma_start3A_22 = tpu.memref_slice %arg10[%dma_start3A_20, %dma_start3A_21] : memref<128x128xf32, #tpu.memory_space<vmem>> -> memref<128x128xf32, #tpu.memory_space<vmem>>
    %dma_start3A_23 = arith.constant 0 : i32
    %dma_start3A_24 = tpu.memref_slice %arg23[%add3A_19, %dma_start3A_23] : memref<10112x128xf32, #tpu.memory_space<vmem_shared>> -> memref<128x128xf32, #tpu.memory_space<vmem_shared>>
    %dma_start3A_25 = arith.constant 0 : i32
    %dma_start3A_26 = tpu.memref_slice %arg23[%add3A_19, %dma_start3A_25] : memref<10112x128xf32, #tpu.memory_space<vmem_shared>> -> memref<128x128xf32, #tpu.memory_space<vmem_shared>>
    %dma_start3A_27 = arith.constant 0 : i32
    %dma_start3A_28 = arith.constant 0 : i32
    %dma_start3A_29 = tpu.memref_slice %arg10[%dma_start3A_27, %dma_start3A_28] : memref<128x128xf32, #tpu.memory_space<vmem>> -> memref<128x128xf32, #tpu.memory_space<vmem>>
    tpu.enqueue_dma source(%dma_start3A_29 : memref<128x128xf32, #tpu.memory_space<vmem>>) target(%dma_start3A_26 : memref<128x128xf32, #tpu.memory_space<vmem_shared>>) target_semaphore(%arg20 : memref<!tpu.dma_semaphore, #tpu.memory_space<semaphore_mem>>)
    %add3A_30 = arith.constant 256 : i32
    %add3A_31 = arith.addi %mul3A_0, %add3A_30 : i32
    %dma_start3A_32 = arith.constant 0 : i32
    %dma_start3A_33 = arith.constant 0 : i32
    %dma_start3A_34 = tpu.memref_slice %arg10[%dma_start3A_32, %dma_start3A_33] : memref<128x128xf32, #tpu.memory_space<vmem>> -> memref<128x128xf32, #tpu.memory_space<vmem>>
    %dma_start3A_35 = arith.constant 0 : i32
    %dma_start3A_36 = tpu.memref_slice %arg23[%add3A_31, %dma_start3A_35] : memref<10112x128xf32, #tpu.memory_space<vmem_shared>> -> memref<128x128xf32, #tpu.memory_space<vmem_shared>>
    %dma_start3A_37 = arith.constant 0 : i32
    %dma_start3A_38 = tpu.memref_slice %arg23[%add3A_31, %dma_start3A_37] : memref<10112x128xf32, #tpu.memory_space<vmem_shared>> -> memref<128x128xf32, #tpu.memory_space<vmem_shared>>
    %dma_start3A_39 = arith.constant 0 : i32
    %dma_start3A_40 = arith.constant 0 : i32
    %dma_start3A_41 = tpu.memref_slice %arg10[%dma_start3A_39, %dma_start3A_40] : memref<128x128xf32, #tpu.memory_space<vmem>> -> memref<128x128xf32, #tpu.memory_space<vmem>>
    tpu.enqueue_dma source(%dma_start3A_41 : memref<128x128xf32, #tpu.memory_space<vmem>>) target(%dma_start3A_38 : memref<128x128xf32, #tpu.memory_space<vmem_shared>>) target_semaphore(%arg21 : memref<!tpu.dma_semaphore, #tpu.memory_space<semaphore_mem>>)
    %add3A_42 = arith.constant 384 : i32
    %add3A_43 = arith.addi %mul3A_0, %add3A_42 : i32
    %dma_start3A_44 = arith.constant 0 : i32
    %dma_start3A_45 = arith.constant 0 : i32
    %dma_start3A_46 = tpu.memref_slice %arg10[%dma_start3A_44, %dma_start3A_45] : memref<128x128xf32, #tpu.memory_space<vmem>> -> memref<128x128xf32, #tpu.memory_space<vmem>>
    %dma_start3A_47 = arith.constant 0 : i32
    %dma_start3A_48 = tpu.memref_slice %arg23[%add3A_43, %dma_start3A_47] : memref<10112x128xf32, #tpu.memory_space<vmem_shared>> -> memref<128x128xf32, #tpu.memory_space<vmem_shared>>
    %dma_start3A_49 = arith.constant 0 : i32
    %dma_start3A_50 = tpu.memref_slice %arg23[%add3A_43, %dma_start3A_49] : memref<10112x128xf32, #tpu.memory_space<vmem_shared>> -> memref<128x128xf32, #tpu.memory_space<vmem_shared>>
    %dma_start3A_51 = arith.constant 0 : i32
    %dma_start3A_52 = arith.constant 0 : i32
    %dma_start3A_53 = tpu.memref_slice %arg10[%dma_start3A_51, %dma_start3A_52] : memref<128x128xf32, #tpu.memory_space<vmem>> -> memref<128x128xf32, #tpu.memory_space<vmem>>
    tpu.enqueue_dma source(%dma_start3A_53 : memref<128x128xf32, #tpu.memory_space<vmem>>) target(%dma_start3A_50 : memref<128x128xf32, #tpu.memory_space<vmem_shared>>) target_semaphore(%arg22 : memref<!tpu.dma_semaphore, #tpu.memory_space<semaphore_mem>>)
    %add3A_54 = arith.constant 512 : i32
    %add3A_55 = arith.addi %mul3A_0, %add3A_54 : i32
    %dma_start3A_56 = arith.constant 0 : i32
    %dma_start3A_57 = arith.constant 0 : i32
    %dma_start3A_58 = tpu.memref_slice %arg10[%dma_start3A_56, %dma_start3A_57] : memref<128x128xf32, #tpu.memory_space<vmem>> -> memref<120x128xf32, #tpu.memory_space<vmem>>
    %dma_start3A_59 = arith.constant 0 : i32
    %dma_start3A_60 = tpu.memref_slice %arg23[%add3A_55, %dma_start3A_59] : memref<10112x128xf32, #tpu.memory_space<vmem_shared>> -> memref<120x128xf32, #tpu.memory_space<vmem_shared>>
    %dma_start3A_61 = arith.constant 0 : i32
    %dma_start3A_62 = tpu.memref_slice %arg23[%add3A_55, %dma_start3A_61] : memref<10112x128xf32, #tpu.memory_space<vmem_shared>> -> memref<120x128xf32, #tpu.memory_space<vmem_shared>>
    %dma_start3A_63 = arith.constant 0 : i32
    %dma_start3A_64 = arith.constant 0 : i32
    %dma_start3A_65 = tpu.memref_slice %arg10[%dma_start3A_63, %dma_start3A_64] : memref<128x128xf32, #tpu.memory_space<vmem>> -> memref<120x128xf32, #tpu.memory_space<vmem>>
    tpu.enqueue_dma source(%dma_start3A_65 : memref<120x128xf32, #tpu.memory_space<vmem>>) target(%dma_start3A_62 : memref<120x128xf32, #tpu.memory_space<vmem_shared>>) target_semaphore(%arg12 : memref<!tpu.dma_semaphore, #tpu.memory_space<semaphore_mem>>)
    %dma_wait3A = arith.constant 0 : i32
    %dma_wait3A_66 = arith.constant 0 : i32
    %dma_wait3A_67 = tpu.memref_slice %arg10[%dma_wait3A, %dma_wait3A_66] : memref<128x128xf32, #tpu.memory_space<vmem>> -> memref<128x128xf32, #tpu.memory_space<vmem>>
    %dma_wait3A_68 = arith.constant 0 : i32
    %dma_wait3A_69 = tpu.memref_slice %arg23[%add3A_8, %dma_wait3A_68] : memref<10112x128xf32, #tpu.memory_space<vmem_shared>> -> memref<128x128xf32, #tpu.memory_space<vmem_shared>>
    %dma_wait3A_70 = arith.constant 0 : i32
    %dma_wait3A_71 = tpu.memref_slice %arg23[%add3A_8, %dma_wait3A_70] : memref<10112x128xf32, #tpu.memory_space<vmem_shared>> -> memref<128x128xf32, #tpu.memory_space<vmem_shared>>
    %dma_wait3A_72 = arith.constant 0 : i32
    %dma_wait3A_73 = arith.constant 0 : i32
    %dma_wait3A_74 = tpu.memref_slice %arg10[%dma_wait3A_72, %dma_wait3A_73] : memref<128x128xf32, #tpu.memory_space<vmem>> -> memref<128x128xf32, #tpu.memory_space<vmem>>
    tpu.wait_dma2 semaphore(%arg19 : memref<!tpu.dma_semaphore, #tpu.memory_space<semaphore_mem>>) src(%dma_wait3A_74 : memref<128x128xf32, #tpu.memory_space<vmem>>) dst(%dma_wait3A_71 : memref<128x128xf32, #tpu.memory_space<vmem_shared>>)
    %dma_wait3A_75 = arith.constant 0 : i32
    %dma_wait3A_76 = arith.constant 0 : i32
    %dma_wait3A_77 = tpu.memref_slice %arg10[%dma_wait3A_75, %dma_wait3A_76] : memref<128x128xf32, #tpu.memory_space<vmem>> -> memref<128x128xf32, #tpu.memory_space<vmem>>
    %dma_wait3A_78 = arith.constant 0 : i32
    %dma_wait3A_79 = tpu.memref_slice %arg23[%add3A_19, %dma_wait3A_78] : memref<10112x128xf32, #tpu.memory_space<vmem_shared>> -> memref<128x128xf32, #tpu.memory_space<vmem_shared>>
    %dma_wait3A_80 = arith.constant 0 : i32
    %dma_wait3A_81 = tpu.memref_slice %arg23[%add3A_19, %dma_wait3A_80] : memref<10112x128xf32, #tpu.memory_space<vmem_shared>> -> memref<128x128xf32, #tpu.memory_space<vmem_shared>>
    %dma_wait3A_82 = arith.constant 0 : i32
    %dma_wait3A_83 = arith.constant 0 : i32
    %dma_wait3A_84 = tpu.memref_slice %arg10[%dma_wait3A_82, %dma_wait3A_83] : memref<128x128xf32, #tpu.memory_space<vmem>> -> memref<128x128xf32, #tpu.memory_space<vmem>>
    tpu.wait_dma2 semaphore(%arg20 : memref<!tpu.dma_semaphore, #tpu.memory_space<semaphore_mem>>) src(%dma_wait3A_84 : memref<128x128xf32, #tpu.memory_space<vmem>>) dst(%dma_wait3A_81 : memref<128x128xf32, #tpu.memory_space<vmem_shared>>)
    %dma_wait3A_85 = arith.constant 0 : i32
    %dma_wait3A_86 = arith.constant 0 : i32
    %dma_wait3A_87 = tpu.memref_slice %arg10[%dma_wait3A_85, %dma_wait3A_86] : memref<128x128xf32, #tpu.memory_space<vmem>> -> memref<128x128xf32, #tpu.memory_space<vmem>>
    %dma_wait3A_88 = arith.constant 0 : i32
    %dma_wait3A_89 = tpu.memref_slice %arg23[%add3A_31, %dma_wait3A_88] : memref<10112x128xf32, #tpu.memory_space<vmem_shared>> -> memref<128x128xf32, #tpu.memory_space<vmem_shared>>
    %dma_wait3A_90 = arith.constant 0 : i32
    %dma_wait3A_91 = tpu.memref_slice %arg23[%add3A_31, %dma_wait3A_90] : memref<10112x128xf32, #tpu.memory_space<vmem_shared>> -> memref<128x128xf32, #tpu.memory_space<vmem_shared>>
    %dma_wait3A_92 = arith.constant 0 : i32
    %dma_wait3A_93 = arith.constant 0 : i32
    %dma_wait3A_94 = tpu.memref_slice %arg10[%dma_wait3A_92, %dma_wait3A_93] : memref<128x128xf32, #tpu.memory_space<vmem>> -> memref<128x128xf32, #tpu.memory_space<vmem>>
    tpu.wait_dma2 semaphore(%arg21 : memref<!tpu.dma_semaphore, #tpu.memory_space<semaphore_mem>>) src(%dma_wait3A_94 : memref<128x128xf32, #tpu.memory_space<vmem>>) dst(%dma_wait3A_91 : memref<128x128xf32, #tpu.memory_space<vmem_shared>>)
    %dma_wait3A_95 = arith.constant 0 : i32
    %dma_wait3A_96 = arith.constant 0 : i32
    %dma_wait3A_97 = tpu.memref_slice %arg10[%dma_wait3A_95, %dma_wait3A_96] : memref<128x128xf32, #tpu.memory_space<vmem>> -> memref<128x128xf32, #tpu.memory_space<vmem>>
    %dma_wait3A_98 = arith.constant 0 : i32
    %dma_wait3A_99 = tpu.memref_slice %arg23[%add3A_43, %dma_wait3A_98] : memref<10112x128xf32, #tpu.memory_space<vmem_shared>> -> memref<128x128xf32, #tpu.memory_space<vmem_shared>>
    %dma_wait3A_100 = arith.constant 0 : i32
    %dma_wait3A_101 = tpu.memref_slice %arg23[%add3A_43, %dma_wait3A_100] : memref<10112x128xf32, #tpu.memory_space<vmem_shared>> -> memref<128x128xf32, #tpu.memory_space<vmem_shared>>
    %dma_wait3A_102 = arith.constant 0 : i32
    %dma_wait3A_103 = arith.constant 0 : i32
    %dma_wait3A_104 = tpu.memref_slice %arg10[%dma_wait3A_102, %dma_wait3A_103] : memref<128x128xf32, #tpu.memory_space<vmem>> -> memref<128x128xf32, #tpu.memory_space<vmem>>
    tpu.wait_dma2 semaphore(%arg22 : memref<!tpu.dma_semaphore, #tpu.memory_space<semaphore_mem>>) src(%dma_wait3A_104 : memref<128x128xf32, #tpu.memory_space<vmem>>) dst(%dma_wait3A_101 : memref<128x128xf32, #tpu.memory_space<vmem_shared>>)
    %dma_wait3A_105 = arith.constant 0 : i32
    %dma_wait3A_106 = arith.constant 0 : i32
    %dma_wait3A_107 = tpu.memref_slice %arg10[%dma_wait3A_105, %dma_wait3A_106] : memref<128x128xf32, #tpu.memory_space<vmem>> -> memref<120x128xf32, #tpu.memory_space<vmem>>
    %dma_wait3A_108 = arith.constant 0 : i32
    %dma_wait3A_109 = tpu.memref_slice %arg23[%add3A_55, %dma_wait3A_108] : memref<10112x128xf32, #tpu.memory_space<vmem_shared>> -> memref<120x128xf32, #tpu.memory_space<vmem_shared>>
    %dma_wait3A_110 = arith.constant 0 : i32
    %dma_wait3A_111 = tpu.memref_slice %arg23[%add3A_55, %dma_wait3A_110] : memref<10112x128xf32, #tpu.memory_space<vmem_shared>> -> memref<120x128xf32, #tpu.memory_space<vmem_shared>>
    %dma_wait3A_112 = arith.constant 0 : i32
    %dma_wait3A_113 = arith.constant 0 : i32
    %dma_wait3A_114 = tpu.memref_slice %arg10[%dma_wait3A_112, %dma_wait3A_113] : memref<128x128xf32, #tpu.memory_space<vmem>> -> memref<120x128xf32, #tpu.memory_space<vmem>>
    tpu.wait_dma2 semaphore(%arg12 : memref<!tpu.dma_semaphore, #tpu.memory_space<semaphore_mem>>) src(%dma_wait3A_114 : memref<120x128xf32, #tpu.memory_space<vmem>>) dst(%dma_wait3A_111 : memref<120x128xf32, #tpu.memory_space<vmem_shared>>)
    %barrier3A = arith.constant 0 : index
    tpu.barrier barrier_id(%barrier3A)
    %eq3A = arith.constant 0 : i32
    %eq3A_115 = arith.cmpi eq, %arg0, %eq3A : i32
    %convert_element_type3A = arith.extui %eq3A_115 : i1 to i32
    %cond3A = arith.constant 0 : i32
    %cond3A_116 = arith.cmpi ne, %convert_element_type3A, %cond3A : i32
    scf.if %cond3A_116 {
      %mul3A_195 = arith.constant 58 : i32
      %mul3A_196 = arith.muli %arg1, %mul3A_195 : i32
      %mul3A_197 = arith.constant 128 : i32
      %mul3A_198 = arith.muli %mul3A_196, %mul3A_197 : i32
      %dma_start3A_199 = arith.constant 0 : i32
      %dma_start3A_200 = tpu.memref_slice %arg7[%dma_start3A_199] : memref<3840xi32, #tpu.memory_space<vmem>> -> memref<3584xi32, #tpu.memory_space<vmem>>
      %dma_start3A_201 = tpu.memref_slice %arg3[%mul3A_198] : memref<172032xi32, #tpu.memory_space<hbm>> -> memref<3584xi32, #tpu.memory_space<hbm>>
      %dma_start3A_202 = arith.constant 0 : i32
      %dma_start3A_203 = tpu.memref_slice %arg7[%dma_start3A_202] : memref<3840xi32, #tpu.memory_space<vmem>> -> memref<3584xi32, #tpu.memory_space<vmem>>
      %dma_start3A_204 = tpu.memref_slice %arg3[%mul3A_198] : memref<172032xi32, #tpu.memory_space<hbm>> -> memref<3584xi32, #tpu.memory_space<hbm>>
      tpu.enqueue_dma source(%dma_start3A_204 : memref<3584xi32, #tpu.memory_space<hbm>>) target(%dma_start3A_203 : memref<3584xi32, #tpu.memory_space<vmem>>) target_semaphore(%arg16 : memref<!tpu.dma_semaphore, #tpu.memory_space<semaphore_mem>>)
      %mul3A_205 = arith.constant 128 : i32
      %mul3A_206 = arith.muli %mul3A_196, %mul3A_205 : i32
      %dma_start3A_207 = arith.constant 0 : i32
      %dma_start3A_208 = tpu.memref_slice %arg8[%dma_start3A_207] : memref<3840xi32, #tpu.memory_space<vmem>> -> memref<3584xi32, #tpu.memory_space<vmem>>
      %dma_start3A_209 = tpu.memref_slice %arg4[%mul3A_206] : memref<172032xi32, #tpu.memory_space<hbm>> -> memref<3584xi32, #tpu.memory_space<hbm>>
      %dma_start3A_210 = arith.constant 0 : i32
      %dma_start3A_211 = tpu.memref_slice %arg8[%dma_start3A_210] : memref<3840xi32, #tpu.memory_space<vmem>> -> memref<3584xi32, #tpu.memory_space<vmem>>
      %dma_start3A_212 = tpu.memref_slice %arg4[%mul3A_206] : memref<172032xi32, #tpu.memory_space<hbm>> -> memref<3584xi32, #tpu.memory_space<hbm>>
      tpu.enqueue_dma source(%dma_start3A_212 : memref<3584xi32, #tpu.memory_space<hbm>>) target(%dma_start3A_211 : memref<3584xi32, #tpu.memory_space<vmem>>) target_semaphore(%arg17 : memref<!tpu.dma_semaphore, #tpu.memory_space<semaphore_mem>>)
      %mul3A_213 = arith.constant 128 : i32
      %mul3A_214 = arith.muli %mul3A_196, %mul3A_213 : i32
      %dma_start3A_215 = arith.constant 0 : i32
      %dma_start3A_216 = tpu.memref_slice %arg9[%dma_start3A_215] : memref<3840xf32, #tpu.memory_space<vmem>> -> memref<3584xf32, #tpu.memory_space<vmem>>
      %dma_start3A_217 = tpu.memref_slice %arg5[%mul3A_214] : memref<172032xf32, #tpu.memory_space<hbm>> -> memref<3584xf32, #tpu.memory_space<hbm>>
      %dma_start3A_218 = arith.constant 0 : i32
      %dma_start3A_219 = tpu.memref_slice %arg9[%dma_start3A_218] : memref<3840xf32, #tpu.memory_space<vmem>> -> memref<3584xf32, #tpu.memory_space<vmem>>
      %dma_start3A_220 = tpu.memref_slice %arg5[%mul3A_214] : memref<172032xf32, #tpu.memory_space<hbm>> -> memref<3584xf32, #tpu.memory_space<hbm>>
      tpu.enqueue_dma source(%dma_start3A_220 : memref<3584xf32, #tpu.memory_space<hbm>>) target(%dma_start3A_219 : memref<3584xf32, #tpu.memory_space<vmem>>) target_semaphore(%arg18 : memref<!tpu.dma_semaphore, #tpu.memory_space<semaphore_mem>>)
      %dma_wait3A_221 = arith.constant 0 : i32
      %dma_wait3A_222 = tpu.memref_slice %arg7[%dma_wait3A_221] : memref<3840xi32, #tpu.memory_space<vmem>> -> memref<3584xi32, #tpu.memory_space<vmem>>
      %dma_wait3A_223 = tpu.memref_slice %arg3[%mul3A_198] : memref<172032xi32, #tpu.memory_space<hbm>> -> memref<3584xi32, #tpu.memory_space<hbm>>
      %dma_wait3A_224 = arith.constant 0 : i32
      %dma_wait3A_225 = tpu.memref_slice %arg7[%dma_wait3A_224] : memref<3840xi32, #tpu.memory_space<vmem>> -> memref<3584xi32, #tpu.memory_space<vmem>>
      %dma_wait3A_226 = tpu.memref_slice %arg3[%mul3A_198] : memref<172032xi32, #tpu.memory_space<hbm>> -> memref<3584xi32, #tpu.memory_space<hbm>>
      tpu.wait_dma2 semaphore(%arg16 : memref<!tpu.dma_semaphore, #tpu.memory_space<semaphore_mem>>) src(%dma_wait3A_226 : memref<3584xi32, #tpu.memory_space<hbm>>) dst(%dma_wait3A_225 : memref<3584xi32, #tpu.memory_space<vmem>>)
      %dma_wait3A_227 = arith.constant 0 : i32
      %dma_wait3A_228 = tpu.memref_slice %arg8[%dma_wait3A_227] : memref<3840xi32, #tpu.memory_space<vmem>> -> memref<3584xi32, #tpu.memory_space<vmem>>
      %dma_wait3A_229 = tpu.memref_slice %arg4[%mul3A_206] : memref<172032xi32, #tpu.memory_space<hbm>> -> memref<3584xi32, #tpu.memory_space<hbm>>
      %dma_wait3A_230 = arith.constant 0 : i32
      %dma_wait3A_231 = tpu.memref_slice %arg8[%dma_wait3A_230] : memref<3840xi32, #tpu.memory_space<vmem>> -> memref<3584xi32, #tpu.memory_space<vmem>>
      %dma_wait3A_232 = tpu.memref_slice %arg4[%mul3A_206] : memref<172032xi32, #tpu.memory_space<hbm>> -> memref<3584xi32, #tpu.memory_space<hbm>>
      tpu.wait_dma2 semaphore(%arg17 : memref<!tpu.dma_semaphore, #tpu.memory_space<semaphore_mem>>) src(%dma_wait3A_232 : memref<3584xi32, #tpu.memory_space<hbm>>) dst(%dma_wait3A_231 : memref<3584xi32, #tpu.memory_space<vmem>>)
      %dma_wait3A_233 = arith.constant 0 : i32
      %dma_wait3A_234 = tpu.memref_slice %arg9[%dma_wait3A_233] : memref<3840xf32, #tpu.memory_space<vmem>> -> memref<3584xf32, #tpu.memory_space<vmem>>
      %dma_wait3A_235 = tpu.memref_slice %arg5[%mul3A_214] : memref<172032xf32, #tpu.memory_space<hbm>> -> memref<3584xf32, #tpu.memory_space<hbm>>
      %dma_wait3A_236 = arith.constant 0 : i32
      %dma_wait3A_237 = tpu.memref_slice %arg9[%dma_wait3A_236] : memref<3840xf32, #tpu.memory_space<vmem>> -> memref<3584xf32, #tpu.memory_space<vmem>>
      %dma_wait3A_238 = tpu.memref_slice %arg5[%mul3A_214] : memref<172032xf32, #tpu.memory_space<hbm>> -> memref<3584xf32, #tpu.memory_space<hbm>>
      tpu.wait_dma2 semaphore(%arg18 : memref<!tpu.dma_semaphore, #tpu.memory_space<semaphore_mem>>) src(%dma_wait3A_238 : memref<3584xf32, #tpu.memory_space<hbm>>) dst(%dma_wait3A_237 : memref<3584xf32, #tpu.memory_space<vmem>>)
      %scan3A_239 = arith.constant 0 : i32
      %scan3A_240 = arith.constant 0 : i32
      %scan3A_241 = arith.constant 14 : i32
      %scan3A_242 = arith.addi %scan3A_240, %scan3A_241 : i32
      %scan3A_243 = arith.constant 1 : i32
      %scan3A_244 = scf.for %scan3A_299 = %scan3A_240 to %scan3A_242 step %scan3A_243 iter_args(%scan3A_300 = %scan3A_239) -> (i32)  : i32 {
        %mul3A_301 = arith.constant 2 : i32
        %mul3A_302 = arith.muli %scan3A_299, %mul3A_301 : i32
        %add3A_303 = arith.constant 0 : i32
        %add3A_304 = arith.addi %mul3A_302, %add3A_303 : i32
        %mul3A_305 = arith.constant 128 : i32
        %mul3A_306 = arith.muli %add3A_304, %mul3A_305 : i32
        %dma_start3A_307 = tpu.memref_slice %arg7[%mul3A_306] : memref<3840xi32, #tpu.memory_space<vmem>> -> memref<128xi32, #tpu.memory_space<vmem>>
        %dma_start3A_308 = arith.constant 0 : i32
        %dma_start3A_309 = arith.constant 0 : i32
        %dma_start3A_310 = tpu.memref_slice %arg2[%dma_start3A_308, %dma_start3A_309] : memref<10000x128xf32, #tpu.memory_space<hbm>> -> memref<10000x128xf32, #tpu.memory_space<hbm>>
        tpu.enqueue_indirect_dma source(%dma_start3A_310 : memref<10000x128xf32, #tpu.memory_space<hbm>>) target(%arg10 : memref<128x128xf32, #tpu.memory_space<vmem>>) offsets(%dma_start3A_307 : memref<128xi32, #tpu.memory_space<vmem>>) semaphore(%arg12 : memref<!tpu.dma_semaphore, #tpu.memory_space<semaphore_mem>>)
        %add3A_311 = arith.constant 1 : i32
        %add3A_312 = arith.addi %mul3A_302, %add3A_311 : i32
        %mul3A_313 = arith.constant 128 : i32
        %mul3A_314 = arith.muli %add3A_312, %mul3A_313 : i32
        %dma_start3A_315 = tpu.memref_slice %arg7[%mul3A_314] : memref<3840xi32, #tpu.memory_space<vmem>> -> memref<128xi32, #tpu.memory_space<vmem>>
        %dma_start3A_316 = arith.constant 0 : i32
        %dma_start3A_317 = arith.constant 0 : i32
        %dma_start3A_318 = tpu.memref_slice %arg2[%dma_start3A_316, %dma_start3A_317] : memref<10000x128xf32, #tpu.memory_space<hbm>> -> memref<10000x128xf32, #tpu.memory_space<hbm>>
        tpu.enqueue_indirect_dma source(%dma_start3A_318 : memref<10000x128xf32, #tpu.memory_space<hbm>>) target(%arg11 : memref<128x128xf32, #tpu.memory_space<vmem>>) offsets(%dma_start3A_315 : memref<128xi32, #tpu.memory_space<vmem>>) semaphore(%arg13 : memref<!tpu.dma_semaphore, #tpu.memory_space<semaphore_mem>>)
        %dma_wait3A_319 = tpu.memref_slice %arg7[%mul3A_306] : memref<3840xi32, #tpu.memory_space<vmem>> -> memref<128xi32, #tpu.memory_space<vmem>>
        %dma_wait3A_320 = arith.constant 0 : i32
        %dma_wait3A_321 = arith.constant 0 : i32
        %dma_wait3A_322 = tpu.memref_slice %arg2[%dma_wait3A_320, %dma_wait3A_321] : memref<10000x128xf32, #tpu.memory_space<hbm>> -> memref<10000x128xf32, #tpu.memory_space<hbm>>
        tpu.wait_indirect_dma semaphore(%arg12 : memref<!tpu.dma_semaphore, #tpu.memory_space<semaphore_mem>>) src(%dma_wait3A_322 : memref<10000x128xf32, #tpu.memory_space<hbm>>) dst(%arg10 : memref<128x128xf32, #tpu.memory_space<vmem>>)
        %scan3A_323 = arith.constant 0 : i32
        %scan3A_324 = arith.constant 0 : i32
        %scan3A_325 = arith.constant 64 : i32
        %scan3A_326 = arith.addi %scan3A_324, %scan3A_325 : i32
        %scan3A_327 = arith.constant 1 : i32
        %scan3A_328 = scf.for %scan3A_366 = %scan3A_324 to %scan3A_326 step %scan3A_327 iter_args(%scan3A_367 = %scan3A_323) -> (i32)  : i32 {
          %mul3A_368 = arith.constant 2 : i32
          %mul3A_369 = arith.muli %scan3A_366, %mul3A_368 : i32
          %add3A_370 = arith.constant 0 : i32
          %add3A_371 = arith.addi %mul3A_302, %add3A_370 : i32
          %mul3A_372 = arith.constant 128 : i32
          %mul3A_373 = arith.muli %add3A_371, %mul3A_372 : i32
          %add3A_374 = arith.addi %mul3A_373, %mul3A_369 : i32
          %add3A_375 = arith.constant 0 : i32
          %add3A_376 = arith.addi %add3A_374, %add3A_375 : i32
          %broadcast_in_dim3A_377 = vector.broadcast %add3A_376 : i32 to vector<16xi32>
          %gather3A = tpu.vector_load_idx %arg9[%broadcast_in_dim3A_377] : memref<3840xf32, #tpu.memory_space<vmem>>[vector<16xi32>], vector<16xf32>,
          %add3A_378 = arith.constant 0 : i32
          %add3A_379 = arith.addi %mul3A_369, %add3A_378 : i32
          %get3A = arith.index_cast %add3A_379 : i32 to index
          %get3A_380 = arith.constant 0 : index
          %get3A_381 = tpu.vector_load %arg10[%get3A, %get3A_380] {strides = array<i32>} : memref<128x128xf32, #tpu.memory_space<vmem>>, vector<16xf32>,
          %mul3A_382 = arith.mulf %get3A_381, %gather3A : vector<16xf32>
          %add3A_383 = arith.constant 0 : i32
          %add3A_384 = arith.addi %mul3A_369, %add3A_383 : i32
          %swap3A = arith.index_cast %add3A_384 : i32 to index
          %swap3A_385 = arith.constant 0 : index
          %swap3A_386 = tpu.vector_load %arg10[%swap3A, %swap3A_385] {strides = array<i32>} : memref<128x128xf32, #tpu.memory_space<vmem>>, vector<16xf32>,
          tpu.vector_store %arg10[%swap3A, %swap3A_385], %mul3A_382 {strides = array<i32>} : memref<128x128xf32, #tpu.memory_space<vmem>>, vector<16xf32>,
          %add3A_387 = arith.constant 0 : i32
          %add3A_388 = arith.addi %mul3A_369, %add3A_387 : i32
          %get3A_389 = arith.index_cast %add3A_388 : i32 to index
          %get3A_390 = arith.constant 16 : index
          %get3A_391 = tpu.vector_load %arg10[%get3A_389, %get3A_390] {strides = array<i32>} : memref<128x128xf32, #tpu.memory_space<vmem>>, vector<16xf32>,
          %mul3A_392 = arith.mulf %get3A_391, %gather3A : vector<16xf32>
          %add3A_393 = arith.constant 0 : i32
          %add3A_394 = arith.addi %mul3A_369, %add3A_393 : i32
          %swap3A_395 = arith.index_cast %add3A_394 : i32 to index
          %swap3A_396 = arith.constant 16 : index
          %swap3A_397 = tpu.vector_load %arg10[%swap3A_395, %swap3A_396] {strides = array<i32>} : memref<128x128xf32, #tpu.memory_space<vmem>>, vector<16xf32>,
          tpu.vector_store %arg10[%swap3A_395, %swap3A_396], %mul3A_392 {strides = array<i32>} : memref<128x128xf32, #tpu.memory_space<vmem>>, vector<16xf32>,
          %add3A_398 = arith.constant 0 : i32
          %add3A_399 = arith.addi %mul3A_369, %add3A_398 : i32
          %get3A_400 = arith.index_cast %add3A_399 : i32 to index
          %get3A_401 = arith.constant 32 : index
          %get3A_402 = tpu.vector_load %arg10[%get3A_400, %get3A_401] {strides = array<i32>} : memref<128x128xf32, #tpu.memory_space<vmem>>, vector<16xf32>,
          %mul3A_403 = arith.mulf %get3A_402, %gather3A : vector<16xf32>
          %add3A_404 = arith.constant 0 : i32
          %add3A_405 = arith.addi %mul3A_369, %add3A_404 : i32
          %swap3A_406 = arith.index_cast %add3A_405 : i32 to index
          %swap3A_407 = arith.constant 32 : index
          %swap3A_408 = tpu.vector_load %arg10[%swap3A_406, %swap3A_407] {strides = array<i32>} : memref<128x128xf32, #tpu.memory_space<vmem>>, vector<16xf32>,
          tpu.vector_store %arg10[%swap3A_406, %swap3A_407], %mul3A_403 {strides = array<i32>} : memref<128x128xf32, #tpu.memory_space<vmem>>, vector<16xf32>,
          %add3A_409 = arith.constant 0 : i32
          %add3A_410 = arith.addi %mul3A_369, %add3A_409 : i32
          %get3A_411 = arith.index_cast %add3A_410 : i32 to index
          %get3A_412 = arith.constant 48 : index
          %get3A_413 = tpu.vector_load %arg10[%get3A_411, %get3A_412] {strides = array<i32>} : memref<128x128xf32, #tpu.memory_space<vmem>>, vector<16xf32>,
          %mul3A_414 = arith.mulf %get3A_413, %gather3A : vector<16xf32>
          %add3A_415 = arith.constant 0 : i32
          %add3A_416 = arith.addi %mul3A_369, %add3A_415 : i32
          %swap3A_417 = arith.index_cast %add3A_416 : i32 to index
          %swap3A_418 = arith.constant 48 : index
          %swap3A_419 = tpu.vector_load %arg10[%swap3A_417, %swap3A_418] {strides = array<i32>} : memref<128x128xf32, #tpu.memory_space<vmem>>, vector<16xf32>,
          tpu.vector_store %arg10[%swap3A_417, %swap3A_418], %mul3A_414 {strides = array<i32>} : memref<128x128xf32, #tpu.memory_space<vmem>>, vector<16xf32>,
          %add3A_420 = arith.constant 0 : i32
          %add3A_421 = arith.addi %mul3A_369, %add3A_420 : i32
          %get3A_422 = arith.index_cast %add3A_421 : i32 to index
          %get3A_423 = arith.constant 64 : index
          %get3A_424 = tpu.vector_load %arg10[%get3A_422, %get3A_423] {strides = array<i32>} : memref<128x128xf32, #tpu.memory_space<vmem>>, vector<16xf32>,
          %mul3A_425 = arith.mulf %get3A_424, %gather3A : vector<16xf32>
          %add3A_426 = arith.constant 0 : i32
          %add3A_427 = arith.addi %mul3A_369, %add3A_426 : i32
          %swap3A_428 = arith.index_cast %add3A_427 : i32 to index
          %swap3A_429 = arith.constant 64 : index
          %swap3A_430 = tpu.vector_load %arg10[%swap3A_428, %swap3A_429] {strides = array<i32>} : memref<128x128xf32, #tpu.memory_space<vmem>>, vector<16xf32>,
          tpu.vector_store %arg10[%swap3A_428, %swap3A_429], %mul3A_425 {strides = array<i32>} : memref<128x128xf32, #tpu.memory_space<vmem>>, vector<16xf32>,
          %add3A_431 = arith.constant 0 : i32
          %add3A_432 = arith.addi %mul3A_369, %add3A_431 : i32
          %get3A_433 = arith.index_cast %add3A_432 : i32 to index
          %get3A_434 = arith.constant 80 : index
          %get3A_435 = tpu.vector_load %arg10[%get3A_433, %get3A_434] {strides = array<i32>} : memref<128x128xf32, #tpu.memory_space<vmem>>, vector<16xf32>,
          %mul3A_436 = arith.mulf %get3A_435, %gather3A : vector<16xf32>
          %add3A_437 = arith.constant 0 : i32
          %add3A_438 = arith.addi %mul3A_369, %add3A_437 : i32
          %swap3A_439 = arith.index_cast %add3A_438 : i32 to index
          %swap3A_440 = arith.constant 80 : index
          %swap3A_441 = tpu.vector_load %arg10[%swap3A_439, %swap3A_440] {strides = array<i32>} : memref<128x128xf32, #tpu.memory_space<vmem>>, vector<16xf32>,
          tpu.vector_store %arg10[%swap3A_439, %swap3A_440], %mul3A_436 {strides = array<i32>} : memref<128x128xf32, #tpu.memory_space<vmem>>, vector<16xf32>,
          %add3A_442 = arith.constant 0 : i32
          %add3A_443 = arith.addi %mul3A_369, %add3A_442 : i32
          %get3A_444 = arith.index_cast %add3A_443 : i32 to index
          %get3A_445 = arith.constant 96 : index
          %get3A_446 = tpu.vector_load %arg10[%get3A_444, %get3A_445] {strides = array<i32>} : memref<128x128xf32, #tpu.memory_space<vmem>>, vector<16xf32>,
          %mul3A_447 = arith.mulf %get3A_446, %gather3A : vector<16xf32>
          %add3A_448 = arith.constant 0 : i32
          %add3A_449 = arith.addi %mul3A_369, %add3A_448 : i32
          %swap3A_450 = arith.index_cast %add3A_449 : i32 to index
          %swap3A_451 = arith.constant 96 : index
          %swap3A_452 = tpu.vector_load %arg10[%swap3A_450, %swap3A_451] {strides = array<i32>} : memref<128x128xf32, #tpu.memory_space<vmem>>, vector<16xf32>,
          tpu.vector_store %arg10[%swap3A_450, %swap3A_451], %mul3A_447 {strides = array<i32>} : memref<128x128xf32, #tpu.memory_space<vmem>>, vector<16xf32>,
          %add3A_453 = arith.constant 0 : i32
          %add3A_454 = arith.addi %mul3A_369, %add3A_453 : i32
          %get3A_455 = arith.index_cast %add3A_454 : i32 to index
          %get3A_456 = arith.constant 112 : index
          %get3A_457 = tpu.vector_load %arg10[%get3A_455, %get3A_456] {strides = array<i32>} : memref<128x128xf32, #tpu.memory_space<vmem>>, vector<16xf32>,
          %mul3A_458 = arith.mulf %get3A_457, %gather3A : vector<16xf32>
          %add3A_459 = arith.constant 0 : i32
          %add3A_460 = arith.addi %mul3A_369, %add3A_459 : i32
          %swap3A_461 = arith.index_cast %add3A_460 : i32 to index
          %swap3A_462 = arith.constant 112 : index
          %swap3A_463 = tpu.vector_load %arg10[%swap3A_461, %swap3A_462] {strides = array<i32>} : memref<128x128xf32, #tpu.memory_space<vmem>>, vector<16xf32>,
          tpu.vector_store %arg10[%swap3A_461, %swap3A_462], %mul3A_458 {strides = array<i32>} : memref<128x128xf32, #tpu.memory_space<vmem>>, vector<16xf32>,
          %add3A_464 = arith.constant 0 : i32
          %add3A_465 = arith.addi %mul3A_302, %add3A_464 : i32
          %mul3A_466 = arith.constant 128 : i32
          %mul3A_467 = arith.muli %add3A_465, %mul3A_466 : i32
          %add3A_468 = arith.addi %mul3A_467, %mul3A_369 : i32
          %add3A_469 = arith.constant 1 : i32
          %add3A_470 = arith.addi %add3A_468, %add3A_469 : i32
          %broadcast_in_dim3A_471 = vector.broadcast %add3A_470 : i32 to vector<16xi32>
          %gather3A_472 = tpu.vector_load_idx %arg9[%broadcast_in_dim3A_471] : memref<3840xf32, #tpu.memory_space<vmem>>[vector<16xi32>], vector<16xf32>,
          %add3A_473 = arith.constant 1 : i32
          %add3A_474 = arith.addi %mul3A_369, %add3A_473 : i32
          %get3A_475 = arith.index_cast %add3A_474 : i32 to index
          %get3A_476 = arith.constant 0 : index
          %get3A_477 = tpu.vector_load %arg10[%get3A_475, %get3A_476] {strides = array<i32>} : memref<128x128xf32, #tpu.memory_space<vmem>>, vector<16xf32>,
          %mul3A_478 = arith.mulf %get3A_477, %gather3A_472 : vector<16xf32>
          %add3A_479 = arith.constant 1 : i32
          %add3A_480 = arith.addi %mul3A_369, %add3A_479 : i32
          %swap3A_481 = arith.index_cast %add3A_480 : i32 to index
          %swap3A_482 = arith.constant 0 : index
          %swap3A_483 = tpu.vector_load %arg10[%swap3A_481, %swap3A_482] {strides = array<i32>} : memref<128x128xf32, #tpu.memory_space<vmem>>, vector<16xf32>,
          tpu.vector_store %arg10[%swap3A_481, %swap3A_482], %mul3A_478 {strides = array<i32>} : memref<128x128xf32, #tpu.memory_space<vmem>>, vector<16xf32>,
          %add3A_484 = arith.constant 1 : i32
          %add3A_485 = arith.addi %mul3A_369, %add3A_484 : i32
          %get3A_486 = arith.index_cast %add3A_485 : i32 to index
          %get3A_487 = arith.constant 16 : index
          %get3A_488 = tpu.vector_load %arg10[%get3A_486, %get3A_487] {strides = array<i32>} : memref<128x128xf32, #tpu.memory_space<vmem>>, vector<16xf32>,
          %mul3A_489 = arith.mulf %get3A_488, %gather3A_472 : vector<16xf32>
          %add3A_490 = arith.constant 1 : i32
          %add3A_491 = arith.addi %mul3A_369, %add3A_490 : i32
          %swap3A_492 = arith.index_cast %add3A_491 : i32 to index
          %swap3A_493 = arith.constant 16 : index
          %swap3A_494 = tpu.vector_load %arg10[%swap3A_492, %swap3A_493] {strides = array<i32>} : memref<128x128xf32, #tpu.memory_space<vmem>>, vector<16xf32>,
          tpu.vector_store %arg10[%swap3A_492, %swap3A_493], %mul3A_489 {strides = array<i32>} : memref<128x128xf32, #tpu.memory_space<vmem>>, vector<16xf32>,
          %add3A_495 = arith.constant 1 : i32
          %add3A_496 = arith.addi %mul3A_369, %add3A_495 : i32
          %get3A_497 = arith.index_cast %add3A_496 : i32 to index
          %get3A_498 = arith.constant 32 : index
          %get3A_499 = tpu.vector_load %arg10[%get3A_497, %get3A_498] {strides = array<i32>} : memref<128x128xf32, #tpu.memory_space<vmem>>, vector<16xf32>,
          %mul3A_500 = arith.mulf %get3A_499, %gather3A_472 : vector<16xf32>
          %add3A_501 = arith.constant 1 : i32
          %add3A_502 = arith.addi %mul3A_369, %add3A_501 : i32
          %swap3A_503 = arith.index_cast %add3A_502 : i32 to index
          %swap3A_504 = arith.constant 32 : index
          %swap3A_505 = tpu.vector_load %arg10[%swap3A_503, %swap3A_504] {strides = array<i32>} : memref<128x128xf32, #tpu.memory_space<vmem>>, vector<16xf32>,
          tpu.vector_store %arg10[%swap3A_503, %swap3A_504], %mul3A_500 {strides = array<i32>} : memref<128x128xf32, #tpu.memory_space<vmem>>, vector<16xf32>,
          %add3A_506 = arith.constant 1 : i32
          %add3A_507 = arith.addi %mul3A_369, %add3A_506 : i32
          %get3A_508 = arith.index_cast %add3A_507 : i32 to index
          %get3A_509 = arith.constant 48 : index
          %get3A_510 = tpu.vector_load %arg10[%get3A_508, %get3A_509] {strides = array<i32>} : memref<128x128xf32, #tpu.memory_space<vmem>>, vector<16xf32>,
          %mul3A_511 = arith.mulf %get3A_510, %gather3A_472 : vector<16xf32>
          %add3A_512 = arith.constant 1 : i32
          %add3A_513 = arith.addi %mul3A_369, %add3A_512 : i32
          %swap3A_514 = arith.index_cast %add3A_513 : i32 to index
          %swap3A_515 = arith.constant 48 : index
          %swap3A_516 = tpu.vector_load %arg10[%swap3A_514, %swap3A_515] {strides = array<i32>} : memref<128x128xf32, #tpu.memory_space<vmem>>, vector<16xf32>,
          tpu.vector_store %arg10[%swap3A_514, %swap3A_515], %mul3A_511 {strides = array<i32>} : memref<128x128xf32, #tpu.memory_space<vmem>>, vector<16xf32>,
          %add3A_517 = arith.constant 1 : i32
          %add3A_518 = arith.addi %mul3A_369, %add3A_517 : i32
          %get3A_519 = arith.index_cast %add3A_518 : i32 to index
          %get3A_520 = arith.constant 64 : index
          %get3A_521 = tpu.vector_load %arg10[%get3A_519, %get3A_520] {strides = array<i32>} : memref<128x128xf32, #tpu.memory_space<vmem>>, vector<16xf32>,
          %mul3A_522 = arith.mulf %get3A_521, %gather3A_472 : vector<16xf32>
          %add3A_523 = arith.constant 1 : i32
          %add3A_524 = arith.addi %mul3A_369, %add3A_523 : i32
          %swap3A_525 = arith.index_cast %add3A_524 : i32 to index
          %swap3A_526 = arith.constant 64 : index
          %swap3A_527 = tpu.vector_load %arg10[%swap3A_525, %swap3A_526] {strides = array<i32>} : memref<128x128xf32, #tpu.memory_space<vmem>>, vector<16xf32>,
          tpu.vector_store %arg10[%swap3A_525, %swap3A_526], %mul3A_522 {strides = array<i32>} : memref<128x128xf32, #tpu.memory_space<vmem>>, vector<16xf32>,
          %add3A_528 = arith.constant 1 : i32
          %add3A_529 = arith.addi %mul3A_369, %add3A_528 : i32
          %get3A_530 = arith.index_cast %add3A_529 : i32 to index
          %get3A_531 = arith.constant 80 : index
          %get3A_532 = tpu.vector_load %arg10[%get3A_530, %get3A_531] {strides = array<i32>} : memref<128x128xf32, #tpu.memory_space<vmem>>, vector<16xf32>,
          %mul3A_533 = arith.mulf %get3A_532, %gather3A_472 : vector<16xf32>
          %add3A_534 = arith.constant 1 : i32
          %add3A_535 = arith.addi %mul3A_369, %add3A_534 : i32
          %swap3A_536 = arith.index_cast %add3A_535 : i32 to index
          %swap3A_537 = arith.constant 80 : index
          %swap3A_538 = tpu.vector_load %arg10[%swap3A_536, %swap3A_537] {strides = array<i32>} : memref<128x128xf32, #tpu.memory_space<vmem>>, vector<16xf32>,
          tpu.vector_store %arg10[%swap3A_536, %swap3A_537], %mul3A_533 {strides = array<i32>} : memref<128x128xf32, #tpu.memory_space<vmem>>, vector<16xf32>,
          %add3A_539 = arith.constant 1 : i32
          %add3A_540 = arith.addi %mul3A_369, %add3A_539 : i32
          %get3A_541 = arith.index_cast %add3A_540 : i32 to index
          %get3A_542 = arith.constant 96 : index
          %get3A_543 = tpu.vector_load %arg10[%get3A_541, %get3A_542] {strides = array<i32>} : memref<128x128xf32, #tpu.memory_space<vmem>>, vector<16xf32>,
          %mul3A_544 = arith.mulf %get3A_543, %gather3A_472 : vector<16xf32>
          %add3A_545 = arith.constant 1 : i32
          %add3A_546 = arith.addi %mul3A_369, %add3A_545 : i32
          %swap3A_547 = arith.index_cast %add3A_546 : i32 to index
          %swap3A_548 = arith.constant 96 : index
          %swap3A_549 = tpu.vector_load %arg10[%swap3A_547, %swap3A_548] {strides = array<i32>} : memref<128x128xf32, #tpu.memory_space<vmem>>, vector<16xf32>,
          tpu.vector_store %arg10[%swap3A_547, %swap3A_548], %mul3A_544 {strides = array<i32>} : memref<128x128xf32, #tpu.memory_space<vmem>>, vector<16xf32>,
          %add3A_550 = arith.constant 1 : i32
          %add3A_551 = arith.addi %mul3A_369, %add3A_550 : i32
          %get3A_552 = arith.index_cast %add3A_551 : i32 to index
          %get3A_553 = arith.constant 112 : index
          %get3A_554 = tpu.vector_load %arg10[%get3A_552, %get3A_553] {strides = array<i32>} : memref<128x128xf32, #tpu.memory_space<vmem>>, vector<16xf32>,
          %mul3A_555 = arith.mulf %get3A_554, %gather3A_472 : vector<16xf32>
          %add3A_556 = arith.constant 1 : i32
          %add3A_557 = arith.addi %mul3A_369, %add3A_556 : i32
          %swap3A_558 = arith.index_cast %add3A_557 : i32 to index
          %swap3A_559 = arith.constant 112 : index
          %swap3A_560 = tpu.vector_load %arg10[%swap3A_558, %swap3A_559] {strides = array<i32>} : memref<128x128xf32, #tpu.memory_space<vmem>>, vector<16xf32>,
          tpu.vector_store %arg10[%swap3A_558, %swap3A_559], %mul3A_555 {strides = array<i32>} : memref<128x128xf32, #tpu.memory_space<vmem>>, vector<16xf32>,
          %scan3A_561 = arith.constant 0 : i32
          scf.yield %scan3A_561 : i32
        }
        %scan3A_329 = arith.constant 64 : i32
        %add3A_330 = arith.constant 0 : i32
        %add3A_331 = arith.addi %mul3A_302, %add3A_330 : i32
        %mul3A_332 = arith.constant 128 : i32
        %mul3A_333 = arith.muli %add3A_331, %mul3A_332 : i32
        %dma_start3A_334 = tpu.memref_slice %arg8[%mul3A_333] : memref<3840xi32, #tpu.memory_space<vmem>> -> memref<128xi32, #tpu.memory_space<vmem>>
        %dma_start3A_335 = arith.constant 0 : i32
        %dma_start3A_336 = arith.constant 0 : i32
        %dma_start3A_337 = tpu.memref_slice %arg23[%dma_start3A_335, %dma_start3A_336] : memref<10112x128xf32, #tpu.memory_space<vmem_shared>> -> memref<10112x128xf32, #tpu.memory_space<vmem_shared>>
        tpu.enqueue_indirect_dma source(%arg10 : memref<128x128xf32, #tpu.memory_space<vmem>>) target(%dma_start3A_337 : memref<10112x128xf32, #tpu.memory_space<vmem_shared>>) offsets(%dma_start3A_334 : memref<128xi32, #tpu.memory_space<vmem>>) semaphore(%arg14 : memref<!tpu.dma_semaphore, #tpu.memory_space<semaphore_mem>>) {add = true}
        %dma_wait3A_338 = tpu.memref_slice %arg7[%mul3A_314] : memref<3840xi32, #tpu.memory_space<vmem>> -> memref<128xi32, #tpu.memory_space<vmem>>
        %dma_wait3A_339 = arith.constant 0 : i32
        %dma_wait3A_340 = arith.constant 0 : i32
        %dma_wait3A_341 = tpu.memref_slice %arg2[%dma_wait3A_339, %dma_wait3A_340] : memref<10000x128xf32, #tpu.memory_space<hbm>> -> memref<10000x128xf32, #tpu.memory_space<hbm>>
        tpu.wait_indirect_dma semaphore(%arg13 : memref<!tpu.dma_semaphore, #tpu.memory_space<semaphore_mem>>) src(%dma_wait3A_341 : memref<10000x128xf32, #tpu.memory_space<hbm>>) dst(%arg11 : memref<128x128xf32, #tpu.memory_space<vmem>>)
        %scan3A_342 = arith.constant 0 : i32
        %scan3A_343 = arith.constant 0 : i32
        %scan3A_344 = arith.constant 64 : i32
        %scan3A_345 = arith.addi %scan3A_343, %scan3A_344 : i32
        %scan3A_346 = arith.constant 1 : i32
        %scan3A_347 = scf.for %scan3A_366 = %scan3A_343 to %scan3A_345 step %scan3A_346 iter_args(%scan3A_367 = %scan3A_342) -> (i32)  : i32 {
          %mul3A_368 = arith.constant 2 : i32
          %mul3A_369 = arith.muli %scan3A_366, %mul3A_368 : i32
          %add3A_370 = arith.constant 1 : i32
          %add3A_371 = arith.addi %mul3A_302, %add3A_370 : i32
          %mul3A_372 = arith.constant 128 : i32
          %mul3A_373 = arith.muli %add3A_371, %mul3A_372 : i32
          %add3A_374 = arith.addi %mul3A_373, %mul3A_369 : i32
          %add3A_375 = arith.constant 0 : i32
          %add3A_376 = arith.addi %add3A_374, %add3A_375 : i32
          %broadcast_in_dim3A_377 = vector.broadcast %add3A_376 : i32 to vector<16xi32>
          %gather3A = tpu.vector_load_idx %arg9[%broadcast_in_dim3A_377] : memref<3840xf32, #tpu.memory_space<vmem>>[vector<16xi32>], vector<16xf32>,
          %add3A_378 = arith.constant 0 : i32
          %add3A_379 = arith.addi %mul3A_369, %add3A_378 : i32
          %get3A = arith.index_cast %add3A_379 : i32 to index
          %get3A_380 = arith.constant 0 : index
          %get3A_381 = tpu.vector_load %arg11[%get3A, %get3A_380] {strides = array<i32>} : memref<128x128xf32, #tpu.memory_space<vmem>>, vector<16xf32>,
          %mul3A_382 = arith.mulf %get3A_381, %gather3A : vector<16xf32>
          %add3A_383 = arith.constant 0 : i32
          %add3A_384 = arith.addi %mul3A_369, %add3A_383 : i32
          %swap3A = arith.index_cast %add3A_384 : i32 to index
          %swap3A_385 = arith.constant 0 : index
          %swap3A_386 = tpu.vector_load %arg11[%swap3A, %swap3A_385] {strides = array<i32>} : memref<128x128xf32, #tpu.memory_space<vmem>>, vector<16xf32>,
          tpu.vector_store %arg11[%swap3A, %swap3A_385], %mul3A_382 {strides = array<i32>} : memref<128x128xf32, #tpu.memory_space<vmem>>, vector<16xf32>,
          %add3A_387 = arith.constant 0 : i32
          %add3A_388 = arith.addi %mul3A_369, %add3A_387 : i32
          %get3A_389 = arith.index_cast %add3A_388 : i32 to index
          %get3A_390 = arith.constant 16 : index
          %get3A_391 = tpu.vector_load %arg11[%get3A_389, %get3A_390] {strides = array<i32>} : memref<128x128xf32, #tpu.memory_space<vmem>>, vector<16xf32>,
          %mul3A_392 = arith.mulf %get3A_391, %gather3A : vector<16xf32>
          %add3A_393 = arith.constant 0 : i32
          %add3A_394 = arith.addi %mul3A_369, %add3A_393 : i32
          %swap3A_395 = arith.index_cast %add3A_394 : i32 to index
          %swap3A_396 = arith.constant 16 : index
          %swap3A_397 = tpu.vector_load %arg11[%swap3A_395, %swap3A_396] {strides = array<i32>} : memref<128x128xf32, #tpu.memory_space<vmem>>, vector<16xf32>,
          tpu.vector_store %arg11[%swap3A_395, %swap3A_396], %mul3A_392 {strides = array<i32>} : memref<128x128xf32, #tpu.memory_space<vmem>>, vector<16xf32>,
          %add3A_398 = arith.constant 0 : i32
          %add3A_399 = arith.addi %mul3A_369, %add3A_398 : i32
          %get3A_400 = arith.index_cast %add3A_399 : i32 to index
          %get3A_401 = arith.constant 32 : index
          %get3A_402 = tpu.vector_load %arg11[%get3A_400, %get3A_401] {strides = array<i32>} : memref<128x128xf32, #tpu.memory_space<vmem>>, vector<16xf32>,
          %mul3A_403 = arith.mulf %get3A_402, %gather3A : vector<16xf32>
          %add3A_404 = arith.constant 0 : i32
          %add3A_405 = arith.addi %mul3A_369, %add3A_404 : i32
          %swap3A_406 = arith.index_cast %add3A_405 : i32 to index
          %swap3A_407 = arith.constant 32 : index
          %swap3A_408 = tpu.vector_load %arg11[%swap3A_406, %swap3A_407] {strides = array<i32>} : memref<128x128xf32, #tpu.memory_space<vmem>>, vector<16xf32>,
          tpu.vector_store %arg11[%swap3A_406, %swap3A_407], %mul3A_403 {strides = array<i32>} : memref<128x128xf32, #tpu.memory_space<vmem>>, vector<16xf32>,
          %add3A_409 = arith.constant 0 : i32
          %add3A_410 = arith.addi %mul3A_369, %add3A_409 : i32
          %get3A_411 = arith.index_cast %add3A_410 : i32 to index
          %get3A_412 = arith.constant 48 : index
          %get3A_413 = tpu.vector_load %arg11[%get3A_411, %get3A_412] {strides = array<i32>} : memref<128x128xf32, #tpu.memory_space<vmem>>, vector<16xf32>,
          %mul3A_414 = arith.mulf %get3A_413, %gather3A : vector<16xf32>
          %add3A_415 = arith.constant 0 : i32
          %add3A_416 = arith.addi %mul3A_369, %add3A_415 : i32
          %swap3A_417 = arith.index_cast %add3A_416 : i32 to index
          %swap3A_418 = arith.constant 48 : index
          %swap3A_419 = tpu.vector_load %arg11[%swap3A_417, %swap3A_418] {strides = array<i32>} : memref<128x128xf32, #tpu.memory_space<vmem>>, vector<16xf32>,
          tpu.vector_store %arg11[%swap3A_417, %swap3A_418], %mul3A_414 {strides = array<i32>} : memref<128x128xf32, #tpu.memory_space<vmem>>, vector<16xf32>,
          %add3A_420 = arith.constant 0 : i32
          %add3A_421 = arith.addi %mul3A_369, %add3A_420 : i32
          %get3A_422 = arith.index_cast %add3A_421 : i32 to index
          %get3A_423 = arith.constant 64 : index
          %get3A_424 = tpu.vector_load %arg11[%get3A_422, %get3A_423] {strides = array<i32>} : memref<128x128xf32, #tpu.memory_space<vmem>>, vector<16xf32>,
          %mul3A_425 = arith.mulf %get3A_424, %gather3A : vector<16xf32>
          %add3A_426 = arith.constant 0 : i32
          %add3A_427 = arith.addi %mul3A_369, %add3A_426 : i32
          %swap3A_428 = arith.index_cast %add3A_427 : i32 to index
          %swap3A_429 = arith.constant 64 : index
          %swap3A_430 = tpu.vector_load %arg11[%swap3A_428, %swap3A_429] {strides = array<i32>} : memref<128x128xf32, #tpu.memory_space<vmem>>, vector<16xf32>,
          tpu.vector_store %arg11[%swap3A_428, %swap3A_429], %mul3A_425 {strides = array<i32>} : memref<128x128xf32, #tpu.memory_space<vmem>>, vector<16xf32>,
          %add3A_431 = arith.constant 0 : i32
          %add3A_432 = arith.addi %mul3A_369, %add3A_431 : i32
          %get3A_433 = arith.index_cast %add3A_432 : i32 to index
          %get3A_434 = arith.constant 80 : index
          %get3A_435 = tpu.vector_load %arg11[%get3A_433, %get3A_434] {strides = array<i32>} : memref<128x128xf32, #tpu.memory_space<vmem>>, vector<16xf32>,
          %mul3A_436 = arith.mulf %get3A_435, %gather3A : vector<16xf32>
          %add3A_437 = arith.constant 0 : i32
          %add3A_438 = arith.addi %mul3A_369, %add3A_437 : i32
          %swap3A_439 = arith.index_cast %add3A_438 : i32 to index
          %swap3A_440 = arith.constant 80 : index
          %swap3A_441 = tpu.vector_load %arg11[%swap3A_439, %swap3A_440] {strides = array<i32>} : memref<128x128xf32, #tpu.memory_space<vmem>>, vector<16xf32>,
          tpu.vector_store %arg11[%swap3A_439, %swap3A_440], %mul3A_436 {strides = array<i32>} : memref<128x128xf32, #tpu.memory_space<vmem>>, vector<16xf32>,
          %add3A_442 = arith.constant 0 : i32
          %add3A_443 = arith.addi %mul3A_369, %add3A_442 : i32
          %get3A_444 = arith.index_cast %add3A_443 : i32 to index
          %get3A_445 = arith.constant 96 : index
          %get3A_446 = tpu.vector_load %arg11[%get3A_444, %get3A_445] {strides = array<i32>} : memref<128x128xf32, #tpu.memory_space<vmem>>, vector<16xf32>,
          %mul3A_447 = arith.mulf %get3A_446, %gather3A : vector<16xf32>
          %add3A_448 = arith.constant 0 : i32
          %add3A_449 = arith.addi %mul3A_369, %add3A_448 : i32
          %swap3A_450 = arith.index_cast %add3A_449 : i32 to index
          %swap3A_451 = arith.constant 96 : index
          %swap3A_452 = tpu.vector_load %arg11[%swap3A_450, %swap3A_451] {strides = array<i32>} : memref<128x128xf32, #tpu.memory_space<vmem>>, vector<16xf32>,
          tpu.vector_store %arg11[%swap3A_450, %swap3A_451], %mul3A_447 {strides = array<i32>} : memref<128x128xf32, #tpu.memory_space<vmem>>, vector<16xf32>,
          %add3A_453 = arith.constant 0 : i32
          %add3A_454 = arith.addi %mul3A_369, %add3A_453 : i32
          %get3A_455 = arith.index_cast %add3A_454 : i32 to index
          %get3A_456 = arith.constant 112 : index
          %get3A_457 = tpu.vector_load %arg11[%get3A_455, %get3A_456] {strides = array<i32>} : memref<128x128xf32, #tpu.memory_space<vmem>>, vector<16xf32>,
          %mul3A_458 = arith.mulf %get3A_457, %gather3A : vector<16xf32>
          %add3A_459 = arith.constant 0 : i32
          %add3A_460 = arith.addi %mul3A_369, %add3A_459 : i32
          %swap3A_461 = arith.index_cast %add3A_460 : i32 to index
          %swap3A_462 = arith.constant 112 : index
          %swap3A_463 = tpu.vector_load %arg11[%swap3A_461, %swap3A_462] {strides = array<i32>} : memref<128x128xf32, #tpu.memory_space<vmem>>, vector<16xf32>,
          tpu.vector_store %arg11[%swap3A_461, %swap3A_462], %mul3A_458 {strides = array<i32>} : memref<128x128xf32, #tpu.memory_space<vmem>>, vector<16xf32>,
          %add3A_464 = arith.constant 1 : i32
          %add3A_465 = arith.addi %mul3A_302, %add3A_464 : i32
          %mul3A_466 = arith.constant 128 : i32
          %mul3A_467 = arith.muli %add3A_465, %mul3A_466 : i32
          %add3A_468 = arith.addi %mul3A_467, %mul3A_369 : i32
          %add3A_469 = arith.constant 1 : i32
          %add3A_470 = arith.addi %add3A_468, %add3A_469 : i32
          %broadcast_in_dim3A_471 = vector.broadcast %add3A_470 : i32 to vector<16xi32>
          %gather3A_472 = tpu.vector_load_idx %arg9[%broadcast_in_dim3A_471] : memref<3840xf32, #tpu.memory_space<vmem>>[vector<16xi32>], vector<16xf32>,
          %add3A_473 = arith.constant 1 : i32
          %add3A_474 = arith.addi %mul3A_369, %add3A_473 : i32
          %get3A_475 = arith.index_cast %add3A_474 : i32 to index
          %get3A_476 = arith.constant 0 : index
          %get3A_477 = tpu.vector_load %arg11[%get3A_475, %get3A_476] {strides = array<i32>} : memref<128x128xf32, #tpu.memory_space<vmem>>, vector<16xf32>,
          %mul3A_478 = arith.mulf %get3A_477, %gather3A_472 : vector<16xf32>
          %add3A_479 = arith.constant 1 : i32
          %add3A_480 = arith.addi %mul3A_369, %add3A_479 : i32
          %swap3A_481 = arith.index_cast %add3A_480 : i32 to index
          %swap3A_482 = arith.constant 0 : index
          %swap3A_483 = tpu.vector_load %arg11[%swap3A_481, %swap3A_482] {strides = array<i32>} : memref<128x128xf32, #tpu.memory_space<vmem>>, vector<16xf32>,
          tpu.vector_store %arg11[%swap3A_481, %swap3A_482], %mul3A_478 {strides = array<i32>} : memref<128x128xf32, #tpu.memory_space<vmem>>, vector<16xf32>,
          %add3A_484 = arith.constant 1 : i32
          %add3A_485 = arith.addi %mul3A_369, %add3A_484 : i32
          %get3A_486 = arith.index_cast %add3A_485 : i32 to index
          %get3A_487 = arith.constant 16 : index
          %get3A_488 = tpu.vector_load %arg11[%get3A_486, %get3A_487] {strides = array<i32>} : memref<128x128xf32, #tpu.memory_space<vmem>>, vector<16xf32>,
          %mul3A_489 = arith.mulf %get3A_488, %gather3A_472 : vector<16xf32>
          %add3A_490 = arith.constant 1 : i32
          %add3A_491 = arith.addi %mul3A_369, %add3A_490 : i32
          %swap3A_492 = arith.index_cast %add3A_491 : i32 to index
          %swap3A_493 = arith.constant 16 : index
          %swap3A_494 = tpu.vector_load %arg11[%swap3A_492, %swap3A_493] {strides = array<i32>} : memref<128x128xf32, #tpu.memory_space<vmem>>, vector<16xf32>,
          tpu.vector_store %arg11[%swap3A_492, %swap3A_493], %mul3A_489 {strides = array<i32>} : memref<128x128xf32, #tpu.memory_space<vmem>>, vector<16xf32>,
          %add3A_495 = arith.constant 1 : i32
          %add3A_496 = arith.addi %mul3A_369, %add3A_495 : i32
          %get3A_497 = arith.index_cast %add3A_496 : i32 to index
          %get3A_498 = arith.constant 32 : index
          %get3A_499 = tpu.vector_load %arg11[%get3A_497, %get3A_498] {strides = array<i32>} : memref<128x128xf32, #tpu.memory_space<vmem>>, vector<16xf32>,
          %mul3A_500 = arith.mulf %get3A_499, %gather3A_472 : vector<16xf32>
          %add3A_501 = arith.constant 1 : i32
          %add3A_502 = arith.addi %mul3A_369, %add3A_501 : i32
          %swap3A_503 = arith.index_cast %add3A_502 : i32 to index
          %swap3A_504 = arith.constant 32 : index
          %swap3A_505 = tpu.vector_load %arg11[%swap3A_503, %swap3A_504] {strides = array<i32>} : memref<128x128xf32, #tpu.memory_space<vmem>>, vector<16xf32>,
          tpu.vector_store %arg11[%swap3A_503, %swap3A_504], %mul3A_500 {strides = array<i32>} : memref<128x128xf32, #tpu.memory_space<vmem>>, vector<16xf32>,
          %add3A_506 = arith.constant 1 : i32
          %add3A_507 = arith.addi %mul3A_369, %add3A_506 : i32
          %get3A_508 = arith.index_cast %add3A_507 : i32 to index
          %get3A_509 = arith.constant 48 : index
          %get3A_510 = tpu.vector_load %arg11[%get3A_508, %get3A_509] {strides = array<i32>} : memref<128x128xf32, #tpu.memory_space<vmem>>, vector<16xf32>,
          %mul3A_511 = arith.mulf %get3A_510, %gather3A_472 : vector<16xf32>
          %add3A_512 = arith.constant 1 : i32
          %add3A_513 = arith.addi %mul3A_369, %add3A_512 : i32
          %swap3A_514 = arith.index_cast %add3A_513 : i32 to index
          %swap3A_515 = arith.constant 48 : index
          %swap3A_516 = tpu.vector_load %arg11[%swap3A_514, %swap3A_515] {strides = array<i32>} : memref<128x128xf32, #tpu.memory_space<vmem>>, vector<16xf32>,
          tpu.vector_store %arg11[%swap3A_514, %swap3A_515], %mul3A_511 {strides = array<i32>} : memref<128x128xf32, #tpu.memory_space<vmem>>, vector<16xf32>,
          %add3A_517 = arith.constant 1 : i32
          %add3A_518 = arith.addi %mul3A_369, %add3A_517 : i32
          %get3A_519 = arith.index_cast %add3A_518 : i32 to index
          %get3A_520 = arith.constant 64 : index
          %get3A_521 = tpu.vector_load %arg11[%get3A_519, %get3A_520] {strides = array<i32>} : memref<128x128xf32, #tpu.memory_space<vmem>>, vector<16xf32>,
          %mul3A_522 = arith.mulf %get3A_521, %gather3A_472 : vector<16xf32>
          %add3A_523 = arith.constant 1 : i32
          %add3A_524 = arith.addi %mul3A_369, %add3A_523 : i32
          %swap3A_525 = arith.index_cast %add3A_524 : i32 to index
          %swap3A_526 = arith.constant 64 : index
          %swap3A_527 = tpu.vector_load %arg11[%swap3A_525, %swap3A_526] {strides = array<i32>} : memref<128x128xf32, #tpu.memory_space<vmem>>, vector<16xf32>,
          tpu.vector_store %arg11[%swap3A_525, %swap3A_526], %mul3A_522 {strides = array<i32>} : memref<128x128xf32, #tpu.memory_space<vmem>>, vector<16xf32>,
          %add3A_528 = arith.constant 1 : i32
          %add3A_529 = arith.addi %mul3A_369, %add3A_528 : i32
          %get3A_530 = arith.index_cast %add3A_529 : i32 to index
          %get3A_531 = arith.constant 80 : index
          %get3A_532 = tpu.vector_load %arg11[%get3A_530, %get3A_531] {strides = array<i32>} : memref<128x128xf32, #tpu.memory_space<vmem>>, vector<16xf32>,
          %mul3A_533 = arith.mulf %get3A_532, %gather3A_472 : vector<16xf32>
          %add3A_534 = arith.constant 1 : i32
          %add3A_535 = arith.addi %mul3A_369, %add3A_534 : i32
          %swap3A_536 = arith.index_cast %add3A_535 : i32 to index
          %swap3A_537 = arith.constant 80 : index
          %swap3A_538 = tpu.vector_load %arg11[%swap3A_536, %swap3A_537] {strides = array<i32>} : memref<128x128xf32, #tpu.memory_space<vmem>>, vector<16xf32>,
          tpu.vector_store %arg11[%swap3A_536, %swap3A_537], %mul3A_533 {strides = array<i32>} : memref<128x128xf32, #tpu.memory_space<vmem>>, vector<16xf32>,
          %add3A_539 = arith.constant 1 : i32
          %add3A_540 = arith.addi %mul3A_369, %add3A_539 : i32
          %get3A_541 = arith.index_cast %add3A_540 : i32 to index
          %get3A_542 = arith.constant 96 : index
          %get3A_543 = tpu.vector_load %arg11[%get3A_541, %get3A_542] {strides = array<i32>} : memref<128x128xf32, #tpu.memory_space<vmem>>, vector<16xf32>,
          %mul3A_544 = arith.mulf %get3A_543, %gather3A_472 : vector<16xf32>
          %add3A_545 = arith.constant 1 : i32
          %add3A_546 = arith.addi %mul3A_369, %add3A_545 : i32
          %swap3A_547 = arith.index_cast %add3A_546 : i32 to index
          %swap3A_548 = arith.constant 96 : index
          %swap3A_549 = tpu.vector_load %arg11[%swap3A_547, %swap3A_548] {strides = array<i32>} : memref<128x128xf32, #tpu.memory_space<vmem>>, vector<16xf32>,
          tpu.vector_store %arg11[%swap3A_547, %swap3A_548], %mul3A_544 {strides = array<i32>} : memref<128x128xf32, #tpu.memory_space<vmem>>, vector<16xf32>,
          %add3A_550 = arith.constant 1 : i32
          %add3A_551 = arith.addi %mul3A_369, %add3A_550 : i32
          %get3A_552 = arith.index_cast %add3A_551 : i32 to index
          %get3A_553 = arith.constant 112 : index
          %get3A_554 = tpu.vector_load %arg11[%get3A_552, %get3A_553] {strides = array<i32>} : memref<128x128xf32, #tpu.memory_space<vmem>>, vector<16xf32>,
          %mul3A_555 = arith.mulf %get3A_554, %gather3A_472 : vector<16xf32>
          %add3A_556 = arith.constant 1 : i32
          %add3A_557 = arith.addi %mul3A_369, %add3A_556 : i32
          %swap3A_558 = arith.index_cast %add3A_557 : i32 to index
          %swap3A_559 = arith.constant 112 : index
          %swap3A_560 = tpu.vector_load %arg11[%swap3A_558, %swap3A_559] {strides = array<i32>} : memref<128x128xf32, #tpu.memory_space<vmem>>, vector<16xf32>,
          tpu.vector_store %arg11[%swap3A_558, %swap3A_559], %mul3A_555 {strides = array<i32>} : memref<128x128xf32, #tpu.memory_space<vmem>>, vector<16xf32>,
          %scan3A_561 = arith.constant 0 : i32
          scf.yield %scan3A_561 : i32
        }
        %scan3A_348 = arith.constant 64 : i32
        %add3A_349 = arith.constant 1 : i32
        %add3A_350 = arith.addi %mul3A_302, %add3A_349 : i32
        %mul3A_351 = arith.constant 128 : i32
        %mul3A_352 = arith.muli %add3A_350, %mul3A_351 : i32
        %dma_start3A_353 = tpu.memref_slice %arg8[%mul3A_352] : memref<3840xi32, #tpu.memory_space<vmem>> -> memref<128xi32, #tpu.memory_space<vmem>>
        %dma_start3A_354 = arith.constant 0 : i32
        %dma_start3A_355 = arith.constant 0 : i32
        %dma_start3A_356 = tpu.memref_slice %arg23[%dma_start3A_354, %dma_start3A_355] : memref<10112x128xf32, #tpu.memory_space<vmem_shared>> -> memref<10112x128xf32, #tpu.memory_space<vmem_shared>>
        tpu.enqueue_indirect_dma source(%arg11 : memref<128x128xf32, #tpu.memory_space<vmem>>) target(%dma_start3A_356 : memref<10112x128xf32, #tpu.memory_space<vmem_shared>>) offsets(%dma_start3A_353 : memref<128xi32, #tpu.memory_space<vmem>>) semaphore(%arg15 : memref<!tpu.dma_semaphore, #tpu.memory_space<semaphore_mem>>) {add = true}
        %dma_wait3A_357 = tpu.memref_slice %arg8[%mul3A_333] : memref<3840xi32, #tpu.memory_space<vmem>> -> memref<128xi32, #tpu.memory_space<vmem>>
        %dma_wait3A_358 = arith.constant 0 : i32
        %dma_wait3A_359 = arith.constant 0 : i32
        %dma_wait3A_360 = tpu.memref_slice %arg23[%dma_wait3A_358, %dma_wait3A_359] : memref<10112x128xf32, #tpu.memory_space<vmem_shared>> -> memref<10112x128xf32, #tpu.memory_space<vmem_shared>>
        tpu.wait_indirect_dma semaphore(%arg14 : memref<!tpu.dma_semaphore, #tpu.memory_space<semaphore_mem>>) src(%arg10 : memref<128x128xf32, #tpu.memory_space<vmem>>) dst(%dma_wait3A_360 : memref<10112x128xf32, #tpu.memory_space<vmem_shared>>)
        %dma_wait3A_361 = tpu.memref_slice %arg8[%mul3A_352] : memref<3840xi32, #tpu.memory_space<vmem>> -> memref<128xi32, #tpu.memory_space<vmem>>
        %dma_wait3A_362 = arith.constant 0 : i32
        %dma_wait3A_363 = arith.constant 0 : i32
        %dma_wait3A_364 = tpu.memref_slice %arg23[%dma_wait3A_362, %dma_wait3A_363] : memref<10112x128xf32, #tpu.memory_space<vmem_shared>> -> memref<10112x128xf32, #tpu.memory_space<vmem_shared>>
        tpu.wait_indirect_dma semaphore(%arg15 : memref<!tpu.dma_semaphore, #tpu.memory_space<semaphore_mem>>) src(%arg11 : memref<128x128xf32, #tpu.memory_space<vmem>>) dst(%dma_wait3A_364 : memref<10112x128xf32, #tpu.memory_space<vmem_shared>>)
        %scan3A_365 = arith.constant 0 : i32
        scf.yield %scan3A_365 : i32
      }
      %scan3A_245 = arith.constant 14 : i32
      %mul3A_246 = arith.constant 58 : i32
      %mul3A_247 = arith.muli %arg1, %mul3A_246 : i32
      %add3A_248 = arith.constant 28 : i32
      %add3A_249 = arith.addi %mul3A_247, %add3A_248 : i32
      %mul3A_250 = arith.constant 128 : i32
      %mul3A_251 = arith.muli %add3A_249, %mul3A_250 : i32
      %dma_start3A_252 = arith.constant 0 : i32
      %dma_start3A_253 = tpu.memref_slice %arg7[%dma_start3A_252] : memref<3840xi32, #tpu.memory_space<vmem>> -> memref<3840xi32, #tpu.memory_space<vmem>>
      %dma_start3A_254 = tpu.memref_slice %arg3[%mul3A_251] : memref<172032xi32, #tpu.memory_space<hbm>> -> memref<3840xi32, #tpu.memory_space<hbm>>
      %dma_start3A_255 = arith.constant 0 : i32
      %dma_start3A_256 = tpu.memref_slice %arg7[%dma_start3A_255] : memref<3840xi32, #tpu.memory_space<vmem>> -> memref<3840xi32, #tpu.memory_space<vmem>>
      %dma_start3A_257 = tpu.memref_slice %arg3[%mul3A_251] : memref<172032xi32, #tpu.memory_space<hbm>> -> memref<3840xi32, #tpu.memory_space<hbm>>
      tpu.enqueue_dma source(%dma_start3A_257 : memref<3840xi32, #tpu.memory_space<hbm>>) target(%dma_start3A_256 : memref<3840xi32, #tpu.memory_space<vmem>>) target_semaphore(%arg16 : memref<!tpu.dma_semaphore, #tpu.memory_space<semaphore_mem>>)
      %mul3A_258 = arith.constant 128 : i32
      %mul3A_259 = arith.muli %add3A_249, %mul3A_258 : i32
      %dma_start3A_260 = arith.constant 0 : i32
      %dma_start3A_261 = tpu.memref_slice %arg8[%dma_start3A_260] : memref<3840xi32, #tpu.memory_space<vmem>> -> memref<3840xi32, #tpu.memory_space<vmem>>
      %dma_start3A_262 = tpu.memref_slice %arg4[%mul3A_259] : memref<172032xi32, #tpu.memory_space<hbm>> -> memref<3840xi32, #tpu.memory_space<hbm>>
      %dma_start3A_263 = arith.constant 0 : i32
      %dma_start3A_264 = tpu.memref_slice %arg8[%dma_start3A_263] : memref<3840xi32, #tpu.memory_space<vmem>> -> memref<3840xi32, #tpu.memory_space<vmem>>
      %dma_start3A_265 = tpu.memref_slice %arg4[%mul3A_259] : memref<172032xi32, #tpu.memory_space<hbm>> -> memref<3840xi32, #tpu.memory_space<hbm>>
      tpu.enqueue_dma source(%dma_start3A_265 : memref<3840xi32, #tpu.memory_space<hbm>>) target(%dma_start3A_264 : memref<3840xi32, #tpu.memory_space<vmem>>) target_semaphore(%arg17 : memref<!tpu.dma_semaphore, #tpu.memory_space<semaphore_mem>>)
      %mul3A_266 = arith.constant 128 : i32
      %mul3A_267 = arith.muli %add3A_249, %mul3A_266 : i32
      %dma_start3A_268 = arith.constant 0 : i32
      %dma_start3A_269 = tpu.memref_slice %arg9[%dma_start3A_268] : memref<3840xf32, #tpu.memory_space<vmem>> -> memref<3840xf32, #tpu.memory_space<vmem>>
      %dma_start3A_270 = tpu.memref_slice %arg5[%mul3A_267] : memref<172032xf32, #tpu.memory_space<hbm>> -> memref<3840xf32, #tpu.memory_space<hbm>>
      %dma_start3A_271 = arith.constant 0 : i32
      %dma_start3A_272 = tpu.memref_slice %arg9[%dma_start3A_271] : memref<3840xf32, #tpu.memory_space<vmem>> -> memref<3840xf32, #tpu.memory_space<vmem>>
      %dma_start3A_273 = tpu.memref_slice %arg5[%mul3A_267] : memref<172032xf32, #tpu.memory_space<hbm>> -> memref<3840xf32, #tpu.memory_space<hbm>>
      tpu.enqueue_dma source(%dma_start3A_273 : memref<3840xf32, #tpu.memory_space<hbm>>) target(%dma_start3A_272 : memref<3840xf32, #tpu.memory_space<vmem>>) target_semaphore(%arg18 : memref<!tpu.dma_semaphore, #tpu.memory_space<semaphore_mem>>)
      %dma_wait3A_274 = arith.constant 0 : i32
      %dma_wait3A_275 = tpu.memref_slice %arg7[%dma_wait3A_274] : memref<3840xi32, #tpu.memory_space<vmem>> -> memref<3840xi32, #tpu.memory_space<vmem>>
      %dma_wait3A_276 = tpu.memref_slice %arg3[%mul3A_251] : memref<172032xi32, #tpu.memory_space<hbm>> -> memref<3840xi32, #tpu.memory_space<hbm>>
      %dma_wait3A_277 = arith.constant 0 : i32
      %dma_wait3A_278 = tpu.memref_slice %arg7[%dma_wait3A_277] : memref<3840xi32, #tpu.memory_space<vmem>> -> memref<3840xi32, #tpu.memory_space<vmem>>
      %dma_wait3A_279 = tpu.memref_slice %arg3[%mul3A_251] : memref<172032xi32, #tpu.memory_space<hbm>> -> memref<3840xi32, #tpu.memory_space<hbm>>
      tpu.wait_dma2 semaphore(%arg16 : memref<!tpu.dma_semaphore, #tpu.memory_space<semaphore_mem>>) src(%dma_wait3A_279 : memref<3840xi32, #tpu.memory_space<hbm>>) dst(%dma_wait3A_278 : memref<3840xi32, #tpu.memory_space<vmem>>)
      %dma_wait3A_280 = arith.constant 0 : i32
      %dma_wait3A_281 = tpu.memref_slice %arg8[%dma_wait3A_280] : memref<3840xi32, #tpu.memory_space<vmem>> -> memref<3840xi32, #tpu.memory_space<vmem>>
      %dma_wait3A_282 = tpu.memref_slice %arg4[%mul3A_259] : memref<172032xi32, #tpu.memory_space<hbm>> -> memref<3840xi32, #tpu.memory_space<hbm>>
      %dma_wait3A_283 = arith.constant 0 : i32
      %dma_wait3A_284 = tpu.memref_slice %arg8[%dma_wait3A_283] : memref<3840xi32, #tpu.memory_space<vmem>> -> memref<3840xi32, #tpu.memory_space<vmem>>
      %dma_wait3A_285 = tpu.memref_slice %arg4[%mul3A_259] : memref<172032xi32, #tpu.memory_space<hbm>> -> memref<3840xi32, #tpu.memory_space<hbm>>
      tpu.wait_dma2 semaphore(%arg17 : memref<!tpu.dma_semaphore, #tpu.memory_space<semaphore_mem>>) src(%dma_wait3A_285 : memref<3840xi32, #tpu.memory_space<hbm>>) dst(%dma_wait3A_284 : memref<3840xi32, #tpu.memory_space<vmem>>)
      %dma_wait3A_286 = arith.constant 0 : i32
      %dma_wait3A_287 = tpu.memref_slice %arg9[%dma_wait3A_286] : memref<3840xf32, #tpu.memory_space<vmem>> -> memref<3840xf32, #tpu.memory_space<vmem>>
      %dma_wait3A_288 = tpu.memref_slice %arg5[%mul3A_267] : memref<172032xf32, #tpu.memory_space<hbm>> -> memref<3840xf32, #tpu.memory_space<hbm>>
      %dma_wait3A_289 = arith.constant 0 : i32
      %dma_wait3A_290 = tpu.memref_slice %arg9[%dma_wait3A_289] : memref<3840xf32, #tpu.memory_space<vmem>> -> memref<3840xf32, #tpu.memory_space<vmem>>
      %dma_wait3A_291 = tpu.memref_slice %arg5[%mul3A_267] : memref<172032xf32, #tpu.memory_space<hbm>> -> memref<3840xf32, #tpu.memory_space<hbm>>
      tpu.wait_dma2 semaphore(%arg18 : memref<!tpu.dma_semaphore, #tpu.memory_space<semaphore_mem>>) src(%dma_wait3A_291 : memref<3840xf32, #tpu.memory_space<hbm>>) dst(%dma_wait3A_290 : memref<3840xf32, #tpu.memory_space<vmem>>)
      %scan3A_292 = arith.constant 0 : i32
      %scan3A_293 = arith.constant 0 : i32
      %scan3A_294 = arith.constant 15 : i32
      %scan3A_295 = arith.addi %scan3A_293, %scan3A_294 : i32
      %scan3A_296 = arith.constant 1 : i32
      %scan3A_297 = scf.for %scan3A_299 = %scan3A_293 to %scan3A_295 step %scan3A_296 iter_args(%scan3A_300 = %scan3A_292) -> (i32)  : i32 {
        %mul3A_301 = arith.constant 2 : i32
        %mul3A_302 = arith.muli %scan3A_299, %mul3A_301 : i32
        %add3A_303 = arith.constant 0 : i32
        %add3A_304 = arith.addi %mul3A_302, %add3A_303 : i32
        %mul3A_305 = arith.constant 128 : i32
        %mul3A_306 = arith.muli %add3A_304, %mul3A_305 : i32
        %dma_start3A_307 = tpu.memref_slice %arg7[%mul3A_306] : memref<3840xi32, #tpu.memory_space<vmem>> -> memref<128xi32, #tpu.memory_space<vmem>>
        %dma_start3A_308 = arith.constant 0 : i32
        %dma_start3A_309 = arith.constant 0 : i32
        %dma_start3A_310 = tpu.memref_slice %arg2[%dma_start3A_308, %dma_start3A_309] : memref<10000x128xf32, #tpu.memory_space<hbm>> -> memref<10000x128xf32, #tpu.memory_space<hbm>>
        tpu.enqueue_indirect_dma source(%dma_start3A_310 : memref<10000x128xf32, #tpu.memory_space<hbm>>) target(%arg10 : memref<128x128xf32, #tpu.memory_space<vmem>>) offsets(%dma_start3A_307 : memref<128xi32, #tpu.memory_space<vmem>>) semaphore(%arg12 : memref<!tpu.dma_semaphore, #tpu.memory_space<semaphore_mem>>)
        %add3A_311 = arith.constant 1 : i32
        %add3A_312 = arith.addi %mul3A_302, %add3A_311 : i32
        %mul3A_313 = arith.constant 128 : i32
        %mul3A_314 = arith.muli %add3A_312, %mul3A_313 : i32
        %dma_start3A_315 = tpu.memref_slice %arg7[%mul3A_314] : memref<3840xi32, #tpu.memory_space<vmem>> -> memref<128xi32, #tpu.memory_space<vmem>>
        %dma_start3A_316 = arith.constant 0 : i32
        %dma_start3A_317 = arith.constant 0 : i32
        %dma_start3A_318 = tpu.memref_slice %arg2[%dma_start3A_316, %dma_start3A_317] : memref<10000x128xf32, #tpu.memory_space<hbm>> -> memref<10000x128xf32, #tpu.memory_space<hbm>>
        tpu.enqueue_indirect_dma source(%dma_start3A_318 : memref<10000x128xf32, #tpu.memory_space<hbm>>) target(%arg11 : memref<128x128xf32, #tpu.memory_space<vmem>>) offsets(%dma_start3A_315 : memref<128xi32, #tpu.memory_space<vmem>>) semaphore(%arg13 : memref<!tpu.dma_semaphore, #tpu.memory_space<semaphore_mem>>)
        %dma_wait3A_319 = tpu.memref_slice %arg7[%mul3A_306] : memref<3840xi32, #tpu.memory_space<vmem>> -> memref<128xi32, #tpu.memory_space<vmem>>
        %dma_wait3A_320 = arith.constant 0 : i32
        %dma_wait3A_321 = arith.constant 0 : i32
        %dma_wait3A_322 = tpu.memref_slice %arg2[%dma_wait3A_320, %dma_wait3A_321] : memref<10000x128xf32, #tpu.memory_space<hbm>> -> memref<10000x128xf32, #tpu.memory_space<hbm>>
        tpu.wait_indirect_dma semaphore(%arg12 : memref<!tpu.dma_semaphore, #tpu.memory_space<semaphore_mem>>) src(%dma_wait3A_322 : memref<10000x128xf32, #tpu.memory_space<hbm>>) dst(%arg10 : memref<128x128xf32, #tpu.memory_space<vmem>>)
        %scan3A_323 = arith.constant 0 : i32
        %scan3A_324 = arith.constant 0 : i32
        %scan3A_325 = arith.constant 64 : i32
        %scan3A_326 = arith.addi %scan3A_324, %scan3A_325 : i32
        %scan3A_327 = arith.constant 1 : i32
        %scan3A_328 = scf.for %scan3A_366 = %scan3A_324 to %scan3A_326 step %scan3A_327 iter_args(%scan3A_367 = %scan3A_323) -> (i32)  : i32 {
          %mul3A_368 = arith.constant 2 : i32
          %mul3A_369 = arith.muli %scan3A_366, %mul3A_368 : i32
          %add3A_370 = arith.constant 0 : i32
          %add3A_371 = arith.addi %mul3A_302, %add3A_370 : i32
          %mul3A_372 = arith.constant 128 : i32
          %mul3A_373 = arith.muli %add3A_371, %mul3A_372 : i32
          %add3A_374 = arith.addi %mul3A_373, %mul3A_369 : i32
          %add3A_375 = arith.constant 0 : i32
          %add3A_376 = arith.addi %add3A_374, %add3A_375 : i32
          %broadcast_in_dim3A_377 = vector.broadcast %add3A_376 : i32 to vector<16xi32>
          %gather3A = tpu.vector_load_idx %arg9[%broadcast_in_dim3A_377] : memref<3840xf32, #tpu.memory_space<vmem>>[vector<16xi32>], vector<16xf32>,
          %add3A_378 = arith.constant 0 : i32
          %add3A_379 = arith.addi %mul3A_369, %add3A_378 : i32
          %get3A = arith.index_cast %add3A_379 : i32 to index
          %get3A_380 = arith.constant 0 : index
          %get3A_381 = tpu.vector_load %arg10[%get3A, %get3A_380] {strides = array<i32>} : memref<128x128xf32, #tpu.memory_space<vmem>>, vector<16xf32>,
          %mul3A_382 = arith.mulf %get3A_381, %gather3A : vector<16xf32>
          %add3A_383 = arith.constant 0 : i32
          %add3A_384 = arith.addi %mul3A_369, %add3A_383 : i32
          %swap3A = arith.index_cast %add3A_384 : i32 to index
          %swap3A_385 = arith.constant 0 : index
          %swap3A_386 = tpu.vector_load %arg10[%swap3A, %swap3A_385] {strides = array<i32>} : memref<128x128xf32, #tpu.memory_space<vmem>>, vector<16xf32>,
          tpu.vector_store %arg10[%swap3A, %swap3A_385], %mul3A_382 {strides = array<i32>} : memref<128x128xf32, #tpu.memory_space<vmem>>, vector<16xf32>,
          %add3A_387 = arith.constant 0 : i32
          %add3A_388 = arith.addi %mul3A_369, %add3A_387 : i32
          %get3A_389 = arith.index_cast %add3A_388 : i32 to index
          %get3A_390 = arith.constant 16 : index
          %get3A_391 = tpu.vector_load %arg10[%get3A_389, %get3A_390] {strides = array<i32>} : memref<128x128xf32, #tpu.memory_space<vmem>>, vector<16xf32>,
          %mul3A_392 = arith.mulf %get3A_391, %gather3A : vector<16xf32>
          %add3A_393 = arith.constant 0 : i32
          %add3A_394 = arith.addi %mul3A_369, %add3A_393 : i32
          %swap3A_395 = arith.index_cast %add3A_394 : i32 to index
          %swap3A_396 = arith.constant 16 : index
          %swap3A_397 = tpu.vector_load %arg10[%swap3A_395, %swap3A_396] {strides = array<i32>} : memref<128x128xf32, #tpu.memory_space<vmem>>, vector<16xf32>,
          tpu.vector_store %arg10[%swap3A_395, %swap3A_396], %mul3A_392 {strides = array<i32>} : memref<128x128xf32, #tpu.memory_space<vmem>>, vector<16xf32>,
          %add3A_398 = arith.constant 0 : i32
          %add3A_399 = arith.addi %mul3A_369, %add3A_398 : i32
          %get3A_400 = arith.index_cast %add3A_399 : i32 to index
          %get3A_401 = arith.constant 32 : index
          %get3A_402 = tpu.vector_load %arg10[%get3A_400, %get3A_401] {strides = array<i32>} : memref<128x128xf32, #tpu.memory_space<vmem>>, vector<16xf32>,
          %mul3A_403 = arith.mulf %get3A_402, %gather3A : vector<16xf32>
          %add3A_404 = arith.constant 0 : i32
          %add3A_405 = arith.addi %mul3A_369, %add3A_404 : i32
          %swap3A_406 = arith.index_cast %add3A_405 : i32 to index
          %swap3A_407 = arith.constant 32 : index
          %swap3A_408 = tpu.vector_load %arg10[%swap3A_406, %swap3A_407] {strides = array<i32>} : memref<128x128xf32, #tpu.memory_space<vmem>>, vector<16xf32>,
          tpu.vector_store %arg10[%swap3A_406, %swap3A_407], %mul3A_403 {strides = array<i32>} : memref<128x128xf32, #tpu.memory_space<vmem>>, vector<16xf32>,
          %add3A_409 = arith.constant 0 : i32
          %add3A_410 = arith.addi %mul3A_369, %add3A_409 : i32
          %get3A_411 = arith.index_cast %add3A_410 : i32 to index
          %get3A_412 = arith.constant 48 : index
          %get3A_413 = tpu.vector_load %arg10[%get3A_411, %get3A_412] {strides = array<i32>} : memref<128x128xf32, #tpu.memory_space<vmem>>, vector<16xf32>,
          %mul3A_414 = arith.mulf %get3A_413, %gather3A : vector<16xf32>
          %add3A_415 = arith.constant 0 : i32
          %add3A_416 = arith.addi %mul3A_369, %add3A_415 : i32
          %swap3A_417 = arith.index_cast %add3A_416 : i32 to index
          %swap3A_418 = arith.constant 48 : index
          %swap3A_419 = tpu.vector_load %arg10[%swap3A_417, %swap3A_418] {strides = array<i32>} : memref<128x128xf32, #tpu.memory_space<vmem>>, vector<16xf32>,
          tpu.vector_store %arg10[%swap3A_417, %swap3A_418], %mul3A_414 {strides = array<i32>} : memref<128x128xf32, #tpu.memory_space<vmem>>, vector<16xf32>,
          %add3A_420 = arith.constant 0 : i32
          %add3A_421 = arith.addi %mul3A_369, %add3A_420 : i32
          %get3A_422 = arith.index_cast %add3A_421 : i32 to index
          %get3A_423 = arith.constant 64 : index
          %get3A_424 = tpu.vector_load %arg10[%get3A_422, %get3A_423] {strides = array<i32>} : memref<128x128xf32, #tpu.memory_space<vmem>>, vector<16xf32>,
          %mul3A_425 = arith.mulf %get3A_424, %gather3A : vector<16xf32>
          %add3A_426 = arith.constant 0 : i32
          %add3A_427 = arith.addi %mul3A_369, %add3A_426 : i32
          %swap3A_428 = arith.index_cast %add3A_427 : i32 to index
          %swap3A_429 = arith.constant 64 : index
          %swap3A_430 = tpu.vector_load %arg10[%swap3A_428, %swap3A_429] {strides = array<i32>} : memref<128x128xf32, #tpu.memory_space<vmem>>, vector<16xf32>,
          tpu.vector_store %arg10[%swap3A_428, %swap3A_429], %mul3A_425 {strides = array<i32>} : memref<128x128xf32, #tpu.memory_space<vmem>>, vector<16xf32>,
          %add3A_431 = arith.constant 0 : i32
          %add3A_432 = arith.addi %mul3A_369, %add3A_431 : i32
          %get3A_433 = arith.index_cast %add3A_432 : i32 to index
          %get3A_434 = arith.constant 80 : index
          %get3A_435 = tpu.vector_load %arg10[%get3A_433, %get3A_434] {strides = array<i32>} : memref<128x128xf32, #tpu.memory_space<vmem>>, vector<16xf32>,
          %mul3A_436 = arith.mulf %get3A_435, %gather3A : vector<16xf32>
          %add3A_437 = arith.constant 0 : i32
          %add3A_438 = arith.addi %mul3A_369, %add3A_437 : i32
          %swap3A_439 = arith.index_cast %add3A_438 : i32 to index
          %swap3A_440 = arith.constant 80 : index
          %swap3A_441 = tpu.vector_load %arg10[%swap3A_439, %swap3A_440] {strides = array<i32>} : memref<128x128xf32, #tpu.memory_space<vmem>>, vector<16xf32>,
          tpu.vector_store %arg10[%swap3A_439, %swap3A_440], %mul3A_436 {strides = array<i32>} : memref<128x128xf32, #tpu.memory_space<vmem>>, vector<16xf32>,
          %add3A_442 = arith.constant 0 : i32
          %add3A_443 = arith.addi %mul3A_369, %add3A_442 : i32
          %get3A_444 = arith.index_cast %add3A_443 : i32 to index
          %get3A_445 = arith.constant 96 : index
          %get3A_446 = tpu.vector_load %arg10[%get3A_444, %get3A_445] {strides = array<i32>} : memref<128x128xf32, #tpu.memory_space<vmem>>, vector<16xf32>,
          %mul3A_447 = arith.mulf %get3A_446, %gather3A : vector<16xf32>
          %add3A_448 = arith.constant 0 : i32
          %add3A_449 = arith.addi %mul3A_369, %add3A_448 : i32
          %swap3A_450 = arith.index_cast %add3A_449 : i32 to index
          %swap3A_451 = arith.constant 96 : index
          %swap3A_452 = tpu.vector_load %arg10[%swap3A_450, %swap3A_451] {strides = array<i32>} : memref<128x128xf32, #tpu.memory_space<vmem>>, vector<16xf32>,
          tpu.vector_store %arg10[%swap3A_450, %swap3A_451], %mul3A_447 {strides = array<i32>} : memref<128x128xf32, #tpu.memory_space<vmem>>, vector<16xf32>,
          %add3A_453 = arith.constant 0 : i32
          %add3A_454 = arith.addi %mul3A_369, %add3A_453 : i32
          %get3A_455 = arith.index_cast %add3A_454 : i32 to index
          %get3A_456 = arith.constant 112 : index
          %get3A_457 = tpu.vector_load %arg10[%get3A_455, %get3A_456] {strides = array<i32>} : memref<128x128xf32, #tpu.memory_space<vmem>>, vector<16xf32>,
          %mul3A_458 = arith.mulf %get3A_457, %gather3A : vector<16xf32>
          %add3A_459 = arith.constant 0 : i32
          %add3A_460 = arith.addi %mul3A_369, %add3A_459 : i32
          %swap3A_461 = arith.index_cast %add3A_460 : i32 to index
          %swap3A_462 = arith.constant 112 : index
          %swap3A_463 = tpu.vector_load %arg10[%swap3A_461, %swap3A_462] {strides = array<i32>} : memref<128x128xf32, #tpu.memory_space<vmem>>, vector<16xf32>,
          tpu.vector_store %arg10[%swap3A_461, %swap3A_462], %mul3A_458 {strides = array<i32>} : memref<128x128xf32, #tpu.memory_space<vmem>>, vector<16xf32>,
          %add3A_464 = arith.constant 0 : i32
          %add3A_465 = arith.addi %mul3A_302, %add3A_464 : i32
          %mul3A_466 = arith.constant 128 : i32
          %mul3A_467 = arith.muli %add3A_465, %mul3A_466 : i32
          %add3A_468 = arith.addi %mul3A_467, %mul3A_369 : i32
          %add3A_469 = arith.constant 1 : i32
          %add3A_470 = arith.addi %add3A_468, %add3A_469 : i32
          %broadcast_in_dim3A_471 = vector.broadcast %add3A_470 : i32 to vector<16xi32>
          %gather3A_472 = tpu.vector_load_idx %arg9[%broadcast_in_dim3A_471] : memref<3840xf32, #tpu.memory_space<vmem>>[vector<16xi32>], vector<16xf32>,
          %add3A_473 = arith.constant 1 : i32
          %add3A_474 = arith.addi %mul3A_369, %add3A_473 : i32
          %get3A_475 = arith.index_cast %add3A_474 : i32 to index
          %get3A_476 = arith.constant 0 : index
          %get3A_477 = tpu.vector_load %arg10[%get3A_475, %get3A_476] {strides = array<i32>} : memref<128x128xf32, #tpu.memory_space<vmem>>, vector<16xf32>,
          %mul3A_478 = arith.mulf %get3A_477, %gather3A_472 : vector<16xf32>
          %add3A_479 = arith.constant 1 : i32
          %add3A_480 = arith.addi %mul3A_369, %add3A_479 : i32
          %swap3A_481 = arith.index_cast %add3A_480 : i32 to index
          %swap3A_482 = arith.constant 0 : index
          %swap3A_483 = tpu.vector_load %arg10[%swap3A_481, %swap3A_482] {strides = array<i32>} : memref<128x128xf32, #tpu.memory_space<vmem>>, vector<16xf32>,
          tpu.vector_store %arg10[%swap3A_481, %swap3A_482], %mul3A_478 {strides = array<i32>} : memref<128x128xf32, #tpu.memory_space<vmem>>, vector<16xf32>,
          %add3A_484 = arith.constant 1 : i32
          %add3A_485 = arith.addi %mul3A_369, %add3A_484 : i32
          %get3A_486 = arith.index_cast %add3A_485 : i32 to index
          %get3A_487 = arith.constant 16 : index
          %get3A_488 = tpu.vector_load %arg10[%get3A_486, %get3A_487] {strides = array<i32>} : memref<128x128xf32, #tpu.memory_space<vmem>>, vector<16xf32>,
          %mul3A_489 = arith.mulf %get3A_488, %gather3A_472 : vector<16xf32>
          %add3A_490 = arith.constant 1 : i32
          %add3A_491 = arith.addi %mul3A_369, %add3A_490 : i32
          %swap3A_492 = arith.index_cast %add3A_491 : i32 to index
          %swap3A_493 = arith.constant 16 : index
          %swap3A_494 = tpu.vector_load %arg10[%swap3A_492, %swap3A_493] {strides = array<i32>} : memref<128x128xf32, #tpu.memory_space<vmem>>, vector<16xf32>,
          tpu.vector_store %arg10[%swap3A_492, %swap3A_493], %mul3A_489 {strides = array<i32>} : memref<128x128xf32, #tpu.memory_space<vmem>>, vector<16xf32>,
          %add3A_495 = arith.constant 1 : i32
          %add3A_496 = arith.addi %mul3A_369, %add3A_495 : i32
          %get3A_497 = arith.index_cast %add3A_496 : i32 to index
          %get3A_498 = arith.constant 32 : index
          %get3A_499 = tpu.vector_load %arg10[%get3A_497, %get3A_498] {strides = array<i32>} : memref<128x128xf32, #tpu.memory_space<vmem>>, vector<16xf32>,
          %mul3A_500 = arith.mulf %get3A_499, %gather3A_472 : vector<16xf32>
          %add3A_501 = arith.constant 1 : i32
          %add3A_502 = arith.addi %mul3A_369, %add3A_501 : i32
          %swap3A_503 = arith.index_cast %add3A_502 : i32 to index
          %swap3A_504 = arith.constant 32 : index
          %swap3A_505 = tpu.vector_load %arg10[%swap3A_503, %swap3A_504] {strides = array<i32>} : memref<128x128xf32, #tpu.memory_space<vmem>>, vector<16xf32>,
          tpu.vector_store %arg10[%swap3A_503, %swap3A_504], %mul3A_500 {strides = array<i32>} : memref<128x128xf32, #tpu.memory_space<vmem>>, vector<16xf32>,
          %add3A_506 = arith.constant 1 : i32
          %add3A_507 = arith.addi %mul3A_369, %add3A_506 : i32
          %get3A_508 = arith.index_cast %add3A_507 : i32 to index
          %get3A_509 = arith.constant 48 : index
          %get3A_510 = tpu.vector_load %arg10[%get3A_508, %get3A_509] {strides = array<i32>} : memref<128x128xf32, #tpu.memory_space<vmem>>, vector<16xf32>,
          %mul3A_511 = arith.mulf %get3A_510, %gather3A_472 : vector<16xf32>
          %add3A_512 = arith.constant 1 : i32
          %add3A_513 = arith.addi %mul3A_369, %add3A_512 : i32
          %swap3A_514 = arith.index_cast %add3A_513 : i32 to index
          %swap3A_515 = arith.constant 48 : index
          %swap3A_516 = tpu.vector_load %arg10[%swap3A_514, %swap3A_515] {strides = array<i32>} : memref<128x128xf32, #tpu.memory_space<vmem>>, vector<16xf32>,
          tpu.vector_store %arg10[%swap3A_514, %swap3A_515], %mul3A_511 {strides = array<i32>} : memref<128x128xf32, #tpu.memory_space<vmem>>, vector<16xf32>,
          %add3A_517 = arith.constant 1 : i32
          %add3A_518 = arith.addi %mul3A_369, %add3A_517 : i32
          %get3A_519 = arith.index_cast %add3A_518 : i32 to index
          %get3A_520 = arith.constant 64 : index
          %get3A_521 = tpu.vector_load %arg10[%get3A_519, %get3A_520] {strides = array<i32>} : memref<128x128xf32, #tpu.memory_space<vmem>>, vector<16xf32>,
          %mul3A_522 = arith.mulf %get3A_521, %gather3A_472 : vector<16xf32>
          %add3A_523 = arith.constant 1 : i32
          %add3A_524 = arith.addi %mul3A_369, %add3A_523 : i32
          %swap3A_525 = arith.index_cast %add3A_524 : i32 to index
          %swap3A_526 = arith.constant 64 : index
          %swap3A_527 = tpu.vector_load %arg10[%swap3A_525, %swap3A_526] {strides = array<i32>} : memref<128x128xf32, #tpu.memory_space<vmem>>, vector<16xf32>,
          tpu.vector_store %arg10[%swap3A_525, %swap3A_526], %mul3A_522 {strides = array<i32>} : memref<128x128xf32, #tpu.memory_space<vmem>>, vector<16xf32>,
          %add3A_528 = arith.constant 1 : i32
          %add3A_529 = arith.addi %mul3A_369, %add3A_528 : i32
          %get3A_530 = arith.index_cast %add3A_529 : i32 to index
          %get3A_531 = arith.constant 80 : index
          %get3A_532 = tpu.vector_load %arg10[%get3A_530, %get3A_531] {strides = array<i32>} : memref<128x128xf32, #tpu.memory_space<vmem>>, vector<16xf32>,
          %mul3A_533 = arith.mulf %get3A_532, %gather3A_472 : vector<16xf32>
          %add3A_534 = arith.constant 1 : i32
          %add3A_535 = arith.addi %mul3A_369, %add3A_534 : i32
          %swap3A_536 = arith.index_cast %add3A_535 : i32 to index
          %swap3A_537 = arith.constant 80 : index
          %swap3A_538 = tpu.vector_load %arg10[%swap3A_536, %swap3A_537] {strides = array<i32>} : memref<128x128xf32, #tpu.memory_space<vmem>>, vector<16xf32>,
          tpu.vector_store %arg10[%swap3A_536, %swap3A_537], %mul3A_533 {strides = array<i32>} : memref<128x128xf32, #tpu.memory_space<vmem>>, vector<16xf32>,
          %add3A_539 = arith.constant 1 : i32
          %add3A_540 = arith.addi %mul3A_369, %add3A_539 : i32
          %get3A_541 = arith.index_cast %add3A_540 : i32 to index
          %get3A_542 = arith.constant 96 : index
          %get3A_543 = tpu.vector_load %arg10[%get3A_541, %get3A_542] {strides = array<i32>} : memref<128x128xf32, #tpu.memory_space<vmem>>, vector<16xf32>,
          %mul3A_544 = arith.mulf %get3A_543, %gather3A_472 : vector<16xf32>
          %add3A_545 = arith.constant 1 : i32
          %add3A_546 = arith.addi %mul3A_369, %add3A_545 : i32
          %swap3A_547 = arith.index_cast %add3A_546 : i32 to index
          %swap3A_548 = arith.constant 96 : index
          %swap3A_549 = tpu.vector_load %arg10[%swap3A_547, %swap3A_548] {strides = array<i32>} : memref<128x128xf32, #tpu.memory_space<vmem>>, vector<16xf32>,
          tpu.vector_store %arg10[%swap3A_547, %swap3A_548], %mul3A_544 {strides = array<i32>} : memref<128x128xf32, #tpu.memory_space<vmem>>, vector<16xf32>,
          %add3A_550 = arith.constant 1 : i32
          %add3A_551 = arith.addi %mul3A_369, %add3A_550 : i32
          %get3A_552 = arith.index_cast %add3A_551 : i32 to index
          %get3A_553 = arith.constant 112 : index
          %get3A_554 = tpu.vector_load %arg10[%get3A_552, %get3A_553] {strides = array<i32>} : memref<128x128xf32, #tpu.memory_space<vmem>>, vector<16xf32>,
          %mul3A_555 = arith.mulf %get3A_554, %gather3A_472 : vector<16xf32>
          %add3A_556 = arith.constant 1 : i32
          %add3A_557 = arith.addi %mul3A_369, %add3A_556 : i32
          %swap3A_558 = arith.index_cast %add3A_557 : i32 to index
          %swap3A_559 = arith.constant 112 : index
          %swap3A_560 = tpu.vector_load %arg10[%swap3A_558, %swap3A_559] {strides = array<i32>} : memref<128x128xf32, #tpu.memory_space<vmem>>, vector<16xf32>,
          tpu.vector_store %arg10[%swap3A_558, %swap3A_559], %mul3A_555 {strides = array<i32>} : memref<128x128xf32, #tpu.memory_space<vmem>>, vector<16xf32>,
          %scan3A_561 = arith.constant 0 : i32
          scf.yield %scan3A_561 : i32
        }
        %scan3A_329 = arith.constant 64 : i32
        %add3A_330 = arith.constant 0 : i32
        %add3A_331 = arith.addi %mul3A_302, %add3A_330 : i32
        %mul3A_332 = arith.constant 128 : i32
        %mul3A_333 = arith.muli %add3A_331, %mul3A_332 : i32
        %dma_start3A_334 = tpu.memref_slice %arg8[%mul3A_333] : memref<3840xi32, #tpu.memory_space<vmem>> -> memref<128xi32, #tpu.memory_space<vmem>>
        %dma_start3A_335 = arith.constant 0 : i32
        %dma_start3A_336 = arith.constant 0 : i32
        %dma_start3A_337 = tpu.memref_slice %arg23[%dma_start3A_335, %dma_start3A_336] : memref<10112x128xf32, #tpu.memory_space<vmem_shared>> -> memref<10112x128xf32, #tpu.memory_space<vmem_shared>>
        tpu.enqueue_indirect_dma source(%arg10 : memref<128x128xf32, #tpu.memory_space<vmem>>) target(%dma_start3A_337 : memref<10112x128xf32, #tpu.memory_space<vmem_shared>>) offsets(%dma_start3A_334 : memref<128xi32, #tpu.memory_space<vmem>>) semaphore(%arg14 : memref<!tpu.dma_semaphore, #tpu.memory_space<semaphore_mem>>) {add = true}
        %dma_wait3A_338 = tpu.memref_slice %arg7[%mul3A_314] : memref<3840xi32, #tpu.memory_space<vmem>> -> memref<128xi32, #tpu.memory_space<vmem>>
        %dma_wait3A_339 = arith.constant 0 : i32
        %dma_wait3A_340 = arith.constant 0 : i32
        %dma_wait3A_341 = tpu.memref_slice %arg2[%dma_wait3A_339, %dma_wait3A_340] : memref<10000x128xf32, #tpu.memory_space<hbm>> -> memref<10000x128xf32, #tpu.memory_space<hbm>>
        tpu.wait_indirect_dma semaphore(%arg13 : memref<!tpu.dma_semaphore, #tpu.memory_space<semaphore_mem>>) src(%dma_wait3A_341 : memref<10000x128xf32, #tpu.memory_space<hbm>>) dst(%arg11 : memref<128x128xf32, #tpu.memory_space<vmem>>)
        %scan3A_342 = arith.constant 0 : i32
        %scan3A_343 = arith.constant 0 : i32
        %scan3A_344 = arith.constant 64 : i32
        %scan3A_345 = arith.addi %scan3A_343, %scan3A_344 : i32
        %scan3A_346 = arith.constant 1 : i32
        %scan3A_347 = scf.for %scan3A_366 = %scan3A_343 to %scan3A_345 step %scan3A_346 iter_args(%scan3A_367 = %scan3A_342) -> (i32)  : i32 {
          %mul3A_368 = arith.constant 2 : i32
          %mul3A_369 = arith.muli %scan3A_366, %mul3A_368 : i32
          %add3A_370 = arith.constant 1 : i32
          %add3A_371 = arith.addi %mul3A_302, %add3A_370 : i32
          %mul3A_372 = arith.constant 128 : i32
          %mul3A_373 = arith.muli %add3A_371, %mul3A_372 : i32
          %add3A_374 = arith.addi %mul3A_373, %mul3A_369 : i32
          %add3A_375 = arith.constant 0 : i32
          %add3A_376 = arith.addi %add3A_374, %add3A_375 : i32
          %broadcast_in_dim3A_377 = vector.broadcast %add3A_376 : i32 to vector<16xi32>
          %gather3A = tpu.vector_load_idx %arg9[%broadcast_in_dim3A_377] : memref<3840xf32, #tpu.memory_space<vmem>>[vector<16xi32>], vector<16xf32>,
          %add3A_378 = arith.constant 0 : i32
          %add3A_379 = arith.addi %mul3A_369, %add3A_378 : i32
          %get3A = arith.index_cast %add3A_379 : i32 to index
          %get3A_380 = arith.constant 0 : index
          %get3A_381 = tpu.vector_load %arg11[%get3A, %get3A_380] {strides = array<i32>} : memref<128x128xf32, #tpu.memory_space<vmem>>, vector<16xf32>,
          %mul3A_382 = arith.mulf %get3A_381, %gather3A : vector<16xf32>
          %add3A_383 = arith.constant 0 : i32
          %add3A_384 = arith.addi %mul3A_369, %add3A_383 : i32
          %swap3A = arith.index_cast %add3A_384 : i32 to index
          %swap3A_385 = arith.constant 0 : index
          %swap3A_386 = tpu.vector_load %arg11[%swap3A, %swap3A_385] {strides = array<i32>} : memref<128x128xf32, #tpu.memory_space<vmem>>, vector<16xf32>,
          tpu.vector_store %arg11[%swap3A, %swap3A_385], %mul3A_382 {strides = array<i32>} : memref<128x128xf32, #tpu.memory_space<vmem>>, vector<16xf32>,
          %add3A_387 = arith.constant 0 : i32
          %add3A_388 = arith.addi %mul3A_369, %add3A_387 : i32
          %get3A_389 = arith.index_cast %add3A_388 : i32 to index
          %get3A_390 = arith.constant 16 : index
          %get3A_391 = tpu.vector_load %arg11[%get3A_389, %get3A_390] {strides = array<i32>} : memref<128x128xf32, #tpu.memory_space<vmem>>, vector<16xf32>,
          %mul3A_392 = arith.mulf %get3A_391, %gather3A : vector<16xf32>
          %add3A_393 = arith.constant 0 : i32
          %add3A_394 = arith.addi %mul3A_369, %add3A_393 : i32
          %swap3A_395 = arith.index_cast %add3A_394 : i32 to index
          %swap3A_396 = arith.constant 16 : index
          %swap3A_397 = tpu.vector_load %arg11[%swap3A_395, %swap3A_396] {strides = array<i32>} : memref<128x128xf32, #tpu.memory_space<vmem>>, vector<16xf32>,
          tpu.vector_store %arg11[%swap3A_395, %swap3A_396], %mul3A_392 {strides = array<i32>} : memref<128x128xf32, #tpu.memory_space<vmem>>, vector<16xf32>,
          %add3A_398 = arith.constant 0 : i32
          %add3A_399 = arith.addi %mul3A_369, %add3A_398 : i32
          %get3A_400 = arith.index_cast %add3A_399 : i32 to index
          %get3A_401 = arith.constant 32 : index
          %get3A_402 = tpu.vector_load %arg11[%get3A_400, %get3A_401] {strides = array<i32>} : memref<128x128xf32, #tpu.memory_space<vmem>>, vector<16xf32>,
          %mul3A_403 = arith.mulf %get3A_402, %gather3A : vector<16xf32>
          %add3A_404 = arith.constant 0 : i32
          %add3A_405 = arith.addi %mul3A_369, %add3A_404 : i32
          %swap3A_406 = arith.index_cast %add3A_405 : i32 to index
          %swap3A_407 = arith.constant 32 : index
          %swap3A_408 = tpu.vector_load %arg11[%swap3A_406, %swap3A_407] {strides = array<i32>} : memref<128x128xf32, #tpu.memory_space<vmem>>, vector<16xf32>,
          tpu.vector_store %arg11[%swap3A_406, %swap3A_407], %mul3A_403 {strides = array<i32>} : memref<128x128xf32, #tpu.memory_space<vmem>>, vector<16xf32>,
          %add3A_409 = arith.constant 0 : i32
          %add3A_410 = arith.addi %mul3A_369, %add3A_409 : i32
          %get3A_411 = arith.index_cast %add3A_410 : i32 to index
          %get3A_412 = arith.constant 48 : index
          %get3A_413 = tpu.vector_load %arg11[%get3A_411, %get3A_412] {strides = array<i32>} : memref<128x128xf32, #tpu.memory_space<vmem>>, vector<16xf32>,
          %mul3A_414 = arith.mulf %get3A_413, %gather3A : vector<16xf32>
          %add3A_415 = arith.constant 0 : i32
          %add3A_416 = arith.addi %mul3A_369, %add3A_415 : i32
          %swap3A_417 = arith.index_cast %add3A_416 : i32 to index
          %swap3A_418 = arith.constant 48 : index
          %swap3A_419 = tpu.vector_load %arg11[%swap3A_417, %swap3A_418] {strides = array<i32>} : memref<128x128xf32, #tpu.memory_space<vmem>>, vector<16xf32>,
          tpu.vector_store %arg11[%swap3A_417, %swap3A_418], %mul3A_414 {strides = array<i32>} : memref<128x128xf32, #tpu.memory_space<vmem>>, vector<16xf32>,
          %add3A_420 = arith.constant 0 : i32
          %add3A_421 = arith.addi %mul3A_369, %add3A_420 : i32
          %get3A_422 = arith.index_cast %add3A_421 : i32 to index
          %get3A_423 = arith.constant 64 : index
          %get3A_424 = tpu.vector_load %arg11[%get3A_422, %get3A_423] {strides = array<i32>} : memref<128x128xf32, #tpu.memory_space<vmem>>, vector<16xf32>,
          %mul3A_425 = arith.mulf %get3A_424, %gather3A : vector<16xf32>
          %add3A_426 = arith.constant 0 : i32
          %add3A_427 = arith.addi %mul3A_369, %add3A_426 : i32
          %swap3A_428 = arith.index_cast %add3A_427 : i32 to index
          %swap3A_429 = arith.constant 64 : index
          %swap3A_430 = tpu.vector_load %arg11[%swap3A_428, %swap3A_429] {strides = array<i32>} : memref<128x128xf32, #tpu.memory_space<vmem>>, vector<16xf32>,
          tpu.vector_store %arg11[%swap3A_428, %swap3A_429], %mul3A_425 {strides = array<i32>} : memref<128x128xf32, #tpu.memory_space<vmem>>, vector<16xf32>,
          %add3A_431 = arith.constant 0 : i32
          %add3A_432 = arith.addi %mul3A_369, %add3A_431 : i32
          %get3A_433 = arith.index_cast %add3A_432 : i32 to index
          %get3A_434 = arith.constant 80 : index
          %get3A_435 = tpu.vector_load %arg11[%get3A_433, %get3A_434] {strides = array<i32>} : memref<128x128xf32, #tpu.memory_space<vmem>>, vector<16xf32>,
          %mul3A_436 = arith.mulf %get3A_435, %gather3A : vector<16xf32>
          %add3A_437 = arith.constant 0 : i32
          %add3A_438 = arith.addi %mul3A_369, %add3A_437 : i32
          %swap3A_439 = arith.index_cast %add3A_438 : i32 to index
          %swap3A_440 = arith.constant 80 : index
          %swap3A_441 = tpu.vector_load %arg11[%swap3A_439, %swap3A_440] {strides = array<i32>} : memref<128x128xf32, #tpu.memory_space<vmem>>, vector<16xf32>,
          tpu.vector_store %arg11[%swap3A_439, %swap3A_440], %mul3A_436 {strides = array<i32>} : memref<128x128xf32, #tpu.memory_space<vmem>>, vector<16xf32>,
          %add3A_442 = arith.constant 0 : i32
          %add3A_443 = arith.addi %mul3A_369, %add3A_442 : i32
          %get3A_444 = arith.index_cast %add3A_443 : i32 to index
          %get3A_445 = arith.constant 96 : index
          %get3A_446 = tpu.vector_load %arg11[%get3A_444, %get3A_445] {strides = array<i32>} : memref<128x128xf32, #tpu.memory_space<vmem>>, vector<16xf32>,
          %mul3A_447 = arith.mulf %get3A_446, %gather3A : vector<16xf32>
          %add3A_448 = arith.constant 0 : i32
          %add3A_449 = arith.addi %mul3A_369, %add3A_448 : i32
          %swap3A_450 = arith.index_cast %add3A_449 : i32 to index
          %swap3A_451 = arith.constant 96 : index
          %swap3A_452 = tpu.vector_load %arg11[%swap3A_450, %swap3A_451] {strides = array<i32>} : memref<128x128xf32, #tpu.memory_space<vmem>>, vector<16xf32>,
          tpu.vector_store %arg11[%swap3A_450, %swap3A_451], %mul3A_447 {strides = array<i32>} : memref<128x128xf32, #tpu.memory_space<vmem>>, vector<16xf32>,
          %add3A_453 = arith.constant 0 : i32
          %add3A_454 = arith.addi %mul3A_369, %add3A_453 : i32
          %get3A_455 = arith.index_cast %add3A_454 : i32 to index
          %get3A_456 = arith.constant 112 : index
          %get3A_457 = tpu.vector_load %arg11[%get3A_455, %get3A_456] {strides = array<i32>} : memref<128x128xf32, #tpu.memory_space<vmem>>, vector<16xf32>,
          %mul3A_458 = arith.mulf %get3A_457, %gather3A : vector<16xf32>
          %add3A_459 = arith.constant 0 : i32
          %add3A_460 = arith.addi %mul3A_369, %add3A_459 : i32
          %swap3A_461 = arith.index_cast %add3A_460 : i32 to index
          %swap3A_462 = arith.constant 112 : index
          %swap3A_463 = tpu.vector_load %arg11[%swap3A_461, %swap3A_462] {strides = array<i32>} : memref<128x128xf32, #tpu.memory_space<vmem>>, vector<16xf32>,
          tpu.vector_store %arg11[%swap3A_461, %swap3A_462], %mul3A_458 {strides = array<i32>} : memref<128x128xf32, #tpu.memory_space<vmem>>, vector<16xf32>,
          %add3A_464 = arith.constant 1 : i32
          %add3A_465 = arith.addi %mul3A_302, %add3A_464 : i32
          %mul3A_466 = arith.constant 128 : i32
          %mul3A_467 = arith.muli %add3A_465, %mul3A_466 : i32
          %add3A_468 = arith.addi %mul3A_467, %mul3A_369 : i32
          %add3A_469 = arith.constant 1 : i32
          %add3A_470 = arith.addi %add3A_468, %add3A_469 : i32
          %broadcast_in_dim3A_471 = vector.broadcast %add3A_470 : i32 to vector<16xi32>
          %gather3A_472 = tpu.vector_load_idx %arg9[%broadcast_in_dim3A_471] : memref<3840xf32, #tpu.memory_space<vmem>>[vector<16xi32>], vector<16xf32>,
          %add3A_473 = arith.constant 1 : i32
          %add3A_474 = arith.addi %mul3A_369, %add3A_473 : i32
          %get3A_475 = arith.index_cast %add3A_474 : i32 to index
          %get3A_476 = arith.constant 0 : index
          %get3A_477 = tpu.vector_load %arg11[%get3A_475, %get3A_476] {strides = array<i32>} : memref<128x128xf32, #tpu.memory_space<vmem>>, vector<16xf32>,
          %mul3A_478 = arith.mulf %get3A_477, %gather3A_472 : vector<16xf32>
          %add3A_479 = arith.constant 1 : i32
          %add3A_480 = arith.addi %mul3A_369, %add3A_479 : i32
          %swap3A_481 = arith.index_cast %add3A_480 : i32 to index
          %swap3A_482 = arith.constant 0 : index
          %swap3A_483 = tpu.vector_load %arg11[%swap3A_481, %swap3A_482] {strides = array<i32>} : memref<128x128xf32, #tpu.memory_space<vmem>>, vector<16xf32>,
          tpu.vector_store %arg11[%swap3A_481, %swap3A_482], %mul3A_478 {strides = array<i32>} : memref<128x128xf32, #tpu.memory_space<vmem>>, vector<16xf32>,
          %add3A_484 = arith.constant 1 : i32
          %add3A_485 = arith.addi %mul3A_369, %add3A_484 : i32
          %get3A_486 = arith.index_cast %add3A_485 : i32 to index
          %get3A_487 = arith.constant 16 : index
          %get3A_488 = tpu.vector_load %arg11[%get3A_486, %get3A_487] {strides = array<i32>} : memref<128x128xf32, #tpu.memory_space<vmem>>, vector<16xf32>,
          %mul3A_489 = arith.mulf %get3A_488, %gather3A_472 : vector<16xf32>
          %add3A_490 = arith.constant 1 : i32
          %add3A_491 = arith.addi %mul3A_369, %add3A_490 : i32
          %swap3A_492 = arith.index_cast %add3A_491 : i32 to index
          %swap3A_493 = arith.constant 16 : index
          %swap3A_494 = tpu.vector_load %arg11[%swap3A_492, %swap3A_493] {strides = array<i32>} : memref<128x128xf32, #tpu.memory_space<vmem>>, vector<16xf32>,
          tpu.vector_store %arg11[%swap3A_492, %swap3A_493], %mul3A_489 {strides = array<i32>} : memref<128x128xf32, #tpu.memory_space<vmem>>, vector<16xf32>,
          %add3A_495 = arith.constant 1 : i32
          %add3A_496 = arith.addi %mul3A_369, %add3A_495 : i32
          %get3A_497 = arith.index_cast %add3A_496 : i32 to index
          %get3A_498 = arith.constant 32 : index
          %get3A_499 = tpu.vector_load %arg11[%get3A_497, %get3A_498] {strides = array<i32>} : memref<128x128xf32, #tpu.memory_space<vmem>>, vector<16xf32>,
          %mul3A_500 = arith.mulf %get3A_499, %gather3A_472 : vector<16xf32>
          %add3A_501 = arith.constant 1 : i32
          %add3A_502 = arith.addi %mul3A_369, %add3A_501 : i32
          %swap3A_503 = arith.index_cast %add3A_502 : i32 to index
          %swap3A_504 = arith.constant 32 : index
          %swap3A_505 = tpu.vector_load %arg11[%swap3A_503, %swap3A_504] {strides = array<i32>} : memref<128x128xf32, #tpu.memory_space<vmem>>, vector<16xf32>,
          tpu.vector_store %arg11[%swap3A_503, %swap3A_504], %mul3A_500 {strides = array<i32>} : memref<128x128xf32, #tpu.memory_space<vmem>>, vector<16xf32>,
          %add3A_506 = arith.constant 1 : i32
          %add3A_507 = arith.addi %mul3A_369, %add3A_506 : i32
          %get3A_508 = arith.index_cast %add3A_507 : i32 to index
          %get3A_509 = arith.constant 48 : index
          %get3A_510 = tpu.vector_load %arg11[%get3A_508, %get3A_509] {strides = array<i32>} : memref<128x128xf32, #tpu.memory_space<vmem>>, vector<16xf32>,
          %mul3A_511 = arith.mulf %get3A_510, %gather3A_472 : vector<16xf32>
          %add3A_512 = arith.constant 1 : i32
          %add3A_513 = arith.addi %mul3A_369, %add3A_512 : i32
          %swap3A_514 = arith.index_cast %add3A_513 : i32 to index
          %swap3A_515 = arith.constant 48 : index
          %swap3A_516 = tpu.vector_load %arg11[%swap3A_514, %swap3A_515] {strides = array<i32>} : memref<128x128xf32, #tpu.memory_space<vmem>>, vector<16xf32>,
          tpu.vector_store %arg11[%swap3A_514, %swap3A_515], %mul3A_511 {strides = array<i32>} : memref<128x128xf32, #tpu.memory_space<vmem>>, vector<16xf32>,
          %add3A_517 = arith.constant 1 : i32
          %add3A_518 = arith.addi %mul3A_369, %add3A_517 : i32
          %get3A_519 = arith.index_cast %add3A_518 : i32 to index
          %get3A_520 = arith.constant 64 : index
          %get3A_521 = tpu.vector_load %arg11[%get3A_519, %get3A_520] {strides = array<i32>} : memref<128x128xf32, #tpu.memory_space<vmem>>, vector<16xf32>,
          %mul3A_522 = arith.mulf %get3A_521, %gather3A_472 : vector<16xf32>
          %add3A_523 = arith.constant 1 : i32
          %add3A_524 = arith.addi %mul3A_369, %add3A_523 : i32
          %swap3A_525 = arith.index_cast %add3A_524 : i32 to index
          %swap3A_526 = arith.constant 64 : index
          %swap3A_527 = tpu.vector_load %arg11[%swap3A_525, %swap3A_526] {strides = array<i32>} : memref<128x128xf32, #tpu.memory_space<vmem>>, vector<16xf32>,
          tpu.vector_store %arg11[%swap3A_525, %swap3A_526], %mul3A_522 {strides = array<i32>} : memref<128x128xf32, #tpu.memory_space<vmem>>, vector<16xf32>,
          %add3A_528 = arith.constant 1 : i32
          %add3A_529 = arith.addi %mul3A_369, %add3A_528 : i32
          %get3A_530 = arith.index_cast %add3A_529 : i32 to index
          %get3A_531 = arith.constant 80 : index
          %get3A_532 = tpu.vector_load %arg11[%get3A_530, %get3A_531] {strides = array<i32>} : memref<128x128xf32, #tpu.memory_space<vmem>>, vector<16xf32>,
          %mul3A_533 = arith.mulf %get3A_532, %gather3A_472 : vector<16xf32>
          %add3A_534 = arith.constant 1 : i32
          %add3A_535 = arith.addi %mul3A_369, %add3A_534 : i32
          %swap3A_536 = arith.index_cast %add3A_535 : i32 to index
          %swap3A_537 = arith.constant 80 : index
          %swap3A_538 = tpu.vector_load %arg11[%swap3A_536, %swap3A_537] {strides = array<i32>} : memref<128x128xf32, #tpu.memory_space<vmem>>, vector<16xf32>,
          tpu.vector_store %arg11[%swap3A_536, %swap3A_537], %mul3A_533 {strides = array<i32>} : memref<128x128xf32, #tpu.memory_space<vmem>>, vector<16xf32>,
          %add3A_539 = arith.constant 1 : i32
          %add3A_540 = arith.addi %mul3A_369, %add3A_539 : i32
          %get3A_541 = arith.index_cast %add3A_540 : i32 to index
          %get3A_542 = arith.constant 96 : index
          %get3A_543 = tpu.vector_load %arg11[%get3A_541, %get3A_542] {strides = array<i32>} : memref<128x128xf32, #tpu.memory_space<vmem>>, vector<16xf32>,
          %mul3A_544 = arith.mulf %get3A_543, %gather3A_472 : vector<16xf32>
          %add3A_545 = arith.constant 1 : i32
          %add3A_546 = arith.addi %mul3A_369, %add3A_545 : i32
          %swap3A_547 = arith.index_cast %add3A_546 : i32 to index
          %swap3A_548 = arith.constant 96 : index
          %swap3A_549 = tpu.vector_load %arg11[%swap3A_547, %swap3A_548] {strides = array<i32>} : memref<128x128xf32, #tpu.memory_space<vmem>>, vector<16xf32>,
          tpu.vector_store %arg11[%swap3A_547, %swap3A_548], %mul3A_544 {strides = array<i32>} : memref<128x128xf32, #tpu.memory_space<vmem>>, vector<16xf32>,
          %add3A_550 = arith.constant 1 : i32
          %add3A_551 = arith.addi %mul3A_369, %add3A_550 : i32
          %get3A_552 = arith.index_cast %add3A_551 : i32 to index
          %get3A_553 = arith.constant 112 : index
          %get3A_554 = tpu.vector_load %arg11[%get3A_552, %get3A_553] {strides = array<i32>} : memref<128x128xf32, #tpu.memory_space<vmem>>, vector<16xf32>,
          %mul3A_555 = arith.mulf %get3A_554, %gather3A_472 : vector<16xf32>
          %add3A_556 = arith.constant 1 : i32
          %add3A_557 = arith.addi %mul3A_369, %add3A_556 : i32
          %swap3A_558 = arith.index_cast %add3A_557 : i32 to index
          %swap3A_559 = arith.constant 112 : index
          %swap3A_560 = tpu.vector_load %arg11[%swap3A_558, %swap3A_559] {strides = array<i32>} : memref<128x128xf32, #tpu.memory_space<vmem>>, vector<16xf32>,
          tpu.vector_store %arg11[%swap3A_558, %swap3A_559], %mul3A_555 {strides = array<i32>} : memref<128x128xf32, #tpu.memory_space<vmem>>, vector<16xf32>,
          %scan3A_561 = arith.constant 0 : i32
          scf.yield %scan3A_561 : i32
        }
        %scan3A_348 = arith.constant 64 : i32
        %add3A_349 = arith.constant 1 : i32
        %add3A_350 = arith.addi %mul3A_302, %add3A_349 : i32
        %mul3A_351 = arith.constant 128 : i32
        %mul3A_352 = arith.muli %add3A_350, %mul3A_351 : i32
        %dma_start3A_353 = tpu.memref_slice %arg8[%mul3A_352] : memref<3840xi32, #tpu.memory_space<vmem>> -> memref<128xi32, #tpu.memory_space<vmem>>
        %dma_start3A_354 = arith.constant 0 : i32
        %dma_start3A_355 = arith.constant 0 : i32
        %dma_start3A_356 = tpu.memref_slice %arg23[%dma_start3A_354, %dma_start3A_355] : memref<10112x128xf32, #tpu.memory_space<vmem_shared>> -> memref<10112x128xf32, #tpu.memory_space<vmem_shared>>
        tpu.enqueue_indirect_dma source(%arg11 : memref<128x128xf32, #tpu.memory_space<vmem>>) target(%dma_start3A_356 : memref<10112x128xf32, #tpu.memory_space<vmem_shared>>) offsets(%dma_start3A_353 : memref<128xi32, #tpu.memory_space<vmem>>) semaphore(%arg15 : memref<!tpu.dma_semaphore, #tpu.memory_space<semaphore_mem>>) {add = true}
        %dma_wait3A_357 = tpu.memref_slice %arg8[%mul3A_333] : memref<3840xi32, #tpu.memory_space<vmem>> -> memref<128xi32, #tpu.memory_space<vmem>>
        %dma_wait3A_358 = arith.constant 0 : i32
        %dma_wait3A_359 = arith.constant 0 : i32
        %dma_wait3A_360 = tpu.memref_slice %arg23[%dma_wait3A_358, %dma_wait3A_359] : memref<10112x128xf32, #tpu.memory_space<vmem_shared>> -> memref<10112x128xf32, #tpu.memory_space<vmem_shared>>
        tpu.wait_indirect_dma semaphore(%arg14 : memref<!tpu.dma_semaphore, #tpu.memory_space<semaphore_mem>>) src(%arg10 : memref<128x128xf32, #tpu.memory_space<vmem>>) dst(%dma_wait3A_360 : memref<10112x128xf32, #tpu.memory_space<vmem_shared>>)
        %dma_wait3A_361 = tpu.memref_slice %arg8[%mul3A_352] : memref<3840xi32, #tpu.memory_space<vmem>> -> memref<128xi32, #tpu.memory_space<vmem>>
        %dma_wait3A_362 = arith.constant 0 : i32
        %dma_wait3A_363 = arith.constant 0 : i32
        %dma_wait3A_364 = tpu.memref_slice %arg23[%dma_wait3A_362, %dma_wait3A_363] : memref<10112x128xf32, #tpu.memory_space<vmem_shared>> -> memref<10112x128xf32, #tpu.memory_space<vmem_shared>>
        tpu.wait_indirect_dma semaphore(%arg15 : memref<!tpu.dma_semaphore, #tpu.memory_space<semaphore_mem>>) src(%arg11 : memref<128x128xf32, #tpu.memory_space<vmem>>) dst(%dma_wait3A_364 : memref<10112x128xf32, #tpu.memory_space<vmem_shared>>)
        %scan3A_365 = arith.constant 0 : i32
        scf.yield %scan3A_365 : i32
      }
      %scan3A_298 = arith.constant 15 : i32
    } else {
    }
    %eq3A_117 = arith.constant 1 : i32
    %eq3A_118 = arith.cmpi eq, %arg0, %eq3A_117 : i32
    %convert_element_type3A_119 = arith.extui %eq3A_118 : i1 to i32
    %cond3A_120 = arith.constant 0 : i32
    %cond3A_121 = arith.cmpi ne, %convert_element_type3A_119, %cond3A_120 : i32
    scf.if %cond3A_121 {
      %mul3A_195 = arith.constant 26 : i32
      %mul3A_196 = arith.muli %arg1, %mul3A_195 : i32
      %add3A_197 = arith.constant 928 : i32
      %add3A_198 = arith.addi %add3A_197, %mul3A_196 : i32
      %mul3A_199 = arith.constant 128 : i32
      %mul3A_200 = arith.muli %add3A_198, %mul3A_199 : i32
      %dma_start3A_201 = arith.constant 0 : i32
      %dma_start3A_202 = tpu.memref_slice %arg7[%dma_start3A_201] : memref<3840xi32, #tpu.memory_space<vmem>> -> memref<3328xi32, #tpu.memory_space<vmem>>
      %dma_start3A_203 = tpu.memref_slice %arg3[%mul3A_200] : memref<172032xi32, #tpu.memory_space<hbm>> -> memref<3328xi32, #tpu.memory_space<hbm>>
      %dma_start3A_204 = arith.constant 0 : i32
      %dma_start3A_205 = tpu.memref_slice %arg7[%dma_start3A_204] : memref<3840xi32, #tpu.memory_space<vmem>> -> memref<3328xi32, #tpu.memory_space<vmem>>
      %dma_start3A_206 = tpu.memref_slice %arg3[%mul3A_200] : memref<172032xi32, #tpu.memory_space<hbm>> -> memref<3328xi32, #tpu.memory_space<hbm>>
      tpu.enqueue_dma source(%dma_start3A_206 : memref<3328xi32, #tpu.memory_space<hbm>>) target(%dma_start3A_205 : memref<3328xi32, #tpu.memory_space<vmem>>) target_semaphore(%arg16 : memref<!tpu.dma_semaphore, #tpu.memory_space<semaphore_mem>>)
      %mul3A_207 = arith.constant 128 : i32
      %mul3A_208 = arith.muli %add3A_198, %mul3A_207 : i32
      %dma_start3A_209 = arith.constant 0 : i32
      %dma_start3A_210 = tpu.memref_slice %arg8[%dma_start3A_209] : memref<3840xi32, #tpu.memory_space<vmem>> -> memref<3328xi32, #tpu.memory_space<vmem>>
      %dma_start3A_211 = tpu.memref_slice %arg4[%mul3A_208] : memref<172032xi32, #tpu.memory_space<hbm>> -> memref<3328xi32, #tpu.memory_space<hbm>>
      %dma_start3A_212 = arith.constant 0 : i32
      %dma_start3A_213 = tpu.memref_slice %arg8[%dma_start3A_212] : memref<3840xi32, #tpu.memory_space<vmem>> -> memref<3328xi32, #tpu.memory_space<vmem>>
      %dma_start3A_214 = tpu.memref_slice %arg4[%mul3A_208] : memref<172032xi32, #tpu.memory_space<hbm>> -> memref<3328xi32, #tpu.memory_space<hbm>>
      tpu.enqueue_dma source(%dma_start3A_214 : memref<3328xi32, #tpu.memory_space<hbm>>) target(%dma_start3A_213 : memref<3328xi32, #tpu.memory_space<vmem>>) target_semaphore(%arg17 : memref<!tpu.dma_semaphore, #tpu.memory_space<semaphore_mem>>)
      %mul3A_215 = arith.constant 128 : i32
      %mul3A_216 = arith.muli %add3A_198, %mul3A_215 : i32
      %dma_start3A_217 = arith.constant 0 : i32
      %dma_start3A_218 = tpu.memref_slice %arg9[%dma_start3A_217] : memref<3840xf32, #tpu.memory_space<vmem>> -> memref<3328xf32, #tpu.memory_space<vmem>>
      %dma_start3A_219 = tpu.memref_slice %arg5[%mul3A_216] : memref<172032xf32, #tpu.memory_space<hbm>> -> memref<3328xf32, #tpu.memory_space<hbm>>
      %dma_start3A_220 = arith.constant 0 : i32
      %dma_start3A_221 = tpu.memref_slice %arg9[%dma_start3A_220] : memref<3840xf32, #tpu.memory_space<vmem>> -> memref<3328xf32, #tpu.memory_space<vmem>>
      %dma_start3A_222 = tpu.memref_slice %arg5[%mul3A_216] : memref<172032xf32, #tpu.memory_space<hbm>> -> memref<3328xf32, #tpu.memory_space<hbm>>
      tpu.enqueue_dma source(%dma_start3A_222 : memref<3328xf32, #tpu.memory_space<hbm>>) target(%dma_start3A_221 : memref<3328xf32, #tpu.memory_space<vmem>>) target_semaphore(%arg18 : memref<!tpu.dma_semaphore, #tpu.memory_space<semaphore_mem>>)
      %dma_wait3A_223 = arith.constant 0 : i32
      %dma_wait3A_224 = tpu.memref_slice %arg7[%dma_wait3A_223] : memref<3840xi32, #tpu.memory_space<vmem>> -> memref<3328xi32, #tpu.memory_space<vmem>>
      %dma_wait3A_225 = tpu.memref_slice %arg3[%mul3A_200] : memref<172032xi32, #tpu.memory_space<hbm>> -> memref<3328xi32, #tpu.memory_space<hbm>>
      %dma_wait3A_226 = arith.constant 0 : i32
      %dma_wait3A_227 = tpu.memref_slice %arg7[%dma_wait3A_226] : memref<3840xi32, #tpu.memory_space<vmem>> -> memref<3328xi32, #tpu.memory_space<vmem>>
      %dma_wait3A_228 = tpu.memref_slice %arg3[%mul3A_200] : memref<172032xi32, #tpu.memory_space<hbm>> -> memref<3328xi32, #tpu.memory_space<hbm>>
      tpu.wait_dma2 semaphore(%arg16 : memref<!tpu.dma_semaphore, #tpu.memory_space<semaphore_mem>>) src(%dma_wait3A_228 : memref<3328xi32, #tpu.memory_space<hbm>>) dst(%dma_wait3A_227 : memref<3328xi32, #tpu.memory_space<vmem>>)
      %dma_wait3A_229 = arith.constant 0 : i32
      %dma_wait3A_230 = tpu.memref_slice %arg8[%dma_wait3A_229] : memref<3840xi32, #tpu.memory_space<vmem>> -> memref<3328xi32, #tpu.memory_space<vmem>>
      %dma_wait3A_231 = tpu.memref_slice %arg4[%mul3A_208] : memref<172032xi32, #tpu.memory_space<hbm>> -> memref<3328xi32, #tpu.memory_space<hbm>>
      %dma_wait3A_232 = arith.constant 0 : i32
      %dma_wait3A_233 = tpu.memref_slice %arg8[%dma_wait3A_232] : memref<3840xi32, #tpu.memory_space<vmem>> -> memref<3328xi32, #tpu.memory_space<vmem>>
      %dma_wait3A_234 = tpu.memref_slice %arg4[%mul3A_208] : memref<172032xi32, #tpu.memory_space<hbm>> -> memref<3328xi32, #tpu.memory_space<hbm>>
      tpu.wait_dma2 semaphore(%arg17 : memref<!tpu.dma_semaphore, #tpu.memory_space<semaphore_mem>>) src(%dma_wait3A_234 : memref<3328xi32, #tpu.memory_space<hbm>>) dst(%dma_wait3A_233 : memref<3328xi32, #tpu.memory_space<vmem>>)
      %dma_wait3A_235 = arith.constant 0 : i32
      %dma_wait3A_236 = tpu.memref_slice %arg9[%dma_wait3A_235] : memref<3840xf32, #tpu.memory_space<vmem>> -> memref<3328xf32, #tpu.memory_space<vmem>>
      %dma_wait3A_237 = tpu.memref_slice %arg5[%mul3A_216] : memref<172032xf32, #tpu.memory_space<hbm>> -> memref<3328xf32, #tpu.memory_space<hbm>>
      %dma_wait3A_238 = arith.constant 0 : i32
      %dma_wait3A_239 = tpu.memref_slice %arg9[%dma_wait3A_238] : memref<3840xf32, #tpu.memory_space<vmem>> -> memref<3328xf32, #tpu.memory_space<vmem>>
      %dma_wait3A_240 = tpu.memref_slice %arg5[%mul3A_216] : memref<172032xf32, #tpu.memory_space<hbm>> -> memref<3328xf32, #tpu.memory_space<hbm>>
      tpu.wait_dma2 semaphore(%arg18 : memref<!tpu.dma_semaphore, #tpu.memory_space<semaphore_mem>>) src(%dma_wait3A_240 : memref<3328xf32, #tpu.memory_space<hbm>>) dst(%dma_wait3A_239 : memref<3328xf32, #tpu.memory_space<vmem>>)
      %scan3A_241 = arith.constant 0 : i32
      %scan3A_242 = arith.constant 0 : i32
      %scan3A_243 = arith.constant 13 : i32
      %scan3A_244 = arith.addi %scan3A_242, %scan3A_243 : i32
      %scan3A_245 = arith.constant 1 : i32
      %scan3A_246 = scf.for %scan3A_248 = %scan3A_242 to %scan3A_244 step %scan3A_245 iter_args(%scan3A_249 = %scan3A_241) -> (i32)  : i32 {
        %mul3A_250 = arith.constant 2 : i32
        %mul3A_251 = arith.muli %scan3A_248, %mul3A_250 : i32
        %add3A_252 = arith.constant 0 : i32
        %add3A_253 = arith.addi %mul3A_251, %add3A_252 : i32
        %mul3A_254 = arith.constant 128 : i32
        %mul3A_255 = arith.muli %add3A_253, %mul3A_254 : i32
        %dma_start3A_256 = tpu.memref_slice %arg7[%mul3A_255] : memref<3840xi32, #tpu.memory_space<vmem>> -> memref<128xi32, #tpu.memory_space<vmem>>
        %dma_start3A_257 = arith.constant 0 : i32
        %dma_start3A_258 = arith.constant 0 : i32
        %dma_start3A_259 = tpu.memref_slice %arg2[%dma_start3A_257, %dma_start3A_258] : memref<10000x128xf32, #tpu.memory_space<hbm>> -> memref<10000x128xf32, #tpu.memory_space<hbm>>
        tpu.enqueue_indirect_dma source(%dma_start3A_259 : memref<10000x128xf32, #tpu.memory_space<hbm>>) target(%arg10 : memref<128x128xf32, #tpu.memory_space<vmem>>) offsets(%dma_start3A_256 : memref<128xi32, #tpu.memory_space<vmem>>) semaphore(%arg12 : memref<!tpu.dma_semaphore, #tpu.memory_space<semaphore_mem>>)
        %add3A_260 = arith.constant 1 : i32
        %add3A_261 = arith.addi %mul3A_251, %add3A_260 : i32
        %mul3A_262 = arith.constant 128 : i32
        %mul3A_263 = arith.muli %add3A_261, %mul3A_262 : i32
        %dma_start3A_264 = tpu.memref_slice %arg7[%mul3A_263] : memref<3840xi32, #tpu.memory_space<vmem>> -> memref<128xi32, #tpu.memory_space<vmem>>
        %dma_start3A_265 = arith.constant 0 : i32
        %dma_start3A_266 = arith.constant 0 : i32
        %dma_start3A_267 = tpu.memref_slice %arg2[%dma_start3A_265, %dma_start3A_266] : memref<10000x128xf32, #tpu.memory_space<hbm>> -> memref<10000x128xf32, #tpu.memory_space<hbm>>
        tpu.enqueue_indirect_dma source(%dma_start3A_267 : memref<10000x128xf32, #tpu.memory_space<hbm>>) target(%arg11 : memref<128x128xf32, #tpu.memory_space<vmem>>) offsets(%dma_start3A_264 : memref<128xi32, #tpu.memory_space<vmem>>) semaphore(%arg13 : memref<!tpu.dma_semaphore, #tpu.memory_space<semaphore_mem>>)
        %dma_wait3A_268 = tpu.memref_slice %arg7[%mul3A_255] : memref<3840xi32, #tpu.memory_space<vmem>> -> memref<128xi32, #tpu.memory_space<vmem>>
        %dma_wait3A_269 = arith.constant 0 : i32
        %dma_wait3A_270 = arith.constant 0 : i32
        %dma_wait3A_271 = tpu.memref_slice %arg2[%dma_wait3A_269, %dma_wait3A_270] : memref<10000x128xf32, #tpu.memory_space<hbm>> -> memref<10000x128xf32, #tpu.memory_space<hbm>>
        tpu.wait_indirect_dma semaphore(%arg12 : memref<!tpu.dma_semaphore, #tpu.memory_space<semaphore_mem>>) src(%dma_wait3A_271 : memref<10000x128xf32, #tpu.memory_space<hbm>>) dst(%arg10 : memref<128x128xf32, #tpu.memory_space<vmem>>)
        %scan3A_272 = arith.constant 0 : i32
        %scan3A_273 = arith.constant 0 : i32
        %scan3A_274 = arith.constant 64 : i32
        %scan3A_275 = arith.addi %scan3A_273, %scan3A_274 : i32
        %scan3A_276 = arith.constant 1 : i32
        %scan3A_277 = scf.for %scan3A_315 = %scan3A_273 to %scan3A_275 step %scan3A_276 iter_args(%scan3A_316 = %scan3A_272) -> (i32)  : i32 {
          %mul3A_317 = arith.constant 2 : i32
          %mul3A_318 = arith.muli %scan3A_315, %mul3A_317 : i32
          %add3A_319 = arith.constant 0 : i32
          %add3A_320 = arith.addi %mul3A_251, %add3A_319 : i32
          %mul3A_321 = arith.constant 128 : i32
          %mul3A_322 = arith.muli %add3A_320, %mul3A_321 : i32
          %add3A_323 = arith.addi %mul3A_322, %mul3A_318 : i32
          %add3A_324 = arith.constant 0 : i32
          %add3A_325 = arith.addi %add3A_323, %add3A_324 : i32
          %broadcast_in_dim3A_326 = vector.broadcast %add3A_325 : i32 to vector<16xi32>
          %gather3A = tpu.vector_load_idx %arg9[%broadcast_in_dim3A_326] : memref<3840xf32, #tpu.memory_space<vmem>>[vector<16xi32>], vector<16xf32>,
          %add3A_327 = arith.constant 0 : i32
          %add3A_328 = arith.addi %mul3A_318, %add3A_327 : i32
          %get3A = arith.index_cast %add3A_328 : i32 to index
          %get3A_329 = arith.constant 0 : index
          %get3A_330 = tpu.vector_load %arg10[%get3A, %get3A_329] {strides = array<i32>} : memref<128x128xf32, #tpu.memory_space<vmem>>, vector<16xf32>,
          %mul3A_331 = arith.mulf %get3A_330, %gather3A : vector<16xf32>
          %add3A_332 = arith.constant 0 : i32
          %add3A_333 = arith.addi %mul3A_318, %add3A_332 : i32
          %swap3A = arith.index_cast %add3A_333 : i32 to index
          %swap3A_334 = arith.constant 0 : index
          %swap3A_335 = tpu.vector_load %arg10[%swap3A, %swap3A_334] {strides = array<i32>} : memref<128x128xf32, #tpu.memory_space<vmem>>, vector<16xf32>,
          tpu.vector_store %arg10[%swap3A, %swap3A_334], %mul3A_331 {strides = array<i32>} : memref<128x128xf32, #tpu.memory_space<vmem>>, vector<16xf32>,
          %add3A_336 = arith.constant 0 : i32
          %add3A_337 = arith.addi %mul3A_318, %add3A_336 : i32
          %get3A_338 = arith.index_cast %add3A_337 : i32 to index
          %get3A_339 = arith.constant 16 : index
          %get3A_340 = tpu.vector_load %arg10[%get3A_338, %get3A_339] {strides = array<i32>} : memref<128x128xf32, #tpu.memory_space<vmem>>, vector<16xf32>,
          %mul3A_341 = arith.mulf %get3A_340, %gather3A : vector<16xf32>
          %add3A_342 = arith.constant 0 : i32
          %add3A_343 = arith.addi %mul3A_318, %add3A_342 : i32
          %swap3A_344 = arith.index_cast %add3A_343 : i32 to index
          %swap3A_345 = arith.constant 16 : index
          %swap3A_346 = tpu.vector_load %arg10[%swap3A_344, %swap3A_345] {strides = array<i32>} : memref<128x128xf32, #tpu.memory_space<vmem>>, vector<16xf32>,
          tpu.vector_store %arg10[%swap3A_344, %swap3A_345], %mul3A_341 {strides = array<i32>} : memref<128x128xf32, #tpu.memory_space<vmem>>, vector<16xf32>,
          %add3A_347 = arith.constant 0 : i32
          %add3A_348 = arith.addi %mul3A_318, %add3A_347 : i32
          %get3A_349 = arith.index_cast %add3A_348 : i32 to index
          %get3A_350 = arith.constant 32 : index
          %get3A_351 = tpu.vector_load %arg10[%get3A_349, %get3A_350] {strides = array<i32>} : memref<128x128xf32, #tpu.memory_space<vmem>>, vector<16xf32>,
          %mul3A_352 = arith.mulf %get3A_351, %gather3A : vector<16xf32>
          %add3A_353 = arith.constant 0 : i32
          %add3A_354 = arith.addi %mul3A_318, %add3A_353 : i32
          %swap3A_355 = arith.index_cast %add3A_354 : i32 to index
          %swap3A_356 = arith.constant 32 : index
          %swap3A_357 = tpu.vector_load %arg10[%swap3A_355, %swap3A_356] {strides = array<i32>} : memref<128x128xf32, #tpu.memory_space<vmem>>, vector<16xf32>,
          tpu.vector_store %arg10[%swap3A_355, %swap3A_356], %mul3A_352 {strides = array<i32>} : memref<128x128xf32, #tpu.memory_space<vmem>>, vector<16xf32>,
          %add3A_358 = arith.constant 0 : i32
          %add3A_359 = arith.addi %mul3A_318, %add3A_358 : i32
          %get3A_360 = arith.index_cast %add3A_359 : i32 to index
          %get3A_361 = arith.constant 48 : index
          %get3A_362 = tpu.vector_load %arg10[%get3A_360, %get3A_361] {strides = array<i32>} : memref<128x128xf32, #tpu.memory_space<vmem>>, vector<16xf32>,
          %mul3A_363 = arith.mulf %get3A_362, %gather3A : vector<16xf32>
          %add3A_364 = arith.constant 0 : i32
          %add3A_365 = arith.addi %mul3A_318, %add3A_364 : i32
          %swap3A_366 = arith.index_cast %add3A_365 : i32 to index
          %swap3A_367 = arith.constant 48 : index
          %swap3A_368 = tpu.vector_load %arg10[%swap3A_366, %swap3A_367] {strides = array<i32>} : memref<128x128xf32, #tpu.memory_space<vmem>>, vector<16xf32>,
          tpu.vector_store %arg10[%swap3A_366, %swap3A_367], %mul3A_363 {strides = array<i32>} : memref<128x128xf32, #tpu.memory_space<vmem>>, vector<16xf32>,
          %add3A_369 = arith.constant 0 : i32
          %add3A_370 = arith.addi %mul3A_318, %add3A_369 : i32
          %get3A_371 = arith.index_cast %add3A_370 : i32 to index
          %get3A_372 = arith.constant 64 : index
          %get3A_373 = tpu.vector_load %arg10[%get3A_371, %get3A_372] {strides = array<i32>} : memref<128x128xf32, #tpu.memory_space<vmem>>, vector<16xf32>,
          %mul3A_374 = arith.mulf %get3A_373, %gather3A : vector<16xf32>
          %add3A_375 = arith.constant 0 : i32
          %add3A_376 = arith.addi %mul3A_318, %add3A_375 : i32
          %swap3A_377 = arith.index_cast %add3A_376 : i32 to index
          %swap3A_378 = arith.constant 64 : index
          %swap3A_379 = tpu.vector_load %arg10[%swap3A_377, %swap3A_378] {strides = array<i32>} : memref<128x128xf32, #tpu.memory_space<vmem>>, vector<16xf32>,
          tpu.vector_store %arg10[%swap3A_377, %swap3A_378], %mul3A_374 {strides = array<i32>} : memref<128x128xf32, #tpu.memory_space<vmem>>, vector<16xf32>,
          %add3A_380 = arith.constant 0 : i32
          %add3A_381 = arith.addi %mul3A_318, %add3A_380 : i32
          %get3A_382 = arith.index_cast %add3A_381 : i32 to index
          %get3A_383 = arith.constant 80 : index
          %get3A_384 = tpu.vector_load %arg10[%get3A_382, %get3A_383] {strides = array<i32>} : memref<128x128xf32, #tpu.memory_space<vmem>>, vector<16xf32>,
          %mul3A_385 = arith.mulf %get3A_384, %gather3A : vector<16xf32>
          %add3A_386 = arith.constant 0 : i32
          %add3A_387 = arith.addi %mul3A_318, %add3A_386 : i32
          %swap3A_388 = arith.index_cast %add3A_387 : i32 to index
          %swap3A_389 = arith.constant 80 : index
          %swap3A_390 = tpu.vector_load %arg10[%swap3A_388, %swap3A_389] {strides = array<i32>} : memref<128x128xf32, #tpu.memory_space<vmem>>, vector<16xf32>,
          tpu.vector_store %arg10[%swap3A_388, %swap3A_389], %mul3A_385 {strides = array<i32>} : memref<128x128xf32, #tpu.memory_space<vmem>>, vector<16xf32>,
          %add3A_391 = arith.constant 0 : i32
          %add3A_392 = arith.addi %mul3A_318, %add3A_391 : i32
          %get3A_393 = arith.index_cast %add3A_392 : i32 to index
          %get3A_394 = arith.constant 96 : index
          %get3A_395 = tpu.vector_load %arg10[%get3A_393, %get3A_394] {strides = array<i32>} : memref<128x128xf32, #tpu.memory_space<vmem>>, vector<16xf32>,
          %mul3A_396 = arith.mulf %get3A_395, %gather3A : vector<16xf32>
          %add3A_397 = arith.constant 0 : i32
          %add3A_398 = arith.addi %mul3A_318, %add3A_397 : i32
          %swap3A_399 = arith.index_cast %add3A_398 : i32 to index
          %swap3A_400 = arith.constant 96 : index
          %swap3A_401 = tpu.vector_load %arg10[%swap3A_399, %swap3A_400] {strides = array<i32>} : memref<128x128xf32, #tpu.memory_space<vmem>>, vector<16xf32>,
          tpu.vector_store %arg10[%swap3A_399, %swap3A_400], %mul3A_396 {strides = array<i32>} : memref<128x128xf32, #tpu.memory_space<vmem>>, vector<16xf32>,
          %add3A_402 = arith.constant 0 : i32
          %add3A_403 = arith.addi %mul3A_318, %add3A_402 : i32
          %get3A_404 = arith.index_cast %add3A_403 : i32 to index
          %get3A_405 = arith.constant 112 : index
          %get3A_406 = tpu.vector_load %arg10[%get3A_404, %get3A_405] {strides = array<i32>} : memref<128x128xf32, #tpu.memory_space<vmem>>, vector<16xf32>,
          %mul3A_407 = arith.mulf %get3A_406, %gather3A : vector<16xf32>
          %add3A_408 = arith.constant 0 : i32
          %add3A_409 = arith.addi %mul3A_318, %add3A_408 : i32
          %swap3A_410 = arith.index_cast %add3A_409 : i32 to index
          %swap3A_411 = arith.constant 112 : index
          %swap3A_412 = tpu.vector_load %arg10[%swap3A_410, %swap3A_411] {strides = array<i32>} : memref<128x128xf32, #tpu.memory_space<vmem>>, vector<16xf32>,
          tpu.vector_store %arg10[%swap3A_410, %swap3A_411], %mul3A_407 {strides = array<i32>} : memref<128x128xf32, #tpu.memory_space<vmem>>, vector<16xf32>,
          %add3A_413 = arith.constant 0 : i32
          %add3A_414 = arith.addi %mul3A_251, %add3A_413 : i32
          %mul3A_415 = arith.constant 128 : i32
          %mul3A_416 = arith.muli %add3A_414, %mul3A_415 : i32
          %add3A_417 = arith.addi %mul3A_416, %mul3A_318 : i32
          %add3A_418 = arith.constant 1 : i32
          %add3A_419 = arith.addi %add3A_417, %add3A_418 : i32
          %broadcast_in_dim3A_420 = vector.broadcast %add3A_419 : i32 to vector<16xi32>
          %gather3A_421 = tpu.vector_load_idx %arg9[%broadcast_in_dim3A_420] : memref<3840xf32, #tpu.memory_space<vmem>>[vector<16xi32>], vector<16xf32>,
          %add3A_422 = arith.constant 1 : i32
          %add3A_423 = arith.addi %mul3A_318, %add3A_422 : i32
          %get3A_424 = arith.index_cast %add3A_423 : i32 to index
          %get3A_425 = arith.constant 0 : index
          %get3A_426 = tpu.vector_load %arg10[%get3A_424, %get3A_425] {strides = array<i32>} : memref<128x128xf32, #tpu.memory_space<vmem>>, vector<16xf32>,
          %mul3A_427 = arith.mulf %get3A_426, %gather3A_421 : vector<16xf32>
          %add3A_428 = arith.constant 1 : i32
          %add3A_429 = arith.addi %mul3A_318, %add3A_428 : i32
          %swap3A_430 = arith.index_cast %add3A_429 : i32 to index
          %swap3A_431 = arith.constant 0 : index
          %swap3A_432 = tpu.vector_load %arg10[%swap3A_430, %swap3A_431] {strides = array<i32>} : memref<128x128xf32, #tpu.memory_space<vmem>>, vector<16xf32>,
          tpu.vector_store %arg10[%swap3A_430, %swap3A_431], %mul3A_427 {strides = array<i32>} : memref<128x128xf32, #tpu.memory_space<vmem>>, vector<16xf32>,
          %add3A_433 = arith.constant 1 : i32
          %add3A_434 = arith.addi %mul3A_318, %add3A_433 : i32
          %get3A_435 = arith.index_cast %add3A_434 : i32 to index
          %get3A_436 = arith.constant 16 : index
          %get3A_437 = tpu.vector_load %arg10[%get3A_435, %get3A_436] {strides = array<i32>} : memref<128x128xf32, #tpu.memory_space<vmem>>, vector<16xf32>,
          %mul3A_438 = arith.mulf %get3A_437, %gather3A_421 : vector<16xf32>
          %add3A_439 = arith.constant 1 : i32
          %add3A_440 = arith.addi %mul3A_318, %add3A_439 : i32
          %swap3A_441 = arith.index_cast %add3A_440 : i32 to index
          %swap3A_442 = arith.constant 16 : index
          %swap3A_443 = tpu.vector_load %arg10[%swap3A_441, %swap3A_442] {strides = array<i32>} : memref<128x128xf32, #tpu.memory_space<vmem>>, vector<16xf32>,
          tpu.vector_store %arg10[%swap3A_441, %swap3A_442], %mul3A_438 {strides = array<i32>} : memref<128x128xf32, #tpu.memory_space<vmem>>, vector<16xf32>,
          %add3A_444 = arith.constant 1 : i32
          %add3A_445 = arith.addi %mul3A_318, %add3A_444 : i32
          %get3A_446 = arith.index_cast %add3A_445 : i32 to index
          %get3A_447 = arith.constant 32 : index
          %get3A_448 = tpu.vector_load %arg10[%get3A_446, %get3A_447] {strides = array<i32>} : memref<128x128xf32, #tpu.memory_space<vmem>>, vector<16xf32>,
          %mul3A_449 = arith.mulf %get3A_448, %gather3A_421 : vector<16xf32>
          %add3A_450 = arith.constant 1 : i32
          %add3A_451 = arith.addi %mul3A_318, %add3A_450 : i32
          %swap3A_452 = arith.index_cast %add3A_451 : i32 to index
          %swap3A_453 = arith.constant 32 : index
          %swap3A_454 = tpu.vector_load %arg10[%swap3A_452, %swap3A_453] {strides = array<i32>} : memref<128x128xf32, #tpu.memory_space<vmem>>, vector<16xf32>,
          tpu.vector_store %arg10[%swap3A_452, %swap3A_453], %mul3A_449 {strides = array<i32>} : memref<128x128xf32, #tpu.memory_space<vmem>>, vector<16xf32>,
          %add3A_455 = arith.constant 1 : i32
          %add3A_456 = arith.addi %mul3A_318, %add3A_455 : i32
          %get3A_457 = arith.index_cast %add3A_456 : i32 to index
          %get3A_458 = arith.constant 48 : index
          %get3A_459 = tpu.vector_load %arg10[%get3A_457, %get3A_458] {strides = array<i32>} : memref<128x128xf32, #tpu.memory_space<vmem>>, vector<16xf32>,
          %mul3A_460 = arith.mulf %get3A_459, %gather3A_421 : vector<16xf32>
          %add3A_461 = arith.constant 1 : i32
          %add3A_462 = arith.addi %mul3A_318, %add3A_461 : i32
          %swap3A_463 = arith.index_cast %add3A_462 : i32 to index
          %swap3A_464 = arith.constant 48 : index
          %swap3A_465 = tpu.vector_load %arg10[%swap3A_463, %swap3A_464] {strides = array<i32>} : memref<128x128xf32, #tpu.memory_space<vmem>>, vector<16xf32>,
          tpu.vector_store %arg10[%swap3A_463, %swap3A_464], %mul3A_460 {strides = array<i32>} : memref<128x128xf32, #tpu.memory_space<vmem>>, vector<16xf32>,
          %add3A_466 = arith.constant 1 : i32
          %add3A_467 = arith.addi %mul3A_318, %add3A_466 : i32
          %get3A_468 = arith.index_cast %add3A_467 : i32 to index
          %get3A_469 = arith.constant 64 : index
          %get3A_470 = tpu.vector_load %arg10[%get3A_468, %get3A_469] {strides = array<i32>} : memref<128x128xf32, #tpu.memory_space<vmem>>, vector<16xf32>,
          %mul3A_471 = arith.mulf %get3A_470, %gather3A_421 : vector<16xf32>
          %add3A_472 = arith.constant 1 : i32
          %add3A_473 = arith.addi %mul3A_318, %add3A_472 : i32
          %swap3A_474 = arith.index_cast %add3A_473 : i32 to index
          %swap3A_475 = arith.constant 64 : index
          %swap3A_476 = tpu.vector_load %arg10[%swap3A_474, %swap3A_475] {strides = array<i32>} : memref<128x128xf32, #tpu.memory_space<vmem>>, vector<16xf32>,
          tpu.vector_store %arg10[%swap3A_474, %swap3A_475], %mul3A_471 {strides = array<i32>} : memref<128x128xf32, #tpu.memory_space<vmem>>, vector<16xf32>,
          %add3A_477 = arith.constant 1 : i32
          %add3A_478 = arith.addi %mul3A_318, %add3A_477 : i32
          %get3A_479 = arith.index_cast %add3A_478 : i32 to index
          %get3A_480 = arith.constant 80 : index
          %get3A_481 = tpu.vector_load %arg10[%get3A_479, %get3A_480] {strides = array<i32>} : memref<128x128xf32, #tpu.memory_space<vmem>>, vector<16xf32>,
          %mul3A_482 = arith.mulf %get3A_481, %gather3A_421 : vector<16xf32>
          %add3A_483 = arith.constant 1 : i32
          %add3A_484 = arith.addi %mul3A_318, %add3A_483 : i32
          %swap3A_485 = arith.index_cast %add3A_484 : i32 to index
          %swap3A_486 = arith.constant 80 : index
          %swap3A_487 = tpu.vector_load %arg10[%swap3A_485, %swap3A_486] {strides = array<i32>} : memref<128x128xf32, #tpu.memory_space<vmem>>, vector<16xf32>,
          tpu.vector_store %arg10[%swap3A_485, %swap3A_486], %mul3A_482 {strides = array<i32>} : memref<128x128xf32, #tpu.memory_space<vmem>>, vector<16xf32>,
          %add3A_488 = arith.constant 1 : i32
          %add3A_489 = arith.addi %mul3A_318, %add3A_488 : i32
          %get3A_490 = arith.index_cast %add3A_489 : i32 to index
          %get3A_491 = arith.constant 96 : index
          %get3A_492 = tpu.vector_load %arg10[%get3A_490, %get3A_491] {strides = array<i32>} : memref<128x128xf32, #tpu.memory_space<vmem>>, vector<16xf32>,
          %mul3A_493 = arith.mulf %get3A_492, %gather3A_421 : vector<16xf32>
          %add3A_494 = arith.constant 1 : i32
          %add3A_495 = arith.addi %mul3A_318, %add3A_494 : i32
          %swap3A_496 = arith.index_cast %add3A_495 : i32 to index
          %swap3A_497 = arith.constant 96 : index
          %swap3A_498 = tpu.vector_load %arg10[%swap3A_496, %swap3A_497] {strides = array<i32>} : memref<128x128xf32, #tpu.memory_space<vmem>>, vector<16xf32>,
          tpu.vector_store %arg10[%swap3A_496, %swap3A_497], %mul3A_493 {strides = array<i32>} : memref<128x128xf32, #tpu.memory_space<vmem>>, vector<16xf32>,
          %add3A_499 = arith.constant 1 : i32
          %add3A_500 = arith.addi %mul3A_318, %add3A_499 : i32
          %get3A_501 = arith.index_cast %add3A_500 : i32 to index
          %get3A_502 = arith.constant 112 : index
          %get3A_503 = tpu.vector_load %arg10[%get3A_501, %get3A_502] {strides = array<i32>} : memref<128x128xf32, #tpu.memory_space<vmem>>, vector<16xf32>,
          %mul3A_504 = arith.mulf %get3A_503, %gather3A_421 : vector<16xf32>
          %add3A_505 = arith.constant 1 : i32
          %add3A_506 = arith.addi %mul3A_318, %add3A_505 : i32
          %swap3A_507 = arith.index_cast %add3A_506 : i32 to index
          %swap3A_508 = arith.constant 112 : index
          %swap3A_509 = tpu.vector_load %arg10[%swap3A_507, %swap3A_508] {strides = array<i32>} : memref<128x128xf32, #tpu.memory_space<vmem>>, vector<16xf32>,
          tpu.vector_store %arg10[%swap3A_507, %swap3A_508], %mul3A_504 {strides = array<i32>} : memref<128x128xf32, #tpu.memory_space<vmem>>, vector<16xf32>,
          %scan3A_510 = arith.constant 0 : i32
          scf.yield %scan3A_510 : i32
        }
        %scan3A_278 = arith.constant 64 : i32
        %add3A_279 = arith.constant 0 : i32
        %add3A_280 = arith.addi %mul3A_251, %add3A_279 : i32
        %mul3A_281 = arith.constant 128 : i32
        %mul3A_282 = arith.muli %add3A_280, %mul3A_281 : i32
        %dma_start3A_283 = tpu.memref_slice %arg8[%mul3A_282] : memref<3840xi32, #tpu.memory_space<vmem>> -> memref<128xi32, #tpu.memory_space<vmem>>
        %dma_start3A_284 = arith.constant 0 : i32
        %dma_start3A_285 = arith.constant 0 : i32
        %dma_start3A_286 = tpu.memref_slice %arg23[%dma_start3A_284, %dma_start3A_285] : memref<10112x128xf32, #tpu.memory_space<vmem_shared>> -> memref<10112x128xf32, #tpu.memory_space<vmem_shared>>
        tpu.enqueue_indirect_dma source(%arg10 : memref<128x128xf32, #tpu.memory_space<vmem>>) target(%dma_start3A_286 : memref<10112x128xf32, #tpu.memory_space<vmem_shared>>) offsets(%dma_start3A_283 : memref<128xi32, #tpu.memory_space<vmem>>) semaphore(%arg14 : memref<!tpu.dma_semaphore, #tpu.memory_space<semaphore_mem>>) {add = true}
        %dma_wait3A_287 = tpu.memref_slice %arg7[%mul3A_263] : memref<3840xi32, #tpu.memory_space<vmem>> -> memref<128xi32, #tpu.memory_space<vmem>>
        %dma_wait3A_288 = arith.constant 0 : i32
        %dma_wait3A_289 = arith.constant 0 : i32
        %dma_wait3A_290 = tpu.memref_slice %arg2[%dma_wait3A_288, %dma_wait3A_289] : memref<10000x128xf32, #tpu.memory_space<hbm>> -> memref<10000x128xf32, #tpu.memory_space<hbm>>
        tpu.wait_indirect_dma semaphore(%arg13 : memref<!tpu.dma_semaphore, #tpu.memory_space<semaphore_mem>>) src(%dma_wait3A_290 : memref<10000x128xf32, #tpu.memory_space<hbm>>) dst(%arg11 : memref<128x128xf32, #tpu.memory_space<vmem>>)
        %scan3A_291 = arith.constant 0 : i32
        %scan3A_292 = arith.constant 0 : i32
        %scan3A_293 = arith.constant 64 : i32
        %scan3A_294 = arith.addi %scan3A_292, %scan3A_293 : i32
        %scan3A_295 = arith.constant 1 : i32
        %scan3A_296 = scf.for %scan3A_315 = %scan3A_292 to %scan3A_294 step %scan3A_295 iter_args(%scan3A_316 = %scan3A_291) -> (i32)  : i32 {
          %mul3A_317 = arith.constant 2 : i32
          %mul3A_318 = arith.muli %scan3A_315, %mul3A_317 : i32
          %add3A_319 = arith.constant 1 : i32
          %add3A_320 = arith.addi %mul3A_251, %add3A_319 : i32
          %mul3A_321 = arith.constant 128 : i32
          %mul3A_322 = arith.muli %add3A_320, %mul3A_321 : i32
          %add3A_323 = arith.addi %mul3A_322, %mul3A_318 : i32
          %add3A_324 = arith.constant 0 : i32
          %add3A_325 = arith.addi %add3A_323, %add3A_324 : i32
          %broadcast_in_dim3A_326 = vector.broadcast %add3A_325 : i32 to vector<16xi32>
          %gather3A = tpu.vector_load_idx %arg9[%broadcast_in_dim3A_326] : memref<3840xf32, #tpu.memory_space<vmem>>[vector<16xi32>], vector<16xf32>,
          %add3A_327 = arith.constant 0 : i32
          %add3A_328 = arith.addi %mul3A_318, %add3A_327 : i32
          %get3A = arith.index_cast %add3A_328 : i32 to index
          %get3A_329 = arith.constant 0 : index
          %get3A_330 = tpu.vector_load %arg11[%get3A, %get3A_329] {strides = array<i32>} : memref<128x128xf32, #tpu.memory_space<vmem>>, vector<16xf32>,
          %mul3A_331 = arith.mulf %get3A_330, %gather3A : vector<16xf32>
          %add3A_332 = arith.constant 0 : i32
          %add3A_333 = arith.addi %mul3A_318, %add3A_332 : i32
          %swap3A = arith.index_cast %add3A_333 : i32 to index
          %swap3A_334 = arith.constant 0 : index
          %swap3A_335 = tpu.vector_load %arg11[%swap3A, %swap3A_334] {strides = array<i32>} : memref<128x128xf32, #tpu.memory_space<vmem>>, vector<16xf32>,
          tpu.vector_store %arg11[%swap3A, %swap3A_334], %mul3A_331 {strides = array<i32>} : memref<128x128xf32, #tpu.memory_space<vmem>>, vector<16xf32>,
          %add3A_336 = arith.constant 0 : i32
          %add3A_337 = arith.addi %mul3A_318, %add3A_336 : i32
          %get3A_338 = arith.index_cast %add3A_337 : i32 to index
          %get3A_339 = arith.constant 16 : index
          %get3A_340 = tpu.vector_load %arg11[%get3A_338, %get3A_339] {strides = array<i32>} : memref<128x128xf32, #tpu.memory_space<vmem>>, vector<16xf32>,
          %mul3A_341 = arith.mulf %get3A_340, %gather3A : vector<16xf32>
          %add3A_342 = arith.constant 0 : i32
          %add3A_343 = arith.addi %mul3A_318, %add3A_342 : i32
          %swap3A_344 = arith.index_cast %add3A_343 : i32 to index
          %swap3A_345 = arith.constant 16 : index
          %swap3A_346 = tpu.vector_load %arg11[%swap3A_344, %swap3A_345] {strides = array<i32>} : memref<128x128xf32, #tpu.memory_space<vmem>>, vector<16xf32>,
          tpu.vector_store %arg11[%swap3A_344, %swap3A_345], %mul3A_341 {strides = array<i32>} : memref<128x128xf32, #tpu.memory_space<vmem>>, vector<16xf32>,
          %add3A_347 = arith.constant 0 : i32
          %add3A_348 = arith.addi %mul3A_318, %add3A_347 : i32
          %get3A_349 = arith.index_cast %add3A_348 : i32 to index
          %get3A_350 = arith.constant 32 : index
          %get3A_351 = tpu.vector_load %arg11[%get3A_349, %get3A_350] {strides = array<i32>} : memref<128x128xf32, #tpu.memory_space<vmem>>, vector<16xf32>,
          %mul3A_352 = arith.mulf %get3A_351, %gather3A : vector<16xf32>
          %add3A_353 = arith.constant 0 : i32
          %add3A_354 = arith.addi %mul3A_318, %add3A_353 : i32
          %swap3A_355 = arith.index_cast %add3A_354 : i32 to index
          %swap3A_356 = arith.constant 32 : index
          %swap3A_357 = tpu.vector_load %arg11[%swap3A_355, %swap3A_356] {strides = array<i32>} : memref<128x128xf32, #tpu.memory_space<vmem>>, vector<16xf32>,
          tpu.vector_store %arg11[%swap3A_355, %swap3A_356], %mul3A_352 {strides = array<i32>} : memref<128x128xf32, #tpu.memory_space<vmem>>, vector<16xf32>,
          %add3A_358 = arith.constant 0 : i32
          %add3A_359 = arith.addi %mul3A_318, %add3A_358 : i32
          %get3A_360 = arith.index_cast %add3A_359 : i32 to index
          %get3A_361 = arith.constant 48 : index
          %get3A_362 = tpu.vector_load %arg11[%get3A_360, %get3A_361] {strides = array<i32>} : memref<128x128xf32, #tpu.memory_space<vmem>>, vector<16xf32>,
          %mul3A_363 = arith.mulf %get3A_362, %gather3A : vector<16xf32>
          %add3A_364 = arith.constant 0 : i32
          %add3A_365 = arith.addi %mul3A_318, %add3A_364 : i32
          %swap3A_366 = arith.index_cast %add3A_365 : i32 to index
          %swap3A_367 = arith.constant 48 : index
          %swap3A_368 = tpu.vector_load %arg11[%swap3A_366, %swap3A_367] {strides = array<i32>} : memref<128x128xf32, #tpu.memory_space<vmem>>, vector<16xf32>,
          tpu.vector_store %arg11[%swap3A_366, %swap3A_367], %mul3A_363 {strides = array<i32>} : memref<128x128xf32, #tpu.memory_space<vmem>>, vector<16xf32>,
          %add3A_369 = arith.constant 0 : i32
          %add3A_370 = arith.addi %mul3A_318, %add3A_369 : i32
          %get3A_371 = arith.index_cast %add3A_370 : i32 to index
          %get3A_372 = arith.constant 64 : index
          %get3A_373 = tpu.vector_load %arg11[%get3A_371, %get3A_372] {strides = array<i32>} : memref<128x128xf32, #tpu.memory_space<vmem>>, vector<16xf32>,
          %mul3A_374 = arith.mulf %get3A_373, %gather3A : vector<16xf32>
          %add3A_375 = arith.constant 0 : i32
          %add3A_376 = arith.addi %mul3A_318, %add3A_375 : i32
          %swap3A_377 = arith.index_cast %add3A_376 : i32 to index
          %swap3A_378 = arith.constant 64 : index
          %swap3A_379 = tpu.vector_load %arg11[%swap3A_377, %swap3A_378] {strides = array<i32>} : memref<128x128xf32, #tpu.memory_space<vmem>>, vector<16xf32>,
          tpu.vector_store %arg11[%swap3A_377, %swap3A_378], %mul3A_374 {strides = array<i32>} : memref<128x128xf32, #tpu.memory_space<vmem>>, vector<16xf32>,
          %add3A_380 = arith.constant 0 : i32
          %add3A_381 = arith.addi %mul3A_318, %add3A_380 : i32
          %get3A_382 = arith.index_cast %add3A_381 : i32 to index
          %get3A_383 = arith.constant 80 : index
          %get3A_384 = tpu.vector_load %arg11[%get3A_382, %get3A_383] {strides = array<i32>} : memref<128x128xf32, #tpu.memory_space<vmem>>, vector<16xf32>,
          %mul3A_385 = arith.mulf %get3A_384, %gather3A : vector<16xf32>
          %add3A_386 = arith.constant 0 : i32
          %add3A_387 = arith.addi %mul3A_318, %add3A_386 : i32
          %swap3A_388 = arith.index_cast %add3A_387 : i32 to index
          %swap3A_389 = arith.constant 80 : index
          %swap3A_390 = tpu.vector_load %arg11[%swap3A_388, %swap3A_389] {strides = array<i32>} : memref<128x128xf32, #tpu.memory_space<vmem>>, vector<16xf32>,
          tpu.vector_store %arg11[%swap3A_388, %swap3A_389], %mul3A_385 {strides = array<i32>} : memref<128x128xf32, #tpu.memory_space<vmem>>, vector<16xf32>,
          %add3A_391 = arith.constant 0 : i32
          %add3A_392 = arith.addi %mul3A_318, %add3A_391 : i32
          %get3A_393 = arith.index_cast %add3A_392 : i32 to index
          %get3A_394 = arith.constant 96 : index
          %get3A_395 = tpu.vector_load %arg11[%get3A_393, %get3A_394] {strides = array<i32>} : memref<128x128xf32, #tpu.memory_space<vmem>>, vector<16xf32>,
          %mul3A_396 = arith.mulf %get3A_395, %gather3A : vector<16xf32>
          %add3A_397 = arith.constant 0 : i32
          %add3A_398 = arith.addi %mul3A_318, %add3A_397 : i32
          %swap3A_399 = arith.index_cast %add3A_398 : i32 to index
          %swap3A_400 = arith.constant 96 : index
          %swap3A_401 = tpu.vector_load %arg11[%swap3A_399, %swap3A_400] {strides = array<i32>} : memref<128x128xf32, #tpu.memory_space<vmem>>, vector<16xf32>,
          tpu.vector_store %arg11[%swap3A_399, %swap3A_400], %mul3A_396 {strides = array<i32>} : memref<128x128xf32, #tpu.memory_space<vmem>>, vector<16xf32>,
          %add3A_402 = arith.constant 0 : i32
          %add3A_403 = arith.addi %mul3A_318, %add3A_402 : i32
          %get3A_404 = arith.index_cast %add3A_403 : i32 to index
          %get3A_405 = arith.constant 112 : index
          %get3A_406 = tpu.vector_load %arg11[%get3A_404, %get3A_405] {strides = array<i32>} : memref<128x128xf32, #tpu.memory_space<vmem>>, vector<16xf32>,
          %mul3A_407 = arith.mulf %get3A_406, %gather3A : vector<16xf32>
          %add3A_408 = arith.constant 0 : i32
          %add3A_409 = arith.addi %mul3A_318, %add3A_408 : i32
          %swap3A_410 = arith.index_cast %add3A_409 : i32 to index
          %swap3A_411 = arith.constant 112 : index
          %swap3A_412 = tpu.vector_load %arg11[%swap3A_410, %swap3A_411] {strides = array<i32>} : memref<128x128xf32, #tpu.memory_space<vmem>>, vector<16xf32>,
          tpu.vector_store %arg11[%swap3A_410, %swap3A_411], %mul3A_407 {strides = array<i32>} : memref<128x128xf32, #tpu.memory_space<vmem>>, vector<16xf32>,
          %add3A_413 = arith.constant 1 : i32
          %add3A_414 = arith.addi %mul3A_251, %add3A_413 : i32
          %mul3A_415 = arith.constant 128 : i32
          %mul3A_416 = arith.muli %add3A_414, %mul3A_415 : i32
          %add3A_417 = arith.addi %mul3A_416, %mul3A_318 : i32
          %add3A_418 = arith.constant 1 : i32
          %add3A_419 = arith.addi %add3A_417, %add3A_418 : i32
          %broadcast_in_dim3A_420 = vector.broadcast %add3A_419 : i32 to vector<16xi32>
          %gather3A_421 = tpu.vector_load_idx %arg9[%broadcast_in_dim3A_420] : memref<3840xf32, #tpu.memory_space<vmem>>[vector<16xi32>], vector<16xf32>,
          %add3A_422 = arith.constant 1 : i32
          %add3A_423 = arith.addi %mul3A_318, %add3A_422 : i32
          %get3A_424 = arith.index_cast %add3A_423 : i32 to index
          %get3A_425 = arith.constant 0 : index
          %get3A_426 = tpu.vector_load %arg11[%get3A_424, %get3A_425] {strides = array<i32>} : memref<128x128xf32, #tpu.memory_space<vmem>>, vector<16xf32>,
          %mul3A_427 = arith.mulf %get3A_426, %gather3A_421 : vector<16xf32>
          %add3A_428 = arith.constant 1 : i32
          %add3A_429 = arith.addi %mul3A_318, %add3A_428 : i32
          %swap3A_430 = arith.index_cast %add3A_429 : i32 to index
          %swap3A_431 = arith.constant 0 : index
          %swap3A_432 = tpu.vector_load %arg11[%swap3A_430, %swap3A_431] {strides = array<i32>} : memref<128x128xf32, #tpu.memory_space<vmem>>, vector<16xf32>,
          tpu.vector_store %arg11[%swap3A_430, %swap3A_431], %mul3A_427 {strides = array<i32>} : memref<128x128xf32, #tpu.memory_space<vmem>>, vector<16xf32>,
          %add3A_433 = arith.constant 1 : i32
          %add3A_434 = arith.addi %mul3A_318, %add3A_433 : i32
          %get3A_435 = arith.index_cast %add3A_434 : i32 to index
          %get3A_436 = arith.constant 16 : index
          %get3A_437 = tpu.vector_load %arg11[%get3A_435, %get3A_436] {strides = array<i32>} : memref<128x128xf32, #tpu.memory_space<vmem>>, vector<16xf32>,
          %mul3A_438 = arith.mulf %get3A_437, %gather3A_421 : vector<16xf32>
          %add3A_439 = arith.constant 1 : i32
          %add3A_440 = arith.addi %mul3A_318, %add3A_439 : i32
          %swap3A_441 = arith.index_cast %add3A_440 : i32 to index
          %swap3A_442 = arith.constant 16 : index
          %swap3A_443 = tpu.vector_load %arg11[%swap3A_441, %swap3A_442] {strides = array<i32>} : memref<128x128xf32, #tpu.memory_space<vmem>>, vector<16xf32>,
          tpu.vector_store %arg11[%swap3A_441, %swap3A_442], %mul3A_438 {strides = array<i32>} : memref<128x128xf32, #tpu.memory_space<vmem>>, vector<16xf32>,
          %add3A_444 = arith.constant 1 : i32
          %add3A_445 = arith.addi %mul3A_318, %add3A_444 : i32
          %get3A_446 = arith.index_cast %add3A_445 : i32 to index
          %get3A_447 = arith.constant 32 : index
          %get3A_448 = tpu.vector_load %arg11[%get3A_446, %get3A_447] {strides = array<i32>} : memref<128x128xf32, #tpu.memory_space<vmem>>, vector<16xf32>,
          %mul3A_449 = arith.mulf %get3A_448, %gather3A_421 : vector<16xf32>
          %add3A_450 = arith.constant 1 : i32
          %add3A_451 = arith.addi %mul3A_318, %add3A_450 : i32
          %swap3A_452 = arith.index_cast %add3A_451 : i32 to index
          %swap3A_453 = arith.constant 32 : index
          %swap3A_454 = tpu.vector_load %arg11[%swap3A_452, %swap3A_453] {strides = array<i32>} : memref<128x128xf32, #tpu.memory_space<vmem>>, vector<16xf32>,
          tpu.vector_store %arg11[%swap3A_452, %swap3A_453], %mul3A_449 {strides = array<i32>} : memref<128x128xf32, #tpu.memory_space<vmem>>, vector<16xf32>,
          %add3A_455 = arith.constant 1 : i32
          %add3A_456 = arith.addi %mul3A_318, %add3A_455 : i32
          %get3A_457 = arith.index_cast %add3A_456 : i32 to index
          %get3A_458 = arith.constant 48 : index
          %get3A_459 = tpu.vector_load %arg11[%get3A_457, %get3A_458] {strides = array<i32>} : memref<128x128xf32, #tpu.memory_space<vmem>>, vector<16xf32>,
          %mul3A_460 = arith.mulf %get3A_459, %gather3A_421 : vector<16xf32>
          %add3A_461 = arith.constant 1 : i32
          %add3A_462 = arith.addi %mul3A_318, %add3A_461 : i32
          %swap3A_463 = arith.index_cast %add3A_462 : i32 to index
          %swap3A_464 = arith.constant 48 : index
          %swap3A_465 = tpu.vector_load %arg11[%swap3A_463, %swap3A_464] {strides = array<i32>} : memref<128x128xf32, #tpu.memory_space<vmem>>, vector<16xf32>,
          tpu.vector_store %arg11[%swap3A_463, %swap3A_464], %mul3A_460 {strides = array<i32>} : memref<128x128xf32, #tpu.memory_space<vmem>>, vector<16xf32>,
          %add3A_466 = arith.constant 1 : i32
          %add3A_467 = arith.addi %mul3A_318, %add3A_466 : i32
          %get3A_468 = arith.index_cast %add3A_467 : i32 to index
          %get3A_469 = arith.constant 64 : index
          %get3A_470 = tpu.vector_load %arg11[%get3A_468, %get3A_469] {strides = array<i32>} : memref<128x128xf32, #tpu.memory_space<vmem>>, vector<16xf32>,
          %mul3A_471 = arith.mulf %get3A_470, %gather3A_421 : vector<16xf32>
          %add3A_472 = arith.constant 1 : i32
          %add3A_473 = arith.addi %mul3A_318, %add3A_472 : i32
          %swap3A_474 = arith.index_cast %add3A_473 : i32 to index
          %swap3A_475 = arith.constant 64 : index
          %swap3A_476 = tpu.vector_load %arg11[%swap3A_474, %swap3A_475] {strides = array<i32>} : memref<128x128xf32, #tpu.memory_space<vmem>>, vector<16xf32>,
          tpu.vector_store %arg11[%swap3A_474, %swap3A_475], %mul3A_471 {strides = array<i32>} : memref<128x128xf32, #tpu.memory_space<vmem>>, vector<16xf32>,
          %add3A_477 = arith.constant 1 : i32
          %add3A_478 = arith.addi %mul3A_318, %add3A_477 : i32
          %get3A_479 = arith.index_cast %add3A_478 : i32 to index
          %get3A_480 = arith.constant 80 : index
          %get3A_481 = tpu.vector_load %arg11[%get3A_479, %get3A_480] {strides = array<i32>} : memref<128x128xf32, #tpu.memory_space<vmem>>, vector<16xf32>,
          %mul3A_482 = arith.mulf %get3A_481, %gather3A_421 : vector<16xf32>
          %add3A_483 = arith.constant 1 : i32
          %add3A_484 = arith.addi %mul3A_318, %add3A_483 : i32
          %swap3A_485 = arith.index_cast %add3A_484 : i32 to index
          %swap3A_486 = arith.constant 80 : index
          %swap3A_487 = tpu.vector_load %arg11[%swap3A_485, %swap3A_486] {strides = array<i32>} : memref<128x128xf32, #tpu.memory_space<vmem>>, vector<16xf32>,
          tpu.vector_store %arg11[%swap3A_485, %swap3A_486], %mul3A_482 {strides = array<i32>} : memref<128x128xf32, #tpu.memory_space<vmem>>, vector<16xf32>,
          %add3A_488 = arith.constant 1 : i32
          %add3A_489 = arith.addi %mul3A_318, %add3A_488 : i32
          %get3A_490 = arith.index_cast %add3A_489 : i32 to index
          %get3A_491 = arith.constant 96 : index
          %get3A_492 = tpu.vector_load %arg11[%get3A_490, %get3A_491] {strides = array<i32>} : memref<128x128xf32, #tpu.memory_space<vmem>>, vector<16xf32>,
          %mul3A_493 = arith.mulf %get3A_492, %gather3A_421 : vector<16xf32>
          %add3A_494 = arith.constant 1 : i32
          %add3A_495 = arith.addi %mul3A_318, %add3A_494 : i32
          %swap3A_496 = arith.index_cast %add3A_495 : i32 to index
          %swap3A_497 = arith.constant 96 : index
          %swap3A_498 = tpu.vector_load %arg11[%swap3A_496, %swap3A_497] {strides = array<i32>} : memref<128x128xf32, #tpu.memory_space<vmem>>, vector<16xf32>,
          tpu.vector_store %arg11[%swap3A_496, %swap3A_497], %mul3A_493 {strides = array<i32>} : memref<128x128xf32, #tpu.memory_space<vmem>>, vector<16xf32>,
          %add3A_499 = arith.constant 1 : i32
          %add3A_500 = arith.addi %mul3A_318, %add3A_499 : i32
          %get3A_501 = arith.index_cast %add3A_500 : i32 to index
          %get3A_502 = arith.constant 112 : index
          %get3A_503 = tpu.vector_load %arg11[%get3A_501, %get3A_502] {strides = array<i32>} : memref<128x128xf32, #tpu.memory_space<vmem>>, vector<16xf32>,
          %mul3A_504 = arith.mulf %get3A_503, %gather3A_421 : vector<16xf32>
          %add3A_505 = arith.constant 1 : i32
          %add3A_506 = arith.addi %mul3A_318, %add3A_505 : i32
          %swap3A_507 = arith.index_cast %add3A_506 : i32 to index
          %swap3A_508 = arith.constant 112 : index
          %swap3A_509 = tpu.vector_load %arg11[%swap3A_507, %swap3A_508] {strides = array<i32>} : memref<128x128xf32, #tpu.memory_space<vmem>>, vector<16xf32>,
          tpu.vector_store %arg11[%swap3A_507, %swap3A_508], %mul3A_504 {strides = array<i32>} : memref<128x128xf32, #tpu.memory_space<vmem>>, vector<16xf32>,
          %scan3A_510 = arith.constant 0 : i32
          scf.yield %scan3A_510 : i32
        }
        %scan3A_297 = arith.constant 64 : i32
        %add3A_298 = arith.constant 1 : i32
        %add3A_299 = arith.addi %mul3A_251, %add3A_298 : i32
        %mul3A_300 = arith.constant 128 : i32
        %mul3A_301 = arith.muli %add3A_299, %mul3A_300 : i32
        %dma_start3A_302 = tpu.memref_slice %arg8[%mul3A_301] : memref<3840xi32, #tpu.memory_space<vmem>> -> memref<128xi32, #tpu.memory_space<vmem>>
        %dma_start3A_303 = arith.constant 0 : i32
        %dma_start3A_304 = arith.constant 0 : i32
        %dma_start3A_305 = tpu.memref_slice %arg23[%dma_start3A_303, %dma_start3A_304] : memref<10112x128xf32, #tpu.memory_space<vmem_shared>> -> memref<10112x128xf32, #tpu.memory_space<vmem_shared>>
        tpu.enqueue_indirect_dma source(%arg11 : memref<128x128xf32, #tpu.memory_space<vmem>>) target(%dma_start3A_305 : memref<10112x128xf32, #tpu.memory_space<vmem_shared>>) offsets(%dma_start3A_302 : memref<128xi32, #tpu.memory_space<vmem>>) semaphore(%arg15 : memref<!tpu.dma_semaphore, #tpu.memory_space<semaphore_mem>>) {add = true}
        %dma_wait3A_306 = tpu.memref_slice %arg8[%mul3A_282] : memref<3840xi32, #tpu.memory_space<vmem>> -> memref<128xi32, #tpu.memory_space<vmem>>
        %dma_wait3A_307 = arith.constant 0 : i32
        %dma_wait3A_308 = arith.constant 0 : i32
        %dma_wait3A_309 = tpu.memref_slice %arg23[%dma_wait3A_307, %dma_wait3A_308] : memref<10112x128xf32, #tpu.memory_space<vmem_shared>> -> memref<10112x128xf32, #tpu.memory_space<vmem_shared>>
        tpu.wait_indirect_dma semaphore(%arg14 : memref<!tpu.dma_semaphore, #tpu.memory_space<semaphore_mem>>) src(%arg10 : memref<128x128xf32, #tpu.memory_space<vmem>>) dst(%dma_wait3A_309 : memref<10112x128xf32, #tpu.memory_space<vmem_shared>>)
        %dma_wait3A_310 = tpu.memref_slice %arg8[%mul3A_301] : memref<3840xi32, #tpu.memory_space<vmem>> -> memref<128xi32, #tpu.memory_space<vmem>>
        %dma_wait3A_311 = arith.constant 0 : i32
        %dma_wait3A_312 = arith.constant 0 : i32
        %dma_wait3A_313 = tpu.memref_slice %arg23[%dma_wait3A_311, %dma_wait3A_312] : memref<10112x128xf32, #tpu.memory_space<vmem_shared>> -> memref<10112x128xf32, #tpu.memory_space<vmem_shared>>
        tpu.wait_indirect_dma semaphore(%arg15 : memref<!tpu.dma_semaphore, #tpu.memory_space<semaphore_mem>>) src(%arg11 : memref<128x128xf32, #tpu.memory_space<vmem>>) dst(%dma_wait3A_313 : memref<10112x128xf32, #tpu.memory_space<vmem_shared>>)
        %scan3A_314 = arith.constant 0 : i32
        scf.yield %scan3A_314 : i32
      }
      %scan3A_247 = arith.constant 13 : i32
    } else {
    }
    %barrier3A_122 = arith.constant 0 : index
    tpu.barrier barrier_id(%barrier3A_122)
    %add3A_123 = arith.constant 0 : i32
    %add3A_124 = arith.addi %mul3A_0, %add3A_123 : i32
    %dma_start3A_125 = arith.constant 0 : i32
    %dma_start3A_126 = arith.constant 0 : i32
    %dma_start3A_127 = tpu.memref_slice %arg6[%arg0, %dma_start3A_125, %dma_start3A_126] : memref<2x10112x128xf32, #tpu.memory_space<hbm>> -> memref<1x10112x128xf32, #tpu.memory_space<hbm>>
    %dma_start3A_128 = tpu.memref_squeeze %dma_start3A_127 : memref<1x10112x128xf32, #tpu.memory_space<hbm>> -> memref<10112x128xf32, #tpu.memory_space<hbm>>
    %dma_start3A_129 = arith.constant 0 : i32
    %dma_start3A_130 = tpu.memref_slice %dma_start3A_128[%add3A_124, %dma_start3A_129] : memref<10112x128xf32, #tpu.memory_space<hbm>> -> memref<160x128xf32, #tpu.memory_space<hbm>>
    %dma_start3A_131 = arith.constant 0 : i32
    %dma_start3A_132 = tpu.memref_slice %arg23[%add3A_124, %dma_start3A_131] : memref<10112x128xf32, #tpu.memory_space<vmem_shared>> -> memref<160x128xf32, #tpu.memory_space<vmem_shared>>
    tpu.enqueue_dma source(%dma_start3A_132 : memref<160x128xf32, #tpu.memory_space<vmem_shared>>) target(%dma_start3A_130 : memref<160x128xf32, #tpu.memory_space<hbm>>) target_semaphore(%arg19 : memref<!tpu.dma_semaphore, #tpu.memory_space<semaphore_mem>>)
    %add3A_133 = arith.constant 160 : i32
    %add3A_134 = arith.addi %mul3A_0, %add3A_133 : i32
    %dma_start3A_135 = arith.constant 0 : i32
    %dma_start3A_136 = arith.constant 0 : i32
    %dma_start3A_137 = tpu.memref_slice %arg6[%arg0, %dma_start3A_135, %dma_start3A_136] : memref<2x10112x128xf32, #tpu.memory_space<hbm>> -> memref<1x10112x128xf32, #tpu.memory_space<hbm>>
    %dma_start3A_138 = tpu.memref_squeeze %dma_start3A_137 : memref<1x10112x128xf32, #tpu.memory_space<hbm>> -> memref<10112x128xf32, #tpu.memory_space<hbm>>
    %dma_start3A_139 = arith.constant 0 : i32
    %dma_start3A_140 = tpu.memref_slice %dma_start3A_138[%add3A_134, %dma_start3A_139] : memref<10112x128xf32, #tpu.memory_space<hbm>> -> memref<160x128xf32, #tpu.memory_space<hbm>>
    %dma_start3A_141 = arith.constant 0 : i32
    %dma_start3A_142 = tpu.memref_slice %arg23[%add3A_134, %dma_start3A_141] : memref<10112x128xf32, #tpu.memory_space<vmem_shared>> -> memref<160x128xf32, #tpu.memory_space<vmem_shared>>
    tpu.enqueue_dma source(%dma_start3A_142 : memref<160x128xf32, #tpu.memory_space<vmem_shared>>) target(%dma_start3A_140 : memref<160x128xf32, #tpu.memory_space<hbm>>) target_semaphore(%arg20 : memref<!tpu.dma_semaphore, #tpu.memory_space<semaphore_mem>>)
    %add3A_143 = arith.constant 320 : i32
    %add3A_144 = arith.addi %mul3A_0, %add3A_143 : i32
    %dma_start3A_145 = arith.constant 0 : i32
    %dma_start3A_146 = arith.constant 0 : i32
    %dma_start3A_147 = tpu.memref_slice %arg6[%arg0, %dma_start3A_145, %dma_start3A_146] : memref<2x10112x128xf32, #tpu.memory_space<hbm>> -> memref<1x10112x128xf32, #tpu.memory_space<hbm>>
    %dma_start3A_148 = tpu.memref_squeeze %dma_start3A_147 : memref<1x10112x128xf32, #tpu.memory_space<hbm>> -> memref<10112x128xf32, #tpu.memory_space<hbm>>
    %dma_start3A_149 = arith.constant 0 : i32
    %dma_start3A_150 = tpu.memref_slice %dma_start3A_148[%add3A_144, %dma_start3A_149] : memref<10112x128xf32, #tpu.memory_space<hbm>> -> memref<160x128xf32, #tpu.memory_space<hbm>>
    %dma_start3A_151 = arith.constant 0 : i32
    %dma_start3A_152 = tpu.memref_slice %arg23[%add3A_144, %dma_start3A_151] : memref<10112x128xf32, #tpu.memory_space<vmem_shared>> -> memref<160x128xf32, #tpu.memory_space<vmem_shared>>
    tpu.enqueue_dma source(%dma_start3A_152 : memref<160x128xf32, #tpu.memory_space<vmem_shared>>) target(%dma_start3A_150 : memref<160x128xf32, #tpu.memory_space<hbm>>) target_semaphore(%arg21 : memref<!tpu.dma_semaphore, #tpu.memory_space<semaphore_mem>>)
    %add3A_153 = arith.constant 480 : i32
    %add3A_154 = arith.addi %mul3A_0, %add3A_153 : i32
    %dma_start3A_155 = arith.constant 0 : i32
    %dma_start3A_156 = arith.constant 0 : i32
    %dma_start3A_157 = tpu.memref_slice %arg6[%arg0, %dma_start3A_155, %dma_start3A_156] : memref<2x10112x128xf32, #tpu.memory_space<hbm>> -> memref<1x10112x128xf32, #tpu.memory_space<hbm>>
    %dma_start3A_158 = tpu.memref_squeeze %dma_start3A_157 : memref<1x10112x128xf32, #tpu.memory_space<hbm>> -> memref<10112x128xf32, #tpu.memory_space<hbm>>
    %dma_start3A_159 = arith.constant 0 : i32
    %dma_start3A_160 = tpu.memref_slice %dma_start3A_158[%add3A_154, %dma_start3A_159] : memref<10112x128xf32, #tpu.memory_space<hbm>> -> memref<152x128xf32, #tpu.memory_space<hbm>>
    %dma_start3A_161 = arith.constant 0 : i32
    %dma_start3A_162 = tpu.memref_slice %arg23[%add3A_154, %dma_start3A_161] : memref<10112x128xf32, #tpu.memory_space<vmem_shared>> -> memref<152x128xf32, #tpu.memory_space<vmem_shared>>
    tpu.enqueue_dma source(%dma_start3A_162 : memref<152x128xf32, #tpu.memory_space<vmem_shared>>) target(%dma_start3A_160 : memref<152x128xf32, #tpu.memory_space<hbm>>) target_semaphore(%arg22 : memref<!tpu.dma_semaphore, #tpu.memory_space<semaphore_mem>>)
    %dma_wait3A_163 = arith.constant 0 : i32
    %dma_wait3A_164 = arith.constant 0 : i32
    %dma_wait3A_165 = tpu.memref_slice %arg6[%arg0, %dma_wait3A_163, %dma_wait3A_164] : memref<2x10112x128xf32, #tpu.memory_space<hbm>> -> memref<1x10112x128xf32, #tpu.memory_space<hbm>>
    %dma_wait3A_166 = tpu.memref_squeeze %dma_wait3A_165 : memref<1x10112x128xf32, #tpu.memory_space<hbm>> -> memref<10112x128xf32, #tpu.memory_space<hbm>>
    %dma_wait3A_167 = arith.constant 0 : i32
    %dma_wait3A_168 = tpu.memref_slice %dma_wait3A_166[%add3A_124, %dma_wait3A_167] : memref<10112x128xf32, #tpu.memory_space<hbm>> -> memref<160x128xf32, #tpu.memory_space<hbm>>
    %dma_wait3A_169 = arith.constant 0 : i32
    %dma_wait3A_170 = tpu.memref_slice %arg23[%add3A_124, %dma_wait3A_169] : memref<10112x128xf32, #tpu.memory_space<vmem_shared>> -> memref<160x128xf32, #tpu.memory_space<vmem_shared>>
    tpu.wait_dma2 semaphore(%arg19 : memref<!tpu.dma_semaphore, #tpu.memory_space<semaphore_mem>>) src(%dma_wait3A_170 : memref<160x128xf32, #tpu.memory_space<vmem_shared>>) dst(%dma_wait3A_168 : memref<160x128xf32, #tpu.memory_space<hbm>>)
    %dma_wait3A_171 = arith.constant 0 : i32
    %dma_wait3A_172 = arith.constant 0 : i32
    %dma_wait3A_173 = tpu.memref_slice %arg6[%arg0, %dma_wait3A_171, %dma_wait3A_172] : memref<2x10112x128xf32, #tpu.memory_space<hbm>> -> memref<1x10112x128xf32, #tpu.memory_space<hbm>>
    %dma_wait3A_174 = tpu.memref_squeeze %dma_wait3A_173 : memref<1x10112x128xf32, #tpu.memory_space<hbm>> -> memref<10112x128xf32, #tpu.memory_space<hbm>>
    %dma_wait3A_175 = arith.constant 0 : i32
    %dma_wait3A_176 = tpu.memref_slice %dma_wait3A_174[%add3A_134, %dma_wait3A_175] : memref<10112x128xf32, #tpu.memory_space<hbm>> -> memref<160x128xf32, #tpu.memory_space<hbm>>
    %dma_wait3A_177 = arith.constant 0 : i32
    %dma_wait3A_178 = tpu.memref_slice %arg23[%add3A_134, %dma_wait3A_177] : memref<10112x128xf32, #tpu.memory_space<vmem_shared>> -> memref<160x128xf32, #tpu.memory_space<vmem_shared>>
    tpu.wait_dma2 semaphore(%arg20 : memref<!tpu.dma_semaphore, #tpu.memory_space<semaphore_mem>>) src(%dma_wait3A_178 : memref<160x128xf32, #tpu.memory_space<vmem_shared>>) dst(%dma_wait3A_176 : memref<160x128xf32, #tpu.memory_space<hbm>>)
    %dma_wait3A_179 = arith.constant 0 : i32
    %dma_wait3A_180 = arith.constant 0 : i32
    %dma_wait3A_181 = tpu.memref_slice %arg6[%arg0, %dma_wait3A_179, %dma_wait3A_180] : memref<2x10112x128xf32, #tpu.memory_space<hbm>> -> memref<1x10112x128xf32, #tpu.memory_space<hbm>>
    %dma_wait3A_182 = tpu.memref_squeeze %dma_wait3A_181 : memref<1x10112x128xf32, #tpu.memory_space<hbm>> -> memref<10112x128xf32, #tpu.memory_space<hbm>>
    %dma_wait3A_183 = arith.constant 0 : i32
    %dma_wait3A_184 = tpu.memref_slice %dma_wait3A_182[%add3A_144, %dma_wait3A_183] : memref<10112x128xf32, #tpu.memory_space<hbm>> -> memref<160x128xf32, #tpu.memory_space<hbm>>
    %dma_wait3A_185 = arith.constant 0 : i32
    %dma_wait3A_186 = tpu.memref_slice %arg23[%add3A_144, %dma_wait3A_185] : memref<10112x128xf32, #tpu.memory_space<vmem_shared>> -> memref<160x128xf32, #tpu.memory_space<vmem_shared>>
    tpu.wait_dma2 semaphore(%arg21 : memref<!tpu.dma_semaphore, #tpu.memory_space<semaphore_mem>>) src(%dma_wait3A_186 : memref<160x128xf32, #tpu.memory_space<vmem_shared>>) dst(%dma_wait3A_184 : memref<160x128xf32, #tpu.memory_space<hbm>>)
    %dma_wait3A_187 = arith.constant 0 : i32
    %dma_wait3A_188 = arith.constant 0 : i32
    %dma_wait3A_189 = tpu.memref_slice %arg6[%arg0, %dma_wait3A_187, %dma_wait3A_188] : memref<2x10112x128xf32, #tpu.memory_space<hbm>> -> memref<1x10112x128xf32, #tpu.memory_space<hbm>>
    %dma_wait3A_190 = tpu.memref_squeeze %dma_wait3A_189 : memref<1x10112x128xf32, #tpu.memory_space<hbm>> -> memref<10112x128xf32, #tpu.memory_space<hbm>>
    %dma_wait3A_191 = arith.constant 0 : i32
    %dma_wait3A_192 = tpu.memref_slice %dma_wait3A_190[%add3A_154, %dma_wait3A_191] : memref<10112x128xf32, #tpu.memory_space<hbm>> -> memref<152x128xf32, #tpu.memory_space<hbm>>
    %dma_wait3A_193 = arith.constant 0 : i32
    %dma_wait3A_194 = tpu.memref_slice %arg23[%add3A_154, %dma_wait3A_193] : memref<10112x128xf32, #tpu.memory_space<vmem_shared>> -> memref<152x128xf32, #tpu.memory_space<vmem_shared>>
    tpu.wait_dma2 semaphore(%arg22 : memref<!tpu.dma_semaphore, #tpu.memory_space<semaphore_mem>>) src(%dma_wait3A_194 : memref<152x128xf32, #tpu.memory_space<vmem_shared>>) dst(%dma_wait3A_192 : memref<152x128xf32, #tpu.memory_space<hbm>>)
    return
  }
}

module attributes {stable_mosaic.version = 14 : i64} {
  func.func @_k1_body(%arg0: i32, %arg1: memref<1000x256xf32, #tpu.memory_space<vmem>>, %arg2: memref<256x128xf32, #tpu.memory_space<vmem>>, %arg3: memref<1000x1xf32, #tpu.memory_space<vmem>>, %arg4: memref<1000x128xf32, #tpu.memory_space<vmem>>) attributes {dimension_semantics = [#tpu.dimension_semantics<arbitrary>], iteration_bounds = array<i64: 10>, scalar_prefetch = 0 : i64, scratch_operands = 0 : i64, tpu.core_type = #tpu.core_type<tc>, window_params = [{transform_indices = @transform_0, window_bounds = array<i64: 1000, 256>}, {pipeline_mode = #tpu.pipeline_mode<synchronous>, transform_indices = @transform_1, window_bounds = array<i64: 256, 128>}, {transform_indices = @transform_2, window_bounds = array<i64: 1000, 1>}, {transform_indices = @transform_3, window_bounds = array<i64: 1000, 128>}]} {
    %get3A = arith.constant 0 : index
    %get3A_0 = arith.constant 0 : index
    %get3A_1 = vector.load %arg1[%get3A, %get3A_0] : memref<1000x256xf32, #tpu.memory_space<vmem>>, vector<1000x256xf32>
    %get3A_2 = arith.constant 0 : index
    %get3A_3 = arith.constant 0 : index
    %get3A_4 = vector.load %arg2[%get3A_2, %get3A_3] : memref<256x128xf32, #tpu.memory_space<vmem>>, vector<256x128xf32>
    %dot_general3A = arith.constant dense<0.000000e+00> : vector<1000x128xf32>
    %dot_general3A_5 = tpu.matmul %get3A_1, %get3A_4, %dot_general3A {dimension_numbers = #tpu.dot_dimension_numbers<[1], [0], [0], [1], [0, 0, 1, 1], [], []>, transpose_lhs_hint = false} : vector<1000x256xf32>, vector<256x128xf32>, vector<1000x128xf32> -> vector<1000x128xf32>
    %get3A_6 = arith.constant 0 : index
    %get3A_7 = arith.constant 0 : index
    %get3A_8 = vector.load %arg3[%get3A_6, %get3A_7] : memref<1000x1xf32, #tpu.memory_space<vmem>>, vector<1000x1xf32>
    %mul3A = vector.broadcast %get3A_8 : vector<1000x1xf32> to vector<1000x128xf32>
    %mul3A_9 = arith.mulf %dot_general3A_5, %mul3A : vector<1000x128xf32>
    %swap3A = arith.constant 0 : index
    %swap3A_10 = arith.constant 0 : index
    %swap3A_11 = vector.load %arg4[%swap3A, %swap3A_10] : memref<1000x128xf32, #tpu.memory_space<vmem>>, vector<1000x128xf32>
    tpu.vector_store %arg4[%swap3A, %swap3A_10], %mul3A_9 {strides = array<i32>} : memref<1000x128xf32, #tpu.memory_space<vmem>>, vector<1000x128xf32>,
    return
  }
  func.func @transform_0(%arg0: i32) -> (i32, i32) {
    %c0_i32 = arith.constant 0 : i32
    %c0_i32_0 = arith.constant 0 : i32
    return %arg0, %c0_i32 : i32, i32
  }
  func.func @transform_1(%arg0: i32) -> (i32, i32) {
    %c0_i32 = arith.constant 0 : i32
    %c0_i32_0 = arith.constant 0 : i32
    %c0_i32_1 = arith.constant 0 : i32
    return %c0_i32, %c0_i32_0 : i32, i32
  }
  func.func @transform_2(%arg0: i32) -> (i32, i32) {
    %c0_i32 = arith.constant 0 : i32
    %c0_i32_0 = arith.constant 0 : i32
    return %arg0, %c0_i32 : i32, i32
  }
  func.func @transform_3(%arg0: i32) -> (i32, i32) {
    %c0_i32 = arith.constant 0 : i32
    %c0_i32_0 = arith.constant 0 : i32
    return %arg0, %c0_i32 : i32, i32
  }
}

module attributes {stable_mosaic.version = 14 : i64} {
  func.func @_k2_body(%arg0: i32, %arg1: memref<2x1000x128xf32, #tpu.memory_space<vmem>>, %arg2: memref<1000x1xf32, #tpu.memory_space<vmem>>, %arg3: memref<128xf32, #tpu.memory_space<vmem>>, %arg4: memref<1000x128xf32, #tpu.memory_space<vmem>>, %arg5: memref<2x128xf32, #tpu.memory_space<vmem>>) attributes {dimension_semantics = [#tpu.dimension_semantics<arbitrary>], iteration_bounds = array<i64: 10>, scalar_prefetch = 0 : i64, scratch_operands = 0 : i64, tpu.core_type = #tpu.core_type<tc>, window_params = [{transform_indices = @transform_0, window_bounds = array<i64: 2, 1000, 128>}, {transform_indices = @transform_1, window_bounds = array<i64: 1000, 1>}, {pipeline_mode = #tpu.pipeline_mode<synchronous>, transform_indices = @transform_2, window_bounds = array<i64: 128>}, {transform_indices = @transform_3, window_bounds = array<i64: 1000, 128>}, {pipeline_mode = #tpu.pipeline_mode<synchronous>, transform_indices = @transform_4, window_bounds = array<i64: 2, 128>}]} {
    %get3A = arith.constant 0 : index
    %get3A_0 = arith.constant 0 : index
    %get3A_1 = vector.load %arg2[%get3A, %get3A_0] : memref<1000x1xf32, #tpu.memory_space<vmem>>, vector<1000x1xf32>
    %get3A_2 = arith.constant 0 : index
    %get3A_3 = arith.constant 0 : index
    %get3A_4 = arith.constant 0 : index
    %get3A_5 = vector.load %arg1[%get3A_2, %get3A_3, %get3A_4] : memref<2x1000x128xf32, #tpu.memory_space<vmem>>, vector<1x1000x128xf32>
    %get3A_6 = vector.shape_cast %get3A_5 : vector<1x1000x128xf32> to vector<1000x128xf32>
    %get3A_7 = arith.constant 1 : index
    %get3A_8 = arith.constant 0 : index
    %get3A_9 = arith.constant 0 : index
    %get3A_10 = vector.load %arg1[%get3A_7, %get3A_8, %get3A_9] : memref<2x1000x128xf32, #tpu.memory_space<vmem>>, vector<1x1000x128xf32>
    %get3A_11 = vector.shape_cast %get3A_10 : vector<1x1000x128xf32> to vector<1000x128xf32>
    %add3A = arith.addf %get3A_6, %get3A_11 : vector<1000x128xf32>
    %mul3A = vector.broadcast %get3A_1 : vector<1000x1xf32> to vector<1000x128xf32>
    %mul3A_12 = arith.mulf %mul3A, %add3A : vector<1000x128xf32>
    %get3A_13 = arith.constant 0 : index
    %get3A_14 = vector.load %arg3[%get3A_13] : memref<128xf32, #tpu.memory_space<vmem>>, vector<128xf32>
    %broadcast_in_dim3A = vector.shape_cast %get3A_14 : vector<128xf32> to vector<1x128xf32>
    %add3A_15 = vector.broadcast %broadcast_in_dim3A : vector<1x128xf32> to vector<1000x128xf32>
    %add3A_16 = arith.addf %mul3A_12, %add3A_15 : vector<1000x128xf32>
    %swap3A = arith.constant 0 : index
    %swap3A_17 = arith.constant 0 : index
    %swap3A_18 = vector.load %arg4[%swap3A, %swap3A_17] : memref<1000x128xf32, #tpu.memory_space<vmem>>, vector<1000x128xf32>
    tpu.vector_store %arg4[%swap3A, %swap3A_17], %add3A_16 {strides = array<i32>} : memref<1000x128xf32, #tpu.memory_space<vmem>>, vector<1000x128xf32>,
    %eq3A = arith.constant 0 : i32
    %eq3A_19 = arith.cmpi eq, %arg0, %eq3A : i32
    %convert_element_type3A = arith.extui %eq3A_19 : i1 to i32
    %cond3A = arith.constant 0 : i32
    %cond3A_20 = arith.cmpi ne, %convert_element_type3A, %cond3A : i32
    scf.if %cond3A_20 {
      %broadcast_in_dim3A_41 = arith.constant 0.000000e+00 : f32
      %broadcast_in_dim3A_42 = vector.broadcast %broadcast_in_dim3A_41 : f32 to vector<2x128xf32>
      %swap3A_43 = arith.constant 0 : index
      %swap3A_44 = arith.constant 0 : index
      %swap3A_45 = vector.load %arg5[%swap3A_43, %swap3A_44] : memref<2x128xf32, #tpu.memory_space<vmem>>, vector<2x128xf32>
      tpu.vector_store %arg5[%swap3A_43, %swap3A_44], %broadcast_in_dim3A_42 {strides = array<i32>} : memref<2x128xf32, #tpu.memory_space<vmem>>, vector<2x128xf32>,
    } else {
    }
    %get3A_21 = arith.constant 0 : index
    %get3A_22 = arith.constant 0 : index
    %get3A_23 = vector.load %arg5[%get3A_21, %get3A_22] : memref<2x128xf32, #tpu.memory_space<vmem>>, vector<1x128xf32>
    %reduce_sum3A = arith.constant dense<0.000000e+00> : vector<128xf32>
    %reduce_sum3A_24 = vector.multi_reduction <add>, %add3A_16, %reduce_sum3A [0] : vector<1000x128xf32> to vector<128xf32>
    %broadcast_in_dim3A_25 = vector.shape_cast %reduce_sum3A_24 : vector<128xf32> to vector<1x128xf32>
    %add3A_26 = arith.addf %get3A_23, %broadcast_in_dim3A_25 : vector<1x128xf32>
    %swap3A_27 = arith.constant 0 : index
    %swap3A_28 = arith.constant 0 : index
    %swap3A_29 = vector.load %arg5[%swap3A_27, %swap3A_28] : memref<2x128xf32, #tpu.memory_space<vmem>>, vector<1x128xf32>
    tpu.vector_store %arg5[%swap3A_27, %swap3A_28], %add3A_26 {strides = array<i32>} : memref<2x128xf32, #tpu.memory_space<vmem>>, vector<1x128xf32>,
    %get3A_30 = arith.constant 1 : index
    %get3A_31 = arith.constant 0 : index
    %get3A_32 = vector.load %arg5[%get3A_30, %get3A_31] : memref<2x128xf32, #tpu.memory_space<vmem>>, vector<1x128xf32>
    %mul3A_33 = arith.mulf %add3A_16, %add3A_16 : vector<1000x128xf32>
    %reduce_sum3A_34 = arith.constant dense<0.000000e+00> : vector<128xf32>
    %reduce_sum3A_35 = vector.multi_reduction <add>, %mul3A_33, %reduce_sum3A_34 [0] : vector<1000x128xf32> to vector<128xf32>
    %broadcast_in_dim3A_36 = vector.shape_cast %reduce_sum3A_35 : vector<128xf32> to vector<1x128xf32>
    %add3A_37 = arith.addf %get3A_32, %broadcast_in_dim3A_36 : vector<1x128xf32>
    %swap3A_38 = arith.constant 1 : index
    %swap3A_39 = arith.constant 0 : index
    %swap3A_40 = vector.load %arg5[%swap3A_38, %swap3A_39] : memref<2x128xf32, #tpu.memory_space<vmem>>, vector<1x128xf32>
    tpu.vector_store %arg5[%swap3A_38, %swap3A_39], %add3A_37 {strides = array<i32>} : memref<2x128xf32, #tpu.memory_space<vmem>>, vector<1x128xf32>,
    return
  }
  func.func @transform_0(%arg0: i32) -> (i32, i32, i32) {
    %c0_i32 = arith.constant 0 : i32
    %c0_i32_0 = arith.constant 0 : i32
    %c0_i32_1 = arith.constant 0 : i32
    return %c0_i32, %arg0, %c0_i32_0 : i32, i32, i32
  }
  func.func @transform_1(%arg0: i32) -> (i32, i32) {
    %c0_i32 = arith.constant 0 : i32
    %c0_i32_0 = arith.constant 0 : i32
    return %arg0, %c0_i32 : i32, i32
  }
  func.func @transform_2(%arg0: i32) -> i32 {
    %c0_i32 = arith.constant 0 : i32
    %c0_i32_0 = arith.constant 0 : i32
    return %c0_i32 : i32
  }
  func.func @transform_3(%arg0: i32) -> (i32, i32) {
    %c0_i32 = arith.constant 0 : i32
    %c0_i32_0 = arith.constant 0 : i32
    return %arg0, %c0_i32 : i32, i32
  }
  func.func @transform_4(%arg0: i32) -> (i32, i32) {
    %c0_i32 = arith.constant 0 : i32
    %c0_i32_0 = arith.constant 0 : i32
    %c0_i32_1 = arith.constant 0 : i32
    return %c0_i32, %c0_i32_0 : i32, i32
  }
}

module attributes {stable_mosaic.version = 14 : i64} {
  func.func @_k3_body(%arg0: i32, %arg1: memref<1000x128xf32, #tpu.memory_space<vmem>>, %arg2: memref<2x128xf32, #tpu.memory_space<vmem>>, %arg3: memref<128xf32, #tpu.memory_space<vmem>>, %arg4: memref<128xf32, #tpu.memory_space<vmem>>, %arg5: memref<128x128xf32, #tpu.memory_space<vmem>>, %arg6: memref<1000x1xf32, #tpu.memory_space<vmem>>, %arg7: memref<1000x128xf32, #tpu.memory_space<vmem>>) attributes {dimension_semantics = [#tpu.dimension_semantics<arbitrary>], iteration_bounds = array<i64: 10>, scalar_prefetch = 0 : i64, scratch_operands = 0 : i64, tpu.core_type = #tpu.core_type<tc>, window_params = [{transform_indices = @transform_0, window_bounds = array<i64: 1000, 128>}, {pipeline_mode = #tpu.pipeline_mode<synchronous>, transform_indices = @transform_1, window_bounds = array<i64: 2, 128>}, {pipeline_mode = #tpu.pipeline_mode<synchronous>, transform_indices = @transform_2, window_bounds = array<i64: 128>}, {pipeline_mode = #tpu.pipeline_mode<synchronous>, transform_indices = @transform_3, window_bounds = array<i64: 128>}, {pipeline_mode = #tpu.pipeline_mode<synchronous>, transform_indices = @transform_4, window_bounds = array<i64: 128, 128>}, {transform_indices = @transform_5, window_bounds = array<i64: 1000, 1>}, {transform_indices = @transform_6, window_bounds = array<i64: 1000, 128>}]} {
    %get3A = arith.constant 0 : index
    %get3A_0 = arith.constant 0 : index
    %get3A_1 = vector.load %arg2[%get3A, %get3A_0] : memref<2x128xf32, #tpu.memory_space<vmem>>, vector<1x128xf32>
    %mul3A = arith.constant 9.99999974E-5 : f32
    %mul3A_2 = vector.broadcast %mul3A : f32 to vector<1x128xf32>
    %mul3A_3 = arith.mulf %get3A_1, %mul3A_2 : vector<1x128xf32>
    %get3A_4 = arith.constant 1 : index
    %get3A_5 = arith.constant 0 : index
    %get3A_6 = vector.load %arg2[%get3A_4, %get3A_5] : memref<2x128xf32, #tpu.memory_space<vmem>>, vector<1x128xf32>
    %mul3A_7 = arith.constant 9.99999974E-5 : f32
    %mul3A_8 = vector.broadcast %mul3A_7 : f32 to vector<1x128xf32>
    %mul3A_9 = arith.mulf %get3A_6, %mul3A_8 : vector<1x128xf32>
    %mul3A_10 = arith.mulf %mul3A_3, %mul3A_3 : vector<1x128xf32>
    %sub3A = arith.subf %mul3A_9, %mul3A_10 : vector<1x128xf32>
    %get3A_11 = arith.constant 0 : index
    %get3A_12 = vector.load %arg3[%get3A_11] : memref<128xf32, #tpu.memory_space<vmem>>, vector<128xf32>
    %add3A = arith.constant 9.99999974E-6 : f32
    %add3A_13 = vector.broadcast %add3A : f32 to vector<1x128xf32>
    %add3A_14 = arith.addf %sub3A, %add3A_13 : vector<1x128xf32>
    %rsqrt3A = math.rsqrt %add3A_14 : vector<1x128xf32>
    %broadcast_in_dim3A = vector.shape_cast %get3A_12 : vector<128xf32> to vector<1x128xf32>
    %mul3A_15 = arith.mulf %broadcast_in_dim3A, %rsqrt3A : vector<1x128xf32>
    %get3A_16 = arith.constant 0 : index
    %get3A_17 = arith.constant 0 : index
    %get3A_18 = vector.load %arg1[%get3A_16, %get3A_17] : memref<1000x128xf32, #tpu.memory_space<vmem>>, vector<1000x128xf32>
    %sub3A_19 = vector.broadcast %mul3A_3 : vector<1x128xf32> to vector<1000x128xf32>
    %sub3A_20 = arith.subf %get3A_18, %sub3A_19 : vector<1000x128xf32>
    %mul3A_21 = vector.broadcast %mul3A_15 : vector<1x128xf32> to vector<1000x128xf32>
    %mul3A_22 = arith.mulf %sub3A_20, %mul3A_21 : vector<1000x128xf32>
    %get3A_23 = arith.constant 0 : index
    %get3A_24 = vector.load %arg4[%get3A_23] : memref<128xf32, #tpu.memory_space<vmem>>, vector<128xf32>
    %broadcast_in_dim3A_25 = vector.shape_cast %get3A_24 : vector<128xf32> to vector<1x128xf32>
    %add3A_26 = vector.broadcast %broadcast_in_dim3A_25 : vector<1x128xf32> to vector<1000x128xf32>
    %add3A_27 = arith.addf %mul3A_22, %add3A_26 : vector<1000x128xf32>
    %max3A = arith.constant 0.000000e+00 : f32
    %max3A_28 = vector.broadcast %max3A : f32 to vector<1000x128xf32>
    %max3A_29 = arith.maximumf %add3A_27, %max3A_28 : vector<1000x128xf32>
    %get3A_30 = arith.constant 0 : index
    %get3A_31 = arith.constant 0 : index
    %get3A_32 = vector.load %arg5[%get3A_30, %get3A_31] : memref<128x128xf32, #tpu.memory_space<vmem>>, vector<128x128xf32>
    %dot_general3A = arith.constant dense<0.000000e+00> : vector<1000x128xf32>
    %dot_general3A_33 = tpu.matmul %max3A_29, %get3A_32, %dot_general3A {dimension_numbers = #tpu.dot_dimension_numbers<[1], [0], [0], [1], [0, 0, 1, 1], [], []>, transpose_lhs_hint = false} : vector<1000x128xf32>, vector<128x128xf32>, vector<1000x128xf32> -> vector<1000x128xf32>
    %get3A_34 = arith.constant 0 : index
    %get3A_35 = arith.constant 0 : index
    %get3A_36 = vector.load %arg6[%get3A_34, %get3A_35] : memref<1000x1xf32, #tpu.memory_space<vmem>>, vector<1000x1xf32>
    %mul3A_37 = vector.broadcast %get3A_36 : vector<1000x1xf32> to vector<1000x128xf32>
    %mul3A_38 = arith.mulf %dot_general3A_33, %mul3A_37 : vector<1000x128xf32>
    %swap3A = arith.constant 0 : index
    %swap3A_39 = arith.constant 0 : index
    %swap3A_40 = vector.load %arg7[%swap3A, %swap3A_39] : memref<1000x128xf32, #tpu.memory_space<vmem>>, vector<1000x128xf32>
    tpu.vector_store %arg7[%swap3A, %swap3A_39], %mul3A_38 {strides = array<i32>} : memref<1000x128xf32, #tpu.memory_space<vmem>>, vector<1000x128xf32>,
    return
  }
  func.func @transform_0(%arg0: i32) -> (i32, i32) {
    %c0_i32 = arith.constant 0 : i32
    %c0_i32_0 = arith.constant 0 : i32
    return %arg0, %c0_i32 : i32, i32
  }
  func.func @transform_1(%arg0: i32) -> (i32, i32) {
    %c0_i32 = arith.constant 0 : i32
    %c0_i32_0 = arith.constant 0 : i32
    %c0_i32_1 = arith.constant 0 : i32
    return %c0_i32, %c0_i32_0 : i32, i32
  }
  func.func @transform_2(%arg0: i32) -> i32 {
    %c0_i32 = arith.constant 0 : i32
    %c0_i32_0 = arith.constant 0 : i32
    return %c0_i32 : i32
  }
  func.func @transform_3(%arg0: i32) -> i32 {
    %c0_i32 = arith.constant 0 : i32
    %c0_i32_0 = arith.constant 0 : i32
    return %c0_i32 : i32
  }
  func.func @transform_4(%arg0: i32) -> (i32, i32) {
    %c0_i32 = arith.constant 0 : i32
    %c0_i32_0 = arith.constant 0 : i32
    %c0_i32_1 = arith.constant 0 : i32
    return %c0_i32, %c0_i32_0 : i32, i32
  }
  func.func @transform_5(%arg0: i32) -> (i32, i32) {
    %c0_i32 = arith.constant 0 : i32
    %c0_i32_0 = arith.constant 0 : i32
    return %arg0, %c0_i32 : i32, i32
  }
  func.func @transform_6(%arg0: i32) -> (i32, i32) {
    %c0_i32 = arith.constant 0 : i32
    %c0_i32_0 = arith.constant 0 : i32
    return %arg0, %c0_i32 : i32, i32
  }
}

module attributes {stable_mosaic.version = 14 : i64} {
  func.func @_k4_body(%arg0: i32, %arg1: memref<2x1000x128xf32, #tpu.memory_space<vmem>>, %arg2: memref<1000x1xf32, #tpu.memory_space<vmem>>, %arg3: memref<128xf32, #tpu.memory_space<vmem>>, %arg4: memref<128x70xf32, #tpu.memory_space<vmem>>, %arg5: memref<70xf32, #tpu.memory_space<vmem>>, %arg6: memref<1000x70xf32, #tpu.memory_space<vmem>>) attributes {dimension_semantics = [#tpu.dimension_semantics<arbitrary>], iteration_bounds = array<i64: 10>, scalar_prefetch = 0 : i64, scratch_operands = 0 : i64, tpu.core_type = #tpu.core_type<tc>, window_params = [{transform_indices = @transform_0, window_bounds = array<i64: 2, 1000, 128>}, {transform_indices = @transform_1, window_bounds = array<i64: 1000, 1>}, {pipeline_mode = #tpu.pipeline_mode<synchronous>, transform_indices = @transform_2, window_bounds = array<i64: 128>}, {pipeline_mode = #tpu.pipeline_mode<synchronous>, transform_indices = @transform_3, window_bounds = array<i64: 128, 70>}, {pipeline_mode = #tpu.pipeline_mode<synchronous>, transform_indices = @transform_4, window_bounds = array<i64: 70>}, {transform_indices = @transform_5, window_bounds = array<i64: 1000, 70>}]} {
    %get3A = arith.constant 0 : index
    %get3A_0 = arith.constant 0 : index
    %get3A_1 = vector.load %arg2[%get3A, %get3A_0] : memref<1000x1xf32, #tpu.memory_space<vmem>>, vector<1000x1xf32>
    %get3A_2 = arith.constant 0 : index
    %get3A_3 = arith.constant 0 : index
    %get3A_4 = arith.constant 0 : index
    %get3A_5 = vector.load %arg1[%get3A_2, %get3A_3, %get3A_4] : memref<2x1000x128xf32, #tpu.memory_space<vmem>>, vector<1x1000x128xf32>
    %get3A_6 = vector.shape_cast %get3A_5 : vector<1x1000x128xf32> to vector<1000x128xf32>
    %get3A_7 = arith.constant 1 : index
    %get3A_8 = arith.constant 0 : index
    %get3A_9 = arith.constant 0 : index
    %get3A_10 = vector.load %arg1[%get3A_7, %get3A_8, %get3A_9] : memref<2x1000x128xf32, #tpu.memory_space<vmem>>, vector<1x1000x128xf32>
    %get3A_11 = vector.shape_cast %get3A_10 : vector<1x1000x128xf32> to vector<1000x128xf32>
    %add3A = arith.addf %get3A_6, %get3A_11 : vector<1000x128xf32>
    %mul3A = vector.broadcast %get3A_1 : vector<1000x1xf32> to vector<1000x128xf32>
    %mul3A_12 = arith.mulf %mul3A, %add3A : vector<1000x128xf32>
    %get3A_13 = arith.constant 0 : index
    %get3A_14 = vector.load %arg3[%get3A_13] : memref<128xf32, #tpu.memory_space<vmem>>, vector<128xf32>
    %broadcast_in_dim3A = vector.shape_cast %get3A_14 : vector<128xf32> to vector<1x128xf32>
    %add3A_15 = vector.broadcast %broadcast_in_dim3A : vector<1x128xf32> to vector<1000x128xf32>
    %add3A_16 = arith.addf %mul3A_12, %add3A_15 : vector<1000x128xf32>
    %get3A_17 = arith.constant 0 : index
    %get3A_18 = arith.constant 0 : index
    %get3A_19 = vector.load %arg4[%get3A_17, %get3A_18] : memref<128x70xf32, #tpu.memory_space<vmem>>, vector<128x70xf32>
    %dot_general3A = arith.constant dense<0.000000e+00> : vector<1000x70xf32>
    %dot_general3A_20 = tpu.matmul %add3A_16, %get3A_19, %dot_general3A {dimension_numbers = #tpu.dot_dimension_numbers<[1], [0], [0], [1], [0, 0, 1, 1], [], []>, transpose_lhs_hint = false} : vector<1000x128xf32>, vector<128x70xf32>, vector<1000x70xf32> -> vector<1000x70xf32>
    %get3A_21 = arith.constant 0 : index
    %get3A_22 = vector.load %arg5[%get3A_21] : memref<70xf32, #tpu.memory_space<vmem>>, vector<70xf32>
    %broadcast_in_dim3A_23 = vector.shape_cast %get3A_22 : vector<70xf32> to vector<1x70xf32>
    %add3A_24 = vector.broadcast %broadcast_in_dim3A_23 : vector<1x70xf32> to vector<1000x70xf32>
    %add3A_25 = arith.addf %dot_general3A_20, %add3A_24 : vector<1000x70xf32>
    %swap3A = arith.constant 0 : index
    %swap3A_26 = arith.constant 0 : index
    %swap3A_27 = vector.load %arg6[%swap3A, %swap3A_26] : memref<1000x70xf32, #tpu.memory_space<vmem>>, vector<1000x70xf32>
    tpu.vector_store %arg6[%swap3A, %swap3A_26], %add3A_25 {strides = array<i32>} : memref<1000x70xf32, #tpu.memory_space<vmem>>, vector<1000x70xf32>,
    return
  }
  func.func @transform_0(%arg0: i32) -> (i32, i32, i32) {
    %c0_i32 = arith.constant 0 : i32
    %c0_i32_0 = arith.constant 0 : i32
    %c0_i32_1 = arith.constant 0 : i32
    return %c0_i32, %arg0, %c0_i32_0 : i32, i32, i32
  }
  func.func @transform_1(%arg0: i32) -> (i32, i32) {
    %c0_i32 = arith.constant 0 : i32
    %c0_i32_0 = arith.constant 0 : i32
    return %arg0, %c0_i32 : i32, i32
  }
  func.func @transform_2(%arg0: i32) -> i32 {
    %c0_i32 = arith.constant 0 : i32
    %c0_i32_0 = arith.constant 0 : i32
    return %c0_i32 : i32
  }
  func.func @transform_3(%arg0: i32) -> (i32, i32) {
    %c0_i32 = arith.constant 0 : i32
    %c0_i32_0 = arith.constant 0 : i32
    %c0_i32_1 = arith.constant 0 : i32
    return %c0_i32, %c0_i32_0 : i32, i32
  }
  func.func @transform_4(%arg0: i32) -> i32 {
    %c0_i32 = arith.constant 0 : i32
    %c0_i32_0 = arith.constant 0 : i32
    return %c0_i32 : i32
  }
  func.func @transform_5(%arg0: i32) -> (i32, i32) {
    %c0_i32 = arith.constant 0 : i32
    %c0_i32_0 = arith.constant 0 : i32
    return %arg0, %c0_i32 : i32, i32
  }
}

</mosaic_0001>

<sc_bundles>
// kernel: kernel.12.cloned.1.call-start
scs
__scs_entry_jumppad:
0x0: {  	(pc) =	sbr.rel $0x88, $3  }
0x1: {  	(tag) =	ssettag $0x0;
	lr =	simm.s32 $0x1  }
0x2: {  	[smem:$0x3F96] =	sst lr;
	_ =	strace $0xD0000000  }
0x3: {  	_ = 	snop  }
0x4: {  	_ = 	snop  }
0x5: {  	_ = 	snop  }
0x6: {  	_ = 	snop  }
0x7: {  	_ = 	snop  }
__scs_overlays_trampoline_lowered:
0x8: {  	[smem:$0x3FA5] =	sst s0  }
0x9: {  	[smem:$0x3FA6] =	sst s1  }
0xa: {  	[smem:$0x3FA7] =	sst s2  }
0xb: {  	[smem:$0x3FA8] =	sst s3  }
0xc: {  	[smem:$0x3FA9] =	sst s4  }
0xd: {  	[smem:$0x3FAA] =	sst s5  }
0xe: {  	[smem:$0x3FAB] =	sst s6  }
0xf: {  	[smem:$0x3FAC] =	sst s7  }
0x10: {  	[smem:$0x3FAD] =	sst s8  }
0x11: {  	[smem:$0x3FAE] =	sst s9;
	s0 =	simm.s32 @!p0 $0x0  }
0x12: {  	s1 =	sld [smem:$0x3F94];
	s0 =	simm.s32 @p0 $0x1  }
0x13: {  	[smem:$0x3FAF] =	sst s0;
	s0 =	simm.s32 @!p1 $0x0  }
0x14: {  	s2 =	sld [smem:$0x3F93];
	s0 =	simm.s32 @p1 $0x1  }
0x15: {  	[smem:$0x3FB0] =	sst s0;
	s0 =	simm.s32 @!p2 $0x0  }
0x16: {  	s3 =	sld [smem:$0x3FDB];
	s0 =	simm.s32 @p2 $0x1  }
0x17: {  	s4 =	simm.s32 $0x1BF5;
	[smem:$0x3FB2] =	sst s0  }
0x18: {  	s0 =	sld [smem:$0x3F95];
	_ =	swait.ge [sflag:s4], $0x0  }
0x19: {  	s7 =	sld [smem:$0x3F96]  }
0x1a: {  	s8 =	sadd.s32 $0xFFFFE003, lr  }
0x1b: {  	s9 =	sadd.s32 $0xFFFFFEF7, lr;
	s5 =	simm.s32 $0xFFFFFFFF;
	p2 =	slt.u32 s8, $0xFFFFF086  }
0x1c: {  	p1 =	slt.u32 s9, $0xF7A;
	s5 =	simm.s32 @!p2 $0x0  }
0x1d: {  	s5 =	simm.s32 @p1 $0x1;
	p0 =	seq.s32 s7, s2  }
0x1e: {  	s7 =	smul.u32 @!p0 $0xF7A, s2;
	p2 =	seq.s32 @!p0 s5, $0x0  }
0x1f: {  	s9 =	smul.u32 $0xF7A, s1;
	s8 =	simm.s32 @!p0 $0x1BF5;
	p2 =	por !p2, p0  }
0x20: {  	[sflag:s8] =	ssyncset.s32 @!p0 $0xFFFFF086;
	s6 =	sadd.s32 @!p0 s3, s7;
	s7 =	simm.s32 @!p0 $0x108  }
0x21: {  	s3 =	sadd.s32 s3, s9;
	s6 =	sadd.s32 @!p0 $0x88, s6;
	s7 =	simm.s32 @p2 $0x1082  }
0x22: {  	[simem:s7], [sflag:s8] =	dma.local @!p0 [hbm:s6], $0xF7A  }
0x23: {  	s9 =	sor.u32 $0xD0000000, s2;
	s6 =	simm.s32 $0x108;
	_ =	swait.ge @!p0 [sflag:s8], $0x0  }
0x24: {  	s3 =	sadd.s32 $0x88, s3;
	s6 =	simm.s32 @!p1 $0x1082;
	[sflag:s4] =	ssyncset.s32 $0xFFFFF086  }
0x25: {  	[simem:s6], [sflag:s4] =	dma.local [hbm:s3], $0xF7A  }
0x26: {  	[smem:$0x3F96] =	sst s1;
	(tag) =	ssettag s2;
	_ =	strace s9  }
0x27: {  	s1 =	sld [smem:$0x3FA6]  }
0x28: {  	s2 =	sld [smem:$0x3FA7]  }
0x29: {  	s4 =	sld [smem:$0x3FA9]  }
0x2a: {  	p0 =	seq.s32 s5, $0x0;
	s5 =	sld [smem:$0x3FAA]  }
0x2b: {  	s6 =	sld [smem:$0x3FAB]  }
0x2c: {  	s7 =	sld [smem:$0x3FAC]  }
0x2d: {  	s3 =	simm.s32 $0x108;
	s8 =	sld [smem:$0x3FAD]  }
0x2e: {  	s3 =	simm.s32 @!p0 $0x1082;
	s9 =	sld [smem:$0x3FAE]  }
0x2f: {  	lr =	sadd.s32 s0, s3;
	s0 =	sld [smem:$0x3FA5]  }
0x30: {  	s3 =	sld [smem:$0x3FA8]  }
0x31: {  	[smem:$0x3FB1] =	sst s10  }
0x32: {  	s10 =	sld [smem:$0x3FAF];
	_ =	sdelay $0x3  }
0x33: {  	p0 =	seq.s32 s10, $0x1;
	s10 =	sld [smem:$0x3FB1];
	_ =	sdelay $0x3  }
0x34: {  	[smem:$0x3FB1] =	sst s10  }
0x35: {  	s10 =	sld [smem:$0x3FB0];
	_ =	sdelay $0x3  }
0x36: {  	p1 =	seq.s32 s10, $0x1;
	s10 =	sld [smem:$0x3FB1];
	_ =	sdelay $0x3  }
0x37: {  	[smem:$0x3FB1] =	sst s10  }
0x38: {  	s10 =	sld [smem:$0x3FB2]  }
0x39: {  	_ = 	snop;
	(pc) =	sbr.ind lr, $3  }
0x3a: {  	_ = 	snop  }
0x3b: {  	_ = 	snop  }
0x3c: {  	p2 =	seq.s32 s10, $0x1;
	s10 =	sld [smem:$0x3FB1]  }
0x3d: {  	_ =	shalt  }
0x3e: {  	_ =	shalt  }
0x3f: {  	_ =	shalt  }
0x40: {  	_ =	shalt  }
0x41: {  	_ =	shalt  }
0x42: {  	_ =	shalt  }
0x43: {  	_ =	shalt  }
0x44: {  	_ =	shalt  }
0x45: {  	_ =	shalt  }
0x46: {  	_ =	shalt  }
0x47: {  	_ =	shalt  }
0x48: {  	_ =	shalt  }
0x49: {  	_ =	shalt  }
0x4a: {  	_ =	shalt  }
0x4b: {  	_ =	shalt  }
0x4c: {  	_ =	shalt  }
0x4d: {  	_ =	shalt  }
0x4e: {  	_ =	shalt  }
0x4f: {  	_ =	shalt  }
0x50: {  	_ =	shalt  }
0x51: {  	_ =	shalt  }
0x52: {  	_ =	shalt  }
0x53: {  	_ =	shalt  }
0x54: {  	_ =	shalt  }
0x55: {  	_ =	shalt  }
0x56: {  	_ =	shalt  }
0x57: {  	_ =	shalt  }
0x58: {  	_ =	shalt  }
0x59: {  	_ =	shalt  }
0x5a: {  	_ =	shalt  }
0x5b: {  	_ =	shalt  }
0x5c: {  	_ =	shalt  }
0x5d: {  	_ =	shalt  }
0x5e: {  	_ =	shalt  }
0x5f: {  	_ =	shalt  }
0x60: {  	_ =	shalt  }
0x61: {  	_ =	shalt  }
0x62: {  	_ =	shalt  }
0x63: {  	_ =	shalt  }
0x64: {  	_ =	shalt  }
0x65: {  	_ =	shalt  }
0x66: {  	_ =	shalt  }
0x67: {  	_ =	shalt  }
0x68: {  	_ =	shalt  }
0x69: {  	_ =	shalt  }
0x6a: {  	_ =	shalt  }
0x6b: {  	_ =	shalt  }
0x6c: {  	_ =	shalt  }
0x6d: {  	_ =	shalt  }
0x6e: {  	_ =	shalt  }
0x6f: {  	_ =	shalt  }
0x70: {  	_ =	shalt  }
0x71: {  	_ =	shalt  }
0x72: {  	_ =	shalt  }
0x73: {  	_ =	shalt  }
0x74: {  	_ =	shalt  }
0x75: {  	_ =	shalt  }
0x76: {  	_ =	shalt  }
0x77: {  	_ =	shalt  }
0x78: {  	_ =	shalt  }
0x79: {  	_ =	shalt  }
0x7a: {  	_ =	shalt  }
0x7b: {  	_ =	shalt  }
0x7c: {  	_ =	shalt  }
0x7d: {  	_ =	shalt  }
0x7e: {  	_ =	shalt  }
0x7f: {  	_ =	shalt  }
0x80: {  	_ =	shalt  }
0x81: {  	_ =	shalt  }
0x82: {  	_ =	shalt  }
0x83: {  	_ =	shalt  }
0x84: {  	_ =	shalt  }
0x85: {  	_ =	shalt  }
0x86: {  	_ =	shalt  }
0x87: {  	_ =	shalt  }
.Lfunc_end0:
.L_simem_size_0:
called_computation.1_lowered:
.L_overlay_start_0:
0x88: {  	s2 =	sld [smem:$0x3FD9]  }
0x89: {  	s3 =	sld [smem:$0x3FFE];
	_ =	sdelay $0x1  }
0x8a: {  	s1 =	srdreg.scid  }
0x8b: {  	s0 =	sand.u32 $0x1, s1  }
0x8c: {  	s16 =	sshll.u32 s0, $0xA;
	s2 =	sadd.s32 s3, s2  }
0x8d: {  	s2 =	sadd.s32 s2, s16  }
0x8e: {  	[smem:$0x3FBD] =	sst s2  }
0x8f: {  	_ = 	snop  }
0x90: {  	(tm) =	ssettm $0x1  }
0x91: {  	s17 =	sld [smem:$0x3FFB];
	_ =	sdelay $0x3  }
0x92: {  	_ =	strace s17  }
0x93: {  	s2 =	sld [smem:$0x3FFC];
	_ =	sdelay $0x3  }
0x94: {  	_ =	strace s2  }
0x95: {  	s2 =	sld [smem:$0x3FFD];
	_ =	sdelay $0x3  }
0x96: {  	_ =	strace s2  }
0x97: {  	_ =	strace $0x8FFFFFFF  }
0x98: {  	s18 =	sld [smem:$0x3FDB];
	_ =	sdelay $0x1  }
0x99: {  	s19 =	simm.s32 $_scs_section_size  }
0x9a: {  	s4 =	simm.s32 $_size__tile_overlayer_lowered;
	s5 =	simm.s32 $_tile_overlayer_lowered  }
0x9b: {  	s22 =	simm.s32 $0x1BFF;
	s21 =	sshll.u32 s5, $0x1;
	s2 =	sadd.s32 s19, s18  }
0x9c: {  	s6 =	simm.s32 $0x0;
	s20 =	sshll.u32 s4, $0x1;
	s4 =	sadd.s32 s21, s2  }
0x9d: {  	[timem:s6], [sflag:s22] =	dma.local [hbm:s4], s20  }
0x9e: {  	_ =	swait.ge [sflag:s22], s20  }
0x9f: {  	s3 =	ssub.s32 $0x0, s20;
	[sflag:s22] =	ssyncset.done $0x0  }
0xa0: {  	[sflag:s22] =	ssyncadd.s32 s3;
	_ =	sdelay $0x1  }
0xa1: {  	s23 =	simm.s32 $0x1B8B  }
0xa2: {  	_ =	swait.ge [sflag:s23], $0x1  }
0xa3: {  	[sflag:s23] =	ssyncset.done $0x0  }
0xa4: {  	s25 =	simm.s32 $0x1B8E;
	s24 =	sld [smem:$0x3FFE];
	[sflag:s23] =	ssyncadd.s32 $0xFFFFFFFF  }
0xa5: {  	s26 =	simm.s32 $execute0_lowered;
	[smem:$0x3FD2] =	sst s25  }
0xa6: {  	s4 =	sshll.u32 s26, $0x1;
	_ =	strace $0x80000049;
	[dreg:$0x1] =	wrdreg $0xFFFFFFFF  }
0xa7: {  	s28 =	simm.s32 $_size_execute0_lowered;
	s2 =	sadd.s32 s2, s4;
	[dreg:$0x0] =	wrdreg $0x0  }
0xa8: {  	s4 =	sshll.u32 s28, $0x1;
	[dreg:$0x2] =	wrdreg s2  }
0xa9: {  	[dreg:$0x3] =	wrdreg s4  }
0xaa: {  	[dreg:$0x4] =	wrdreg $0xC0  }
0xab: {  	_ =	task [dreg:s6], $0x5FFFF  }
0xac: {  	[dreg:$0x1] =	wrdreg $0xFFFFFFFF  }
0xad: {  	[dreg:$0x0] =	wrdreg $0x60  }
0xae: {  	[dreg:$0x2] =	wrdreg s24  }
0xaf: {  	[dreg:$0x3] =	wrdreg $0xAD000  }
0xb0: {  	[dreg:$0x4] =	wrdreg $0x9  }
0xb1: {  	_ =	task.clear_ibuf [dreg:s6], $0x5FFFF;
	_ =	strace $0x90000049  }
0xb2: {  	s29 =	simm.s32 $0x9;
	_ =	strace $0x8000004B  }
0xb3: {  	_ =	swait.ge [sflag:s29], $0x1  }
0xb4: {  	[sflag:s29] =	ssyncadd.s32 $0xFFFFFFFF  }
0xb5: {  	_ =	strace $0x9000004B  }
0xb6: {  	_ =	sfence  }
0xb7: {  	s30 =	sld [smem:$0x0];
	_ =	sdelay $0x2  }
0xb8: {  	s31 =	sshll.u32 s1, $0xD;
	s1 =	sshrl.u32 s1, $0x2  }
0xb9: {  	s3 =	sand.u32 $0x4000, s31;
	s1 =	sadd.s32 s1, s30  }
0xba: {  	s0 =	sor.u32 s3, s0;
	s1 =	sshll.u32 s1, $0x11  }
0xbb: {  	s0 =	sor.u32 s1, s0  }
0xbc: {  	s0 =	sadd.s32 $0x8F2B, s0  }
0xbd: {  	[sflag:s0] =	ssyncadd.remote.s32 $0x1  }
0xbe: {  	_ =	sfence.sel $0xFFFF  }
0xbf: {  	[dreg:$0x0] =	wrdreg $0xFFFFFFFF;
	(pc) =	sbr.abs _section_cstart, $3  }
0xc0: {  	[dreg:$0x1] =	wrdreg $0xFFFFFFFF  }
0xc1: {  	_ =	task.clear_ibuf [dreg:s6], $0x2FFFF;
	_ =	strace $0x9FFFFFFF  }
0xc2: {  	(tm) =	ssettm $0x7FFFFFFF  }
0xc3: {  	_ =	shalt  }
tec
execute0_lowered:
.L_overlay_start_1:
0x0: {  	(tag) =	ssettag $0x1  }
0x1: {  	s0 =	rddreg [dreg:$0x0]  }
0x2: {  	s1 =	rddreg [dreg:$0x1];
	s2 =	simm.s32 $0x0;
	s14 =	stileid.u32  }
0x3: {  	s3 =	srdreg.scid;
	s28 =	simm.s32 $0x2D00;
	s9 =	smul.u32 $0x4F000, s14  }
0x4: {  	s29 =	simm.s32 $0x8;
	s30 =	simm.s32 $0x9;
	s10 =	smul.u32 $0x278, s14  }
0x5: {  	s31 =	simm.s32 $0xA;
	[smem:$0x7FF] =	sst s2;
	s12 =	smul.u32 $0x3A0, s14  }
0x6: {  	s4 =	sadd.s32 $0x18600, s0;
	s3 =	sand.u32 $0x1, s3;
	s18 =	smul.u32 $0x1D00, s14  }
0x7: {  	s6 =	sadd.s32 $0x13200, s0;
	s7 =	sadd.s32 $0x8A00, s0;
	s20 =	smul.u32 $0xD00, s14  }
0x8: {  	s8 =	sadd.s32 $0xDE00, s0;
	s14 =	smul.u32 $0x2780, s14;
	_ =	strace $0x8000004A  }
0x9: {  	s5 =	smul.u32 $0x27800, s3;
	s17 =	ssub.s32 $0x2, s3;
	p0 =	seq.s32 s3, $0x1  }
0xa: {  	s11 =	sshrl.u32 s17, $0x1;
	s9 =	sshrl.u32 s9, $0x2;
	s21 =	sadd.s32 s6, s12  }
0xb: {  	s22 =	sshrl.u32 s18, $0x3;
	s23 =	sadd.s32 s7, s12;
	s24 =	sshrl.u32 s20, $0x3  }
0xc: {  	s12 =	sadd.s32 s8, s12;
	s15 =	sadd.s32 $0xA0, s10;
	s16 =	sadd.s32 $0x140, s10  }
0xd: {  	s10 =	sadd.s32 $0x1E0, s10;
	s0 =	sadd.s32 s5, s0;
	[dreg:$0x5] =	wrdreg s21  }
0xe: {  	s11 =	ssub.s32 s17, s11;
	s5 =	sadd.s32 s9, s1;
	[dreg:$0x6] =	wrdreg s23  }
0xf: {  	s3 =	sadd.s32 $0x1C0, s22;
	[dreg:$0x7] =	wrdreg s12;
	s9 =	sadd.s32 $0x3A00, s24  }
0x10: {  	s17 =	sshll.u32 s15, $0x4;
	s18 =	sshll.u32 s16, $0x4;
	s13 =	sadd.s32 $0x4000, s5  }
0x11: {  	s23 =	sshll.u32 s15, $0x7;
	s19 =	sadd.s32 $0x8000, s5;
	[dreg:$0x3] =	wrdreg s13  }
0x12: {  	s24 =	sshll.u32 s16, $0x7;
	s25 =	sadd.s32 s6, s3;
	[dreg:$0x4] =	wrdreg s19  }
0x13: {  	s15 =	simm.s32 $0x6D00;
	s26 =	sadd.s32 s7, s3;
	[dreg:$0x8] =	wrdreg s25  }
0x14: {  	s16 =	simm.s32 $0x2;
	s3 =	sadd.s32 s8, s3;
	[dreg:$0x9] =	wrdreg s26  }
0x15: {  	s6 =	sadd.s32 s6, s9;
	s12 =	sadd.s32 s7, s9;
	[dreg:$0xa] =	wrdreg s3  }
0x16: {  	s0 =	sadd.s32 $0x3F800, s0;
	s22 =	sadd.s32 $0xC000, s5;
	[dreg:$0xb] =	wrdreg s6  }
0x17: {  	[dreg:$0xc] =	wrdreg s12;
	s13 =	sadd.s32 s8, s9;
	s19 =	sshll.u32 s10, $0x4  }
0x18: {  	s3 =	sadd.s32 s14, s0;
	s20 =	sadd.s32 s17, s0;
	s21 =	sadd.s32 s18, s0  }
0x19: {  	[dreg:$0x12] =	wrdreg s22;
	s25 =	sshll.u32 s10, $0x7;
	s26 =	smax.u32 s11, $0x1  }
0x1a: {  	s8 =	simm.s32 $0x1;
	s10 =	simm.s32 $0x1E00;
	[dreg:$0xd] =	wrdreg s13  }
0x1b: {  	s11 =	simm.s32 $0x5;
	s12 =	simm.s32 $0x6;
	[dreg:$0xe] =	wrdreg s3  }
0x1c: {  	s14 =	simm.s32 $0x80;
	s9 =	simm.s32 $0x4;
	[dreg:$0xf] =	wrdreg s20  }
.Ltmp0:
0x1d: {  	[dreg:$0x10] =	wrdreg s21;
	s0 =	sadd.s32 s19, s0;
	(pc) =	sbr.rel .LBB2_1-.Ltmp0, $4  }
0x1e: {  	s3 =	sadd.s32 s24, s1;
	s6 =	sadd.s32 s25, s1;
	[dreg:$0x13] =	wrdreg s26  }
0x1f: {  	s26 =	sadd.s32 $0x10000, s5;
	s13 =	simm.s32 $0x7;
	[dreg:$0x11] =	wrdreg s0  }
0x20: {  	s0 =	sadd.s32 s23, s1;
	s24 =	sshrl.u32 s3, $0x3;
	s25 =	sshrl.u32 s6, $0x3  }
0x21: {  	v0 =	vimm.f32 $0.0e+00;
	s3 =	simm.s32 $0x3;
	s23 =	sshrl.u32 s0, $0x3;
	s0 =	simm.s32 $0xB  }
.LBB2_22:
0x22: {  	s6 =	stileid.u32  }
0x23: {  	[bflag:$0x0] =	sbarrier.arrive $0xFFFF;
	s6 =	sshll.u32 s6, $0x6  }
0x24: {  	s17 =	sshrl.u32 s5, $0x3;
	s18 =	rddreg [dreg:$0xe];
	s7 =	sor.u32 $0x1C08, s6  }
0x25: {  	[hbm:s18], [sflag:s7] =	dma.local [spmem:s17], $0xA00  }
0x26: {  	s20 =	sor.u32 $0x1C09, s6;
	s17 =	rddreg [dreg:$0xf]  }
0x27: {  	[hbm:s17], [sflag:s20] =	dma.local [spmem:s23], $0xA00  }
0x28: {  	s21 =	sor.u32 $0x1C0A, s6;
	s17 =	rddreg [dreg:$0x10]  }
0x29: {  	[hbm:s17], [sflag:s21] =	dma.local [spmem:s24], $0xA00  }
0x2a: {  	s6 =	sor.u32 $0x1C0B, s6;
	s7 =	rddreg [dreg:$0x11]  }
0x2b: {  	[hbm:s7], [sflag:s6] =	dma.local [spmem:s25], $0x980  }
0x2c: {  	_ =	swait.ge [sflag:s29], $0xA00  }
0x2d: {  	[sflag:s29] =	ssyncset.done $0x0  }
0x2e: {  	[sflag:s29] =	ssyncadd.s32 $0xFFFFF600  }
0x2f: {  	_ =	swait.ge [sflag:s30], $0xA00  }
0x30: {  	[sflag:s30] =	ssyncset.done $0x0  }
0x31: {  	[sflag:s30] =	ssyncadd.s32 $0xFFFFF600  }
0x32: {  	_ =	swait.ge [sflag:s31], $0xA00  }
0x33: {  	[sflag:s31] =	ssyncset.done $0x0  }
0x34: {  	[sflag:s31] =	ssyncadd.s32 $0xFFFFF600  }
0x35: {  	_ =	swait.ge [sflag:s0], $0x980  }
0x36: {  	s2 =	sadd.s32 $0x1, s2;
	s22 =	rddreg [dreg:$0x13]  }
0x37: {  	p1 =	sne.s32 s2, s22  }
.Ltmp1:
0x38: {  	_ = 	snop;
	(pc) =	sbr.rel @!p1 .LBB2_23-.Ltmp1, $3  }
0x39: {  	_ =	sdelay $0x1  }
0x3a: {  	[sflag:s0] =	ssyncset.done $0x0  }
0x3b: {  	[sflag:s0] =	ssyncadd.s32 $0xFFFFF680  }
.LBB2_1:
0x3c: {  	s6 =	simm.s32 $0x0;
	s7 =	simm.s32 $0x200  }
.LBB2_2:
0x3d: {  	p1 =	sne.s32 s7, $0xFE00;
	[tilespmem:s6+$0x2D70] =	vst v0  }
0x3e: {  	[tilespmem:s6+$0x2D00] =	vst v0  }
0x3f: {  	[tilespmem:s6+$0x2D10] =	vst v0  }
.Ltmp2:
0x40: {  	[tilespmem:s6+$0x2D20] =	vst v0;
	(pc) =	sbr.rel @p1 .LBB2_2-.Ltmp2, $4  }
0x41: {  	[tilespmem:s6+$0x2D30] =	vst v0  }
0x42: {  	[tilespmem:s6+$0x2D40] =	vst v0  }
0x43: {  	[tilespmem:s6+$0x2D50] =	vst v0  }
0x44: {  	[tilespmem:s6+$0x2D60] =	vst v0;
	s6 =	sshra.s32 s7, $0x2;
	s7 =	sadd.s32 $0x200, s7  }
0x45: {  	[tilespmem:s6+$0x2D70] =	vst v0  }
0x46: {  	[tilespmem:s6+$0x2D00] =	vst v0  }
0x47: {  	[tilespmem:s6+$0x2D10] =	vst v0  }
0x48: {  	[tilespmem:s6+$0x2D20] =	vst v0  }
0x49: {  	[tilespmem:s6+$0x2D30] =	vst v0  }
0x4a: {  	[tilespmem:s6+$0x2D40] =	vst v0  }
0x4b: {  	[tilespmem:s6+$0x2D50] =	vst v0  }
0x4c: {  	[tilespmem:s6+$0x2D60] =	vst v0  }
0x4d: {  	[spmem:s5] =	stream.linear.scatter [tilespmem:s28], [sflag:$0x8], $0x4000, $0x38;
	[tilespmem:$0x1E900] =	vst v63  }
0x4e: {  	s20 =	rddreg [dreg:$0x3]  }
0x4f: {  	[spmem:s20] =	stream.linear.scatter [tilespmem:s28], [sflag:$0x9], $0x4000, $0x38;
	[tilespmem:$0x1E900] =	vst v63  }
0x50: {  	s21 =	rddreg [dreg:$0x4]  }
0x51: {  	[spmem:s21] =	stream.linear.scatter [tilespmem:s28], [sflag:$0xA], $0x4000, $0x38;
	[tilespmem:$0x1E900] =	vst v63  }
0x52: {  	s22 =	rddreg [dreg:$0x12]  }
0x53: {  	[spmem:s22] =	stream.linear.scatter [tilespmem:s28], [sflag:$0xB], $0x4000, $0x38;
	[tilespmem:$0x1E900] =	vst v63  }
0x54: {  	_ = 	snop  }
0x55: {  	[spmem:s26] =	stream.linear.scatter [tilespmem:s28], [sflag:$0x1], $0x3C00, $0x38;
	[tilespmem:$0x1E900] =	vst v63  }
0x56: {  	_ =	swait.ge [sflag:s29], $0x4000  }
0x57: {  	[sflag:s29] =	ssyncset.done $0x0  }
0x58: {  	[sflag:s29] =	ssyncadd.s32 $0xFFFFC000  }
0x59: {  	_ =	swait.ge [sflag:s30], $0x4000  }
0x5a: {  	[sflag:s30] =	ssyncset.done $0x0  }
0x5b: {  	[sflag:s30] =	ssyncadd.s32 $0xFFFFC000  }
0x5c: {  	_ =	swait.ge [sflag:s31], $0x4000  }
0x5d: {  	[sflag:s31] =	ssyncset.done $0x0  }
0x5e: {  	[sflag:s31] =	ssyncadd.s32 $0xFFFFC000  }
0x5f: {  	_ =	swait.ge [sflag:s0], $0x4000  }
0x60: {  	[sflag:s0] =	ssyncset.done $0x0  }
0x61: {  	[sflag:s0] =	ssyncadd.s32 $0xFFFFC000  }
.Ltmp3:
0x62: {  	_ =	swait.ge [sflag:s8], $0x3C00;
	(pc) =	sbr.rel @!p0 .LBB2_4-.Ltmp3, $4  }
0x63: {  	[sflag:s8] =	ssyncset.done $0x0  }
0x64: {  	[sflag:s8] =	ssyncadd.s32 $0xFFFFC400  }
0x65: {  	[bflag:$0x0] =	sbarrier.arrive $0xFFFF  }
0x66: {  	s6 =	simm.s32 $0x0  }
0x67: {  	s7 =	rddreg [dreg:$0xb]  }
0x68: {  	[tilespmem:s6], [sflag:$0x5] =	stream.linear.gather [hbm4b:s7+s6], $0xD00, $0x38;
	[tilespmem:$0x1E900] =	vst v63  }
0x69: {  	s21 =	rddreg [dreg:$0xc];
	s17 =	simm.s32 $0xF00  }
0x6a: {  	[tilespmem:s17], [sflag:$0x6] =	stream.linear.gather [hbm4b:s21+s6], $0xD00, $0x38;
	[tilespmem:$0x1E900] =	vst v63  }
0x6b: {  	s22 =	rddreg [dreg:$0xd]  }
0x6c: {  	[tilespmem:s10], [sflag:$0x7] =	stream.linear.gather [hbm4b:s22+s6], $0xD00, $0x38;
	[tilespmem:$0x1E900] =	vst v63  }
0x6d: {  	_ =	swait.ge [sflag:s11], $0xD00  }
0x6e: {  	[sflag:s11] =	ssyncset.done $0x0  }
0x6f: {  	[sflag:s11] =	ssyncadd.s32 $0xFFFFF300  }
0x70: {  	_ =	swait.ge [sflag:s12], $0xD00  }
0x71: {  	[sflag:s12] =	ssyncset.done $0x0  }
0x72: {  	[sflag:s12] =	ssyncadd.s32 $0xFFFFF300  }
0x73: {  	_ =	swait.ge [sflag:s13], $0xD00  }
0x74: {  	[sflag:s13] =	ssyncset.done $0x0  }
0x75: {  	s7 =	simm.s32 $0x0;
	[sflag:s13] =	ssyncadd.s32 $0xFFFFF300  }
.LBB2_17:
0x76: {  	s20 =	sadd.s32 $0x0, s6  }
0x77: {  	s18 =	sshll.u32 s7, $0x8;
	v1 =	vmov s20  }
0x78: {  	[tilespmem:s28], [sflag:$0x1] =	stream.indirect.gather [hbm4b:s4+s14], $0x80, s18, s14, $0xb8;
	v1 =	vand.u32 $0xFFFFFFFE, v1;
	[tilespmem:$0x1E900] =	vst v63  }
0x79: {  	s17 =	sor.u32 $0x80, s18;
	v2 =	vbroadcast v1, $0x0  }
0x7a: {  	[tilespmem:s15], [sflag:$0x2] =	stream.indirect.gather [hbm4b:s4+s14], $0x80, s17, s14, $0xb8;
	[tilespmem:$0x1E900] =	vst v63  }
0x7b: {  	_ =	swait.ge [sflag:s8], $0x4000  }
0x7c: {  	[sflag:s8] =	ssyncset.done $0x0  }
0x7d: {  	s19 =	simm.s32 $0x2D80;
	[sflag:s8] =	ssyncadd.s32 $0xFFFFC000  }
0x7e: {  	v5 =	vld [tilespmem:s19+$0xFFFFFFF0]  }
0x7f: {  	v6 =	vld.idx.msk [tilespmem:v2+s10+$0x0], $0xffff  }
0x80: {  	v7 =	vld [tilespmem:s19+$0xFFFFFF80]  }
0x81: {  	v8 =	vld [tilespmem:s19+$0xFFFFFFA0]  }
0x82: {  	v4 =	vld [tilespmem:s19+$0xFFFFFFB0]  }
0x83: {  	v3 =	vld [tilespmem:s19+$0xFFFFFFD0]  }
0x84: {  	v10 =	vld [tilespmem:s19+$0xFFFFFF90];
	v5 =	vmul.f32 v5, v6  }
0x85: {  	v9 =	vld [tilespmem:s19+$0xFFFFFFE0];
	v7 =	vmul.f32 v7, v6  }
0x86: {  	v11 =	vld [tilespmem:s19+$0xFFFFFFC0];
	v8 =	vmul.f32 v8, v6;
	[tilespmem:s19+$0xFFFFFFF0] =	vst v5  }
0x87: {  	v4 =	vmul.f32 v4, v6;
	[tilespmem:s19+$0xFFFFFF80] =	vst v7  }
0x88: {  	s20 =	sadd.s32 $0x1, s20;
	v3 =	vmul.f32 v3, v6;
	[tilespmem:s19+$0xFFFFFFA0] =	vst v8  }
0x89: {  	v5 =	vmul.f32 v10, v6;
	[tilespmem:s19+$0xFFFFFFB0] =	vst v4;
	v7 =	vmov s20  }
0x8a: {  	v1 =	vld [tilespmem:s19+$0x0];
	v4 =	vmul.f32 v9, v6;
	[tilespmem:s19+$0xFFFFFFD0] =	vst v3  }
0x8b: {  	v2 =	vld [tilespmem:s19+$0x10];
	v3 =	vmul.f32 v11, v6;
	[tilespmem:s19+$0xFFFFFF90] =	vst v5  }
0x8c: {  	[tilespmem:s19+$0xFFFFFFE0] =	vst v4;
	v5 =	vld [tilespmem:s19+$0x30]  }
0x8d: {  	[tilespmem:s19+$0xFFFFFFC0] =	vst v3;
	v4 =	vld [tilespmem:s19+$0x70]  }
0x8e: {  	s21 =	simm.s32 $0x2D80;
	s20 =	simm.s32 $0x2;
	v3 =	vld.idx.msk [tilespmem:v7+s10+$0x0], $0xffff  }
.LBB2_18:
0x8f: {  	p1 =	sne.s32 s20, $0x7E  }
0x90: {  	v6 =	vld [tilespmem:s19+$0x20];
	s21 =	sadd.s32 $0x100, s21;
	s22 =	smov.u32 s20;
	s20 =	sadd.s32 $0x2, s20  }
0x91: {  	v7 =	vld [tilespmem:s19+$0x40]  }
0x92: {  	v8 =	vld [tilespmem:s19+$0x50]  }
0x93: {  	v9 =	vld [tilespmem:s19+$0x60];
	_ =	sdelay $0x1  }
0x94: {  	v1 =	vmul.f32 v1, v3;
	v2 =	vmul.f32 v2, v3  }
0x95: {  	s22 =	sadd.s32 s22, s6;
	v5 =	vmul.f32 v5, v3;
	v6 =	vmul.f32 v6, v3  }
0x96: {  	v10 =	vmov s22;
	s22 =	sadd.s32 $0x1, s22;
	v7 =	vmul.f32 v7, v3;
	[tilespmem:s19+$0x0] =	vst v1;
	v8 =	vmul.f32 v8, v3  }
0x97: {  	v10 =	vand.u32 $0xFFFFFFFE, v10;
	v1 =	vld [tilespmem:s21+$0x0];
	[tilespmem:s19+$0x30] =	vst v5;
	v5 =	vmul.f32 v9, v3;
	v3 =	vmul.f32 v4, v3  }
0x98: {  	v4 =	vbroadcast v10, $0x0;
	[tilespmem:s19+$0x10] =	vst v2  }
0x99: {  	[tilespmem:s19+$0x70] =	vst v3  }
0x9a: {  	v3 =	vld [tilespmem:s21+$0xFFFFFFD0];
	[tilespmem:s19+$0x20] =	vst v6  }
0x9b: {  	v6 =	vld [tilespmem:s21+$0xFFFFFFB0];
	[tilespmem:s19+$0x60] =	vst v5  }
0x9c: {  	v5 =	vld [tilespmem:s21+$0xFFFFFFE0];
	[tilespmem:s19+$0x40] =	vst v7  }
0x9d: {  	v7 =	vld [tilespmem:s21+$0xFFFFFFF0];
	[tilespmem:s19+$0x50] =	vst v8;
	s19 =	smov.u32 s21  }
0x9e: {  	v4 =	vld.idx.msk [tilespmem:v4+s10+$0x0], $0xffff  }
0x9f: {  	v8 =	vld [tilespmem:s21+$0xFFFFFF80]  }
0xa0: {  	v9 =	vld [tilespmem:s21+$0xFFFFFFA0]  }
0xa1: {  	v10 =	vld [tilespmem:s21+$0xFFFFFF90]  }
0xa2: {  	v11 =	vld [tilespmem:s21+$0xFFFFFFC0]  }
0xa3: {  	v2 =	vld [tilespmem:s21+$0x10]  }
0xa4: {  	v7 =	vmul.f32 v7, v4;
	v8 =	vmul.f32 v8, v4  }
0xa5: {  	v5 =	vmul.f32 v5, v4;
	v9 =	vmul.f32 v9, v4  }
0xa6: {  	v6 =	vmul.f32 v6, v4;
	v10 =	vmul.f32 v10, v4;
	[tilespmem:s21+$0xFFFFFFF0] =	vst v7  }
0xa7: {  	v3 =	vmul.f32 v3, v4;
	[tilespmem:s21+$0xFFFFFF80] =	vst v8;
	v7 =	vmul.f32 v11, v4  }
0xa8: {  	[tilespmem:s21+$0xFFFFFFA0] =	vst v9  }
0xa9: {  	[tilespmem:s21+$0xFFFFFFB0] =	vst v6;
	v6 =	vmov s22  }
.Ltmp4:
0xaa: {  	[tilespmem:s21+$0xFFFFFFD0] =	vst v3;
	(pc) =	sbr.rel @p1 .LBB2_18-.Ltmp4, $4  }
0xab: {  	[tilespmem:s21+$0xFFFFFF90] =	vst v10  }
0xac: {  	[tilespmem:s21+$0xFFFFFFE0] =	vst v5;
	v5 =	vld [tilespmem:s21+$0x30]  }
0xad: {  	[tilespmem:s21+$0xFFFFFFC0] =	vst v7;
	v4 =	vld [tilespmem:s21+$0x70]  }
0xae: {  	v3 =	vld.idx.msk [tilespmem:v6+s10+$0x0], $0xffff  }
0xaf: {  	_ =	sdelay $0x2  }
0xb0: {  	v6 =	vld [tilespmem:s19+$0x20]  }
0xb1: {  	v8 =	vld [tilespmem:s19+$0x40];
	v1 =	vmul.f32 v1, v3  }
0xb2: {  	v7 =	vld [tilespmem:s19+$0x60];
	v5 =	vmul.f32 v5, v3  }
0xb3: {  	v9 =	vld [tilespmem:s19+$0x50];
	v2 =	vmul.f32 v2, v3;
	[tilespmem:s19+$0x0] =	vst v1  }
0xb4: {  	[tilespmem:s19+$0x30] =	vst v5;
	v1 =	vmul.f32 v4, v3  }
0xb5: {  	v4 =	vmul.f32 v6, v3;
	[tilespmem:s19+$0x10] =	vst v2  }
0xb6: {  	s20 =	sadd.s32 $0xFFFFFF80, s6;
	[tilespmem:s19+$0x70] =	vst v1;
	v1 =	vmul.f32 v8, v3  }
0xb7: {  	s21 =	sadd.s32 $0x100, s20;
	v2 =	vmul.f32 v7, v3;
	[tilespmem:s19+$0x20] =	vst v4  }
0xb8: {  	v3 =	vmul.f32 v9, v3;
	[tilespmem:s19+$0x40] =	vst v1;
	v1 =	vmov s21  }
0xb9: {  	[tilespmem:s19+$0x60] =	vst v2;
	v1 =	vand.u32 $0xFFFFFFFE, v1  }
0xba: {  	s18 =	sadd.s32 $0xF00, s18;
	[tilespmem:s19+$0x50] =	vst v3;
	v2 =	vbroadcast v1, $0x0  }
0xbb: {  	[spmem:s1] =	stream.indirect.scatter.add.f32 [tilespmem:s28], [sflag:$0x3], $0x80, s18, s14, $0xb8;
	[tilespmem:$0x1E900] =	vst v63  }
0xbc: {  	_ =	swait.ge [sflag:s16], $0x4000  }
0xbd: {  	[sflag:s16] =	ssyncset.done $0x0  }
0xbe: {  	s18 =	simm.s32 $0x6D80;
	[sflag:s16] =	ssyncadd.s32 $0xFFFFC000  }
0xbf: {  	v5 =	vld [tilespmem:s18+$0xFFFFFFF0]  }
0xc0: {  	v6 =	vld.idx.msk [tilespmem:v2+s10+$0x0], $0xffff  }
0xc1: {  	v7 =	vld [tilespmem:s18+$0xFFFFFF80]  }
0xc2: {  	v62 =	vld [tilespmem:s18+$0xFFFFFFA0]  }
0xc3: {  	v4 =	vld [tilespmem:s18+$0xFFFFFFB0]  }
0xc4: {  	v3 =	vld [tilespmem:s18+$0xFFFFFFD0]  }
0xc5: {  	v10 =	vld [tilespmem:s18+$0xFFFFFF90];
	v5 =	vmul.f32 v5, v6  }
0xc6: {  	v63 =	vld [tilespmem:s18+$0xFFFFFFE0];
	v7 =	vmul.f32 v7, v6  }
0xc7: {  	v11 =	vld [tilespmem:s18+$0xFFFFFFC0];
	v8 =	vmul.f32 v62, v6;
	[tilespmem:s18+$0xFFFFFFF0] =	vst v5  }
0xc8: {  	v4 =	vmul.f32 v4, v6;
	[tilespmem:s18+$0xFFFFFF80] =	vst v7  }
0xc9: {  	s22 =	sadd.s32 $0x101, s20;
	v3 =	vmul.f32 v3, v6;
	[tilespmem:s18+$0xFFFFFFA0] =	vst v8  }
0xca: {  	v5 =	vmul.f32 v10, v6;
	[tilespmem:s18+$0xFFFFFFB0] =	vst v4;
	v7 =	vmov s22  }
0xcb: {  	v1 =	vld [tilespmem:s18+$0x0];
	v4 =	vmul.f32 v63, v6;
	[tilespmem:s18+$0xFFFFFFD0] =	vst v3  }
0xcc: {  	v2 =	vld [tilespmem:s18+$0x10];
	v3 =	vmul.f32 v11, v6;
	[tilespmem:s18+$0xFFFFFF90] =	vst v5  }
0xcd: {  	[tilespmem:s18+$0xFFFFFFE0] =	vst v4;
	v5 =	vld [tilespmem:s18+$0x30]  }
0xce: {  	[tilespmem:s18+$0xFFFFFFC0] =	vst v3;
	v4 =	vld [tilespmem:s18+$0x70]  }
0xcf: {  	s20 =	simm.s32 $0x6D80;
	s19 =	simm.s32 $0xFFFFFF82;
	v3 =	vld.idx.msk [tilespmem:v7+s10+$0x0], $0xffff  }
.LBB2_20:
0xd0: {  	p1 =	sne.s32 s19, $0xFFFFFFFE  }
0xd1: {  	v6 =	vld [tilespmem:s18+$0x20];
	s20 =	sadd.s32 $0x100, s20;
	s21 =	smov.u32 s19;
	s19 =	sadd.s32 $0x2, s19  }
0xd2: {  	v7 =	vld [tilespmem:s18+$0x40]  }
0xd3: {  	v8 =	vld [tilespmem:s18+$0x50]  }
0xd4: {  	v9 =	vld [tilespmem:s18+$0x60];
	_ =	sdelay $0x1  }
0xd5: {  	s21 =	sadd.s32 s21, s6;
	v1 =	vmul.f32 v1, v3;
	v2 =	vmul.f32 v2, v3  }
0xd6: {  	s22 =	sadd.s32 $0x100, s21;
	s21 =	sadd.s32 $0x101, s21;
	v5 =	vmul.f32 v5, v3;
	v6 =	vmul.f32 v6, v3  }
0xd7: {  	v10 =	vmov s22;
	v7 =	vmul.f32 v7, v3;
	[tilespmem:s18+$0x0] =	vst v1;
	v8 =	vmul.f32 v8, v3  }
0xd8: {  	v10 =	vand.u32 $0xFFFFFFFE, v10;
	v1 =	vld [tilespmem:s20+$0x0];
	[tilespmem:s18+$0x30] =	vst v5;
	v5 =	vmul.f32 v9, v3;
	v3 =	vmul.f32 v4, v3  }
0xd9: {  	v4 =	vbroadcast v10, $0x0;
	[tilespmem:s18+$0x10] =	vst v2  }
0xda: {  	[tilespmem:s18+$0x70] =	vst v3  }
0xdb: {  	v3 =	vld [tilespmem:s20+$0xFFFFFFD0];
	[tilespmem:s18+$0x20] =	vst v6  }
0xdc: {  	v6 =	vld [tilespmem:s20+$0xFFFFFFB0];
	[tilespmem:s18+$0x60] =	vst v5  }
0xdd: {  	v5 =	vld [tilespmem:s20+$0xFFFFFFE0];
	[tilespmem:s18+$0x40] =	vst v7  }
0xde: {  	v7 =	vld [tilespmem:s20+$0xFFFFFFF0];
	[tilespmem:s18+$0x50] =	vst v8;
	s18 =	smov.u32 s20  }
0xdf: {  	v4 =	vld.idx.msk [tilespmem:v4+s10+$0x0], $0xffff  }
0xe0: {  	v8 =	vld [tilespmem:s20+$0xFFFFFF80]  }
0xe1: {  	v9 =	vld [tilespmem:s20+$0xFFFFFFA0]  }
0xe2: {  	v10 =	vld [tilespmem:s20+$0xFFFFFF90]  }
0xe3: {  	v11 =	vld [tilespmem:s20+$0xFFFFFFC0]  }
0xe4: {  	v2 =	vld [tilespmem:s20+$0x10]  }
0xe5: {  	v7 =	vmul.f32 v7, v4;
	v8 =	vmul.f32 v8, v4  }
0xe6: {  	v5 =	vmul.f32 v5, v4;
	v9 =	vmul.f32 v9, v4  }
0xe7: {  	v6 =	vmul.f32 v6, v4;
	v10 =	vmul.f32 v10, v4;
	[tilespmem:s20+$0xFFFFFFF0] =	vst v7  }
0xe8: {  	v3 =	vmul.f32 v3, v4;
	[tilespmem:s20+$0xFFFFFF80] =	vst v8;
	v7 =	vmul.f32 v11, v4  }
0xe9: {  	[tilespmem:s20+$0xFFFFFFA0] =	vst v9  }
0xea: {  	[tilespmem:s20+$0xFFFFFFB0] =	vst v6;
	v6 =	vmov s21  }
.Ltmp5:
0xeb: {  	[tilespmem:s20+$0xFFFFFFD0] =	vst v3;
	(pc) =	sbr.rel @p1 .LBB2_20-.Ltmp5, $4  }
0xec: {  	[tilespmem:s20+$0xFFFFFF90] =	vst v10  }
0xed: {  	[tilespmem:s20+$0xFFFFFFE0] =	vst v5;
	v5 =	vld [tilespmem:s20+$0x30]  }
0xee: {  	[tilespmem:s20+$0xFFFFFFC0] =	vst v7;
	v4 =	vld [tilespmem:s20+$0x70]  }
0xef: {  	v3 =	vld.idx.msk [tilespmem:v6+s10+$0x0], $0xffff  }
0xf0: {  	_ =	sdelay $0x1  }
0xf1: {  	v6 =	vld [tilespmem:s18+$0x20];
	_ =	sdelay $0x1  }
0xf2: {  	v7 =	vld [tilespmem:s18+$0x60];
	v1 =	vmul.f32 v1, v3  }
0xf3: {  	v8 =	vld [tilespmem:s18+$0x40];
	v5 =	vmul.f32 v5, v3  }
0xf4: {  	v9 =	vld [tilespmem:s18+$0x50];
	v2 =	vmul.f32 v2, v3;
	[tilespmem:s18+$0x0] =	vst v1  }
0xf5: {  	v63 =	vmul.f32 v6, v3;
	[tilespmem:s18+$0x30] =	vst v5  }
0xf6: {  	v1 =	vmul.f32 v4, v3;
	[tilespmem:s18+$0x10] =	vst v2  }
0xf7: {  	v2 =	vmul.f32 v7, v3;
	[tilespmem:s18+$0x20] =	vst v63  }
0xf8: {  	[tilespmem:s18+$0x70] =	vst v1;
	v1 =	vmul.f32 v8, v3  }
0xf9: {  	v3 =	vmul.f32 v9, v3;
	[tilespmem:s18+$0x60] =	vst v2  }
0xfa: {  	[tilespmem:s18+$0x40] =	vst v1  }
0xfb: {  	s17 =	sadd.s32 $0xF00, s17;
	s7 =	sadd.s32 $0x1, s7;
	[tilespmem:s18+$0x50] =	vst v3  }
0xfc: {  	[spmem:s1] =	stream.indirect.scatter.add.f32 [tilespmem:s15], [sflag:$0x4], $0x80, s17, s14, $0xb8;
	[tilespmem:$0x1E900] =	vst v63  }
0xfd: {  	p1 =	sne.s32 s7, $0xD;
	_ =	swait.ge [sflag:s3], $0x4000  }
.Ltmp6:
0xfe: {  	[sflag:s3] =	ssyncset.done $0x0;
	(pc) =	sbr.rel @p1 .LBB2_17-.Ltmp6, $4  }
.Ltmp7:
0xff: {  	[sflag:s3] =	ssyncadd.s32 $0xFFFFC000;
	(pc) =	sbr.rel @!p1 .LBB2_22-.Ltmp7, $4  }
0x100: {  	_ =	swait.ge [sflag:s9], $0x4000  }
0x101: {  	[sflag:s9] =	ssyncset.done $0x0  }
0x102: {  	s6 =	sadd.s32 $0x100, s6;
	[sflag:s9] =	ssyncadd.s32 $0xFFFFC000  }
0x103: {  	_ = 	snop  }
.LBB2_4:
0x104: {  	s7 =	rddreg [dreg:$0x5]  }
0x105: {  	[tilespmem:s6], [sflag:$0x5] =	stream.linear.gather [hbm4b:s7+s6], $0xE00, $0x38;
	[tilespmem:$0x1E900] =	vst v63  }
0x106: {  	s21 =	rddreg [dreg:$0x6];
	s17 =	simm.s32 $0xF00  }
0x107: {  	[tilespmem:s17], [sflag:$0x6] =	stream.linear.gather [hbm4b:s21+s6], $0xE00, $0x38;
	[tilespmem:$0x1E900] =	vst v63  }
0x108: {  	s22 =	rddreg [dreg:$0x7]  }
0x109: {  	[tilespmem:s10], [sflag:$0x7] =	stream.linear.gather [hbm4b:s22+s6], $0xE00, $0x38;
	[tilespmem:$0x1E900] =	vst v63  }
0x10a: {  	_ =	swait.ge [sflag:s11], $0xE00  }
0x10b: {  	[sflag:s11] =	ssyncset.done $0x0  }
0x10c: {  	[sflag:s11] =	ssyncadd.s32 $0xFFFFF200  }
0x10d: {  	_ =	swait.ge [sflag:s12], $0xE00  }
0x10e: {  	[sflag:s12] =	ssyncset.done $0x0  }
0x10f: {  	[sflag:s12] =	ssyncadd.s32 $0xFFFFF200  }
0x110: {  	_ =	swait.ge [sflag:s13], $0xE00  }
0x111: {  	[sflag:s13] =	ssyncset.done $0x0  }
0x112: {  	s7 =	simm.s32 $0x0;
	[sflag:s13] =	ssyncadd.s32 $0xFFFFF200  }
.LBB2_5:
0x113: {  	s20 =	sadd.s32 $0x0, s6  }
0x114: {  	s18 =	sshll.u32 s7, $0x8;
	v1 =	vmov s20  }
0x115: {  	[tilespmem:s28], [sflag:$0x1] =	stream.indirect.gather [hbm4b:s4+s14], $0x80, s18, s14, $0xb8;
	v1 =	vand.u32 $0xFFFFFFFE, v1;
	[tilespmem:$0x1E900] =	vst v63  }
0x116: {  	s17 =	sor.u32 $0x80, s18;
	v2 =	vbroadcast v1, $0x0  }
0x117: {  	[tilespmem:s15], [sflag:$0x2] =	stream.indirect.gather [hbm4b:s4+s14], $0x80, s17, s14, $0xb8;
	[tilespmem:$0x1E900] =	vst v63  }
0x118: {  	_ =	swait.ge [sflag:s8], $0x4000  }
0x119: {  	[sflag:s8] =	ssyncset.done $0x0  }
0x11a: {  	s19 =	simm.s32 $0x2D80;
	[sflag:s8] =	ssyncadd.s32 $0xFFFFC000  }
0x11b: {  	v5 =	vld [tilespmem:s19+$0xFFFFFFF0]  }
0x11c: {  	v6 =	vld.idx.msk [tilespmem:v2+s10+$0x0], $0xffff  }
0x11d: {  	v7 =	vld [tilespmem:s19+$0xFFFFFF80]  }
0x11e: {  	v8 =	vld [tilespmem:s19+$0xFFFFFFA0]  }
0x11f: {  	v4 =	vld [tilespmem:s19+$0xFFFFFFB0]  }
0x120: {  	v3 =	vld [tilespmem:s19+$0xFFFFFFD0]  }
0x121: {  	v10 =	vld [tilespmem:s19+$0xFFFFFF90];
	v5 =	vmul.f32 v5, v6  }
0x122: {  	v9 =	vld [tilespmem:s19+$0xFFFFFFE0];
	v7 =	vmul.f32 v7, v6  }
0x123: {  	v11 =	vld [tilespmem:s19+$0xFFFFFFC0];
	v8 =	vmul.f32 v8, v6;
	[tilespmem:s19+$0xFFFFFFF0] =	vst v5  }
0x124: {  	v4 =	vmul.f32 v4, v6;
	[tilespmem:s19+$0xFFFFFF80] =	vst v7  }
0x125: {  	s20 =	sadd.s32 $0x1, s20;
	v3 =	vmul.f32 v3, v6;
	[tilespmem:s19+$0xFFFFFFA0] =	vst v8  }
0x126: {  	v5 =	vmul.f32 v10, v6;
	[tilespmem:s19+$0xFFFFFFB0] =	vst v4;
	v7 =	vmov s20  }
0x127: {  	v1 =	vld [tilespmem:s19+$0x0];
	v4 =	vmul.f32 v9, v6;
	[tilespmem:s19+$0xFFFFFFD0] =	vst v3  }
0x128: {  	v2 =	vld [tilespmem:s19+$0x10];
	v3 =	vmul.f32 v11, v6;
	[tilespmem:s19+$0xFFFFFF90] =	vst v5  }
0x129: {  	[tilespmem:s19+$0xFFFFFFE0] =	vst v4;
	v5 =	vld [tilespmem:s19+$0x30]  }
0x12a: {  	[tilespmem:s19+$0xFFFFFFC0] =	vst v3;
	v4 =	vld [tilespmem:s19+$0x70]  }
0x12b: {  	s21 =	simm.s32 $0x2D80;
	s20 =	simm.s32 $0x2;
	v3 =	vld.idx.msk [tilespmem:v7+s10+$0x0], $0xffff  }
.LBB2_6:
0x12c: {  	p1 =	sne.s32 s20, $0x7E  }
0x12d: {  	v6 =	vld [tilespmem:s19+$0x20];
	s21 =	sadd.s32 $0x100, s21;
	s22 =	smov.u32 s20;
	s20 =	sadd.s32 $0x2, s20  }
0x12e: {  	v7 =	vld [tilespmem:s19+$0x40]  }
0x12f: {  	v8 =	vld [tilespmem:s19+$0x50]  }
0x130: {  	v9 =	vld [tilespmem:s19+$0x60];
	_ =	sdelay $0x1  }
0x131: {  	v1 =	vmul.f32 v1, v3;
	v2 =	vmul.f32 v2, v3  }
0x132: {  	s22 =	sadd.s32 s22, s6;
	v5 =	vmul.f32 v5, v3;
	v6 =	vmul.f32 v6, v3  }
0x133: {  	v10 =	vmov s22;
	s22 =	sadd.s32 $0x1, s22;
	v7 =	vmul.f32 v7, v3;
	[tilespmem:s19+$0x0] =	vst v1;
	v8 =	vmul.f32 v8, v3  }
0x134: {  	v10 =	vand.u32 $0xFFFFFFFE, v10;
	v1 =	vld [tilespmem:s21+$0x0];
	[tilespmem:s19+$0x30] =	vst v5;
	v5 =	vmul.f32 v9, v3;
	v3 =	vmul.f32 v4, v3  }
0x135: {  	v4 =	vbroadcast v10, $0x0;
	[tilespmem:s19+$0x10] =	vst v2  }
0x136: {  	[tilespmem:s19+$0x70] =	vst v3  }
0x137: {  	v3 =	vld [tilespmem:s21+$0xFFFFFFD0];
	[tilespmem:s19+$0x20] =	vst v6  }
0x138: {  	v6 =	vld [tilespmem:s21+$0xFFFFFFB0];
	[tilespmem:s19+$0x60] =	vst v5  }
0x139: {  	v5 =	vld [tilespmem:s21+$0xFFFFFFE0];
	[tilespmem:s19+$0x40] =	vst v7  }
0x13a: {  	v7 =	vld [tilespmem:s21+$0xFFFFFFF0];
	[tilespmem:s19+$0x50] =	vst v8;
	s19 =	smov.u32 s21  }
0x13b: {  	v4 =	vld.idx.msk [tilespmem:v4+s10+$0x0], $0xffff  }
0x13c: {  	v8 =	vld [tilespmem:s21+$0xFFFFFF80]  }
0x13d: {  	v9 =	vld [tilespmem:s21+$0xFFFFFFA0]  }
0x13e: {  	v10 =	vld [tilespmem:s21+$0xFFFFFF90]  }
0x13f: {  	v11 =	vld [tilespmem:s21+$0xFFFFFFC0]  }
0x140: {  	v2 =	vld [tilespmem:s21+$0x10]  }
0x141: {  	v7 =	vmul.f32 v7, v4;
	v8 =	vmul.f32 v8, v4  }
0x142: {  	v5 =	vmul.f32 v5, v4;
	v9 =	vmul.f32 v9, v4  }
0x143: {  	v6 =	vmul.f32 v6, v4;
	v10 =	vmul.f32 v10, v4;
	[tilespmem:s21+$0xFFFFFFF0] =	vst v7  }
0x144: {  	v3 =	vmul.f32 v3, v4;
	[tilespmem:s21+$0xFFFFFF80] =	vst v8;
	v7 =	vmul.f32 v11, v4  }
0x145: {  	[tilespmem:s21+$0xFFFFFFA0] =	vst v9  }
0x146: {  	[tilespmem:s21+$0xFFFFFFB0] =	vst v6;
	v6 =	vmov s22  }
.Ltmp8:
0x147: {  	[tilespmem:s21+$0xFFFFFFD0] =	vst v3;
	(pc) =	sbr.rel @p1 .LBB2_6-.Ltmp8, $4  }
0x148: {  	[tilespmem:s21+$0xFFFFFF90] =	vst v10  }
0x149: {  	[tilespmem:s21+$0xFFFFFFE0] =	vst v5;
	v5 =	vld [tilespmem:s21+$0x30]  }
0x14a: {  	[tilespmem:s21+$0xFFFFFFC0] =	vst v7;
	v4 =	vld [tilespmem:s21+$0x70]  }
0x14b: {  	v3 =	vld.idx.msk [tilespmem:v6+s10+$0x0], $0xffff  }
0x14c: {  	_ =	sdelay $0x2  }
0x14d: {  	v6 =	vld [tilespmem:s19+$0x20]  }
0x14e: {  	v8 =	vld [tilespmem:s19+$0x40];
	v1 =	vmul.f32 v1, v3  }
0x14f: {  	v7 =	vld [tilespmem:s19+$0x60];
	v5 =	vmul.f32 v5, v3  }
0x150: {  	v9 =	vld [tilespmem:s19+$0x50];
	v2 =	vmul.f32 v2, v3;
	[tilespmem:s19+$0x0] =	vst v1  }
0x151: {  	[tilespmem:s19+$0x30] =	vst v5;
	v1 =	vmul.f32 v4, v3  }
0x152: {  	v4 =	vmul.f32 v6, v3;
	[tilespmem:s19+$0x10] =	vst v2  }
0x153: {  	s20 =	sadd.s32 $0xFFFFFF80, s6;
	[tilespmem:s19+$0x70] =	vst v1;
	v1 =	vmul.f32 v8, v3  }
0x154: {  	s21 =	sadd.s32 $0x100, s20;
	v2 =	vmul.f32 v7, v3;
	[tilespmem:s19+$0x20] =	vst v4  }
0x155: {  	v3 =	vmul.f32 v9, v3;
	[tilespmem:s19+$0x40] =	vst v1;
	v1 =	vmov s21  }
0x156: {  	[tilespmem:s19+$0x60] =	vst v2;
	v1 =	vand.u32 $0xFFFFFFFE, v1  }
0x157: {  	s18 =	sadd.s32 $0xF00, s18;
	[tilespmem:s19+$0x50] =	vst v3;
	v2 =	vbroadcast v1, $0x0  }
0x158: {  	[spmem:s1] =	stream.indirect.scatter.add.f32 [tilespmem:s28], [sflag:$0x3], $0x80, s18, s14, $0xb8;
	[tilespmem:$0x1E900] =	vst v63  }
0x159: {  	_ =	swait.ge [sflag:s16], $0x4000  }
0x15a: {  	[sflag:s16] =	ssyncset.done $0x0  }
0x15b: {  	s18 =	simm.s32 $0x6D80;
	[sflag:s16] =	ssyncadd.s32 $0xFFFFC000  }
0x15c: {  	v5 =	vld [tilespmem:s18+$0xFFFFFFF0]  }
0x15d: {  	v6 =	vld.idx.msk [tilespmem:v2+s10+$0x0], $0xffff  }
0x15e: {  	v7 =	vld [tilespmem:s18+$0xFFFFFF80]  }
0x15f: {  	v62 =	vld [tilespmem:s18+$0xFFFFFFA0]  }
0x160: {  	v4 =	vld [tilespmem:s18+$0xFFFFFFB0]  }
0x161: {  	v3 =	vld [tilespmem:s18+$0xFFFFFFD0]  }
0x162: {  	v10 =	vld [tilespmem:s18+$0xFFFFFF90];
	v5 =	vmul.f32 v5, v6  }
0x163: {  	v63 =	vld [tilespmem:s18+$0xFFFFFFE0];
	v7 =	vmul.f32 v7, v6  }
0x164: {  	v11 =	vld [tilespmem:s18+$0xFFFFFFC0];
	v8 =	vmul.f32 v62, v6;
	[tilespmem:s18+$0xFFFFFFF0] =	vst v5  }
0x165: {  	v4 =	vmul.f32 v4, v6;
	[tilespmem:s18+$0xFFFFFF80] =	vst v7  }
0x166: {  	s22 =	sadd.s32 $0x101, s20;
	v3 =	vmul.f32 v3, v6;
	[tilespmem:s18+$0xFFFFFFA0] =	vst v8  }
0x167: {  	v5 =	vmul.f32 v10, v6;
	[tilespmem:s18+$0xFFFFFFB0] =	vst v4;
	v7 =	vmov s22  }
0x168: {  	v1 =	vld [tilespmem:s18+$0x0];
	v4 =	vmul.f32 v63, v6;
	[tilespmem:s18+$0xFFFFFFD0] =	vst v3  }
0x169: {  	v2 =	vld [tilespmem:s18+$0x10];
	v3 =	vmul.f32 v11, v6;
	[tilespmem:s18+$0xFFFFFF90] =	vst v5  }
0x16a: {  	[tilespmem:s18+$0xFFFFFFE0] =	vst v4;
	v5 =	vld [tilespmem:s18+$0x30]  }
0x16b: {  	[tilespmem:s18+$0xFFFFFFC0] =	vst v3;
	v4 =	vld [tilespmem:s18+$0x70]  }
0x16c: {  	s20 =	simm.s32 $0x6D80;
	s19 =	simm.s32 $0xFFFFFF82;
	v3 =	vld.idx.msk [tilespmem:v7+s10+$0x0], $0xffff  }
.LBB2_8:
0x16d: {  	p1 =	sne.s32 s19, $0xFFFFFFFE  }
0x16e: {  	v6 =	vld [tilespmem:s18+$0x20];
	s20 =	sadd.s32 $0x100, s20;
	s21 =	smov.u32 s19;
	s19 =	sadd.s32 $0x2, s19  }
0x16f: {  	v7 =	vld [tilespmem:s18+$0x40]  }
0x170: {  	v8 =	vld [tilespmem:s18+$0x50]  }
0x171: {  	v9 =	vld [tilespmem:s18+$0x60];
	_ =	sdelay $0x1  }
0x172: {  	s21 =	sadd.s32 s21, s6;
	v1 =	vmul.f32 v1, v3;
	v2 =	vmul.f32 v2, v3  }
0x173: {  	s22 =	sadd.s32 $0x100, s21;
	s21 =	sadd.s32 $0x101, s21;
	v5 =	vmul.f32 v5, v3;
	v6 =	vmul.f32 v6, v3  }
0x174: {  	v10 =	vmov s22;
	v7 =	vmul.f32 v7, v3;
	[tilespmem:s18+$0x0] =	vst v1;
	v8 =	vmul.f32 v8, v3  }
0x175: {  	v10 =	vand.u32 $0xFFFFFFFE, v10;
	v1 =	vld [tilespmem:s20+$0x0];
	[tilespmem:s18+$0x30] =	vst v5;
	v5 =	vmul.f32 v9, v3;
	v3 =	vmul.f32 v4, v3  }
0x176: {  	v4 =	vbroadcast v10, $0x0;
	[tilespmem:s18+$0x10] =	vst v2  }
0x177: {  	[tilespmem:s18+$0x70] =	vst v3  }
0x178: {  	v3 =	vld [tilespmem:s20+$0xFFFFFFD0];
	[tilespmem:s18+$0x20] =	vst v6  }
0x179: {  	v6 =	vld [tilespmem:s20+$0xFFFFFFB0];
	[tilespmem:s18+$0x60] =	vst v5  }
0x17a: {  	v5 =	vld [tilespmem:s20+$0xFFFFFFE0];
	[tilespmem:s18+$0x40] =	vst v7  }
0x17b: {  	v7 =	vld [tilespmem:s20+$0xFFFFFFF0];
	[tilespmem:s18+$0x50] =	vst v8;
	s18 =	smov.u32 s20  }
0x17c: {  	v4 =	vld.idx.msk [tilespmem:v4+s10+$0x0], $0xffff  }
0x17d: {  	v8 =	vld [tilespmem:s20+$0xFFFFFF80]  }
0x17e: {  	v9 =	vld [tilespmem:s20+$0xFFFFFFA0]  }
0x17f: {  	v10 =	vld [tilespmem:s20+$0xFFFFFF90]  }
0x180: {  	v11 =	vld [tilespmem:s20+$0xFFFFFFC0]  }
0x181: {  	v2 =	vld [tilespmem:s20+$0x10]  }
0x182: {  	v7 =	vmul.f32 v7, v4;
	v8 =	vmul.f32 v8, v4  }
0x183: {  	v5 =	vmul.f32 v5, v4;
	v9 =	vmul.f32 v9, v4  }
0x184: {  	v6 =	vmul.f32 v6, v4;
	v10 =	vmul.f32 v10, v4;
	[tilespmem:s20+$0xFFFFFFF0] =	vst v7  }
0x185: {  	v3 =	vmul.f32 v3, v4;
	[tilespmem:s20+$0xFFFFFF80] =	vst v8;
	v7 =	vmul.f32 v11, v4  }
0x186: {  	[tilespmem:s20+$0xFFFFFFA0] =	vst v9  }
0x187: {  	[tilespmem:s20+$0xFFFFFFB0] =	vst v6;
	v6 =	vmov s21  }
.Ltmp9:
0x188: {  	[tilespmem:s20+$0xFFFFFFD0] =	vst v3;
	(pc) =	sbr.rel @p1 .LBB2_8-.Ltmp9, $4  }
0x189: {  	[tilespmem:s20+$0xFFFFFF90] =	vst v10  }
0x18a: {  	[tilespmem:s20+$0xFFFFFFE0] =	vst v5;
	v5 =	vld [tilespmem:s20+$0x30]  }
0x18b: {  	[tilespmem:s20+$0xFFFFFFC0] =	vst v7;
	v4 =	vld [tilespmem:s20+$0x70]  }
0x18c: {  	v3 =	vld.idx.msk [tilespmem:v6+s10+$0x0], $0xffff  }
0x18d: {  	_ =	sdelay $0x1  }
0x18e: {  	v6 =	vld [tilespmem:s18+$0x20];
	_ =	sdelay $0x1  }
0x18f: {  	v7 =	vld [tilespmem:s18+$0x60];
	v1 =	vmul.f32 v1, v3  }
0x190: {  	v8 =	vld [tilespmem:s18+$0x40];
	v5 =	vmul.f32 v5, v3  }
0x191: {  	v9 =	vld [tilespmem:s18+$0x50];
	v2 =	vmul.f32 v2, v3;
	[tilespmem:s18+$0x0] =	vst v1  }
0x192: {  	v63 =	vmul.f32 v6, v3;
	[tilespmem:s18+$0x30] =	vst v5  }
0x193: {  	v1 =	vmul.f32 v4, v3;
	[tilespmem:s18+$0x10] =	vst v2  }
0x194: {  	v2 =	vmul.f32 v7, v3;
	[tilespmem:s18+$0x20] =	vst v63  }
0x195: {  	[tilespmem:s18+$0x70] =	vst v1;
	v1 =	vmul.f32 v8, v3  }
0x196: {  	v3 =	vmul.f32 v9, v3;
	[tilespmem:s18+$0x60] =	vst v2  }
0x197: {  	[tilespmem:s18+$0x40] =	vst v1  }
0x198: {  	s17 =	sadd.s32 $0xF00, s17;
	s7 =	sadd.s32 $0x1, s7;
	[tilespmem:s18+$0x50] =	vst v3  }
0x199: {  	[spmem:s1] =	stream.indirect.scatter.add.f32 [tilespmem:s15], [sflag:$0x4], $0x80, s17, s14, $0xb8;
	[tilespmem:$0x1E900] =	vst v63  }
0x19a: {  	p1 =	sne.s32 s7, $0xE;
	_ =	swait.ge [sflag:s3], $0x4000  }
.Ltmp10:
0x19b: {  	[sflag:s3] =	ssyncset.done $0x0;
	(pc) =	sbr.rel @p1 .LBB2_5-.Ltmp10, $4  }
0x19c: {  	[sflag:s3] =	ssyncadd.s32 $0xFFFFC000  }
0x19d: {  	_ =	swait.ge [sflag:s9], $0x4000  }
0x19e: {  	[sflag:s9] =	ssyncset.done $0x0  }
0x19f: {  	s6 =	sadd.s32 $0x100, s6;
	[sflag:s9] =	ssyncadd.s32 $0xFFFFC000  }
0x1a0: {  	s6 =	simm.s32 $0x0;
	s7 =	rddreg [dreg:$0x8]  }
0x1a1: {  	[tilespmem:s6], [sflag:$0x5] =	stream.linear.gather [hbm4b:s7+s6], $0xF00, $0x38;
	[tilespmem:$0x1E900] =	vst v63  }
0x1a2: {  	s21 =	rddreg [dreg:$0x9];
	s17 =	simm.s32 $0xF00  }
0x1a3: {  	[tilespmem:s17], [sflag:$0x6] =	stream.linear.gather [hbm4b:s21+s6], $0xF00, $0x38;
	[tilespmem:$0x1E900] =	vst v63  }
0x1a4: {  	s22 =	rddreg [dreg:$0xa]  }
0x1a5: {  	[tilespmem:s10], [sflag:$0x7] =	stream.linear.gather [hbm4b:s22+s6], $0xF00, $0x38;
	[tilespmem:$0x1E900] =	vst v63  }
0x1a6: {  	_ =	swait.ge [sflag:s11], $0xF00  }
0x1a7: {  	[sflag:s11] =	ssyncset.done $0x0  }
0x1a8: {  	[sflag:s11] =	ssyncadd.s32 $0xFFFFF100  }
0x1a9: {  	_ =	swait.ge [sflag:s12], $0xF00  }
0x1aa: {  	[sflag:s12] =	ssyncset.done $0x0  }
0x1ab: {  	[sflag:s12] =	ssyncadd.s32 $0xFFFFF100  }
0x1ac: {  	_ =	swait.ge [sflag:s13], $0xF00  }
0x1ad: {  	[sflag:s13] =	ssyncset.done $0x0  }
0x1ae: {  	s7 =	simm.s32 $0x0;
	[sflag:s13] =	ssyncadd.s32 $0xFFFFF100  }
.LBB2_11:
0x1af: {  	s20 =	sadd.s32 $0x0, s6  }
0x1b0: {  	s18 =	sshll.u32 s7, $0x8;
	v1 =	vmov s20  }
0x1b1: {  	[tilespmem:s28], [sflag:$0x1] =	stream.indirect.gather [hbm4b:s4+s14], $0x80, s18, s14, $0xb8;
	v1 =	vand.u32 $0xFFFFFFFE, v1;
	[tilespmem:$0x1E900] =	vst v63  }
0x1b2: {  	s17 =	sor.u32 $0x80, s18;
	v2 =	vbroadcast v1, $0x0  }
0x1b3: {  	[tilespmem:s15], [sflag:$0x2] =	stream.indirect.gather [hbm4b:s4+s14], $0x80, s17, s14, $0xb8;
	[tilespmem:$0x1E900] =	vst v63  }
0x1b4: {  	_ =	swait.ge [sflag:s8], $0x4000  }
0x1b5: {  	[sflag:s8] =	ssyncset.done $0x0  }
0x1b6: {  	s19 =	simm.s32 $0x2D80;
	[sflag:s8] =	ssyncadd.s32 $0xFFFFC000  }
0x1b7: {  	v5 =	vld [tilespmem:s19+$0xFFFFFFF0]  }
0x1b8: {  	v6 =	vld.idx.msk [tilespmem:v2+s10+$0x0], $0xffff  }
0x1b9: {  	v7 =	vld [tilespmem:s19+$0xFFFFFF80]  }
0x1ba: {  	v8 =	vld [tilespmem:s19+$0xFFFFFFA0]  }
0x1bb: {  	v4 =	vld [tilespmem:s19+$0xFFFFFFB0]  }
0x1bc: {  	v3 =	vld [tilespmem:s19+$0xFFFFFFD0]  }
0x1bd: {  	v10 =	vld [tilespmem:s19+$0xFFFFFF90];
	v5 =	vmul.f32 v5, v6  }
0x1be: {  	v9 =	vld [tilespmem:s19+$0xFFFFFFE0];
	v7 =	vmul.f32 v7, v6  }
0x1bf: {  	v11 =	vld [tilespmem:s19+$0xFFFFFFC0];
	v8 =	vmul.f32 v8, v6;
	[tilespmem:s19+$0xFFFFFFF0] =	vst v5  }
0x1c0: {  	v4 =	vmul.f32 v4, v6;
	[tilespmem:s19+$0xFFFFFF80] =	vst v7  }
0x1c1: {  	s20 =	sadd.s32 $0x1, s20;
	v3 =	vmul.f32 v3, v6;
	[tilespmem:s19+$0xFFFFFFA0] =	vst v8  }
0x1c2: {  	v5 =	vmul.f32 v10, v6;
	[tilespmem:s19+$0xFFFFFFB0] =	vst v4;
	v7 =	vmov s20  }
0x1c3: {  	v1 =	vld [tilespmem:s19+$0x0];
	v4 =	vmul.f32 v9, v6;
	[tilespmem:s19+$0xFFFFFFD0] =	vst v3  }
0x1c4: {  	v2 =	vld [tilespmem:s19+$0x10];
	v3 =	vmul.f32 v11, v6;
	[tilespmem:s19+$0xFFFFFF90] =	vst v5  }
0x1c5: {  	[tilespmem:s19+$0xFFFFFFE0] =	vst v4;
	v5 =	vld [tilespmem:s19+$0x30]  }
0x1c6: {  	[tilespmem:s19+$0xFFFFFFC0] =	vst v3;
	v4 =	vld [tilespmem:s19+$0x70]  }
0x1c7: {  	s21 =	simm.s32 $0x2D80;
	s20 =	simm.s32 $0x2;
	v3 =	vld.idx.msk [tilespmem:v7+s10+$0x0], $0xffff  }
.LBB2_12:
0x1c8: {  	p1 =	sne.s32 s20, $0x7E  }
0x1c9: {  	v6 =	vld [tilespmem:s19+$0x20];
	s21 =	sadd.s32 $0x100, s21;
	s22 =	smov.u32 s20;
	s20 =	sadd.s32 $0x2, s20  }
0x1ca: {  	v7 =	vld [tilespmem:s19+$0x40]  }
0x1cb: {  	v8 =	vld [tilespmem:s19+$0x50]  }
0x1cc: {  	v9 =	vld [tilespmem:s19+$0x60];
	_ =	sdelay $0x1  }
0x1cd: {  	v1 =	vmul.f32 v1, v3;
	v2 =	vmul.f32 v2, v3  }
0x1ce: {  	s22 =	sadd.s32 s22, s6;
	v5 =	vmul.f32 v5, v3;
	v6 =	vmul.f32 v6, v3  }
0x1cf: {  	v10 =	vmov s22;
	s22 =	sadd.s32 $0x1, s22;
	v7 =	vmul.f32 v7, v3;
	[tilespmem:s19+$0x0] =	vst v1;
	v8 =	vmul.f32 v8, v3  }
0x1d0: {  	v10 =	vand.u32 $0xFFFFFFFE, v10;
	v1 =	vld [tilespmem:s21+$0x0];
	[tilespmem:s19+$0x30] =	vst v5;
	v5 =	vmul.f32 v9, v3;
	v3 =	vmul.f32 v4, v3  }
0x1d1: {  	v4 =	vbroadcast v10, $0x0;
	[tilespmem:s19+$0x10] =	vst v2  }
0x1d2: {  	[tilespmem:s19+$0x70] =	vst v3  }
0x1d3: {  	v3 =	vld [tilespmem:s21+$0xFFFFFFD0];
	[tilespmem:s19+$0x20] =	vst v6  }
0x1d4: {  	v6 =	vld [tilespmem:s21+$0xFFFFFFB0];
	[tilespmem:s19+$0x60] =	vst v5  }
0x1d5: {  	v5 =	vld [tilespmem:s21+$0xFFFFFFE0];
	[tilespmem:s19+$0x40] =	vst v7  }
0x1d6: {  	v7 =	vld [tilespmem:s21+$0xFFFFFFF0];
	[tilespmem:s19+$0x50] =	vst v8;
	s19 =	smov.u32 s21  }
0x1d7: {  	v4 =	vld.idx.msk [tilespmem:v4+s10+$0x0], $0xffff  }
0x1d8: {  	v8 =	vld [tilespmem:s21+$0xFFFFFF80]  }
0x1d9: {  	v9 =	vld [tilespmem:s21+$0xFFFFFFA0]  }
0x1da: {  	v10 =	vld [tilespmem:s21+$0xFFFFFF90]  }
0x1db: {  	v11 =	vld [tilespmem:s21+$0xFFFFFFC0]  }
0x1dc: {  	v2 =	vld [tilespmem:s21+$0x10]  }
0x1dd: {  	v7 =	vmul.f32 v7, v4;
	v8 =	vmul.f32 v8, v4  }
0x1de: {  	v5 =	vmul.f32 v5, v4;
	v9 =	vmul.f32 v9, v4  }
0x1df: {  	v6 =	vmul.f32 v6, v4;
	v10 =	vmul.f32 v10, v4;
	[tilespmem:s21+$0xFFFFFFF0] =	vst v7  }
0x1e0: {  	v3 =	vmul.f32 v3, v4;
	[tilespmem:s21+$0xFFFFFF80] =	vst v8;
	v7 =	vmul.f32 v11, v4  }
0x1e1: {  	[tilespmem:s21+$0xFFFFFFA0] =	vst v9  }
0x1e2: {  	[tilespmem:s21+$0xFFFFFFB0] =	vst v6;
	v6 =	vmov s22  }
.Ltmp11:
0x1e3: {  	[tilespmem:s21+$0xFFFFFFD0] =	vst v3;
	(pc) =	sbr.rel @p1 .LBB2_12-.Ltmp11, $4  }
0x1e4: {  	[tilespmem:s21+$0xFFFFFF90] =	vst v10  }
0x1e5: {  	[tilespmem:s21+$0xFFFFFFE0] =	vst v5;
	v5 =	vld [tilespmem:s21+$0x30]  }
0x1e6: {  	[tilespmem:s21+$0xFFFFFFC0] =	vst v7;
	v4 =	vld [tilespmem:s21+$0x70]  }
0x1e7: {  	v3 =	vld.idx.msk [tilespmem:v6+s10+$0x0], $0xffff  }
0x1e8: {  	_ =	sdelay $0x2  }
0x1e9: {  	v6 =	vld [tilespmem:s19+$0x20]  }
0x1ea: {  	v8 =	vld [tilespmem:s19+$0x40];
	v1 =	vmul.f32 v1, v3  }
0x1eb: {  	v7 =	vld [tilespmem:s19+$0x60];
	v5 =	vmul.f32 v5, v3  }
0x1ec: {  	v9 =	vld [tilespmem:s19+$0x50];
	v2 =	vmul.f32 v2, v3;
	[tilespmem:s19+$0x0] =	vst v1  }
0x1ed: {  	[tilespmem:s19+$0x30] =	vst v5;
	v1 =	vmul.f32 v4, v3  }
0x1ee: {  	v4 =	vmul.f32 v6, v3;
	[tilespmem:s19+$0x10] =	vst v2  }
0x1ef: {  	s20 =	sadd.s32 $0xFFFFFF80, s6;
	[tilespmem:s19+$0x70] =	vst v1;
	v1 =	vmul.f32 v8, v3  }
0x1f0: {  	s21 =	sadd.s32 $0x100, s20;
	v2 =	vmul.f32 v7, v3;
	[tilespmem:s19+$0x20] =	vst v4  }
0x1f1: {  	v3 =	vmul.f32 v9, v3;
	[tilespmem:s19+$0x40] =	vst v1;
	v1 =	vmov s21  }
0x1f2: {  	[tilespmem:s19+$0x60] =	vst v2;
	v1 =	vand.u32 $0xFFFFFFFE, v1  }
0x1f3: {  	s18 =	sadd.s32 $0xF00, s18;
	[tilespmem:s19+$0x50] =	vst v3;
	v2 =	vbroadcast v1, $0x0  }
0x1f4: {  	[spmem:s1] =	stream.indirect.scatter.add.f32 [tilespmem:s28], [sflag:$0x3], $0x80, s18, s14, $0xb8;
	[tilespmem:$0x1E900] =	vst v63  }
0x1f5: {  	_ =	swait.ge [sflag:s16], $0x4000  }
0x1f6: {  	[sflag:s16] =	ssyncset.done $0x0  }
0x1f7: {  	s18 =	simm.s32 $0x6D80;
	[sflag:s16] =	ssyncadd.s32 $0xFFFFC000  }
0x1f8: {  	v5 =	vld [tilespmem:s18+$0xFFFFFFF0]  }
0x1f9: {  	v6 =	vld.idx.msk [tilespmem:v2+s10+$0x0], $0xffff  }
0x1fa: {  	v7 =	vld [tilespmem:s18+$0xFFFFFF80]  }
0x1fb: {  	v62 =	vld [tilespmem:s18+$0xFFFFFFA0]  }
0x1fc: {  	v4 =	vld [tilespmem:s18+$0xFFFFFFB0]  }
0x1fd: {  	v3 =	vld [tilespmem:s18+$0xFFFFFFD0]  }
0x1fe: {  	v10 =	vld [tilespmem:s18+$0xFFFFFF90];
	v5 =	vmul.f32 v5, v6  }
0x1ff: {  	v63 =	vld [tilespmem:s18+$0xFFFFFFE0];
	v7 =	vmul.f32 v7, v6  }
0x200: {  	v11 =	vld [tilespmem:s18+$0xFFFFFFC0];
	v8 =	vmul.f32 v62, v6;
	[tilespmem:s18+$0xFFFFFFF0] =	vst v5  }
0x201: {  	v4 =	vmul.f32 v4, v6;
	[tilespmem:s18+$0xFFFFFF80] =	vst v7  }
0x202: {  	s22 =	sadd.s32 $0x101, s20;
	v3 =	vmul.f32 v3, v6;
	[tilespmem:s18+$0xFFFFFFA0] =	vst v8  }
0x203: {  	v5 =	vmul.f32 v10, v6;
	[tilespmem:s18+$0xFFFFFFB0] =	vst v4;
	v7 =	vmov s22  }
0x204: {  	v1 =	vld [tilespmem:s18+$0x0];
	v4 =	vmul.f32 v63, v6;
	[tilespmem:s18+$0xFFFFFFD0] =	vst v3  }
0x205: {  	v2 =	vld [tilespmem:s18+$0x10];
	v3 =	vmul.f32 v11, v6;
	[tilespmem:s18+$0xFFFFFF90] =	vst v5  }
0x206: {  	[tilespmem:s18+$0xFFFFFFE0] =	vst v4;
	v5 =	vld [tilespmem:s18+$0x30]  }
0x207: {  	[tilespmem:s18+$0xFFFFFFC0] =	vst v3;
	v4 =	vld [tilespmem:s18+$0x70]  }
0x208: {  	s20 =	simm.s32 $0x6D80;
	s19 =	simm.s32 $0xFFFFFF82;
	v3 =	vld.idx.msk [tilespmem:v7+s10+$0x0], $0xffff  }
.LBB2_14:
0x209: {  	p1 =	sne.s32 s19, $0xFFFFFFFE  }
0x20a: {  	v6 =	vld [tilespmem:s18+$0x20];
	s20 =	sadd.s32 $0x100, s20;
	s21 =	smov.u32 s19;
	s19 =	sadd.s32 $0x2, s19  }
0x20b: {  	v7 =	vld [tilespmem:s18+$0x40]  }
0x20c: {  	v8 =	vld [tilespmem:s18+$0x50]  }
0x20d: {  	v9 =	vld [tilespmem:s18+$0x60];
	_ =	sdelay $0x1  }
0x20e: {  	s21 =	sadd.s32 s21, s6;
	v1 =	vmul.f32 v1, v3;
	v2 =	vmul.f32 v2, v3  }
0x20f: {  	s22 =	sadd.s32 $0x100, s21;
	s21 =	sadd.s32 $0x101, s21;
	v5 =	vmul.f32 v5, v3;
	v6 =	vmul.f32 v6, v3  }
0x210: {  	v10 =	vmov s22;
	v7 =	vmul.f32 v7, v3;
	[tilespmem:s18+$0x0] =	vst v1;
	v8 =	vmul.f32 v8, v3  }
0x211: {  	v10 =	vand.u32 $0xFFFFFFFE, v10;
	v1 =	vld [tilespmem:s20+$0x0];
	[tilespmem:s18+$0x30] =	vst v5;
	v5 =	vmul.f32 v9, v3;
	v3 =	vmul.f32 v4, v3  }
0x212: {  	v4 =	vbroadcast v10, $0x0;
	[tilespmem:s18+$0x10] =	vst v2  }
0x213: {  	[tilespmem:s18+$0x70] =	vst v3  }
0x214: {  	v3 =	vld [tilespmem:s20+$0xFFFFFFD0];
	[tilespmem:s18+$0x20] =	vst v6  }
0x215: {  	v6 =	vld [tilespmem:s20+$0xFFFFFFB0];
	[tilespmem:s18+$0x60] =	vst v5  }
0x216: {  	v5 =	vld [tilespmem:s20+$0xFFFFFFE0];
	[tilespmem:s18+$0x40] =	vst v7  }
0x217: {  	v7 =	vld [tilespmem:s20+$0xFFFFFFF0];
	[tilespmem:s18+$0x50] =	vst v8;
	s18 =	smov.u32 s20  }
0x218: {  	v4 =	vld.idx.msk [tilespmem:v4+s10+$0x0], $0xffff  }
0x219: {  	v8 =	vld [tilespmem:s20+$0xFFFFFF80]  }
0x21a: {  	v9 =	vld [tilespmem:s20+$0xFFFFFFA0]  }
0x21b: {  	v10 =	vld [tilespmem:s20+$0xFFFFFF90]  }
0x21c: {  	v11 =	vld [tilespmem:s20+$0xFFFFFFC0]  }
0x21d: {  	v2 =	vld [tilespmem:s20+$0x10]  }
0x21e: {  	v7 =	vmul.f32 v7, v4;
	v8 =	vmul.f32 v8, v4  }
0x21f: {  	v5 =	vmul.f32 v5, v4;
	v9 =	vmul.f32 v9, v4  }
0x220: {  	v6 =	vmul.f32 v6, v4;
	v10 =	vmul.f32 v10, v4;
	[tilespmem:s20+$0xFFFFFFF0] =	vst v7  }
0x221: {  	v3 =	vmul.f32 v3, v4;
	[tilespmem:s20+$0xFFFFFF80] =	vst v8;
	v7 =	vmul.f32 v11, v4  }
0x222: {  	[tilespmem:s20+$0xFFFFFFA0] =	vst v9  }
0x223: {  	[tilespmem:s20+$0xFFFFFFB0] =	vst v6;
	v6 =	vmov s21  }
.Ltmp12:
0x224: {  	[tilespmem:s20+$0xFFFFFFD0] =	vst v3;
	(pc) =	sbr.rel @p1 .LBB2_14-.Ltmp12, $4  }
0x225: {  	[tilespmem:s20+$0xFFFFFF90] =	vst v10  }
0x226: {  	[tilespmem:s20+$0xFFFFFFE0] =	vst v5;
	v5 =	vld [tilespmem:s20+$0x30]  }
0x227: {  	[tilespmem:s20+$0xFFFFFFC0] =	vst v7;
	v4 =	vld [tilespmem:s20+$0x70]  }
0x228: {  	v3 =	vld.idx.msk [tilespmem:v6+s10+$0x0], $0xffff  }
0x229: {  	_ =	sdelay $0x1  }
0x22a: {  	v6 =	vld [tilespmem:s18+$0x20];
	_ =	sdelay $0x1  }
0x22b: {  	v7 =	vld [tilespmem:s18+$0x60];
	v1 =	vmul.f32 v1, v3  }
0x22c: {  	v8 =	vld [tilespmem:s18+$0x40];
	v5 =	vmul.f32 v5, v3  }
0x22d: {  	v9 =	vld [tilespmem:s18+$0x50];
	v2 =	vmul.f32 v2, v3;
	[tilespmem:s18+$0x0] =	vst v1  }
0x22e: {  	v63 =	vmul.f32 v6, v3;
	[tilespmem:s18+$0x30] =	vst v5  }
0x22f: {  	v1 =	vmul.f32 v4, v3;
	[tilespmem:s18+$0x10] =	vst v2  }
0x230: {  	v2 =	vmul.f32 v7, v3;
	[tilespmem:s18+$0x20] =	vst v63  }
0x231: {  	[tilespmem:s18+$0x70] =	vst v1;
	v1 =	vmul.f32 v8, v3  }
0x232: {  	v3 =	vmul.f32 v9, v3;
	[tilespmem:s18+$0x60] =	vst v2  }
0x233: {  	[tilespmem:s18+$0x40] =	vst v1  }
0x234: {  	s17 =	sadd.s32 $0xF00, s17;
	s7 =	sadd.s32 $0x1, s7;
	[tilespmem:s18+$0x50] =	vst v3  }
0x235: {  	[spmem:s1] =	stream.indirect.scatter.add.f32 [tilespmem:s15], [sflag:$0x4], $0x80, s17, s14, $0xb8;
	[tilespmem:$0x1E900] =	vst v63  }
0x236: {  	p1 =	seq.s32 s7, $0xF;
	_ =	swait.ge [sflag:s3], $0x4000  }
.Ltmp13:
0x237: {  	[sflag:s3] =	ssyncset.done $0x0;
	(pc) =	sbr.rel @!p1 .LBB2_11-.Ltmp13, $4  }
.Ltmp14:
0x238: {  	[sflag:s3] =	ssyncadd.s32 $0xFFFFC000;
	(pc) =	sbr.rel @p1 .LBB2_22-.Ltmp14, $4  }
0x239: {  	_ =	swait.ge [sflag:s9], $0x4000  }
0x23a: {  	[sflag:s9] =	ssyncset.done $0x0  }
0x23b: {  	s6 =	sadd.s32 $0x100, s6;
	[sflag:s9] =	ssyncadd.s32 $0xFFFFC000  }
0x23c: {  	_ = 	snop  }
.LBB2_23:
0x23d: {  	_ =	sfence.sel $0x180000  }
0x23e: {  	[bflag:$0x0] =	sbarrier.arrive $0xFFFF  }
0x23f: {  	_ =	strace $0x9000004A  }
0x240: {  	s0 =	stileid.u32;
	[bflag:$0x2] =	sbarrier.arrive $0xFFFF  }
0x241: {  	p0 =	sne.s32 s0, $0x0;
	s0 =	rddreg [dreg:$0x2]  }
0x242: {  	s0 =	sadd.s32 @!p0 $0x100000, s0  }
0x243: {  	[sflag:s0] =	ssyncadd.tile.s32 @!p0 $0x1;
	_ =	shalt  }
.Lfunc_end2:
_tile_overlayer_lowered:
.L_overlay_start_2:
0x244: {  	(tag) =	ssettag $0x2  }
0x245: {  	s0 =	rddreg [dreg:$0x0];
	s2 =	stileid.u32  }
0x246: {  	s1 =	rddreg [dreg:$0x1];
	p0 =	sne.s32 s2, $0x0  }
0x247: {  	s3 =	rddreg [dreg:$0x2];
	[bflag:$0x3] =	sbarrier.arrive $0xFFFF;
	s2 =	simm.s32 @!p0 $0x1C0C  }
0x248: {  	[timem:s3], [sflag:s2] =	dma.local @!p0 [hbm:s0], s1  }
0x249: {  	s0 =	simm.s32 @!p0 $0xC  }
0x24a: {  	_ =	swait.ge @!p0 [sflag:s0], s1  }
0x24b: {  	s1 =	ssub.s32 @!p0 $0x0, s1;
	[sflag:s0] =	ssyncset.done @!p0 $0x0  }
0x24c: {  	[sflag:s0] =	ssyncadd.s32 @!p0 s1  }
0x24d: {  	[bflag:$0x3] =	sbarrier.arrive $0xFFFF  }
0x24e: {  	_ =	shalt  }

// kernel: kernel.15.cloned.1.call-start
scs
__scs_entry_jumppad:
0x0: {  	(pc) =	sbr.rel $0x88, $3  }
0x1: {  	(tag) =	ssettag $0x0;
	lr =	simm.s32 $0x1  }
0x2: {  	[smem:$0x3F96] =	sst lr;
	_ =	strace $0xD0000000  }
0x3: {  	_ = 	snop  }
0x4: {  	_ = 	snop  }
0x5: {  	_ = 	snop  }
0x6: {  	_ = 	snop  }
0x7: {  	_ = 	snop  }
__scs_overlays_trampoline_lowered:
0x8: {  	[smem:$0x3FA5] =	sst s0  }
0x9: {  	[smem:$0x3FA6] =	sst s1  }
0xa: {  	[smem:$0x3FA7] =	sst s2  }
0xb: {  	[smem:$0x3FA8] =	sst s3  }
0xc: {  	[smem:$0x3FA9] =	sst s4  }
0xd: {  	[smem:$0x3FAA] =	sst s5  }
0xe: {  	[smem:$0x3FAB] =	sst s6  }
0xf: {  	[smem:$0x3FAC] =	sst s7  }
0x10: {  	[smem:$0x3FAD] =	sst s8  }
0x11: {  	[smem:$0x3FAE] =	sst s9;
	s0 =	simm.s32 @!p0 $0x0  }
0x12: {  	s1 =	sld [smem:$0x3F94];
	s0 =	simm.s32 @p0 $0x1  }
0x13: {  	[smem:$0x3FAF] =	sst s0;
	s0 =	simm.s32 @!p1 $0x0  }
0x14: {  	s2 =	sld [smem:$0x3F93];
	s0 =	simm.s32 @p1 $0x1  }
0x15: {  	[smem:$0x3FB0] =	sst s0;
	s0 =	simm.s32 @!p2 $0x0  }
0x16: {  	s3 =	sld [smem:$0x3FDB];
	s0 =	simm.s32 @p2 $0x1  }
0x17: {  	s4 =	simm.s32 $0x1BF5;
	[smem:$0x3FB2] =	sst s0  }
0x18: {  	s0 =	sld [smem:$0x3F95];
	_ =	swait.ge [sflag:s4], $0x0  }
0x19: {  	s7 =	sld [smem:$0x3F96]  }
0x1a: {  	s8 =	sadd.s32 $0xFFFFE003, lr  }
0x1b: {  	s9 =	sadd.s32 $0xFFFFFEF7, lr;
	s5 =	simm.s32 $0xFFFFFFFF;
	p2 =	slt.u32 s8, $0xFFFFF086  }
0x1c: {  	p1 =	slt.u32 s9, $0xF7A;
	s5 =	simm.s32 @!p2 $0x0  }
0x1d: {  	s5 =	simm.s32 @p1 $0x1;
	p0 =	seq.s32 s7, s2  }
0x1e: {  	s7 =	smul.u32 @!p0 $0xF7A, s2;
	p2 =	seq.s32 @!p0 s5, $0x0  }
0x1f: {  	s9 =	smul.u32 $0xF7A, s1;
	s8 =	simm.s32 @!p0 $0x1BF5;
	p2 =	por !p2, p0  }
0x20: {  	[sflag:s8] =	ssyncset.s32 @!p0 $0xFFFFF086;
	s6 =	sadd.s32 @!p0 s3, s7;
	s7 =	simm.s32 @!p0 $0x108  }
0x21: {  	s3 =	sadd.s32 s3, s9;
	s6 =	sadd.s32 @!p0 $0x88, s6;
	s7 =	simm.s32 @p2 $0x1082  }
0x22: {  	[simem:s7], [sflag:s8] =	dma.local @!p0 [hbm:s6], $0xF7A  }
0x23: {  	s9 =	sor.u32 $0xD0000000, s2;
	s6 =	simm.s32 $0x108;
	_ =	swait.ge @!p0 [sflag:s8], $0x0  }
0x24: {  	s3 =	sadd.s32 $0x88, s3;
	s6 =	simm.s32 @!p1 $0x1082;
	[sflag:s4] =	ssyncset.s32 $0xFFFFF086  }
0x25: {  	[simem:s6], [sflag:s4] =	dma.local [hbm:s3], $0xF7A  }
0x26: {  	[smem:$0x3F96] =	sst s1;
	(tag) =	ssettag s2;
	_ =	strace s9  }
0x27: {  	s1 =	sld [smem:$0x3FA6]  }
0x28: {  	s2 =	sld [smem:$0x3FA7]  }
0x29: {  	s4 =	sld [smem:$0x3FA9]  }
0x2a: {  	p0 =	seq.s32 s5, $0x0;
	s5 =	sld [smem:$0x3FAA]  }
0x2b: {  	s6 =	sld [smem:$0x3FAB]  }
0x2c: {  	s7 =	sld [smem:$0x3FAC]  }
0x2d: {  	s3 =	simm.s32 $0x108;
	s8 =	sld [smem:$0x3FAD]  }
0x2e: {  	s3 =	simm.s32 @!p0 $0x1082;
	s9 =	sld [smem:$0x3FAE]  }
0x2f: {  	lr =	sadd.s32 s0, s3;
	s0 =	sld [smem:$0x3FA5]  }
0x30: {  	s3 =	sld [smem:$0x3FA8]  }
0x31: {  	[smem:$0x3FB1] =	sst s10  }
0x32: {  	s10 =	sld [smem:$0x3FAF];
	_ =	sdelay $0x3  }
0x33: {  	p0 =	seq.s32 s10, $0x1;
	s10 =	sld [smem:$0x3FB1];
	_ =	sdelay $0x3  }
0x34: {  	[smem:$0x3FB1] =	sst s10  }
0x35: {  	s10 =	sld [smem:$0x3FB0];
	_ =	sdelay $0x3  }
0x36: {  	p1 =	seq.s32 s10, $0x1;
	s10 =	sld [smem:$0x3FB1];
	_ =	sdelay $0x3  }
0x37: {  	[smem:$0x3FB1] =	sst s10  }
0x38: {  	s10 =	sld [smem:$0x3FB2]  }
0x39: {  	_ = 	snop;
	(pc) =	sbr.ind lr, $3  }
0x3a: {  	_ = 	snop  }
0x3b: {  	_ = 	snop  }
0x3c: {  	p2 =	seq.s32 s10, $0x1;
	s10 =	sld [smem:$0x3FB1]  }
0x3d: {  	_ =	shalt  }
0x3e: {  	_ =	shalt  }
0x3f: {  	_ =	shalt  }
0x40: {  	_ =	shalt  }
0x41: {  	_ =	shalt  }
0x42: {  	_ =	shalt  }
0x43: {  	_ =	shalt  }
0x44: {  	_ =	shalt  }
0x45: {  	_ =	shalt  }
0x46: {  	_ =	shalt  }
0x47: {  	_ =	shalt  }
0x48: {  	_ =	shalt  }
0x49: {  	_ =	shalt  }
0x4a: {  	_ =	shalt  }
0x4b: {  	_ =	shalt  }
0x4c: {  	_ =	shalt  }
0x4d: {  	_ =	shalt  }
0x4e: {  	_ =	shalt  }
0x4f: {  	_ =	shalt  }
0x50: {  	_ =	shalt  }
0x51: {  	_ =	shalt  }
0x52: {  	_ =	shalt  }
0x53: {  	_ =	shalt  }
0x54: {  	_ =	shalt  }
0x55: {  	_ =	shalt  }
0x56: {  	_ =	shalt  }
0x57: {  	_ =	shalt  }
0x58: {  	_ =	shalt  }
0x59: {  	_ =	shalt  }
0x5a: {  	_ =	shalt  }
0x5b: {  	_ =	shalt  }
0x5c: {  	_ =	shalt  }
0x5d: {  	_ =	shalt  }
0x5e: {  	_ =	shalt  }
0x5f: {  	_ =	shalt  }
0x60: {  	_ =	shalt  }
0x61: {  	_ =	shalt  }
0x62: {  	_ =	shalt  }
0x63: {  	_ =	shalt  }
0x64: {  	_ =	shalt  }
0x65: {  	_ =	shalt  }
0x66: {  	_ =	shalt  }
0x67: {  	_ =	shalt  }
0x68: {  	_ =	shalt  }
0x69: {  	_ =	shalt  }
0x6a: {  	_ =	shalt  }
0x6b: {  	_ =	shalt  }
0x6c: {  	_ =	shalt  }
0x6d: {  	_ =	shalt  }
0x6e: {  	_ =	shalt  }
0x6f: {  	_ =	shalt  }
0x70: {  	_ =	shalt  }
0x71: {  	_ =	shalt  }
0x72: {  	_ =	shalt  }
0x73: {  	_ =	shalt  }
0x74: {  	_ =	shalt  }
0x75: {  	_ =	shalt  }
0x76: {  	_ =	shalt  }
0x77: {  	_ =	shalt  }
0x78: {  	_ =	shalt  }
0x79: {  	_ =	shalt  }
0x7a: {  	_ =	shalt  }
0x7b: {  	_ =	shalt  }
0x7c: {  	_ =	shalt  }
0x7d: {  	_ =	shalt  }
0x7e: {  	_ =	shalt  }
0x7f: {  	_ =	shalt  }
0x80: {  	_ =	shalt  }
0x81: {  	_ =	shalt  }
0x82: {  	_ =	shalt  }
0x83: {  	_ =	shalt  }
0x84: {  	_ =	shalt  }
0x85: {  	_ =	shalt  }
0x86: {  	_ =	shalt  }
0x87: {  	_ =	shalt  }
.Lfunc_end0:
.L_simem_size_0:
called_computation.2_lowered:
.L_overlay_start_0:
0x88: {  	s2 =	sld [smem:$0x3FD9]  }
0x89: {  	s3 =	sld [smem:$0x3FFE];
	_ =	sdelay $0x1  }
0x8a: {  	s1 =	srdreg.scid  }
0x8b: {  	s0 =	sand.u32 $0x1, s1  }
0x8c: {  	s16 =	sshll.u32 s0, $0xA;
	s2 =	sadd.s32 s3, s2  }
0x8d: {  	s2 =	sadd.s32 s2, s16  }
0x8e: {  	[smem:$0x3FBD] =	sst s2  }
0x8f: {  	_ = 	snop  }
0x90: {  	(tm) =	ssettm $0x1  }
0x91: {  	s17 =	sld [smem:$0x3FFB];
	_ =	sdelay $0x3  }
0x92: {  	_ =	strace s17  }
0x93: {  	s2 =	sld [smem:$0x3FFC];
	_ =	sdelay $0x3  }
0x94: {  	_ =	strace s2  }
0x95: {  	s2 =	sld [smem:$0x3FFD];
	_ =	sdelay $0x3  }
0x96: {  	_ =	strace s2  }
0x97: {  	_ =	strace $0x8FFFFFFF  }
0x98: {  	s18 =	sld [smem:$0x3FDB];
	_ =	sdelay $0x1  }
0x99: {  	s19 =	simm.s32 $_scs_section_size  }
0x9a: {  	s4 =	simm.s32 $_size__tile_overlayer_lowered;
	s5 =	simm.s32 $_tile_overlayer_lowered  }
0x9b: {  	s22 =	simm.s32 $0x1BFF;
	s21 =	sshll.u32 s5, $0x1;
	s2 =	sadd.s32 s19, s18  }
0x9c: {  	s6 =	simm.s32 $0x0;
	s20 =	sshll.u32 s4, $0x1;
	s4 =	sadd.s32 s21, s2  }
0x9d: {  	[timem:s6], [sflag:s22] =	dma.local [hbm:s4], s20  }
0x9e: {  	_ =	swait.ge [sflag:s22], s20  }
0x9f: {  	s3 =	ssub.s32 $0x0, s20;
	[sflag:s22] =	ssyncset.done $0x0  }
0xa0: {  	[sflag:s22] =	ssyncadd.s32 s3;
	_ =	sdelay $0x1  }
0xa1: {  	s23 =	simm.s32 $0x1B8B  }
0xa2: {  	_ =	swait.ge [sflag:s23], $0x1  }
0xa3: {  	[sflag:s23] =	ssyncset.done $0x0  }
0xa4: {  	s25 =	simm.s32 $0x1B8E;
	s24 =	sld [smem:$0x3FFE];
	[sflag:s23] =	ssyncadd.s32 $0xFFFFFFFF  }
0xa5: {  	s26 =	simm.s32 $execute0_lowered;
	[smem:$0x3FD2] =	sst s25  }
0xa6: {  	s4 =	sshll.u32 s26, $0x1;
	_ =	strace $0x8000004C;
	[dreg:$0x1] =	wrdreg $0xFFFFFFFF  }
0xa7: {  	s28 =	simm.s32 $_size_execute0_lowered;
	s2 =	sadd.s32 s2, s4;
	[dreg:$0x0] =	wrdreg $0x0  }
0xa8: {  	s4 =	sshll.u32 s28, $0x1;
	[dreg:$0x2] =	wrdreg s2  }
0xa9: {  	[dreg:$0x3] =	wrdreg s4  }
0xaa: {  	[dreg:$0x4] =	wrdreg $0xC0  }
0xab: {  	_ =	task [dreg:s6], $0x5FFFF  }
0xac: {  	[dreg:$0x1] =	wrdreg $0xFFFFFFFF  }
0xad: {  	[dreg:$0x0] =	wrdreg $0x60  }
0xae: {  	[dreg:$0x2] =	wrdreg s24  }
0xaf: {  	[dreg:$0x3] =	wrdreg $0xAD000  }
0xb0: {  	[dreg:$0x4] =	wrdreg $0x9  }
0xb1: {  	_ =	task.clear_ibuf [dreg:s6], $0x5FFFF;
	_ =	strace $0x9000004C  }
0xb2: {  	s29 =	simm.s32 $0x9;
	_ =	strace $0x8000004E  }
0xb3: {  	_ =	swait.ge [sflag:s29], $0x1  }
0xb4: {  	[sflag:s29] =	ssyncadd.s32 $0xFFFFFFFF  }
0xb5: {  	_ =	strace $0x9000004E  }
0xb6: {  	_ =	sfence  }
0xb7: {  	s30 =	sld [smem:$0x0];
	_ =	sdelay $0x2  }
0xb8: {  	s31 =	sshll.u32 s1, $0xD;
	s1 =	sshrl.u32 s1, $0x2  }
0xb9: {  	s3 =	sand.u32 $0x4000, s31;
	s1 =	sadd.s32 s1, s30  }
0xba: {  	s0 =	sor.u32 s3, s0;
	s1 =	sshll.u32 s1, $0x11  }
0xbb: {  	s0 =	sor.u32 s1, s0  }
0xbc: {  	s0 =	sadd.s32 $0x8F2B, s0  }
0xbd: {  	[sflag:s0] =	ssyncadd.remote.s32 $0x1  }
0xbe: {  	_ =	sfence.sel $0xFFFF  }
0xbf: {  	[dreg:$0x0] =	wrdreg $0xFFFFFFFF;
	(pc) =	sbr.abs _section_cstart, $3  }
0xc0: {  	[dreg:$0x1] =	wrdreg $0xFFFFFFFF  }
0xc1: {  	_ =	task.clear_ibuf [dreg:s6], $0x2FFFF;
	_ =	strace $0x9FFFFFFF  }
0xc2: {  	(tm) =	ssettm $0x7FFFFFFF  }
0xc3: {  	_ =	shalt  }
tec
execute0_lowered:
.L_overlay_start_1:
0x0: {  	(tag) =	ssettag $0x1  }
0x1: {  	s0 =	rddreg [dreg:$0x0]  }
0x2: {  	s1 =	rddreg [dreg:$0x1];
	s2 =	simm.s32 $0x0;
	s14 =	stileid.u32  }
0x3: {  	s3 =	srdreg.scid;
	s28 =	simm.s32 $0x2D00;
	s9 =	smul.u32 $0x4F000, s14  }
0x4: {  	s29 =	simm.s32 $0x8;
	s30 =	simm.s32 $0x9;
	s10 =	smul.u32 $0x278, s14  }
0x5: {  	s31 =	simm.s32 $0xA;
	[smem:$0x7FF] =	sst s2;
	s12 =	smul.u32 $0x3A0, s14  }
0x6: {  	s4 =	sadd.s32 $0x18600, s0;
	s3 =	sand.u32 $0x1, s3;
	s18 =	smul.u32 $0x1D00, s14  }
0x7: {  	s6 =	sadd.s32 $0x13200, s0;
	s7 =	sadd.s32 $0x8A00, s0;
	s20 =	smul.u32 $0xD00, s14  }
0x8: {  	s8 =	sadd.s32 $0xDE00, s0;
	s14 =	smul.u32 $0x2780, s14;
	_ =	strace $0x8000004D  }
0x9: {  	s5 =	smul.u32 $0x27800, s3;
	s17 =	ssub.s32 $0x2, s3;
	p0 =	seq.s32 s3, $0x1  }
0xa: {  	s11 =	sshrl.u32 s17, $0x1;
	s9 =	sshrl.u32 s9, $0x2;
	s21 =	sadd.s32 s6, s12  }
0xb: {  	s22 =	sshrl.u32 s18, $0x3;
	s23 =	sadd.s32 s7, s12;
	s24 =	sshrl.u32 s20, $0x3  }
0xc: {  	s12 =	sadd.s32 s8, s12;
	s15 =	sadd.s32 $0xA0, s10;
	s16 =	sadd.s32 $0x140, s10  }
0xd: {  	s10 =	sadd.s32 $0x1E0, s10;
	s0 =	sadd.s32 s5, s0;
	[dreg:$0x5] =	wrdreg s21  }
0xe: {  	s11 =	ssub.s32 s17, s11;
	s5 =	sadd.s32 s9, s1;
	[dreg:$0x6] =	wrdreg s23  }
0xf: {  	s3 =	sadd.s32 $0x1C0, s22;
	[dreg:$0x7] =	wrdreg s12;
	s9 =	sadd.s32 $0x3A00, s24  }
0x10: {  	s17 =	sshll.u32 s15, $0x4;
	s18 =	sshll.u32 s16, $0x4;
	s13 =	sadd.s32 $0x4000, s5  }
0x11: {  	s23 =	sshll.u32 s15, $0x7;
	s19 =	sadd.s32 $0x8000, s5;
	[dreg:$0x3] =	wrdreg s13  }
0x12: {  	s24 =	sshll.u32 s16, $0x7;
	s25 =	sadd.s32 s6, s3;
	[dreg:$0x4] =	wrdreg s19  }
0x13: {  	s15 =	simm.s32 $0x6D00;
	s26 =	sadd.s32 s7, s3;
	[dreg:$0x8] =	wrdreg s25  }
0x14: {  	s16 =	simm.s32 $0x2;
	s3 =	sadd.s32 s8, s3;
	[dreg:$0x9] =	wrdreg s26  }
0x15: {  	s6 =	sadd.s32 s6, s9;
	s12 =	sadd.s32 s7, s9;
	[dreg:$0xa] =	wrdreg s3  }
0x16: {  	s0 =	sadd.s32 $0x3F800, s0;
	s22 =	sadd.s32 $0xC000, s5;
	[dreg:$0xb] =	wrdreg s6  }
0x17: {  	[dreg:$0xc] =	wrdreg s12;
	s13 =	sadd.s32 s8, s9;
	s19 =	sshll.u32 s10, $0x4  }
0x18: {  	s3 =	sadd.s32 s14, s0;
	s20 =	sadd.s32 s17, s0;
	s21 =	sadd.s32 s18, s0  }
0x19: {  	[dreg:$0x12] =	wrdreg s22;
	s25 =	sshll.u32 s10, $0x7;
	s26 =	smax.u32 s11, $0x1  }
0x1a: {  	s8 =	simm.s32 $0x1;
	s10 =	simm.s32 $0x1E00;
	[dreg:$0xd] =	wrdreg s13  }
0x1b: {  	s11 =	simm.s32 $0x5;
	s12 =	simm.s32 $0x6;
	[dreg:$0xe] =	wrdreg s3  }
0x1c: {  	s14 =	simm.s32 $0x80;
	s9 =	simm.s32 $0x4;
	[dreg:$0xf] =	wrdreg s20  }
.Ltmp0:
0x1d: {  	[dreg:$0x10] =	wrdreg s21;
	s0 =	sadd.s32 s19, s0;
	(pc) =	sbr.rel .LBB2_1-.Ltmp0, $4  }
0x1e: {  	s3 =	sadd.s32 s24, s1;
	s6 =	sadd.s32 s25, s1;
	[dreg:$0x13] =	wrdreg s26  }
0x1f: {  	s26 =	sadd.s32 $0x10000, s5;
	s13 =	simm.s32 $0x7;
	[dreg:$0x11] =	wrdreg s0  }
0x20: {  	s0 =	sadd.s32 s23, s1;
	s24 =	sshrl.u32 s3, $0x3;
	s25 =	sshrl.u32 s6, $0x3  }
0x21: {  	v0 =	vimm.f32 $0.0e+00;
	s3 =	simm.s32 $0x3;
	s23 =	sshrl.u32 s0, $0x3;
	s0 =	simm.s32 $0xB  }
.LBB2_22:
0x22: {  	s6 =	stileid.u32  }
0x23: {  	[bflag:$0x0] =	sbarrier.arrive $0xFFFF;
	s6 =	sshll.u32 s6, $0x6  }
0x24: {  	s17 =	sshrl.u32 s5, $0x3;
	s18 =	rddreg [dreg:$0xe];
	s7 =	sor.u32 $0x1C08, s6  }
0x25: {  	[hbm:s18], [sflag:s7] =	dma.local [spmem:s17], $0xA00  }
0x26: {  	s20 =	sor.u32 $0x1C09, s6;
	s17 =	rddreg [dreg:$0xf]  }
0x27: {  	[hbm:s17], [sflag:s20] =	dma.local [spmem:s23], $0xA00  }
0x28: {  	s21 =	sor.u32 $0x1C0A, s6;
	s17 =	rddreg [dreg:$0x10]  }
0x29: {  	[hbm:s17], [sflag:s21] =	dma.local [spmem:s24], $0xA00  }
0x2a: {  	s6 =	sor.u32 $0x1C0B, s6;
	s7 =	rddreg [dreg:$0x11]  }
0x2b: {  	[hbm:s7], [sflag:s6] =	dma.local [spmem:s25], $0x980  }
0x2c: {  	_ =	swait.ge [sflag:s29], $0xA00  }
0x2d: {  	[sflag:s29] =	ssyncset.done $0x0  }
0x2e: {  	[sflag:s29] =	ssyncadd.s32 $0xFFFFF600  }
0x2f: {  	_ =	swait.ge [sflag:s30], $0xA00  }
0x30: {  	[sflag:s30] =	ssyncset.done $0x0  }
0x31: {  	[sflag:s30] =	ssyncadd.s32 $0xFFFFF600  }
0x32: {  	_ =	swait.ge [sflag:s31], $0xA00  }
0x33: {  	[sflag:s31] =	ssyncset.done $0x0  }
0x34: {  	[sflag:s31] =	ssyncadd.s32 $0xFFFFF600  }
0x35: {  	_ =	swait.ge [sflag:s0], $0x980  }
0x36: {  	s2 =	sadd.s32 $0x1, s2;
	s22 =	rddreg [dreg:$0x13]  }
0x37: {  	p1 =	sne.s32 s2, s22  }
.Ltmp1:
0x38: {  	_ = 	snop;
	(pc) =	sbr.rel @!p1 .LBB2_23-.Ltmp1, $3  }
0x39: {  	_ =	sdelay $0x1  }
0x3a: {  	[sflag:s0] =	ssyncset.done $0x0  }
0x3b: {  	[sflag:s0] =	ssyncadd.s32 $0xFFFFF680  }
.LBB2_1:
0x3c: {  	s6 =	simm.s32 $0x0;
	s7 =	simm.s32 $0x200  }
.LBB2_2:
0x3d: {  	p1 =	sne.s32 s7, $0xFE00;
	[tilespmem:s6+$0x2D70] =	vst v0  }
0x3e: {  	[tilespmem:s6+$0x2D00] =	vst v0  }
0x3f: {  	[tilespmem:s6+$0x2D10] =	vst v0  }
.Ltmp2:
0x40: {  	[tilespmem:s6+$0x2D20] =	vst v0;
	(pc) =	sbr.rel @p1 .LBB2_2-.Ltmp2, $4  }
0x41: {  	[tilespmem:s6+$0x2D30] =	vst v0  }
0x42: {  	[tilespmem:s6+$0x2D40] =	vst v0  }
0x43: {  	[tilespmem:s6+$0x2D50] =	vst v0  }
0x44: {  	[tilespmem:s6+$0x2D60] =	vst v0;
	s6 =	sshra.s32 s7, $0x2;
	s7 =	sadd.s32 $0x200, s7  }
0x45: {  	[tilespmem:s6+$0x2D70] =	vst v0  }
0x46: {  	[tilespmem:s6+$0x2D00] =	vst v0  }
0x47: {  	[tilespmem:s6+$0x2D10] =	vst v0  }
0x48: {  	[tilespmem:s6+$0x2D20] =	vst v0  }
0x49: {  	[tilespmem:s6+$0x2D30] =	vst v0  }
0x4a: {  	[tilespmem:s6+$0x2D40] =	vst v0  }
0x4b: {  	[tilespmem:s6+$0x2D50] =	vst v0  }
0x4c: {  	[tilespmem:s6+$0x2D60] =	vst v0  }
0x4d: {  	[spmem:s5] =	stream.linear.scatter [tilespmem:s28], [sflag:$0x8], $0x4000, $0x38;
	[tilespmem:$0x1E900] =	vst v63  }
0x4e: {  	s20 =	rddreg [dreg:$0x3]  }
0x4f: {  	[spmem:s20] =	stream.linear.scatter [tilespmem:s28], [sflag:$0x9], $0x4000, $0x38;
	[tilespmem:$0x1E900] =	vst v63  }
0x50: {  	s21 =	rddreg [dreg:$0x4]  }
0x51: {  	[spmem:s21] =	stream.linear.scatter [tilespmem:s28], [sflag:$0xA], $0x4000, $0x38;
	[tilespmem:$0x1E900] =	vst v63  }
0x52: {  	s22 =	rddreg [dreg:$0x12]  }
0x53: {  	[spmem:s22] =	stream.linear.scatter [tilespmem:s28], [sflag:$0xB], $0x4000, $0x38;
	[tilespmem:$0x1E900] =	vst v63  }
0x54: {  	_ = 	snop  }
0x55: {  	[spmem:s26] =	stream.linear.scatter [tilespmem:s28], [sflag:$0x1], $0x3C00, $0x38;
	[tilespmem:$0x1E900] =	vst v63  }
0x56: {  	_ =	swait.ge [sflag:s29], $0x4000  }
0x57: {  	[sflag:s29] =	ssyncset.done $0x0  }
0x58: {  	[sflag:s29] =	ssyncadd.s32 $0xFFFFC000  }
0x59: {  	_ =	swait.ge [sflag:s30], $0x4000  }
0x5a: {  	[sflag:s30] =	ssyncset.done $0x0  }
0x5b: {  	[sflag:s30] =	ssyncadd.s32 $0xFFFFC000  }
0x5c: {  	_ =	swait.ge [sflag:s31], $0x4000  }
0x5d: {  	[sflag:s31] =	ssyncset.done $0x0  }
0x5e: {  	[sflag:s31] =	ssyncadd.s32 $0xFFFFC000  }
0x5f: {  	_ =	swait.ge [sflag:s0], $0x4000  }
0x60: {  	[sflag:s0] =	ssyncset.done $0x0  }
0x61: {  	[sflag:s0] =	ssyncadd.s32 $0xFFFFC000  }
.Ltmp3:
0x62: {  	_ =	swait.ge [sflag:s8], $0x3C00;
	(pc) =	sbr.rel @!p0 .LBB2_4-.Ltmp3, $4  }
0x63: {  	[sflag:s8] =	ssyncset.done $0x0  }
0x64: {  	[sflag:s8] =	ssyncadd.s32 $0xFFFFC400  }
0x65: {  	[bflag:$0x0] =	sbarrier.arrive $0xFFFF  }
0x66: {  	s6 =	simm.s32 $0x0  }
0x67: {  	s7 =	rddreg [dreg:$0xb]  }
0x68: {  	[tilespmem:s6], [sflag:$0x5] =	stream.linear.gather [hbm4b:s7+s6], $0xD00, $0x38;
	[tilespmem:$0x1E900] =	vst v63  }
0x69: {  	s21 =	rddreg [dreg:$0xc];
	s17 =	simm.s32 $0xF00  }
0x6a: {  	[tilespmem:s17], [sflag:$0x6] =	stream.linear.gather [hbm4b:s21+s6], $0xD00, $0x38;
	[tilespmem:$0x1E900] =	vst v63  }
0x6b: {  	s22 =	rddreg [dreg:$0xd]  }
0x6c: {  	[tilespmem:s10], [sflag:$0x7] =	stream.linear.gather [hbm4b:s22+s6], $0xD00, $0x38;
	[tilespmem:$0x1E900] =	vst v63  }
0x6d: {  	_ =	swait.ge [sflag:s11], $0xD00  }
0x6e: {  	[sflag:s11] =	ssyncset.done $0x0  }
0x6f: {  	[sflag:s11] =	ssyncadd.s32 $0xFFFFF300  }
0x70: {  	_ =	swait.ge [sflag:s12], $0xD00  }
0x71: {  	[sflag:s12] =	ssyncset.done $0x0  }
0x72: {  	[sflag:s12] =	ssyncadd.s32 $0xFFFFF300  }
0x73: {  	_ =	swait.ge [sflag:s13], $0xD00  }
0x74: {  	[sflag:s13] =	ssyncset.done $0x0  }
0x75: {  	s7 =	simm.s32 $0x0;
	[sflag:s13] =	ssyncadd.s32 $0xFFFFF300  }
.LBB2_17:
0x76: {  	s20 =	sadd.s32 $0x0, s6  }
0x77: {  	s18 =	sshll.u32 s7, $0x8;
	v1 =	vmov s20  }
0x78: {  	[tilespmem:s28], [sflag:$0x1] =	stream.indirect.gather [hbm4b:s4+s14], $0x80, s18, s14, $0xb8;
	v1 =	vand.u32 $0xFFFFFFFE, v1;
	[tilespmem:$0x1E900] =	vst v63  }
0x79: {  	s17 =	sor.u32 $0x80, s18;
	v2 =	vbroadcast v1, $0x0  }
0x7a: {  	[tilespmem:s15], [sflag:$0x2] =	stream.indirect.gather [hbm4b:s4+s14], $0x80, s17, s14, $0xb8;
	[tilespmem:$0x1E900] =	vst v63  }
0x7b: {  	_ =	swait.ge [sflag:s8], $0x4000  }
0x7c: {  	[sflag:s8] =	ssyncset.done $0x0  }
0x7d: {  	s19 =	simm.s32 $0x2D80;
	[sflag:s8] =	ssyncadd.s32 $0xFFFFC000  }
0x7e: {  	v5 =	vld [tilespmem:s19+$0xFFFFFFF0]  }
0x7f: {  	v6 =	vld.idx.msk [tilespmem:v2+s10+$0x0], $0xffff  }
0x80: {  	v7 =	vld [tilespmem:s19+$0xFFFFFF80]  }
0x81: {  	v8 =	vld [tilespmem:s19+$0xFFFFFFA0]  }
0x82: {  	v4 =	vld [tilespmem:s19+$0xFFFFFFB0]  }
0x83: {  	v3 =	vld [tilespmem:s19+$0xFFFFFFD0]  }
0x84: {  	v10 =	vld [tilespmem:s19+$0xFFFFFF90];
	v5 =	vmul.f32 v5, v6  }
0x85: {  	v9 =	vld [tilespmem:s19+$0xFFFFFFE0];
	v7 =	vmul.f32 v7, v6  }
0x86: {  	v11 =	vld [tilespmem:s19+$0xFFFFFFC0];
	v8 =	vmul.f32 v8, v6;
	[tilespmem:s19+$0xFFFFFFF0] =	vst v5  }
0x87: {  	v4 =	vmul.f32 v4, v6;
	[tilespmem:s19+$0xFFFFFF80] =	vst v7  }
0x88: {  	s20 =	sadd.s32 $0x1, s20;
	v3 =	vmul.f32 v3, v6;
	[tilespmem:s19+$0xFFFFFFA0] =	vst v8  }
0x89: {  	v5 =	vmul.f32 v10, v6;
	[tilespmem:s19+$0xFFFFFFB0] =	vst v4;
	v7 =	vmov s20  }
0x8a: {  	v1 =	vld [tilespmem:s19+$0x0];
	v4 =	vmul.f32 v9, v6;
	[tilespmem:s19+$0xFFFFFFD0] =	vst v3  }
0x8b: {  	v2 =	vld [tilespmem:s19+$0x10];
	v3 =	vmul.f32 v11, v6;
	[tilespmem:s19+$0xFFFFFF90] =	vst v5  }
0x8c: {  	[tilespmem:s19+$0xFFFFFFE0] =	vst v4;
	v5 =	vld [tilespmem:s19+$0x30]  }
0x8d: {  	[tilespmem:s19+$0xFFFFFFC0] =	vst v3;
	v4 =	vld [tilespmem:s19+$0x70]  }
0x8e: {  	s21 =	simm.s32 $0x2D80;
	s20 =	simm.s32 $0x2;
	v3 =	vld.idx.msk [tilespmem:v7+s10+$0x0], $0xffff  }
.LBB2_18:
0x8f: {  	p1 =	sne.s32 s20, $0x7E  }
0x90: {  	v6 =	vld [tilespmem:s19+$0x20];
	s21 =	sadd.s32 $0x100, s21;
	s22 =	smov.u32 s20;
	s20 =	sadd.s32 $0x2, s20  }
0x91: {  	v7 =	vld [tilespmem:s19+$0x40]  }
0x92: {  	v8 =	vld [tilespmem:s19+$0x50]  }
0x93: {  	v9 =	vld [tilespmem:s19+$0x60];
	_ =	sdelay $0x1  }
0x94: {  	v1 =	vmul.f32 v1, v3;
	v2 =	vmul.f32 v2, v3  }
0x95: {  	s22 =	sadd.s32 s22, s6;
	v5 =	vmul.f32 v5, v3;
	v6 =	vmul.f32 v6, v3  }
0x96: {  	v10 =	vmov s22;
	s22 =	sadd.s32 $0x1, s22;
	v7 =	vmul.f32 v7, v3;
	[tilespmem:s19+$0x0] =	vst v1;
	v8 =	vmul.f32 v8, v3  }
0x97: {  	v10 =	vand.u32 $0xFFFFFFFE, v10;
	v1 =	vld [tilespmem:s21+$0x0];
	[tilespmem:s19+$0x30] =	vst v5;
	v5 =	vmul.f32 v9, v3;
	v3 =	vmul.f32 v4, v3  }
0x98: {  	v4 =	vbroadcast v10, $0x0;
	[tilespmem:s19+$0x10] =	vst v2  }
0x99: {  	[tilespmem:s19+$0x70] =	vst v3  }
0x9a: {  	v3 =	vld [tilespmem:s21+$0xFFFFFFD0];
	[tilespmem:s19+$0x20] =	vst v6  }
0x9b: {  	v6 =	vld [tilespmem:s21+$0xFFFFFFB0];
	[tilespmem:s19+$0x60] =	vst v5  }
0x9c: {  	v5 =	vld [tilespmem:s21+$0xFFFFFFE0];
	[tilespmem:s19+$0x40] =	vst v7  }
0x9d: {  	v7 =	vld [tilespmem:s21+$0xFFFFFFF0];
	[tilespmem:s19+$0x50] =	vst v8;
	s19 =	smov.u32 s21  }
0x9e: {  	v4 =	vld.idx.msk [tilespmem:v4+s10+$0x0], $0xffff  }
0x9f: {  	v8 =	vld [tilespmem:s21+$0xFFFFFF80]  }
0xa0: {  	v9 =	vld [tilespmem:s21+$0xFFFFFFA0]  }
0xa1: {  	v10 =	vld [tilespmem:s21+$0xFFFFFF90]  }
0xa2: {  	v11 =	vld [tilespmem:s21+$0xFFFFFFC0]  }
0xa3: {  	v2 =	vld [tilespmem:s21+$0x10]  }
0xa4: {  	v7 =	vmul.f32 v7, v4;
	v8 =	vmul.f32 v8, v4  }
0xa5: {  	v5 =	vmul.f32 v5, v4;
	v9 =	vmul.f32 v9, v4  }
0xa6: {  	v6 =	vmul.f32 v6, v4;
	v10 =	vmul.f32 v10, v4;
	[tilespmem:s21+$0xFFFFFFF0] =	vst v7  }
0xa7: {  	v3 =	vmul.f32 v3, v4;
	[tilespmem:s21+$0xFFFFFF80] =	vst v8;
	v7 =	vmul.f32 v11, v4  }
0xa8: {  	[tilespmem:s21+$0xFFFFFFA0] =	vst v9  }
0xa9: {  	[tilespmem:s21+$0xFFFFFFB0] =	vst v6;
	v6 =	vmov s22  }
.Ltmp4:
0xaa: {  	[tilespmem:s21+$0xFFFFFFD0] =	vst v3;
	(pc) =	sbr.rel @p1 .LBB2_18-.Ltmp4, $4  }
0xab: {  	[tilespmem:s21+$0xFFFFFF90] =	vst v10  }
0xac: {  	[tilespmem:s21+$0xFFFFFFE0] =	vst v5;
	v5 =	vld [tilespmem:s21+$0x30]  }
0xad: {  	[tilespmem:s21+$0xFFFFFFC0] =	vst v7;
	v4 =	vld [tilespmem:s21+$0x70]  }
0xae: {  	v3 =	vld.idx.msk [tilespmem:v6+s10+$0x0], $0xffff  }
0xaf: {  	_ =	sdelay $0x2  }
0xb0: {  	v6 =	vld [tilespmem:s19+$0x20]  }
0xb1: {  	v8 =	vld [tilespmem:s19+$0x40];
	v1 =	vmul.f32 v1, v3  }
0xb2: {  	v7 =	vld [tilespmem:s19+$0x60];
	v5 =	vmul.f32 v5, v3  }
0xb3: {  	v9 =	vld [tilespmem:s19+$0x50];
	v2 =	vmul.f32 v2, v3;
	[tilespmem:s19+$0x0] =	vst v1  }
0xb4: {  	[tilespmem:s19+$0x30] =	vst v5;
	v1 =	vmul.f32 v4, v3  }
0xb5: {  	v4 =	vmul.f32 v6, v3;
	[tilespmem:s19+$0x10] =	vst v2  }
0xb6: {  	s20 =	sadd.s32 $0xFFFFFF80, s6;
	[tilespmem:s19+$0x70] =	vst v1;
	v1 =	vmul.f32 v8, v3  }
0xb7: {  	s21 =	sadd.s32 $0x100, s20;
	v2 =	vmul.f32 v7, v3;
	[tilespmem:s19+$0x20] =	vst v4  }
0xb8: {  	v3 =	vmul.f32 v9, v3;
	[tilespmem:s19+$0x40] =	vst v1;
	v1 =	vmov s21  }
0xb9: {  	[tilespmem:s19+$0x60] =	vst v2;
	v1 =	vand.u32 $0xFFFFFFFE, v1  }
0xba: {  	s18 =	sadd.s32 $0xF00, s18;
	[tilespmem:s19+$0x50] =	vst v3;
	v2 =	vbroadcast v1, $0x0  }
0xbb: {  	[spmem:s1] =	stream.indirect.scatter.add.f32 [tilespmem:s28], [sflag:$0x3], $0x80, s18, s14, $0xb8;
	[tilespmem:$0x1E900] =	vst v63  }
0xbc: {  	_ =	swait.ge [sflag:s16], $0x4000  }
0xbd: {  	[sflag:s16] =	ssyncset.done $0x0  }
0xbe: {  	s18 =	simm.s32 $0x6D80;
	[sflag:s16] =	ssyncadd.s32 $0xFFFFC000  }
0xbf: {  	v5 =	vld [tilespmem:s18+$0xFFFFFFF0]  }
0xc0: {  	v6 =	vld.idx.msk [tilespmem:v2+s10+$0x0], $0xffff  }
0xc1: {  	v7 =	vld [tilespmem:s18+$0xFFFFFF80]  }
0xc2: {  	v62 =	vld [tilespmem:s18+$0xFFFFFFA0]  }
0xc3: {  	v4 =	vld [tilespmem:s18+$0xFFFFFFB0]  }
0xc4: {  	v3 =	vld [tilespmem:s18+$0xFFFFFFD0]  }
0xc5: {  	v10 =	vld [tilespmem:s18+$0xFFFFFF90];
	v5 =	vmul.f32 v5, v6  }
0xc6: {  	v63 =	vld [tilespmem:s18+$0xFFFFFFE0];
	v7 =	vmul.f32 v7, v6  }
0xc7: {  	v11 =	vld [tilespmem:s18+$0xFFFFFFC0];
	v8 =	vmul.f32 v62, v6;
	[tilespmem:s18+$0xFFFFFFF0] =	vst v5  }
0xc8: {  	v4 =	vmul.f32 v4, v6;
	[tilespmem:s18+$0xFFFFFF80] =	vst v7  }
0xc9: {  	s22 =	sadd.s32 $0x101, s20;
	v3 =	vmul.f32 v3, v6;
	[tilespmem:s18+$0xFFFFFFA0] =	vst v8  }
0xca: {  	v5 =	vmul.f32 v10, v6;
	[tilespmem:s18+$0xFFFFFFB0] =	vst v4;
	v7 =	vmov s22  }
0xcb: {  	v1 =	vld [tilespmem:s18+$0x0];
	v4 =	vmul.f32 v63, v6;
	[tilespmem:s18+$0xFFFFFFD0] =	vst v3  }
0xcc: {  	v2 =	vld [tilespmem:s18+$0x10];
	v3 =	vmul.f32 v11, v6;
	[tilespmem:s18+$0xFFFFFF90] =	vst v5  }
0xcd: {  	[tilespmem:s18+$0xFFFFFFE0] =	vst v4;
	v5 =	vld [tilespmem:s18+$0x30]  }
0xce: {  	[tilespmem:s18+$0xFFFFFFC0] =	vst v3;
	v4 =	vld [tilespmem:s18+$0x70]  }
0xcf: {  	s20 =	simm.s32 $0x6D80;
	s19 =	simm.s32 $0xFFFFFF82;
	v3 =	vld.idx.msk [tilespmem:v7+s10+$0x0], $0xffff  }
.LBB2_20:
0xd0: {  	p1 =	sne.s32 s19, $0xFFFFFFFE  }
0xd1: {  	v6 =	vld [tilespmem:s18+$0x20];
	s20 =	sadd.s32 $0x100, s20;
	s21 =	smov.u32 s19;
	s19 =	sadd.s32 $0x2, s19  }
0xd2: {  	v7 =	vld [tilespmem:s18+$0x40]  }
0xd3: {  	v8 =	vld [tilespmem:s18+$0x50]  }
0xd4: {  	v9 =	vld [tilespmem:s18+$0x60];
	_ =	sdelay $0x1  }
0xd5: {  	s21 =	sadd.s32 s21, s6;
	v1 =	vmul.f32 v1, v3;
	v2 =	vmul.f32 v2, v3  }
0xd6: {  	s22 =	sadd.s32 $0x100, s21;
	s21 =	sadd.s32 $0x101, s21;
	v5 =	vmul.f32 v5, v3;
	v6 =	vmul.f32 v6, v3  }
0xd7: {  	v10 =	vmov s22;
	v7 =	vmul.f32 v7, v3;
	[tilespmem:s18+$0x0] =	vst v1;
	v8 =	vmul.f32 v8, v3  }
0xd8: {  	v10 =	vand.u32 $0xFFFFFFFE, v10;
	v1 =	vld [tilespmem:s20+$0x0];
	[tilespmem:s18+$0x30] =	vst v5;
	v5 =	vmul.f32 v9, v3;
	v3 =	vmul.f32 v4, v3  }
0xd9: {  	v4 =	vbroadcast v10, $0x0;
	[tilespmem:s18+$0x10] =	vst v2  }
0xda: {  	[tilespmem:s18+$0x70] =	vst v3  }
0xdb: {  	v3 =	vld [tilespmem:s20+$0xFFFFFFD0];
	[tilespmem:s18+$0x20] =	vst v6  }
0xdc: {  	v6 =	vld [tilespmem:s20+$0xFFFFFFB0];
	[tilespmem:s18+$0x60] =	vst v5  }
0xdd: {  	v5 =	vld [tilespmem:s20+$0xFFFFFFE0];
	[tilespmem:s18+$0x40] =	vst v7  }
0xde: {  	v7 =	vld [tilespmem:s20+$0xFFFFFFF0];
	[tilespmem:s18+$0x50] =	vst v8;
	s18 =	smov.u32 s20  }
0xdf: {  	v4 =	vld.idx.msk [tilespmem:v4+s10+$0x0], $0xffff  }
0xe0: {  	v8 =	vld [tilespmem:s20+$0xFFFFFF80]  }
0xe1: {  	v9 =	vld [tilespmem:s20+$0xFFFFFFA0]  }
0xe2: {  	v10 =	vld [tilespmem:s20+$0xFFFFFF90]  }
0xe3: {  	v11 =	vld [tilespmem:s20+$0xFFFFFFC0]  }
0xe4: {  	v2 =	vld [tilespmem:s20+$0x10]  }
0xe5: {  	v7 =	vmul.f32 v7, v4;
	v8 =	vmul.f32 v8, v4  }
0xe6: {  	v5 =	vmul.f32 v5, v4;
	v9 =	vmul.f32 v9, v4  }
0xe7: {  	v6 =	vmul.f32 v6, v4;
	v10 =	vmul.f32 v10, v4;
	[tilespmem:s20+$0xFFFFFFF0] =	vst v7  }
0xe8: {  	v3 =	vmul.f32 v3, v4;
	[tilespmem:s20+$0xFFFFFF80] =	vst v8;
	v7 =	vmul.f32 v11, v4  }
0xe9: {  	[tilespmem:s20+$0xFFFFFFA0] =	vst v9  }
0xea: {  	[tilespmem:s20+$0xFFFFFFB0] =	vst v6;
	v6 =	vmov s21  }
.Ltmp5:
0xeb: {  	[tilespmem:s20+$0xFFFFFFD0] =	vst v3;
	(pc) =	sbr.rel @p1 .LBB2_20-.Ltmp5, $4  }
0xec: {  	[tilespmem:s20+$0xFFFFFF90] =	vst v10  }
0xed: {  	[tilespmem:s20+$0xFFFFFFE0] =	vst v5;
	v5 =	vld [tilespmem:s20+$0x30]  }
0xee: {  	[tilespmem:s20+$0xFFFFFFC0] =	vst v7;
	v4 =	vld [tilespmem:s20+$0x70]  }
0xef: {  	v3 =	vld.idx.msk [tilespmem:v6+s10+$0x0], $0xffff  }
0xf0: {  	_ =	sdelay $0x1  }
0xf1: {  	v6 =	vld [tilespmem:s18+$0x20];
	_ =	sdelay $0x1  }
0xf2: {  	v7 =	vld [tilespmem:s18+$0x60];
	v1 =	vmul.f32 v1, v3  }
0xf3: {  	v8 =	vld [tilespmem:s18+$0x40];
	v5 =	vmul.f32 v5, v3  }
0xf4: {  	v9 =	vld [tilespmem:s18+$0x50];
	v2 =	vmul.f32 v2, v3;
	[tilespmem:s18+$0x0] =	vst v1  }
0xf5: {  	v63 =	vmul.f32 v6, v3;
	[tilespmem:s18+$0x30] =	vst v5  }
0xf6: {  	v1 =	vmul.f32 v4, v3;
	[tilespmem:s18+$0x10] =	vst v2  }
0xf7: {  	v2 =	vmul.f32 v7, v3;
	[tilespmem:s18+$0x20] =	vst v63  }
0xf8: {  	[tilespmem:s18+$0x70] =	vst v1;
	v1 =	vmul.f32 v8, v3  }
0xf9: {  	v3 =	vmul.f32 v9, v3;
	[tilespmem:s18+$0x60] =	vst v2  }
0xfa: {  	[tilespmem:s18+$0x40] =	vst v1  }
0xfb: {  	s17 =	sadd.s32 $0xF00, s17;
	s7 =	sadd.s32 $0x1, s7;
	[tilespmem:s18+$0x50] =	vst v3  }
0xfc: {  	[spmem:s1] =	stream.indirect.scatter.add.f32 [tilespmem:s15], [sflag:$0x4], $0x80, s17, s14, $0xb8;
	[tilespmem:$0x1E900] =	vst v63  }
0xfd: {  	p1 =	sne.s32 s7, $0xD;
	_ =	swait.ge [sflag:s3], $0x4000  }
.Ltmp6:
0xfe: {  	[sflag:s3] =	ssyncset.done $0x0;
	(pc) =	sbr.rel @p1 .LBB2_17-.Ltmp6, $4  }
.Ltmp7:
0xff: {  	[sflag:s3] =	ssyncadd.s32 $0xFFFFC000;
	(pc) =	sbr.rel @!p1 .LBB2_22-.Ltmp7, $4  }
0x100: {  	_ =	swait.ge [sflag:s9], $0x4000  }
0x101: {  	[sflag:s9] =	ssyncset.done $0x0  }
0x102: {  	s6 =	sadd.s32 $0x100, s6;
	[sflag:s9] =	ssyncadd.s32 $0xFFFFC000  }
0x103: {  	_ = 	snop  }
.LBB2_4:
0x104: {  	s7 =	rddreg [dreg:$0x5]  }
0x105: {  	[tilespmem:s6], [sflag:$0x5] =	stream.linear.gather [hbm4b:s7+s6], $0xE00, $0x38;
	[tilespmem:$0x1E900] =	vst v63  }
0x106: {  	s21 =	rddreg [dreg:$0x6];
	s17 =	simm.s32 $0xF00  }
0x107: {  	[tilespmem:s17], [sflag:$0x6] =	stream.linear.gather [hbm4b:s21+s6], $0xE00, $0x38;
	[tilespmem:$0x1E900] =	vst v63  }
0x108: {  	s22 =	rddreg [dreg:$0x7]  }
0x109: {  	[tilespmem:s10], [sflag:$0x7] =	stream.linear.gather [hbm4b:s22+s6], $0xE00, $0x38;
	[tilespmem:$0x1E900] =	vst v63  }
0x10a: {  	_ =	swait.ge [sflag:s11], $0xE00  }
0x10b: {  	[sflag:s11] =	ssyncset.done $0x0  }
0x10c: {  	[sflag:s11] =	ssyncadd.s32 $0xFFFFF200  }
0x10d: {  	_ =	swait.ge [sflag:s12], $0xE00  }
0x10e: {  	[sflag:s12] =	ssyncset.done $0x0  }
0x10f: {  	[sflag:s12] =	ssyncadd.s32 $0xFFFFF200  }
0x110: {  	_ =	swait.ge [sflag:s13], $0xE00  }
0x111: {  	[sflag:s13] =	ssyncset.done $0x0  }
0x112: {  	s7 =	simm.s32 $0x0;
	[sflag:s13] =	ssyncadd.s32 $0xFFFFF200  }
.LBB2_5:
0x113: {  	s20 =	sadd.s32 $0x0, s6  }
0x114: {  	s18 =	sshll.u32 s7, $0x8;
	v1 =	vmov s20  }
0x115: {  	[tilespmem:s28], [sflag:$0x1] =	stream.indirect.gather [hbm4b:s4+s14], $0x80, s18, s14, $0xb8;
	v1 =	vand.u32 $0xFFFFFFFE, v1;
	[tilespmem:$0x1E900] =	vst v63  }
0x116: {  	s17 =	sor.u32 $0x80, s18;
	v2 =	vbroadcast v1, $0x0  }
0x117: {  	[tilespmem:s15], [sflag:$0x2] =	stream.indirect.gather [hbm4b:s4+s14], $0x80, s17, s14, $0xb8;
	[tilespmem:$0x1E900] =	vst v63  }
0x118: {  	_ =	swait.ge [sflag:s8], $0x4000  }
0x119: {  	[sflag:s8] =	ssyncset.done $0x0  }
0x11a: {  	s19 =	simm.s32 $0x2D80;
	[sflag:s8] =	ssyncadd.s32 $0xFFFFC000  }
0x11b: {  	v5 =	vld [tilespmem:s19+$0xFFFFFFF0]  }
0x11c: {  	v6 =	vld.idx.msk [tilespmem:v2+s10+$0x0], $0xffff  }
0x11d: {  	v7 =	vld [tilespmem:s19+$0xFFFFFF80]  }
0x11e: {  	v8 =	vld [tilespmem:s19+$0xFFFFFFA0]  }
0x11f: {  	v4 =	vld [tilespmem:s19+$0xFFFFFFB0]  }
0x120: {  	v3 =	vld [tilespmem:s19+$0xFFFFFFD0]  }
0x121: {  	v10 =	vld [tilespmem:s19+$0xFFFFFF90];
	v5 =	vmul.f32 v5, v6  }
0x122: {  	v9 =	vld [tilespmem:s19+$0xFFFFFFE0];
	v7 =	vmul.f32 v7, v6  }
0x123: {  	v11 =	vld [tilespmem:s19+$0xFFFFFFC0];
	v8 =	vmul.f32 v8, v6;
	[tilespmem:s19+$0xFFFFFFF0] =	vst v5  }
0x124: {  	v4 =	vmul.f32 v4, v6;
	[tilespmem:s19+$0xFFFFFF80] =	vst v7  }
0x125: {  	s20 =	sadd.s32 $0x1, s20;
	v3 =	vmul.f32 v3, v6;
	[tilespmem:s19+$0xFFFFFFA0] =	vst v8  }
0x126: {  	v5 =	vmul.f32 v10, v6;
	[tilespmem:s19+$0xFFFFFFB0] =	vst v4;
	v7 =	vmov s20  }
0x127: {  	v1 =	vld [tilespmem:s19+$0x0];
	v4 =	vmul.f32 v9, v6;
	[tilespmem:s19+$0xFFFFFFD0] =	vst v3  }
0x128: {  	v2 =	vld [tilespmem:s19+$0x10];
	v3 =	vmul.f32 v11, v6;
	[tilespmem:s19+$0xFFFFFF90] =	vst v5  }
0x129: {  	[tilespmem:s19+$0xFFFFFFE0] =	vst v4;
	v5 =	vld [tilespmem:s19+$0x30]  }
0x12a: {  	[tilespmem:s19+$0xFFFFFFC0] =	vst v3;
	v4 =	vld [tilespmem:s19+$0x70]  }
0x12b: {  	s21 =	simm.s32 $0x2D80;
	s20 =	simm.s32 $0x2;
	v3 =	vld.idx.msk [tilespmem:v7+s10+$0x0], $0xffff  }
.LBB2_6:
0x12c: {  	p1 =	sne.s32 s20, $0x7E  }
0x12d: {  	v6 =	vld [tilespmem:s19+$0x20];
	s21 =	sadd.s32 $0x100, s21;
	s22 =	smov.u32 s20;
	s20 =	sadd.s32 $0x2, s20  }
0x12e: {  	v7 =	vld [tilespmem:s19+$0x40]  }
0x12f: {  	v8 =	vld [tilespmem:s19+$0x50]  }
0x130: {  	v9 =	vld [tilespmem:s19+$0x60];
	_ =	sdelay $0x1  }
0x131: {  	v1 =	vmul.f32 v1, v3;
	v2 =	vmul.f32 v2, v3  }
0x132: {  	s22 =	sadd.s32 s22, s6;
	v5 =	vmul.f32 v5, v3;
	v6 =	vmul.f32 v6, v3  }
0x133: {  	v10 =	vmov s22;
	s22 =	sadd.s32 $0x1, s22;
	v7 =	vmul.f32 v7, v3;
	[tilespmem:s19+$0x0] =	vst v1;
	v8 =	vmul.f32 v8, v3  }
0x134: {  	v10 =	vand.u32 $0xFFFFFFFE, v10;
	v1 =	vld [tilespmem:s21+$0x0];
	[tilespmem:s19+$0x30] =	vst v5;
	v5 =	vmul.f32 v9, v3;
	v3 =	vmul.f32 v4, v3  }
0x135: {  	v4 =	vbroadcast v10, $0x0;
	[tilespmem:s19+$0x10] =	vst v2  }
0x136: {  	[tilespmem:s19+$0x70] =	vst v3  }
0x137: {  	v3 =	vld [tilespmem:s21+$0xFFFFFFD0];
	[tilespmem:s19+$0x20] =	vst v6  }
0x138: {  	v6 =	vld [tilespmem:s21+$0xFFFFFFB0];
	[tilespmem:s19+$0x60] =	vst v5  }
0x139: {  	v5 =	vld [tilespmem:s21+$0xFFFFFFE0];
	[tilespmem:s19+$0x40] =	vst v7  }
0x13a: {  	v7 =	vld [tilespmem:s21+$0xFFFFFFF0];
	[tilespmem:s19+$0x50] =	vst v8;
	s19 =	smov.u32 s21  }
0x13b: {  	v4 =	vld.idx.msk [tilespmem:v4+s10+$0x0], $0xffff  }
0x13c: {  	v8 =	vld [tilespmem:s21+$0xFFFFFF80]  }
0x13d: {  	v9 =	vld [tilespmem:s21+$0xFFFFFFA0]  }
0x13e: {  	v10 =	vld [tilespmem:s21+$0xFFFFFF90]  }
0x13f: {  	v11 =	vld [tilespmem:s21+$0xFFFFFFC0]  }
0x140: {  	v2 =	vld [tilespmem:s21+$0x10]  }
0x141: {  	v7 =	vmul.f32 v7, v4;
	v8 =	vmul.f32 v8, v4  }
0x142: {  	v5 =	vmul.f32 v5, v4;
	v9 =	vmul.f32 v9, v4  }
0x143: {  	v6 =	vmul.f32 v6, v4;
	v10 =	vmul.f32 v10, v4;
	[tilespmem:s21+$0xFFFFFFF0] =	vst v7  }
0x144: {  	v3 =	vmul.f32 v3, v4;
	[tilespmem:s21+$0xFFFFFF80] =	vst v8;
	v7 =	vmul.f32 v11, v4  }
0x145: {  	[tilespmem:s21+$0xFFFFFFA0] =	vst v9  }
0x146: {  	[tilespmem:s21+$0xFFFFFFB0] =	vst v6;
	v6 =	vmov s22  }
.Ltmp8:
0x147: {  	[tilespmem:s21+$0xFFFFFFD0] =	vst v3;
	(pc) =	sbr.rel @p1 .LBB2_6-.Ltmp8, $4  }
0x148: {  	[tilespmem:s21+$0xFFFFFF90] =	vst v10  }
0x149: {  	[tilespmem:s21+$0xFFFFFFE0] =	vst v5;
	v5 =	vld [tilespmem:s21+$0x30]  }
0x14a: {  	[tilespmem:s21+$0xFFFFFFC0] =	vst v7;
	v4 =	vld [tilespmem:s21+$0x70]  }
0x14b: {  	v3 =	vld.idx.msk [tilespmem:v6+s10+$0x0], $0xffff  }
0x14c: {  	_ =	sdelay $0x2  }
0x14d: {  	v6 =	vld [tilespmem:s19+$0x20]  }
0x14e: {  	v8 =	vld [tilespmem:s19+$0x40];
	v1 =	vmul.f32 v1, v3  }
0x14f: {  	v7 =	vld [tilespmem:s19+$0x60];
	v5 =	vmul.f32 v5, v3  }
0x150: {  	v9 =	vld [tilespmem:s19+$0x50];
	v2 =	vmul.f32 v2, v3;
	[tilespmem:s19+$0x0] =	vst v1  }
0x151: {  	[tilespmem:s19+$0x30] =	vst v5;
	v1 =	vmul.f32 v4, v3  }
0x152: {  	v4 =	vmul.f32 v6, v3;
	[tilespmem:s19+$0x10] =	vst v2  }
0x153: {  	s20 =	sadd.s32 $0xFFFFFF80, s6;
	[tilespmem:s19+$0x70] =	vst v1;
	v1 =	vmul.f32 v8, v3  }
0x154: {  	s21 =	sadd.s32 $0x100, s20;
	v2 =	vmul.f32 v7, v3;
	[tilespmem:s19+$0x20] =	vst v4  }
0x155: {  	v3 =	vmul.f32 v9, v3;
	[tilespmem:s19+$0x40] =	vst v1;
	v1 =	vmov s21  }
0x156: {  	[tilespmem:s19+$0x60] =	vst v2;
	v1 =	vand.u32 $0xFFFFFFFE, v1  }
0x157: {  	s18 =	sadd.s32 $0xF00, s18;
	[tilespmem:s19+$0x50] =	vst v3;
	v2 =	vbroadcast v1, $0x0  }
0x158: {  	[spmem:s1] =	stream.indirect.scatter.add.f32 [tilespmem:s28], [sflag:$0x3], $0x80, s18, s14, $0xb8;
	[tilespmem:$0x1E900] =	vst v63  }
0x159: {  	_ =	swait.ge [sflag:s16], $0x4000  }
0x15a: {  	[sflag:s16] =	ssyncset.done $0x0  }
0x15b: {  	s18 =	simm.s32 $0x6D80;
	[sflag:s16] =	ssyncadd.s32 $0xFFFFC000  }
0x15c: {  	v5 =	vld [tilespmem:s18+$0xFFFFFFF0]  }
0x15d: {  	v6 =	vld.idx.msk [tilespmem:v2+s10+$0x0], $0xffff  }
0x15e: {  	v7 =	vld [tilespmem:s18+$0xFFFFFF80]  }
0x15f: {  	v62 =	vld [tilespmem:s18+$0xFFFFFFA0]  }
0x160: {  	v4 =	vld [tilespmem:s18+$0xFFFFFFB0]  }
0x161: {  	v3 =	vld [tilespmem:s18+$0xFFFFFFD0]  }
0x162: {  	v10 =	vld [tilespmem:s18+$0xFFFFFF90];
	v5 =	vmul.f32 v5, v6  }
0x163: {  	v63 =	vld [tilespmem:s18+$0xFFFFFFE0];
	v7 =	vmul.f32 v7, v6  }
0x164: {  	v11 =	vld [tilespmem:s18+$0xFFFFFFC0];
	v8 =	vmul.f32 v62, v6;
	[tilespmem:s18+$0xFFFFFFF0] =	vst v5  }
0x165: {  	v4 =	vmul.f32 v4, v6;
	[tilespmem:s18+$0xFFFFFF80] =	vst v7  }
0x166: {  	s22 =	sadd.s32 $0x101, s20;
	v3 =	vmul.f32 v3, v6;
	[tilespmem:s18+$0xFFFFFFA0] =	vst v8  }
0x167: {  	v5 =	vmul.f32 v10, v6;
	[tilespmem:s18+$0xFFFFFFB0] =	vst v4;
	v7 =	vmov s22  }
0x168: {  	v1 =	vld [tilespmem:s18+$0x0];
	v4 =	vmul.f32 v63, v6;
	[tilespmem:s18+$0xFFFFFFD0] =	vst v3  }
0x169: {  	v2 =	vld [tilespmem:s18+$0x10];
	v3 =	vmul.f32 v11, v6;
	[tilespmem:s18+$0xFFFFFF90] =	vst v5  }
0x16a: {  	[tilespmem:s18+$0xFFFFFFE0] =	vst v4;
	v5 =	vld [tilespmem:s18+$0x30]  }
0x16b: {  	[tilespmem:s18+$0xFFFFFFC0] =	vst v3;
	v4 =	vld [tilespmem:s18+$0x70]  }
0x16c: {  	s20 =	simm.s32 $0x6D80;
	s19 =	simm.s32 $0xFFFFFF82;
	v3 =	vld.idx.msk [tilespmem:v7+s10+$0x0], $0xffff  }
.LBB2_8:
0x16d: {  	p1 =	sne.s32 s19, $0xFFFFFFFE  }
0x16e: {  	v6 =	vld [tilespmem:s18+$0x20];
	s20 =	sadd.s32 $0x100, s20;
	s21 =	smov.u32 s19;
	s19 =	sadd.s32 $0x2, s19  }
0x16f: {  	v7 =	vld [tilespmem:s18+$0x40]  }
0x170: {  	v8 =	vld [tilespmem:s18+$0x50]  }
0x171: {  	v9 =	vld [tilespmem:s18+$0x60];
	_ =	sdelay $0x1  }
0x172: {  	s21 =	sadd.s32 s21, s6;
	v1 =	vmul.f32 v1, v3;
	v2 =	vmul.f32 v2, v3  }
0x173: {  	s22 =	sadd.s32 $0x100, s21;
	s21 =	sadd.s32 $0x101, s21;
	v5 =	vmul.f32 v5, v3;
	v6 =	vmul.f32 v6, v3  }
0x174: {  	v10 =	vmov s22;
	v7 =	vmul.f32 v7, v3;
	[tilespmem:s18+$0x0] =	vst v1;
	v8 =	vmul.f32 v8, v3  }
0x175: {  	v10 =	vand.u32 $0xFFFFFFFE, v10;
	v1 =	vld [tilespmem:s20+$0x0];
	[tilespmem:s18+$0x30] =	vst v5;
	v5 =	vmul.f32 v9, v3;
	v3 =	vmul.f32 v4, v3  }
0x176: {  	v4 =	vbroadcast v10, $0x0;
	[tilespmem:s18+$0x10] =	vst v2  }
0x177: {  	[tilespmem:s18+$0x70] =	vst v3  }
0x178: {  	v3 =	vld [tilespmem:s20+$0xFFFFFFD0];
	[tilespmem:s18+$0x20] =	vst v6  }
0x179: {  	v6 =	vld [tilespmem:s20+$0xFFFFFFB0];
	[tilespmem:s18+$0x60] =	vst v5  }
0x17a: {  	v5 =	vld [tilespmem:s20+$0xFFFFFFE0];
	[tilespmem:s18+$0x40] =	vst v7  }
0x17b: {  	v7 =	vld [tilespmem:s20+$0xFFFFFFF0];
	[tilespmem:s18+$0x50] =	vst v8;
	s18 =	smov.u32 s20  }
0x17c: {  	v4 =	vld.idx.msk [tilespmem:v4+s10+$0x0], $0xffff  }
0x17d: {  	v8 =	vld [tilespmem:s20+$0xFFFFFF80]  }
0x17e: {  	v9 =	vld [tilespmem:s20+$0xFFFFFFA0]  }
0x17f: {  	v10 =	vld [tilespmem:s20+$0xFFFFFF90]  }
0x180: {  	v11 =	vld [tilespmem:s20+$0xFFFFFFC0]  }
0x181: {  	v2 =	vld [tilespmem:s20+$0x10]  }
0x182: {  	v7 =	vmul.f32 v7, v4;
	v8 =	vmul.f32 v8, v4  }
0x183: {  	v5 =	vmul.f32 v5, v4;
	v9 =	vmul.f32 v9, v4  }
0x184: {  	v6 =	vmul.f32 v6, v4;
	v10 =	vmul.f32 v10, v4;
	[tilespmem:s20+$0xFFFFFFF0] =	vst v7  }
0x185: {  	v3 =	vmul.f32 v3, v4;
	[tilespmem:s20+$0xFFFFFF80] =	vst v8;
	v7 =	vmul.f32 v11, v4  }
0x186: {  	[tilespmem:s20+$0xFFFFFFA0] =	vst v9  }
0x187: {  	[tilespmem:s20+$0xFFFFFFB0] =	vst v6;
	v6 =	vmov s21  }
.Ltmp9:
0x188: {  	[tilespmem:s20+$0xFFFFFFD0] =	vst v3;
	(pc) =	sbr.rel @p1 .LBB2_8-.Ltmp9, $4  }
0x189: {  	[tilespmem:s20+$0xFFFFFF90] =	vst v10  }
0x18a: {  	[tilespmem:s20+$0xFFFFFFE0] =	vst v5;
	v5 =	vld [tilespmem:s20+$0x30]  }
0x18b: {  	[tilespmem:s20+$0xFFFFFFC0] =	vst v7;
	v4 =	vld [tilespmem:s20+$0x70]  }
0x18c: {  	v3 =	vld.idx.msk [tilespmem:v6+s10+$0x0], $0xffff  }
0x18d: {  	_ =	sdelay $0x1  }
0x18e: {  	v6 =	vld [tilespmem:s18+$0x20];
	_ =	sdelay $0x1  }
0x18f: {  	v7 =	vld [tilespmem:s18+$0x60];
	v1 =	vmul.f32 v1, v3  }
0x190: {  	v8 =	vld [tilespmem:s18+$0x40];
	v5 =	vmul.f32 v5, v3  }
0x191: {  	v9 =	vld [tilespmem:s18+$0x50];
	v2 =	vmul.f32 v2, v3;
	[tilespmem:s18+$0x0] =	vst v1  }
0x192: {  	v63 =	vmul.f32 v6, v3;
	[tilespmem:s18+$0x30] =	vst v5  }
0x193: {  	v1 =	vmul.f32 v4, v3;
	[tilespmem:s18+$0x10] =	vst v2  }
0x194: {  	v2 =	vmul.f32 v7, v3;
	[tilespmem:s18+$0x20] =	vst v63  }
0x195: {  	[tilespmem:s18+$0x70] =	vst v1;
	v1 =	vmul.f32 v8, v3  }
0x196: {  	v3 =	vmul.f32 v9, v3;
	[tilespmem:s18+$0x60] =	vst v2  }
0x197: {  	[tilespmem:s18+$0x40] =	vst v1  }
0x198: {  	s17 =	sadd.s32 $0xF00, s17;
	s7 =	sadd.s32 $0x1, s7;
	[tilespmem:s18+$0x50] =	vst v3  }
0x199: {  	[spmem:s1] =	stream.indirect.scatter.add.f32 [tilespmem:s15], [sflag:$0x4], $0x80, s17, s14, $0xb8;
	[tilespmem:$0x1E900] =	vst v63  }
0x19a: {  	p1 =	sne.s32 s7, $0xE;
	_ =	swait.ge [sflag:s3], $0x4000  }
.Ltmp10:
0x19b: {  	[sflag:s3] =	ssyncset.done $0x0;
	(pc) =	sbr.rel @p1 .LBB2_5-.Ltmp10, $4  }
0x19c: {  	[sflag:s3] =	ssyncadd.s32 $0xFFFFC000  }
0x19d: {  	_ =	swait.ge [sflag:s9], $0x4000  }
0x19e: {  	[sflag:s9] =	ssyncset.done $0x0  }
0x19f: {  	s6 =	sadd.s32 $0x100, s6;
	[sflag:s9] =	ssyncadd.s32 $0xFFFFC000  }
0x1a0: {  	s6 =	simm.s32 $0x0;
	s7 =	rddreg [dreg:$0x8]  }
0x1a1: {  	[tilespmem:s6], [sflag:$0x5] =	stream.linear.gather [hbm4b:s7+s6], $0xF00, $0x38;
	[tilespmem:$0x1E900] =	vst v63  }
0x1a2: {  	s21 =	rddreg [dreg:$0x9];
	s17 =	simm.s32 $0xF00  }
0x1a3: {  	[tilespmem:s17], [sflag:$0x6] =	stream.linear.gather [hbm4b:s21+s6], $0xF00, $0x38;
	[tilespmem:$0x1E900] =	vst v63  }
0x1a4: {  	s22 =	rddreg [dreg:$0xa]  }
0x1a5: {  	[tilespmem:s10], [sflag:$0x7] =	stream.linear.gather [hbm4b:s22+s6], $0xF00, $0x38;
	[tilespmem:$0x1E900] =	vst v63  }
0x1a6: {  	_ =	swait.ge [sflag:s11], $0xF00  }
0x1a7: {  	[sflag:s11] =	ssyncset.done $0x0  }
0x1a8: {  	[sflag:s11] =	ssyncadd.s32 $0xFFFFF100  }
0x1a9: {  	_ =	swait.ge [sflag:s12], $0xF00  }
0x1aa: {  	[sflag:s12] =	ssyncset.done $0x0  }
0x1ab: {  	[sflag:s12] =	ssyncadd.s32 $0xFFFFF100  }
0x1ac: {  	_ =	swait.ge [sflag:s13], $0xF00  }
0x1ad: {  	[sflag:s13] =	ssyncset.done $0x0  }
0x1ae: {  	s7 =	simm.s32 $0x0;
	[sflag:s13] =	ssyncadd.s32 $0xFFFFF100  }
.LBB2_11:
0x1af: {  	s20 =	sadd.s32 $0x0, s6  }
0x1b0: {  	s18 =	sshll.u32 s7, $0x8;
	v1 =	vmov s20  }
0x1b1: {  	[tilespmem:s28], [sflag:$0x1] =	stream.indirect.gather [hbm4b:s4+s14], $0x80, s18, s14, $0xb8;
	v1 =	vand.u32 $0xFFFFFFFE, v1;
	[tilespmem:$0x1E900] =	vst v63  }
0x1b2: {  	s17 =	sor.u32 $0x80, s18;
	v2 =	vbroadcast v1, $0x0  }
0x1b3: {  	[tilespmem:s15], [sflag:$0x2] =	stream.indirect.gather [hbm4b:s4+s14], $0x80, s17, s14, $0xb8;
	[tilespmem:$0x1E900] =	vst v63  }
0x1b4: {  	_ =	swait.ge [sflag:s8], $0x4000  }
0x1b5: {  	[sflag:s8] =	ssyncset.done $0x0  }
0x1b6: {  	s19 =	simm.s32 $0x2D80;
	[sflag:s8] =	ssyncadd.s32 $0xFFFFC000  }
0x1b7: {  	v5 =	vld [tilespmem:s19+$0xFFFFFFF0]  }
0x1b8: {  	v6 =	vld.idx.msk [tilespmem:v2+s10+$0x0], $0xffff  }
0x1b9: {  	v7 =	vld [tilespmem:s19+$0xFFFFFF80]  }
0x1ba: {  	v8 =	vld [tilespmem:s19+$0xFFFFFFA0]  }
0x1bb: {  	v4 =	vld [tilespmem:s19+$0xFFFFFFB0]  }
0x1bc: {  	v3 =	vld [tilespmem:s19+$0xFFFFFFD0]  }
0x1bd: {  	v10 =	vld [tilespmem:s19+$0xFFFFFF90];
	v5 =	vmul.f32 v5, v6  }
0x1be: {  	v9 =	vld [tilespmem:s19+$0xFFFFFFE0];
	v7 =	vmul.f32 v7, v6  }
0x1bf: {  	v11 =	vld [tilespmem:s19+$0xFFFFFFC0];
	v8 =	vmul.f32 v8, v6;
	[tilespmem:s19+$0xFFFFFFF0] =	vst v5  }
0x1c0: {  	v4 =	vmul.f32 v4, v6;
	[tilespmem:s19+$0xFFFFFF80] =	vst v7  }
0x1c1: {  	s20 =	sadd.s32 $0x1, s20;
	v3 =	vmul.f32 v3, v6;
	[tilespmem:s19+$0xFFFFFFA0] =	vst v8  }
0x1c2: {  	v5 =	vmul.f32 v10, v6;
	[tilespmem:s19+$0xFFFFFFB0] =	vst v4;
	v7 =	vmov s20  }
0x1c3: {  	v1 =	vld [tilespmem:s19+$0x0];
	v4 =	vmul.f32 v9, v6;
	[tilespmem:s19+$0xFFFFFFD0] =	vst v3  }
0x1c4: {  	v2 =	vld [tilespmem:s19+$0x10];
	v3 =	vmul.f32 v11, v6;
	[tilespmem:s19+$0xFFFFFF90] =	vst v5  }
0x1c5: {  	[tilespmem:s19+$0xFFFFFFE0] =	vst v4;
	v5 =	vld [tilespmem:s19+$0x30]  }
0x1c6: {  	[tilespmem:s19+$0xFFFFFFC0] =	vst v3;
	v4 =	vld [tilespmem:s19+$0x70]  }
0x1c7: {  	s21 =	simm.s32 $0x2D80;
	s20 =	simm.s32 $0x2;
	v3 =	vld.idx.msk [tilespmem:v7+s10+$0x0], $0xffff  }
.LBB2_12:
0x1c8: {  	p1 =	sne.s32 s20, $0x7E  }
0x1c9: {  	v6 =	vld [tilespmem:s19+$0x20];
	s21 =	sadd.s32 $0x100, s21;
	s22 =	smov.u32 s20;
	s20 =	sadd.s32 $0x2, s20  }
0x1ca: {  	v7 =	vld [tilespmem:s19+$0x40]  }
0x1cb: {  	v8 =	vld [tilespmem:s19+$0x50]  }
0x1cc: {  	v9 =	vld [tilespmem:s19+$0x60];
	_ =	sdelay $0x1  }
0x1cd: {  	v1 =	vmul.f32 v1, v3;
	v2 =	vmul.f32 v2, v3  }
0x1ce: {  	s22 =	sadd.s32 s22, s6;
	v5 =	vmul.f32 v5, v3;
	v6 =	vmul.f32 v6, v3  }
0x1cf: {  	v10 =	vmov s22;
	s22 =	sadd.s32 $0x1, s22;
	v7 =	vmul.f32 v7, v3;
	[tilespmem:s19+$0x0] =	vst v1;
	v8 =	vmul.f32 v8, v3  }
0x1d0: {  	v10 =	vand.u32 $0xFFFFFFFE, v10;
	v1 =	vld [tilespmem:s21+$0x0];
	[tilespmem:s19+$0x30] =	vst v5;
	v5 =	vmul.f32 v9, v3;
	v3 =	vmul.f32 v4, v3  }
0x1d1: {  	v4 =	vbroadcast v10, $0x0;
	[tilespmem:s19+$0x10] =	vst v2  }
0x1d2: {  	[tilespmem:s19+$0x70] =	vst v3  }
0x1d3: {  	v3 =	vld [tilespmem:s21+$0xFFFFFFD0];
	[tilespmem:s19+$0x20] =	vst v6  }
0x1d4: {  	v6 =	vld [tilespmem:s21+$0xFFFFFFB0];
	[tilespmem:s19+$0x60] =	vst v5  }
0x1d5: {  	v5 =	vld [tilespmem:s21+$0xFFFFFFE0];
	[tilespmem:s19+$0x40] =	vst v7  }
0x1d6: {  	v7 =	vld [tilespmem:s21+$0xFFFFFFF0];
	[tilespmem:s19+$0x50] =	vst v8;
	s19 =	smov.u32 s21  }
0x1d7: {  	v4 =	vld.idx.msk [tilespmem:v4+s10+$0x0], $0xffff  }
0x1d8: {  	v8 =	vld [tilespmem:s21+$0xFFFFFF80]  }
0x1d9: {  	v9 =	vld [tilespmem:s21+$0xFFFFFFA0]  }
0x1da: {  	v10 =	vld [tilespmem:s21+$0xFFFFFF90]  }
0x1db: {  	v11 =	vld [tilespmem:s21+$0xFFFFFFC0]  }
0x1dc: {  	v2 =	vld [tilespmem:s21+$0x10]  }
0x1dd: {  	v7 =	vmul.f32 v7, v4;
	v8 =	vmul.f32 v8, v4  }
0x1de: {  	v5 =	vmul.f32 v5, v4;
	v9 =	vmul.f32 v9, v4  }
0x1df: {  	v6 =	vmul.f32 v6, v4;
	v10 =	vmul.f32 v10, v4;
	[tilespmem:s21+$0xFFFFFFF0] =	vst v7  }
0x1e0: {  	v3 =	vmul.f32 v3, v4;
	[tilespmem:s21+$0xFFFFFF80] =	vst v8;
	v7 =	vmul.f32 v11, v4  }
0x1e1: {  	[tilespmem:s21+$0xFFFFFFA0] =	vst v9  }
0x1e2: {  	[tilespmem:s21+$0xFFFFFFB0] =	vst v6;
	v6 =	vmov s22  }
.Ltmp11:
0x1e3: {  	[tilespmem:s21+$0xFFFFFFD0] =	vst v3;
	(pc) =	sbr.rel @p1 .LBB2_12-.Ltmp11, $4  }
0x1e4: {  	[tilespmem:s21+$0xFFFFFF90] =	vst v10  }
0x1e5: {  	[tilespmem:s21+$0xFFFFFFE0] =	vst v5;
	v5 =	vld [tilespmem:s21+$0x30]  }
0x1e6: {  	[tilespmem:s21+$0xFFFFFFC0] =	vst v7;
	v4 =	vld [tilespmem:s21+$0x70]  }
0x1e7: {  	v3 =	vld.idx.msk [tilespmem:v6+s10+$0x0], $0xffff  }
0x1e8: {  	_ =	sdelay $0x2  }
0x1e9: {  	v6 =	vld [tilespmem:s19+$0x20]  }
0x1ea: {  	v8 =	vld [tilespmem:s19+$0x40];
	v1 =	vmul.f32 v1, v3  }
0x1eb: {  	v7 =	vld [tilespmem:s19+$0x60];
	v5 =	vmul.f32 v5, v3  }
0x1ec: {  	v9 =	vld [tilespmem:s19+$0x50];
	v2 =	vmul.f32 v2, v3;
	[tilespmem:s19+$0x0] =	vst v1  }
0x1ed: {  	[tilespmem:s19+$0x30] =	vst v5;
	v1 =	vmul.f32 v4, v3  }
0x1ee: {  	v4 =	vmul.f32 v6, v3;
	[tilespmem:s19+$0x10] =	vst v2  }
0x1ef: {  	s20 =	sadd.s32 $0xFFFFFF80, s6;
	[tilespmem:s19+$0x70] =	vst v1;
	v1 =	vmul.f32 v8, v3  }
0x1f0: {  	s21 =	sadd.s32 $0x100, s20;
	v2 =	vmul.f32 v7, v3;
	[tilespmem:s19+$0x20] =	vst v4  }
0x1f1: {  	v3 =	vmul.f32 v9, v3;
	[tilespmem:s19+$0x40] =	vst v1;
	v1 =	vmov s21  }
0x1f2: {  	[tilespmem:s19+$0x60] =	vst v2;
	v1 =	vand.u32 $0xFFFFFFFE, v1  }
0x1f3: {  	s18 =	sadd.s32 $0xF00, s18;
	[tilespmem:s19+$0x50] =	vst v3;
	v2 =	vbroadcast v1, $0x0  }
0x1f4: {  	[spmem:s1] =	stream.indirect.scatter.add.f32 [tilespmem:s28], [sflag:$0x3], $0x80, s18, s14, $0xb8;
	[tilespmem:$0x1E900] =	vst v63  }
0x1f5: {  	_ =	swait.ge [sflag:s16], $0x4000  }
0x1f6: {  	[sflag:s16] =	ssyncset.done $0x0  }
0x1f7: {  	s18 =	simm.s32 $0x6D80;
	[sflag:s16] =	ssyncadd.s32 $0xFFFFC000  }
0x1f8: {  	v5 =	vld [tilespmem:s18+$0xFFFFFFF0]  }
0x1f9: {  	v6 =	vld.idx.msk [tilespmem:v2+s10+$0x0], $0xffff  }
0x1fa: {  	v7 =	vld [tilespmem:s18+$0xFFFFFF80]  }
0x1fb: {  	v62 =	vld [tilespmem:s18+$0xFFFFFFA0]  }
0x1fc: {  	v4 =	vld [tilespmem:s18+$0xFFFFFFB0]  }
0x1fd: {  	v3 =	vld [tilespmem:s18+$0xFFFFFFD0]  }
0x1fe: {  	v10 =	vld [tilespmem:s18+$0xFFFFFF90];
	v5 =	vmul.f32 v5, v6  }
0x1ff: {  	v63 =	vld [tilespmem:s18+$0xFFFFFFE0];
	v7 =	vmul.f32 v7, v6  }
0x200: {  	v11 =	vld [tilespmem:s18+$0xFFFFFFC0];
	v8 =	vmul.f32 v62, v6;
	[tilespmem:s18+$0xFFFFFFF0] =	vst v5  }
0x201: {  	v4 =	vmul.f32 v4, v6;
	[tilespmem:s18+$0xFFFFFF80] =	vst v7  }
0x202: {  	s22 =	sadd.s32 $0x101, s20;
	v3 =	vmul.f32 v3, v6;
	[tilespmem:s18+$0xFFFFFFA0] =	vst v8  }
0x203: {  	v5 =	vmul.f32 v10, v6;
	[tilespmem:s18+$0xFFFFFFB0] =	vst v4;
	v7 =	vmov s22  }
0x204: {  	v1 =	vld [tilespmem:s18+$0x0];
	v4 =	vmul.f32 v63, v6;
	[tilespmem:s18+$0xFFFFFFD0] =	vst v3  }
0x205: {  	v2 =	vld [tilespmem:s18+$0x10];
	v3 =	vmul.f32 v11, v6;
	[tilespmem:s18+$0xFFFFFF90] =	vst v5  }
0x206: {  	[tilespmem:s18+$0xFFFFFFE0] =	vst v4;
	v5 =	vld [tilespmem:s18+$0x30]  }
0x207: {  	[tilespmem:s18+$0xFFFFFFC0] =	vst v3;
	v4 =	vld [tilespmem:s18+$0x70]  }
0x208: {  	s20 =	simm.s32 $0x6D80;
	s19 =	simm.s32 $0xFFFFFF82;
	v3 =	vld.idx.msk [tilespmem:v7+s10+$0x0], $0xffff  }
.LBB2_14:
0x209: {  	p1 =	sne.s32 s19, $0xFFFFFFFE  }
0x20a: {  	v6 =	vld [tilespmem:s18+$0x20];
	s20 =	sadd.s32 $0x100, s20;
	s21 =	smov.u32 s19;
	s19 =	sadd.s32 $0x2, s19  }
0x20b: {  	v7 =	vld [tilespmem:s18+$0x40]  }
0x20c: {  	v8 =	vld [tilespmem:s18+$0x50]  }
0x20d: {  	v9 =	vld [tilespmem:s18+$0x60];
	_ =	sdelay $0x1  }
0x20e: {  	s21 =	sadd.s32 s21, s6;
	v1 =	vmul.f32 v1, v3;
	v2 =	vmul.f32 v2, v3  }
0x20f: {  	s22 =	sadd.s32 $0x100, s21;
	s21 =	sadd.s32 $0x101, s21;
	v5 =	vmul.f32 v5, v3;
	v6 =	vmul.f32 v6, v3  }
0x210: {  	v10 =	vmov s22;
	v7 =	vmul.f32 v7, v3;
	[tilespmem:s18+$0x0] =	vst v1;
	v8 =	vmul.f32 v8, v3  }
0x211: {  	v10 =	vand.u32 $0xFFFFFFFE, v10;
	v1 =	vld [tilespmem:s20+$0x0];
	[tilespmem:s18+$0x30] =	vst v5;
	v5 =	vmul.f32 v9, v3;
	v3 =	vmul.f32 v4, v3  }
0x212: {  	v4 =	vbroadcast v10, $0x0;
	[tilespmem:s18+$0x10] =	vst v2  }
0x213: {  	[tilespmem:s18+$0x70] =	vst v3  }
0x214: {  	v3 =	vld [tilespmem:s20+$0xFFFFFFD0];
	[tilespmem:s18+$0x20] =	vst v6  }
0x215: {  	v6 =	vld [tilespmem:s20+$0xFFFFFFB0];
	[tilespmem:s18+$0x60] =	vst v5  }
0x216: {  	v5 =	vld [tilespmem:s20+$0xFFFFFFE0];
	[tilespmem:s18+$0x40] =	vst v7  }
0x217: {  	v7 =	vld [tilespmem:s20+$0xFFFFFFF0];
	[tilespmem:s18+$0x50] =	vst v8;
	s18 =	smov.u32 s20  }
0x218: {  	v4 =	vld.idx.msk [tilespmem:v4+s10+$0x0], $0xffff  }
0x219: {  	v8 =	vld [tilespmem:s20+$0xFFFFFF80]  }
0x21a: {  	v9 =	vld [tilespmem:s20+$0xFFFFFFA0]  }
0x21b: {  	v10 =	vld [tilespmem:s20+$0xFFFFFF90]  }
0x21c: {  	v11 =	vld [tilespmem:s20+$0xFFFFFFC0]  }
0x21d: {  	v2 =	vld [tilespmem:s20+$0x10]  }
0x21e: {  	v7 =	vmul.f32 v7, v4;
	v8 =	vmul.f32 v8, v4  }
0x21f: {  	v5 =	vmul.f32 v5, v4;
	v9 =	vmul.f32 v9, v4  }
0x220: {  	v6 =	vmul.f32 v6, v4;
	v10 =	vmul.f32 v10, v4;
	[tilespmem:s20+$0xFFFFFFF0] =	vst v7  }
0x221: {  	v3 =	vmul.f32 v3, v4;
	[tilespmem:s20+$0xFFFFFF80] =	vst v8;
	v7 =	vmul.f32 v11, v4  }
0x222: {  	[tilespmem:s20+$0xFFFFFFA0] =	vst v9  }
0x223: {  	[tilespmem:s20+$0xFFFFFFB0] =	vst v6;
	v6 =	vmov s21  }
.Ltmp12:
0x224: {  	[tilespmem:s20+$0xFFFFFFD0] =	vst v3;
	(pc) =	sbr.rel @p1 .LBB2_14-.Ltmp12, $4  }
0x225: {  	[tilespmem:s20+$0xFFFFFF90] =	vst v10  }
0x226: {  	[tilespmem:s20+$0xFFFFFFE0] =	vst v5;
	v5 =	vld [tilespmem:s20+$0x30]  }
0x227: {  	[tilespmem:s20+$0xFFFFFFC0] =	vst v7;
	v4 =	vld [tilespmem:s20+$0x70]  }
0x228: {  	v3 =	vld.idx.msk [tilespmem:v6+s10+$0x0], $0xffff  }
0x229: {  	_ =	sdelay $0x1  }
0x22a: {  	v6 =	vld [tilespmem:s18+$0x20];
	_ =	sdelay $0x1  }
0x22b: {  	v7 =	vld [tilespmem:s18+$0x60];
	v1 =	vmul.f32 v1, v3  }
0x22c: {  	v8 =	vld [tilespmem:s18+$0x40];
	v5 =	vmul.f32 v5, v3  }
0x22d: {  	v9 =	vld [tilespmem:s18+$0x50];
	v2 =	vmul.f32 v2, v3;
	[tilespmem:s18+$0x0] =	vst v1  }
0x22e: {  	v63 =	vmul.f32 v6, v3;
	[tilespmem:s18+$0x30] =	vst v5  }
0x22f: {  	v1 =	vmul.f32 v4, v3;
	[tilespmem:s18+$0x10] =	vst v2  }
0x230: {  	v2 =	vmul.f32 v7, v3;
	[tilespmem:s18+$0x20] =	vst v63  }
0x231: {  	[tilespmem:s18+$0x70] =	vst v1;
	v1 =	vmul.f32 v8, v3  }
0x232: {  	v3 =	vmul.f32 v9, v3;
	[tilespmem:s18+$0x60] =	vst v2  }
0x233: {  	[tilespmem:s18+$0x40] =	vst v1  }
0x234: {  	s17 =	sadd.s32 $0xF00, s17;
	s7 =	sadd.s32 $0x1, s7;
	[tilespmem:s18+$0x50] =	vst v3  }
0x235: {  	[spmem:s1] =	stream.indirect.scatter.add.f32 [tilespmem:s15], [sflag:$0x4], $0x80, s17, s14, $0xb8;
	[tilespmem:$0x1E900] =	vst v63  }
0x236: {  	p1 =	seq.s32 s7, $0xF;
	_ =	swait.ge [sflag:s3], $0x4000  }
.Ltmp13:
0x237: {  	[sflag:s3] =	ssyncset.done $0x0;
	(pc) =	sbr.rel @!p1 .LBB2_11-.Ltmp13, $4  }
.Ltmp14:
0x238: {  	[sflag:s3] =	ssyncadd.s32 $0xFFFFC000;
	(pc) =	sbr.rel @p1 .LBB2_22-.Ltmp14, $4  }
0x239: {  	_ =	swait.ge [sflag:s9], $0x4000  }
0x23a: {  	[sflag:s9] =	ssyncset.done $0x0  }
0x23b: {  	s6 =	sadd.s32 $0x100, s6;
	[sflag:s9] =	ssyncadd.s32 $0xFFFFC000  }
0x23c: {  	_ = 	snop  }
.LBB2_23:
0x23d: {  	_ =	sfence.sel $0x180000  }
0x23e: {  	[bflag:$0x0] =	sbarrier.arrive $0xFFFF  }
0x23f: {  	_ =	strace $0x9000004D  }
0x240: {  	s0 =	stileid.u32;
	[bflag:$0x2] =	sbarrier.arrive $0xFFFF  }
0x241: {  	p0 =	sne.s32 s0, $0x0;
	s0 =	rddreg [dreg:$0x2]  }
0x242: {  	s0 =	sadd.s32 @!p0 $0x100000, s0  }
0x243: {  	[sflag:s0] =	ssyncadd.tile.s32 @!p0 $0x1;
	_ =	shalt  }
.Lfunc_end2:
_tile_overlayer_lowered:
.L_overlay_start_2:
0x244: {  	(tag) =	ssettag $0x2  }
0x245: {  	s0 =	rddreg [dreg:$0x0];
	s2 =	stileid.u32  }
0x246: {  	s1 =	rddreg [dreg:$0x1];
	p0 =	sne.s32 s2, $0x0  }
0x247: {  	s3 =	rddreg [dreg:$0x2];
	[bflag:$0x3] =	sbarrier.arrive $0xFFFF;
	s2 =	simm.s32 @!p0 $0x1C0C  }
0x248: {  	[timem:s3], [sflag:s2] =	dma.local @!p0 [hbm:s0], s1  }
0x249: {  	s0 =	simm.s32 @!p0 $0xC  }
0x24a: {  	_ =	swait.ge @!p0 [sflag:s0], s1  }
0x24b: {  	s1 =	ssub.s32 @!p0 $0x0, s1;
	[sflag:s0] =	ssyncset.done @!p0 $0x0  }
0x24c: {  	[sflag:s0] =	ssyncadd.s32 @!p0 s1  }
0x24d: {  	[bflag:$0x3] =	sbarrier.arrive $0xFFFF  }
0x24e: {  	_ =	shalt  }

// kernel: kernel.9.cloned.1.call-start
scs
__scs_entry_jumppad:
0x0: {  	(pc) =	sbr.rel $0x88, $3  }
0x1: {  	(tag) =	ssettag $0x0;
	lr =	simm.s32 $0x1  }
0x2: {  	[smem:$0x3F96] =	sst lr;
	_ =	strace $0xD0000000  }
0x3: {  	_ = 	snop  }
0x4: {  	_ = 	snop  }
0x5: {  	_ = 	snop  }
0x6: {  	_ = 	snop  }
0x7: {  	_ = 	snop  }
__scs_overlays_trampoline_lowered:
0x8: {  	[smem:$0x3FA5] =	sst s0  }
0x9: {  	[smem:$0x3FA6] =	sst s1  }
0xa: {  	[smem:$0x3FA7] =	sst s2  }
0xb: {  	[smem:$0x3FA8] =	sst s3  }
0xc: {  	[smem:$0x3FA9] =	sst s4  }
0xd: {  	[smem:$0x3FAA] =	sst s5  }
0xe: {  	[smem:$0x3FAB] =	sst s6  }
0xf: {  	[smem:$0x3FAC] =	sst s7  }
0x10: {  	[smem:$0x3FAD] =	sst s8  }
0x11: {  	[smem:$0x3FAE] =	sst s9;
	s0 =	simm.s32 @!p0 $0x0  }
0x12: {  	s1 =	sld [smem:$0x3F94];
	s0 =	simm.s32 @p0 $0x1  }
0x13: {  	[smem:$0x3FAF] =	sst s0;
	s0 =	simm.s32 @!p1 $0x0  }
0x14: {  	s2 =	sld [smem:$0x3F93];
	s0 =	simm.s32 @p1 $0x1  }
0x15: {  	[smem:$0x3FB0] =	sst s0;
	s0 =	simm.s32 @!p2 $0x0  }
0x16: {  	s3 =	sld [smem:$0x3FDB];
	s0 =	simm.s32 @p2 $0x1  }
0x17: {  	s4 =	simm.s32 $0x1BF5;
	[smem:$0x3FB2] =	sst s0  }
0x18: {  	s0 =	sld [smem:$0x3F95];
	_ =	swait.ge [sflag:s4], $0x0  }
0x19: {  	s7 =	sld [smem:$0x3F96]  }
0x1a: {  	s8 =	sadd.s32 $0xFFFFE003, lr  }
0x1b: {  	s9 =	sadd.s32 $0xFFFFFEF7, lr;
	s5 =	simm.s32 $0xFFFFFFFF;
	p2 =	slt.u32 s8, $0xFFFFF086  }
0x1c: {  	p1 =	slt.u32 s9, $0xF7A;
	s5 =	simm.s32 @!p2 $0x0  }
0x1d: {  	s5 =	simm.s32 @p1 $0x1;
	p0 =	seq.s32 s7, s2  }
0x1e: {  	s7 =	smul.u32 @!p0 $0xF7A, s2;
	p2 =	seq.s32 @!p0 s5, $0x0  }
0x1f: {  	s9 =	smul.u32 $0xF7A, s1;
	s8 =	simm.s32 @!p0 $0x1BF5;
	p2 =	por !p2, p0  }
0x20: {  	[sflag:s8] =	ssyncset.s32 @!p0 $0xFFFFF086;
	s6 =	sadd.s32 @!p0 s3, s7;
	s7 =	simm.s32 @!p0 $0x108  }
0x21: {  	s3 =	sadd.s32 s3, s9;
	s6 =	sadd.s32 @!p0 $0x88, s6;
	s7 =	simm.s32 @p2 $0x1082  }
0x22: {  	[simem:s7], [sflag:s8] =	dma.local @!p0 [hbm:s6], $0xF7A  }
0x23: {  	s9 =	sor.u32 $0xD0000000, s2;
	s6 =	simm.s32 $0x108;
	_ =	swait.ge @!p0 [sflag:s8], $0x0  }
0x24: {  	s3 =	sadd.s32 $0x88, s3;
	s6 =	simm.s32 @!p1 $0x1082;
	[sflag:s4] =	ssyncset.s32 $0xFFFFF086  }
0x25: {  	[simem:s6], [sflag:s4] =	dma.local [hbm:s3], $0xF7A  }
0x26: {  	[smem:$0x3F96] =	sst s1;
	(tag) =	ssettag s2;
	_ =	strace s9  }
0x27: {  	s1 =	sld [smem:$0x3FA6]  }
0x28: {  	s2 =	sld [smem:$0x3FA7]  }
0x29: {  	s4 =	sld [smem:$0x3FA9]  }
0x2a: {  	p0 =	seq.s32 s5, $0x0;
	s5 =	sld [smem:$0x3FAA]  }
0x2b: {  	s6 =	sld [smem:$0x3FAB]  }
0x2c: {  	s7 =	sld [smem:$0x3FAC]  }
0x2d: {  	s3 =	simm.s32 $0x108;
	s8 =	sld [smem:$0x3FAD]  }
0x2e: {  	s3 =	simm.s32 @!p0 $0x1082;
	s9 =	sld [smem:$0x3FAE]  }
0x2f: {  	lr =	sadd.s32 s0, s3;
	s0 =	sld [smem:$0x3FA5]  }
0x30: {  	s3 =	sld [smem:$0x3FA8]  }
0x31: {  	[smem:$0x3FB1] =	sst s10  }
0x32: {  	s10 =	sld [smem:$0x3FAF];
	_ =	sdelay $0x3  }
0x33: {  	p0 =	seq.s32 s10, $0x1;
	s10 =	sld [smem:$0x3FB1];
	_ =	sdelay $0x3  }
0x34: {  	[smem:$0x3FB1] =	sst s10  }
0x35: {  	s10 =	sld [smem:$0x3FB0];
	_ =	sdelay $0x3  }
0x36: {  	p1 =	seq.s32 s10, $0x1;
	s10 =	sld [smem:$0x3FB1];
	_ =	sdelay $0x3  }
0x37: {  	[smem:$0x3FB1] =	sst s10  }
0x38: {  	s10 =	sld [smem:$0x3FB2]  }
0x39: {  	_ = 	snop;
	(pc) =	sbr.ind lr, $3  }
0x3a: {  	_ = 	snop  }
0x3b: {  	_ = 	snop  }
0x3c: {  	p2 =	seq.s32 s10, $0x1;
	s10 =	sld [smem:$0x3FB1]  }
0x3d: {  	_ =	shalt  }
0x3e: {  	_ =	shalt  }
0x3f: {  	_ =	shalt  }
0x40: {  	_ =	shalt  }
0x41: {  	_ =	shalt  }
0x42: {  	_ =	shalt  }
0x43: {  	_ =	shalt  }
0x44: {  	_ =	shalt  }
0x45: {  	_ =	shalt  }
0x46: {  	_ =	shalt  }
0x47: {  	_ =	shalt  }
0x48: {  	_ =	shalt  }
0x49: {  	_ =	shalt  }
0x4a: {  	_ =	shalt  }
0x4b: {  	_ =	shalt  }
0x4c: {  	_ =	shalt  }
0x4d: {  	_ =	shalt  }
0x4e: {  	_ =	shalt  }
0x4f: {  	_ =	shalt  }
0x50: {  	_ =	shalt  }
0x51: {  	_ =	shalt  }
0x52: {  	_ =	shalt  }
0x53: {  	_ =	shalt  }
0x54: {  	_ =	shalt  }
0x55: {  	_ =	shalt  }
0x56: {  	_ =	shalt  }
0x57: {  	_ =	shalt  }
0x58: {  	_ =	shalt  }
0x59: {  	_ =	shalt  }
0x5a: {  	_ =	shalt  }
0x5b: {  	_ =	shalt  }
0x5c: {  	_ =	shalt  }
0x5d: {  	_ =	shalt  }
0x5e: {  	_ =	shalt  }
0x5f: {  	_ =	shalt  }
0x60: {  	_ =	shalt  }
0x61: {  	_ =	shalt  }
0x62: {  	_ =	shalt  }
0x63: {  	_ =	shalt  }
0x64: {  	_ =	shalt  }
0x65: {  	_ =	shalt  }
0x66: {  	_ =	shalt  }
0x67: {  	_ =	shalt  }
0x68: {  	_ =	shalt  }
0x69: {  	_ =	shalt  }
0x6a: {  	_ =	shalt  }
0x6b: {  	_ =	shalt  }
0x6c: {  	_ =	shalt  }
0x6d: {  	_ =	shalt  }
0x6e: {  	_ =	shalt  }
0x6f: {  	_ =	shalt  }
0x70: {  	_ =	shalt  }
0x71: {  	_ =	shalt  }
0x72: {  	_ =	shalt  }
0x73: {  	_ =	shalt  }
0x74: {  	_ =	shalt  }
0x75: {  	_ =	shalt  }
0x76: {  	_ =	shalt  }
0x77: {  	_ =	shalt  }
0x78: {  	_ =	shalt  }
0x79: {  	_ =	shalt  }
0x7a: {  	_ =	shalt  }
0x7b: {  	_ =	shalt  }
0x7c: {  	_ =	shalt  }
0x7d: {  	_ =	shalt  }
0x7e: {  	_ =	shalt  }
0x7f: {  	_ =	shalt  }
0x80: {  	_ =	shalt  }
0x81: {  	_ =	shalt  }
0x82: {  	_ =	shalt  }
0x83: {  	_ =	shalt  }
0x84: {  	_ =	shalt  }
0x85: {  	_ =	shalt  }
0x86: {  	_ =	shalt  }
0x87: {  	_ =	shalt  }
.Lfunc_end0:
.L_simem_size_0:
called_computation_lowered:
.L_overlay_start_0:
0x88: {  	s2 =	sld [smem:$0x3FD9]  }
0x89: {  	s3 =	sld [smem:$0x3FFE];
	_ =	sdelay $0x1  }
0x8a: {  	s1 =	srdreg.scid  }
0x8b: {  	s0 =	sand.u32 $0x1, s1  }
0x8c: {  	s17 =	sshll.u32 s0, $0xA;
	s2 =	sadd.s32 s3, s2  }
0x8d: {  	s2 =	sadd.s32 s2, s17  }
0x8e: {  	[smem:$0x3FBD] =	sst s2  }
0x8f: {  	_ = 	snop  }
0x90: {  	s2 =	sld [smem:$0x3FD0];
	(tm) =	ssettm $0x1  }
0x91: {  	s18 =	sld [smem:$0x3FFB];
	_ =	sdelay $0x3  }
0x92: {  	_ =	strace s18  }
0x93: {  	s3 =	sld [smem:$0x3FFC];
	_ =	sdelay $0x3  }
0x94: {  	_ =	strace s3  }
0x95: {  	s3 =	sld [smem:$0x3FFD];
	_ =	sdelay $0x3  }
0x96: {  	_ =	strace s3  }
0x97: {  	_ =	strace $0x8FFFFFFF  }
0x98: {  	s19 =	sld [smem:$0x3FDB];
	_ =	sdelay $0x1  }
0x99: {  	s4 =	simm.s32 $_scs_section_size  }
0x9a: {  	s5 =	simm.s32 $_size__tile_overlayer_lowered;
	s6 =	simm.s32 $_tile_overlayer_lowered  }
0x9b: {  	s22 =	simm.s32 $0x1BFF;
	s21 =	sshll.u32 s6, $0x1;
	s3 =	sadd.s32 s4, s19  }
0x9c: {  	s7 =	simm.s32 $0x0;
	s20 =	sshll.u32 s5, $0x1;
	s5 =	sadd.s32 s21, s3  }
0x9d: {  	[timem:s7], [sflag:s22] =	dma.local [hbm:s5], s20  }
0x9e: {  	_ =	swait.ge [sflag:s22], s20  }
0x9f: {  	s4 =	ssub.s32 $0x0, s20;
	[sflag:s22] =	ssyncset.done $0x0  }
0xa0: {  	[sflag:s22] =	ssyncadd.s32 s4;
	_ =	sdelay $0x1  }
0xa1: {  	s23 =	simm.s32 $0x1B8B  }
0xa2: {  	_ =	swait.ge [sflag:s23], $0x1  }
0xa3: {  	[sflag:s23] =	ssyncset.done $0x0  }
0xa4: {  	s25 =	simm.s32 $0x1B8E;
	s24 =	sld [smem:$0x3FFE];
	[sflag:s23] =	ssyncadd.s32 $0xFFFFFFFF  }
0xa5: {  	s26 =	simm.s32 $execute0_lowered;
	[smem:$0x3FD2] =	sst s25  }
0xa6: {  	s5 =	sshll.u32 s26, $0x1;
	_ =	strace $0x80000046;
	[dreg:$0x1] =	wrdreg $0xFFFFFFFF  }
0xa7: {  	s28 =	simm.s32 $_size_execute0_lowered;
	s3 =	sadd.s32 s3, s5;
	[dreg:$0x0] =	wrdreg $0x0  }
0xa8: {  	s5 =	sshll.u32 s28, $0x1;
	[dreg:$0x2] =	wrdreg s3  }
0xa9: {  	[dreg:$0x3] =	wrdreg s5  }
0xaa: {  	[dreg:$0x4] =	wrdreg $0xC0  }
0xab: {  	_ =	task [dreg:s7], $0x5FFFF  }
0xac: {  	[dreg:$0x1] =	wrdreg $0xFFFFFFFF  }
0xad: {  	[dreg:$0x0] =	wrdreg $0x60  }
0xae: {  	[dreg:$0x2] =	wrdreg s2  }
0xaf: {  	[dreg:$0x3] =	wrdreg s24  }
0xb0: {  	[dreg:$0x4] =	wrdreg $0x5A000  }
0xb1: {  	[dreg:$0x5] =	wrdreg $0x9  }
0xb2: {  	_ =	task.clear_ibuf [dreg:s7], $0x6FFFF;
	_ =	strace $0x90000046  }
0xb3: {  	s29 =	simm.s32 $0x9;
	_ =	strace $0x80000048  }
0xb4: {  	_ =	swait.ge [sflag:s29], $0x1  }
0xb5: {  	[sflag:s29] =	ssyncadd.s32 $0xFFFFFFFF  }
0xb6: {  	_ =	strace $0x90000048  }
0xb7: {  	_ =	sfence  }
0xb8: {  	s30 =	sld [smem:$0x0];
	_ =	sdelay $0x2  }
0xb9: {  	s31 =	sshll.u32 s1, $0xD;
	s1 =	sshrl.u32 s1, $0x2  }
0xba: {  	s3 =	sand.u32 $0x4000, s31;
	s1 =	sadd.s32 s1, s30  }
0xbb: {  	s0 =	sor.u32 s3, s0;
	s1 =	sshll.u32 s1, $0x11  }
0xbc: {  	s0 =	sor.u32 s1, s0  }
0xbd: {  	s0 =	sadd.s32 $0x8F2B, s0  }
0xbe: {  	[sflag:s0] =	ssyncadd.remote.s32 $0x1  }
0xbf: {  	_ =	sfence.sel $0xFFFF  }
0xc0: {  	[dreg:$0x0] =	wrdreg $0xFFFFFFFF;
	(pc) =	sbr.abs _section_cstart, $3  }
0xc1: {  	[dreg:$0x1] =	wrdreg $0xFFFFFFFF  }
0xc2: {  	_ =	task.clear_ibuf [dreg:s7], $0x2FFFF;
	_ =	strace $0x9FFFFFFF  }
0xc3: {  	(tm) =	ssettm $0x7FFFFFFF  }
tec
execute0_lowered:
.L_overlay_start_1:
0x0: {  	(tag) =	ssettag $0x1  }
0x1: {  	s5 =	rddreg [dreg:$0x0]  }
0x2: {  	s6 =	rddreg [dreg:$0x1];
	s0 =	stileid.u32  }
0x3: {  	s2 =	rddreg [dreg:$0x2];
	s3 =	srdreg.scid;
	s16 =	simm.s32 $0x5700  }
0x4: {  	s17 =	simm.s32 $0x5880;
	s18 =	simm.s32 $0x0;
	s1 =	sshrl.u32 s0, $0x3  }
0x5: {  	s7 =	sshll.u32 s0, $0x7;
	s8 =	sand.u32 $0x1, s3;
	s10 =	smul.u32 $0x580, s0  }
0x6: {  	s3 =	simm.s32 $0x0;
	s12 =	smul.u32 $0xA00, s0;
	s14 =	sshll.u32 s0, $0x6  }
0x7: {  	s4 =	smul.u32 $0x15800, s1;
	s1 =	rddreg [dreg:$0x3];
	s7 =	sand.u32 $0x380, s7  }
0x8: {  	s9 =	sshll.u32 s8, $0x4;
	[smem:$0x7FF] =	sst s3;
	s8 =	ssub.s32 $0x2, s8  }
0x9: {  	s14 =	sor.u32 $0x1C01, s14;
	s28 =	sor.u32 s0, s9;
	_ =	strace $0x80000047  }
0xa: {  	s30 =	sshrl.u32 s8, $0x1;
	s5 =	sadd.s32 s5, s10;
	s31 =	sshrl.u32 s12, $0x2  }
0xb: {  	s10 =	simm.s32 $0x1;
	s12 =	simm.s32 $0x400;
	s4 =	sor.u32 s7, s4  }
0xc: {  	s7 =	smul.u32 $0x140, s28;
	s13 =	ssub.s32 s8, s30;
	s15 =	sadd.s32 s31, s2  }
0xd: {  	s4 =	sshrl.u32 s4, $0x3;
	s9 =	smax.u32 s13, $0x1;
	s13 =	simm.s32 $0x2C00  }
0xe: {  	s15 =	sshrl.u32 s15, $0x3;
	s29 =	sadd.s32 s4, s6;
	s11 =	sshrl.u32 s7, $0x3  }
0xf: {  	s4 =	sadd.s32 $0x8200, s6;
	s7 =	sadd.s32 s7, s2;
	s11 =	sadd.s32 s11, s6  }
0x10: {  	s6 =	sadd.s32 $0x2C00, s29;
	s8 =	sadd.s32 $0x8400, s11;
	s11 =	simm.s32 $0x80  }
.LBB2_1:
0x11: {  	[tilespmem:s3], [sflag:$0x1] =	stream.linear.gather [hbm4b:s5+s3], $0x2B00, $0x38;
	[tilespmem:$0x5C80] =	vst v63  }
0x12: {  	_ =	swait.ge [sflag:s10], $0x2B00  }
0x13: {  	[sflag:s10] =	ssyncset.done $0x0  }
0x14: {  	[sflag:s10] =	ssyncadd.s32 $0xFFFFD500  }
0x15: {  	[tilespmem:s13], [sflag:$0x1] =	stream.strided.gather [hbm4b:s6+s11], $0x2B00, s12, s11, $0x38;
	[tilespmem:$0x5C80] =	vst v63  }
0x16: {  	_ =	swait.ge [sflag:s10], $0x2B00  }
0x17: {  	[sflag:s10] =	ssyncset.done $0x0  }
0x18: {  	[sflag:s10] =	ssyncadd.s32 $0xFFFFD500  }
0x19: {  	[spmem:s15], [sflag:s14] =	dma.local [hbm:s4], $0x50  }
0x1a: {  	_ =	swait.ge [sflag:s10], $0x50  }
0x1b: {  	[sflag:s10] =	ssyncset.done $0x0  }
0x1c: {  	[sflag:s10] =	ssyncadd.s32 $0xFFFFFFB0  }
0x1d: {  	s19 =	simm.s32 $0x0;
	s20 =	simm.s32 $0x2C00;
	[bflag:$0x0] =	sbarrier.arrive $0xFFFF  }
0x1e: {  	[spmem:s2] =	stream.indirect.scatter.add.f32 [tilespmem:s20], [sflag:$0x1], $0x1, s19, s11, $0xb8;
	[tilespmem:$0x5C80] =	vst v63  }
0x1f: {  	s19 =	simm.s32 $0x200;
	_ =	swait.ge [sflag:s10], $0x80  }
.LBB2_2:
0x20: {  	s20 =	sshra.s32 s19, $0x2;
	[sflag:s10] =	ssyncset.done $0x0;
	p0 =	sne.s32 s19, $0xAA00  }
.Ltmp0:
0x21: {  	s21 =	sadd.s32 $0x2C00, s20;
	[sflag:s10] =	ssyncadd.s32 $0xFFFFFF80;
	(pc) =	sbr.rel @p0 .LBB2_2-.Ltmp0, $3  }
0x22: {  	[spmem:s2] =	stream.indirect.scatter.add.f32 [tilespmem:s21], [sflag:$0x1], $0x1, s20, s11, $0xb8;
	[tilespmem:$0x5C80] =	vst v63  }
0x23: {  	s19 =	sadd.s32 $0x200, s19;
	_ =	sdelay $0x1  }
0x24: {  	_ =	swait.ge [sflag:s10], $0x80  }
0x25: {  	[sflag:s10] =	ssyncset.done $0x0  }
0x26: {  	[sflag:s10] =	ssyncadd.s32 $0xFFFFFF80  }
0x27: {  	[bflag:$0x0] =	sbarrier.arrive $0xFFFF  }
0x28: {  	[tilespmem:s16], [sflag:$0x1] =	stream.linear.gather [spmem:s7], $0x140, $0x38;
	[tilespmem:$0x5C80] =	vst v63  }
0x29: {  	_ =	swait.ge [sflag:s10], $0x140  }
0x2a: {  	[sflag:s10] =	ssyncset.done $0x0  }
0x2b: {  	s20 =	simm.s32 $0x0;
	[sflag:s10] =	ssyncadd.s32 $0xFFFFFEC0  }
0x2c: {  	v0 =	vld [tilespmem:s20+$0x5700];
	_ =	sdelay $0x4  }
0x2d: {  	s19 =	simm.s32 $0x10;
	v1 =	vshrl.u32 v0, $0x1;
	v6 =	vmul.f32 $5.000000000e-01, v0  }
0x2e: {  	v0 =	vld [tilespmem:s19+$0x5700];
	v1 =	vsub.s32 $0x5F3759DF, v1  }
0x2f: {  	v2 =	vmul.f32 v1, v6;
	_ =	sdelay $0x1  }
0x30: {  	v2 =	vmul.f32 v1, v2  }
0x31: {  	s21 =	simm.s32 $0x20  }
0x32: {  	v4 =	vld [tilespmem:s21+$0x5700];
	v3 =	vshrl.u32 v0, $0x1;
	v0 =	vmul.f32 $5.000000000e-01, v0;
	v2 =	vsub.f32 $1.500000000e+00, v2  }
0x33: {  	v3 =	vsub.s32 $0x5F3759DF, v3  }
0x34: {  	v5 =	vmul.f32 v3, v0;
	v1 =	vmul.f32 v1, v2;
	_ =	sdelay $0x1  }
0x35: {  	v5 =	vmul.f32 v3, v5;
	v7 =	vmul.f32 v1, v6  }
0x36: {  	s22 =	simm.s32 $0x30;
	v8 =	vshrl.u32 v4, $0x1;
	v2 =	vmul.f32 $5.000000000e-01, v4  }
0x37: {  	v9 =	vld [tilespmem:s22+$0x5700];
	v4 =	vsub.f32 $1.500000000e+00, v5;
	v5 =	vmul.f32 v7, v1;
	v7 =	vsub.s32 $0x5F3759DF, v8  }
0x38: {  	v8 =	vmul.f32 v7, v2  }
0x39: {  	v4 =	vmul.f32 v3, v4;
	v3 =	vsub.f32 $1.500000000e+00, v5  }
0x3a: {  	v5 =	vmul.f32 v7, v8  }
0x3b: {  	v8 =	vmul.f32 v4, v0;
	v1 =	vmul.f32 v3, v1  }
0x3c: {  	v10 =	vshrl.u32 v9, $0x1;
	v3 =	vmul.f32 $5.000000000e-01, v9  }
0x3d: {  	v9 =	vsub.f32 $1.500000000e+00, v5;
	v11 =	vmul.f32 v8, v4;
	v8 =	vmul.f32 v1, v6  }
0x3e: {  	s23 =	simm.s32 $0x40  }
0x3f: {  	v6 =	vmul.f32 v7, v9;
	v7 =	vmul.f32 v8, v1;
	v8 =	vld [tilespmem:s23+$0x5700]  }
0x40: {  	v5 =	vsub.s32 $0x5F3759DF, v10  }
0x41: {  	v10 =	vmul.f32 v5, v3  }
0x42: {  	v9 =	vsub.f32 $1.500000000e+00, v11  }
0x43: {  	s24 =	simm.s32 $0x140;
	v11 =	vmul.f32 v5, v10;
	v10 =	vmul.f32 v6, v2  }
.LBB2_4:
0x44: {  	s25 =	sshra.s32 s24, $0x2;
	v12 =	vshrl.u32 v8, $0x1;
	v9 =	vmul.f32 v9, v4;
	v7 =	vsub.f32 $1.500000000e+00, v7;
	v4 =	vmovc v6;
	p0 =	sne.s32 s24, $0x4C0  }
.Ltmp1:
0x45: {  	v13 =	vmul.f32 $5.000000000e-01, v8;
	v8 =	vld [tilespmem:s25+$0x5700];
	v6 =	vsub.f32 $1.500000000e+00, v11;
	v10 =	vmul.f32 v10, v4;
	(pc) =	sbr.rel @p0 .LBB2_4-.Ltmp1, $4  }
0x46: {  	s24 =	sadd.s32 $0x40, s24;
	v11 =	vsub.s32 $0x5F3759DF, v12;
	v12 =	vmul.f32 v9, v0;
	v14 =	vmul.f32 v7, v1;
	v1 =	vmovc v9;
	v0 =	vmovc v2  }
0x47: {  	v15 =	vmul.f32 v11, v13;
	v2 =	vmovc v3;
	v3 =	vmovc v13;
	v6 =	vmul.f32 v5, v6;
	v5 =	vmov v11  }
0x48: {  	v9 =	vsub.f32 $1.500000000e+00, v10;
	v7 =	vmul.f32 v12, v1;
	[tilespmem:s20+$0x5880] =	vst v14;
	s20 =	smov.u32 s19;
	s19 =	smov.u32 s21;
	s21 =	smov.u32 s22  }
0x49: {  	v11 =	vmul.f32 v5, v15;
	s22 =	smov.u32 s23;
	s23 =	smov.u32 s25;
	v10 =	vmul.f32 v6, v2  }
0x4a: {  	v12 =	vshrl.u32 v8, $0x1;
	v51 =	vmul.f32 $5.000000000e-01, v8  }
0x4b: {  	v12 =	vsub.s32 $0x5F3759DF, v12  }
0x4c: {  	v13 =	vmul.f32 v12, v51;
	_ =	sdelay $0x1  }
0x4d: {  	v13 =	vmul.f32 v12, v13  }
0x4e: {  	v11 =	vsub.f32 $1.500000000e+00, v11  }
0x4f: {  	v13 =	vsub.f32 $1.500000000e+00, v13  }
0x50: {  	v5 =	vmul.f32 v5, v11  }
0x51: {  	v52 =	vmul.f32 v12, v13  }
0x52: {  	v53 =	vmul.f32 v5, v3  }
0x53: {  	v10 =	vmul.f32 v10, v6;
	v13 =	vmul.f32 v52, v51  }
0x54: {  	v12 =	vmul.f32 v53, v5  }
0x55: {  	v10 =	vsub.f32 $1.500000000e+00, v10;
	v13 =	vmul.f32 v13, v52  }
0x56: {  	v4 =	vmul.f32 v9, v4;
	v54 =	vsub.f32 $1.500000000e+00, v12  }
0x57: {  	v55 =	vmul.f32 v10, v6;
	v56 =	vsub.f32 $1.500000000e+00, v13  }
0x58: {  	v0 =	vmul.f32 v4, v0;
	v5 =	vmul.f32 v54, v5  }
0x59: {  	v2 =	vmul.f32 v55, v2;
	v57 =	vmul.f32 v56, v52  }
0x5a: {  	v0 =	vmul.f32 v0, v4;
	v58 =	vmul.f32 v5, v3  }
0x5b: {  	v7 =	vsub.f32 $1.500000000e+00, v7;
	v2 =	vmul.f32 v2, v55;
	v8 =	vmul.f32 v57, v51  }
0x5c: {  	v0 =	vsub.f32 $1.500000000e+00, v0;
	v3 =	vmul.f32 v58, v5  }
0x5d: {  	v1 =	vmul.f32 v7, v1;
	v2 =	vsub.f32 $1.500000000e+00, v2;
	v59 =	vmul.f32 v8, v57  }
0x5e: {  	v0 =	vmul.f32 v0, v4;
	v3 =	vsub.f32 $1.500000000e+00, v3  }
0x5f: {  	[tilespmem:s20+$0x5880] =	vst v1;
	v60 =	vmul.f32 v2, v55;
	v61 =	vsub.f32 $1.500000000e+00, v59  }
0x60: {  	[tilespmem:s19+$0x5880] =	vst v0;
	v62 =	vmul.f32 v3, v5  }
0x61: {  	s18 =	sadd.s32 $0x1, s18;
	[tilespmem:s21+$0x5880] =	vst v60;
	v63 =	vmul.f32 v61, v57  }
0x62: {  	p0 =	sne.s32 s18, s9;
	[tilespmem:s22+$0x5880] =	vst v62  }
.Ltmp2:
0x63: {  	[tilespmem:s23+$0x5880] =	vst v63;
	(pc) =	sbr.rel @p0 .LBB2_1-.Ltmp2, $4  }
0x64: {  	[hbm4b:s8+s3] =	stream.linear.scatter [tilespmem:s17], [sflag:$0x1], $0x140, $0x38;
	[tilespmem:$0x5C80] =	vst v63  }
0x65: {  	_ =	swait.ge [sflag:s10], $0x140  }
0x66: {  	[sflag:s10] =	ssyncset.done $0x0  }
0x67: {  	[sflag:s10] =	ssyncadd.s32 $0xFFFFFEC0  }
0x68: {  	_ =	sfence.sel $0x180000  }
0x69: {  	[bflag:$0x0] =	sbarrier.arrive $0xFFFF  }
0x6a: {  	p0 =	sne.s32 s0, $0x0;
	_ =	strace $0x90000047  }
0x6b: {  	s0 =	sadd.s32 @!p0 $0x100000, s1;
	[bflag:$0x2] =	sbarrier.arrive $0xFFFF  }
0x6c: {  	[sflag:s0] =	ssyncadd.tile.s32 @!p0 $0x1;
	_ =	shalt  }
.Lfunc_end2:
_tile_overlayer_lowered:
.L_overlay_start_2:
0x6d: {  	(tag) =	ssettag $0x2  }
0x6e: {  	s0 =	rddreg [dreg:$0x0];
	s2 =	stileid.u32  }
0x6f: {  	s1 =	rddreg [dreg:$0x1];
	p0 =	sne.s32 s2, $0x0  }
0x70: {  	s3 =	rddreg [dreg:$0x2];
	[bflag:$0x3] =	sbarrier.arrive $0xFFFF;
	s2 =	simm.s32 @!p0 $0x1C01  }
0x71: {  	[timem:s3], [sflag:s2] =	dma.local @!p0 [hbm:s0], s1  }
0x72: {  	s0 =	simm.s32 @!p0 $0x1  }
0x73: {  	_ =	swait.ge @!p0 [sflag:s0], s1  }
0x74: {  	s1 =	ssub.s32 @!p0 $0x0, s1;
	[sflag:s0] =	ssyncset.done @!p0 $0x0  }
0x75: {  	[sflag:s0] =	ssyncadd.s32 @!p0 s1  }
0x76: {  	[bflag:$0x3] =	sbarrier.arrive $0xFFFF  }
0x77: {  	_ =	shalt  }

</sc_bundles>
